<compile_context>
chip_gen: v7x
topology: tpu7x:2x2x1
jax: 0.10.2.dev20260603
libtpu: 0.0.44.dev20260713+nightly
codegen_flags: <defaults>
</compile_context>

<pallas_src>
import dataclasses
import functools

import jax
import jax.numpy as jnp
from jax import lax
from jax.experimental import pallas as pl
from jax.experimental.pallas import tpu as pltpu
from jax.experimental.pallas import tpu_sc as plsc

NC = 2
NS = 16
NL = 16
CHUNK = 80
NBUF = 3

_MESH = functools.partial(
    plsc.VectorSubcoreMesh, core_axis_name="c", subcore_axis_name="s"
)


def _sc_params():
    cp = pltpu.CompilerParams()
    if "needs_layout_passes" in pltpu.CompilerParams.__dataclass_fields__:
        cp = dataclasses.replace(cp, needs_layout_passes=False)
    return cp


def _rsqrt16(d):
    i = plsc.bitcast(d, jnp.int32)
    i = jnp.int32(0x5F3759DF) - (i >> 1)
    y = plsc.bitcast(i, jnp.float32)
    for _ in range(3):
        y = y * (1.5 - 0.5 * d * y * y)
    return jnp.where(d > 0, y, 0.0)


def _splat16(vals_ref, e):
    return plsc.load_gather(vals_ref, [jnp.full((16,), e, jnp.int32)])


def _tree_add(vs):
    while len(vs) > 1:
        vs = [a + b for a, b in zip(vs[::2], vs[1::2])]
    return vs[0]


def _sc_deg(dst, ew, n_pad, e_pad):
    nh = n_pad // 2
    npc = n_pad // NS
    epw = e_pad // (NC * NS)
    nchunks = epw // CHUNK

    def body(dst_hbm, ew_hbm, degp_hbm, d2_v, w2_v, h2, hist_v, seg_v,
             acc_v, slab_sh):
        cid = lax.axis_index("c")
        sid = lax.axis_index("s")
        wid = cid * NS + sid
        iota = lax.iota(jnp.int32, 16)
        zero16 = jnp.zeros((16,), jnp.float32)

        pltpu.sync_copy(dst_hbm.at[pl.ds(wid * epw, epw)], d2_v)
        pltpu.sync_copy(ew_hbm.at[pl.ds(wid * epw, epw)], w2_v)

        for p in range(2):
            lo = p * nh

            @pl.loop(0, nh // 16)
            def _(j):
                for r in range(16):
                    h2[r, pl.ds(j * 16, 16)] = zero16

            @pl.loop(0, epw // 16)
            def _(k):
                d16 = d2_v[pl.ds(k * 16, 16)] - lo
                w16 = w2_v[pl.ds(k * 16, 16)]
                msk = (d16 >= 0) & (d16 < nh)
                dc = jnp.minimum(jnp.maximum(d16, 0), nh - 1)
                plsc.addupdate_scatter(h2, [iota, dc], w16, mask=msk)

            @pl.loop(0, nh // 16)
            def _(j):
                vs = [h2[r, pl.ds(j * 16, 16)] for r in range(16)]
                hist_v[pl.ds(lo + j * 16, 16)] = _tree_add(vs)

        pltpu.sync_copy(hist_v, slab_sh.at[sid])
        plsc.subcore_barrier()

        @pl.loop(0, npc // 16)
        def _(j):
            acc_v[pl.ds(j * 16, 16)] = zero16

        for r in range(NS):
            pltpu.sync_copy(slab_sh.at[r, pl.ds(sid * npc, npc)], seg_v)

            @pl.loop(0, npc // 16)
            def _(j):
                sl = pl.ds(j * 16, 16)
                acc_v[sl] = acc_v[sl] + seg_v[sl]

        pltpu.sync_copy(acc_v, degp_hbm.at[cid, pl.ds(sid * npc, npc)])

    return pl.kernel(
        body,
        out_type=jax.ShapeDtypeStruct((NC, n_pad), jnp.float32),
        mesh=_MESH(),
        compiler_params=_sc_params(),
        scratch_types=[
            pltpu.VMEM((epw,), jnp.int32),
            pltpu.VMEM((epw,), jnp.float32),
            pltpu.VMEM((16, n_pad // 2), jnp.float32),
            pltpu.VMEM((n_pad,), jnp.float32),
            pltpu.VMEM((n_pad // NS,), jnp.float32),
            pltpu.VMEM((n_pad // NS,), jnp.float32),
            pltpu.VMEM_SHARED((NS, n_pad), jnp.float32),
        ],
    )(dst, ew)


def _sc_norm(degp, src, dst, ew, n_pad, e_pad):
    epw = e_pad // (NC * NS)
    nchunks = epw // CHUNK

    def body(degp_hbm, src_hbm, dst_hbm, ew_hbm, norm_hbm, deg2_v, dis_v,
             s2_v, d2_v, w2_v, n_v):
        cid = lax.axis_index("c")
        sid = lax.axis_index("s")
        wid = cid * NS + sid
        pltpu.sync_copy(degp_hbm, deg2_v)
        pltpu.sync_copy(src_hbm.at[pl.ds(wid * epw, epw)], s2_v)
        pltpu.sync_copy(dst_hbm.at[pl.ds(wid * epw, epw)], d2_v)
        pltpu.sync_copy(ew_hbm.at[pl.ds(wid * epw, epw)], w2_v)

        @pl.loop(0, n_pad // 16)
        def _(i):
            a = deg2_v[0, pl.ds(i * 16, 16)]
            b = deg2_v[1, pl.ds(i * 16, 16)]
            dis_v[pl.ds(i * 16, 16)] = _rsqrt16(a + b)

        @plsc.parallel_loop(0, epw // 16, 1, unroll=2)
        def _(k):
            sl = pl.ds(k * 16, 16)
            a = plsc.load_gather(dis_v, [s2_v[sl]])
            b = plsc.load_gather(dis_v, [d2_v[sl]])
            n_v[sl] = a * w2_v[sl] * b

        pltpu.sync_copy(n_v, norm_hbm.at[pl.ds(wid * epw, epw)])

    return pl.kernel(
        body,
        out_type=jax.ShapeDtypeStruct((e_pad,), jnp.float32),
        mesh=_MESH(),
        compiler_params=_sc_params(),
        scratch_types=[
            pltpu.VMEM((NC, n_pad), jnp.float32),
            pltpu.VMEM((n_pad,), jnp.float32),
            pltpu.VMEM((epw,), jnp.int32),
            pltpu.VMEM((epw,), jnp.int32),
            pltpu.VMEM((epw,), jnp.float32),
            pltpu.VMEM((epw,), jnp.float32),
        ],
    )(degp, src, dst, ew)


def _sc_agg(ht, src, dst, norm, n_pad, e_pad):
    d = ht.shape[1]
    npc = n_pad // NS
    epw = e_pad // (NC * NS)
    nchunks = epw // CHUNK
    assert nchunks % NBUF == 0 and nchunks >= 2 * NBUF

    def body(ht_hbm, src_hbm, dst_hbm, norm_hbm, aggp_hbm, s2_v, d_v,
             n_v, rows, acc_sh, gsems, ssems):
        cid = lax.axis_index("c")
        sid = lax.axis_index("s")
        wid = cid * NS + sid
        row0 = sid * npc
        ebase = wid * nchunks
        zero16 = jnp.zeros((16,), jnp.float32)

        @pl.loop(0, CHUNK)
        def _(i):
            for k in range(d // 16):
                rows[0][i, pl.ds(k * 16, 16)] = zero16

        for t in range(npc // CHUNK):
            pltpu.sync_copy(rows[0],
                            acc_sh.at[pl.ds(row0 + t * CHUNK, CHUNK)])
        plsc.subcore_barrier()

        pltpu.sync_copy(src_hbm.at[pl.ds(wid * epw, epw)], s2_v)

        def fetch(j, b):
            pltpu.async_copy(
                dst_hbm.at[pl.ds((ebase + j) * CHUNK, CHUNK)], d_v[b],
                gsems[b])
            pltpu.async_copy(
                norm_hbm.at[pl.ds((ebase + j) * CHUNK, CHUNK)], n_v[b],
                gsems[b])
            pltpu.async_copy(ht_hbm.at[s2_v.at[pl.ds(j * CHUNK, CHUNK)]],
                             rows[b], gsems[b])

        def wait_fetch(j, b):
            pltpu.make_async_copy(
                dst_hbm.at[pl.ds((ebase + j) * CHUNK, CHUNK)], d_v[b],
                gsems[b]).wait()
            pltpu.make_async_copy(
                norm_hbm.at[pl.ds((ebase + j) * CHUNK, CHUNK)], n_v[b],
                gsems[b]).wait()
            pltpu.make_async_copy(
                ht_hbm.at[s2_v.at[pl.ds(j * CHUNK, CHUNK)]], rows[b],
                gsems[b]).wait()

        def wait_scat(b):
            pltpu.make_async_copy(rows[b], acc_sh.at[d_v[b]],
                                  ssems[b]).wait()

        fetch(0, 0)
        fetch(1, 1)

        @pl.loop(0, nchunks, step=NBUF)
        def _(j0):
            for b in range(NBUF):
                j = j0 + b
                wait_fetch(j, b)

                @plsc.parallel_loop(0, CHUNK, 1, unroll=4)
                def _(e):
                    nsplat = _splat16(n_v[b], e)
                    for k in range(d // 16):
                        sl = pl.ds(k * 16, 16)
                        rows[b][e, sl] = rows[b][e, sl] * nsplat

                pltpu.async_copy(rows[b], acc_sh.at[d_v[b]], ssems[b],
                                 add=True)

                b2 = (b + 2) % NBUF

                @pl.when(j + 2 < nchunks)
                def _():
                    @pl.when(j >= 1)
                    def _():
                        wait_scat(b2)

                    fetch(j + 2, b2)

        wait_scat((nchunks - 3) % NBUF)
        wait_scat((nchunks - 2) % NBUF)
        wait_scat((nchunks - 1) % NBUF)
        plsc.subcore_barrier()

        pltpu.sync_copy(acc_sh.at[pl.ds(row0, npc)],
                        aggp_hbm.at[cid, pl.ds(row0, npc)])

    return pl.kernel(
        body,
        out_type=jax.ShapeDtypeStruct((NC, n_pad, d), jnp.float32),
        mesh=_MESH(),
        compiler_params=_sc_params(),
        scratch_types=[
            pltpu.VMEM((epw,), jnp.int32),
            [pltpu.VMEM((CHUNK,), jnp.int32) for _ in range(NBUF)],
            [pltpu.VMEM((CHUNK,), jnp.float32) for _ in range(NBUF)],
            [pltpu.VMEM((CHUNK, d), jnp.float32) for _ in range(NBUF)],
            pltpu.VMEM_SHARED((n_pad, d), jnp.float32),
            [pltpu.SemaphoreType.DMA for _ in range(NBUF)],
            [pltpu.SemaphoreType.DMA for _ in range(NBUF)],
        ],
    )(ht, src, dst, norm)


def _tc_in(x, w0, b0, w1, blk):
    n, d = x.shape

    def body(x_ref, w0_ref, b0_ref, w1_ref, h0_ref, ht1_ref):
        h0 = jnp.maximum(
            jnp.dot(x_ref[...], w0_ref[...],
                    preferred_element_type=jnp.float32) + b0_ref[...], 0.0)
        h0_ref[...] = h0
        ht1_ref[...] = jnp.dot(h0, w1_ref[...],
                               preferred_element_type=jnp.float32)

    return pl.pallas_call(
        body,
        grid=(n // blk,),
        in_specs=[
            pl.BlockSpec((blk, d), lambda i: (i, 0)),
            pl.BlockSpec((d, d), lambda i: (0, 0)),
            pl.BlockSpec((1, d), lambda i: (0, 0)),
            pl.BlockSpec((d, d), lambda i: (0, 0)),
        ],
        out_specs=[pl.BlockSpec((blk, d), lambda i: (i, 0))] * 2,
        out_shape=[jax.ShapeDtypeStruct((n, d), jnp.float32)] * 2,
    )(x, w0, b0.reshape(1, d), w1)


def _tc_mid(h0, aggp, b1, w2, blk):
    n, d = h0.shape

    def body(h0_ref, a0_ref, a1_ref, b1_ref, w2_ref, h1_ref, ht2_ref):
        g = jnp.maximum(a0_ref[0] + a1_ref[0] + b1_ref[...], 0.0)
        h1 = h0_ref[...] + g
        h1_ref[...] = h1
        ht2_ref[...] = jnp.dot(h1, w2_ref[...],
                               preferred_element_type=jnp.float32)

    return pl.pallas_call(
        body,
        grid=(n // blk,),
        in_specs=[
            pl.BlockSpec((blk, d), lambda i: (i, 0)),
            pl.BlockSpec((1, blk, d), lambda i: (0, i, 0)),
            pl.BlockSpec((1, blk, d), lambda i: (1, i, 0)),
            pl.BlockSpec((1, d), lambda i: (0, 0)),
            pl.BlockSpec((d, d), lambda i: (0, 0)),
        ],
        out_specs=[pl.BlockSpec((blk, d), lambda i: (i, 0))] * 2,
        out_shape=[jax.ShapeDtypeStruct((n, d), jnp.float32)] * 2,
    )(h0, aggp, aggp, b1.reshape(1, d), w2)


def _tc_out(h1, aggp, b2, blk):
    n, d = h1.shape

    def body(h1_ref, a0_ref, a1_ref, b2_ref, o_ref):
        g = jnp.maximum(a0_ref[0] + a1_ref[0] + b2_ref[...], 0.0)
        o_ref[...] = h1_ref[...] + g

    return pl.pallas_call(
        body,
        grid=(n // blk,),
        in_specs=[
            pl.BlockSpec((blk, d), lambda i: (i, 0)),
            pl.BlockSpec((1, blk, d), lambda i: (0, i, 0)),
            pl.BlockSpec((1, blk, d), lambda i: (1, i, 0)),
            pl.BlockSpec((1, d), lambda i: (0, 0)),
        ],
        out_specs=pl.BlockSpec((blk, d), lambda i: (i, 0)),
        out_shape=jax.ShapeDtypeStruct((n, d), jnp.float32),
    )(h1, aggp, aggp, b2.reshape(1, d))


def kernel(x, edge_index, edge_weight, edge_attr, W0, b0, W1, b1, W2, b2):
    del edge_attr
    n, d = x.shape
    e = edge_index.shape[1]

    src = edge_index[0].astype(jnp.int32)
    dst = edge_index[1].astype(jnp.int32)
    ew = edge_weight.astype(jnp.float32)

    grain = NC * NS * NBUF * CHUNK
    e_pad = -(-e // grain) * grain
    npad = e_pad - e
    if npad:
        pidx = (jnp.arange(npad, dtype=jnp.int32) * 97) % n
        src = jnp.concatenate([src, pidx])
        dst = jnp.concatenate([dst, pidx])
        ew = jnp.concatenate([ew, jnp.zeros((npad,), jnp.float32)])

    n_pad = -(-n // (NS * NL)) * (NS * NL)

    blk = 1000 if n % 1000 == 0 else 8

    degp = _sc_deg(dst, ew, n_pad, e_pad)
    norm = _sc_norm(degp, src, dst, ew, n_pad, e_pad)

    h0, ht1 = _tc_in(x, W0, b0, W1, blk)
    agg1 = _sc_agg(ht1, src, dst, norm, n_pad, e_pad)
    h1, ht2 = _tc_mid(h0, agg1, b1, W2, blk)
    agg2 = _sc_agg(ht2, src, dst, norm, n_pad, e_pad)
    return _tc_out(h1, agg2, b2, blk)

# --- scband reference (transcript-rebuilt; emitter-appended) ---
"""Pipeline reference for scband-interactions-45449343926354 (READ-ONLY COPY).

The authoritative reference and input builder live on the scoring server;
editing this copy changes nothing except your own understanding.
"""

import jax, jax.numpy as jnp
import numpy as np

N = 10000
E = 320000
D = 128

def setup_inputs(seed: int = 0) -> dict:
    key = jax.random.key(seed)
    ks = jax.random.split(key, 10)
    x = jax.random.normal(ks[0], (N, D), dtype=jnp.float32)
    edge_index = jax.random.randint(ks[1], (2, E), 0, N, dtype=jnp.int64)
    edge_weight = jax.random.uniform(ks[2], (E,), dtype=jnp.float32)
    edge_attr = jax.random.normal(ks[3], (E, 16), dtype=jnp.float32)
    s = 1.0 / np.sqrt(D)
    W0 = jax.random.uniform(ks[4], (D, D), dtype=jnp.float32, minval=-s, maxval=s)
    b0 = jnp.zeros((D,), dtype=jnp.float32)
    W1 = jax.random.uniform(ks[5], (D, D), dtype=jnp.float32, minval=-s, maxval=s)
    b1 = jnp.zeros((D,), dtype=jnp.float32)
    W2 = jax.random.uniform(ks[6], (D, D), dtype=jnp.float32, minval=-s, maxval=s)
    b2 = jnp.zeros((D,), dtype=jnp.float32)
    return {"x": x, "edge_index": edge_index, "edge_weight": edge_weight, "edge_attr": edge_attr,
            "W0": W0, "b0": b0, "W1": W1, "b1": b1, "W2": W2, "b2": b2}

def _gcn_conv(h, edge_index, edge_weight, W, b):
    # GCNConv(aggr='add', improved=True, add_self_loops=False, normalize=True)
    src = edge_index[0]
    dst = edge_index[1]
    deg = jnp.zeros((h.shape[0],), dtype=h.dtype).at[dst].add(edge_weight)
    deg_inv_sqrt = jnp.where(deg > 0, deg ** -0.5, 0.0)
    norm = deg_inv_sqrt[src] * edge_weight * deg_inv_sqrt[dst]
    ht = h @ W
    msg = norm[:, None] * jnp.take(ht, src, axis=0)
    out = jnp.zeros_like(ht).at[dst].add(msg)
    return out + b

def reference(x, edge_index, edge_weight, edge_attr, W0, b0, W1, b1, W2, b2):
    out = jax.nn.relu(x @ W0 + b0)
    out = out + jax.nn.relu(_gcn_conv(out, edge_index, edge_weight, W1, b1))
    out = out + jax.nn.relu(_gcn_conv(out, edge_index, edge_weight, W2, b2))
    return out

if __name__ == "__main__":
    import jax
    _d = setup_inputs()
    print(jax.jit(kernel)(*tuple(_d.values())))

</pallas_src>

<mosaic_0001>
#map = affine_map<(d0, d1) -> (0, 0)>
#map1 = affine_map<(d0, d1) -> (0)>
#map2 = affine_map<(d0, d1) -> (0, 0, 0)>
module attributes {stable_mosaic.version = 14 : i64} {
  func.func @body(%arg0: i32, %arg1: i32, %arg2: memref<10000x128xf32, #tpu.memory_space<hbm>>, %arg3: memref<322560xi32, #tpu.memory_space<hbm>>, %arg4: memref<322560xi32, #tpu.memory_space<hbm>>, %arg5: memref<322560xf32, #tpu.memory_space<hbm>>, %arg6: memref<2x10240x128xf32, #tpu.memory_space<hbm>>, %arg7: memref<10080xi32, #tpu.memory_space<vmem>>, %arg8: memref<80xi32, #tpu.memory_space<vmem>>, %arg9: memref<80xi32, #tpu.memory_space<vmem>>, %arg10: memref<80xi32, #tpu.memory_space<vmem>>, %arg11: memref<80xf32, #tpu.memory_space<vmem>>, %arg12: memref<80xf32, #tpu.memory_space<vmem>>, %arg13: memref<80xf32, #tpu.memory_space<vmem>>, %arg14: memref<80x128xf32, #tpu.memory_space<vmem>>, %arg15: memref<80x128xf32, #tpu.memory_space<vmem>>, %arg16: memref<80x128xf32, #tpu.memory_space<vmem>>, %arg17: memref<10240x128xf32, #tpu.memory_space<vmem_shared>>, %arg18: memref<!tpu.dma_semaphore, #tpu.memory_space<semaphore_mem>>, %arg19: memref<!tpu.dma_semaphore, #tpu.memory_space<semaphore_mem>>, %arg20: memref<!tpu.dma_semaphore, #tpu.memory_space<semaphore_mem>>, %arg21: memref<!tpu.dma_semaphore, #tpu.memory_space<semaphore_mem>>, %arg22: memref<!tpu.dma_semaphore, #tpu.memory_space<semaphore_mem>>, %arg23: memref<!tpu.dma_semaphore, #tpu.memory_space<semaphore_mem>>) attributes {dimension_semantics = [#tpu.dimension_semantics<core_parallel>, #tpu.dimension_semantics<subcore_parallel>], iteration_bounds = array<i64: 2, 16>, scalar_prefetch = 0 : i64, scratch_operands = 17 : i64, tpu.core_type = #tpu.core_type<sc_vector_subcore>, window_params = [{transform_indices = #map}, {transform_indices = #map1}, {transform_indices = #map1}, {transform_indices = #map1}, {transform_indices = #map2}]} {
    %mul3A = arith.constant 16 : i32
    %mul3A_0 = arith.muli %arg0, %mul3A : i32
    %add3A = arith.addi %mul3A_0, %arg1 : i32
    %mul3A_1 = arith.constant 640 : i32
    %mul3A_2 = arith.muli %arg1, %mul3A_1 : i32
    %mul3A_3 = arith.constant 126 : i32
    %mul3A_4 = arith.muli %add3A, %mul3A_3 : i32
    %broadcast_in_dim3A = arith.constant 0.000000e+00 : f32
    %broadcast_in_dim3A_5 = vector.broadcast %broadcast_in_dim3A : f32 to vector<16xf32>
    %scan3A = arith.constant 0 : i32
    %scan3A_6 = arith.constant 80 : i32
    %scan3A_7 = arith.addi %scan3A, %scan3A_6 : i32
    %scan3A_8 = arith.constant 1 : i32
    scf.for %scan3A_75 = %scan3A to %scan3A_7 step %scan3A_8  : i32 {
      %mul3A_76 = arith.constant 1 : i32
      %mul3A_77 = arith.muli %scan3A_75, %mul3A_76 : i32
      %add3A_78 = arith.constant 0 : i32
      %add3A_79 = arith.addi %add3A_78, %mul3A_77 : i32
      %swap3A = arith.index_cast %add3A_79 : i32 to index
      %swap3A_80 = arith.constant 0 : index
      %swap3A_81 = tpu.vector_load %arg14[%swap3A, %swap3A_80] {strides = array<i32>} : memref<80x128xf32, #tpu.memory_space<vmem>>, vector<16xf32>,
      tpu.vector_store %arg14[%swap3A, %swap3A_80], %broadcast_in_dim3A_5 {strides = array<i32>} : memref<80x128xf32, #tpu.memory_space<vmem>>, vector<16xf32>,
      %swap3A_82 = arith.index_cast %add3A_79 : i32 to index
      %swap3A_83 = arith.constant 16 : index
      %swap3A_84 = tpu.vector_load %arg14[%swap3A_82, %swap3A_83] {strides = array<i32>} : memref<80x128xf32, #tpu.memory_space<vmem>>, vector<16xf32>,
      tpu.vector_store %arg14[%swap3A_82, %swap3A_83], %broadcast_in_dim3A_5 {strides = array<i32>} : memref<80x128xf32, #tpu.memory_space<vmem>>, vector<16xf32>,
      %swap3A_85 = arith.index_cast %add3A_79 : i32 to index
      %swap3A_86 = arith.constant 32 : index
      %swap3A_87 = tpu.vector_load %arg14[%swap3A_85, %swap3A_86] {strides = array<i32>} : memref<80x128xf32, #tpu.memory_space<vmem>>, vector<16xf32>,
      tpu.vector_store %arg14[%swap3A_85, %swap3A_86], %broadcast_in_dim3A_5 {strides = array<i32>} : memref<80x128xf32, #tpu.memory_space<vmem>>, vector<16xf32>,
      %swap3A_88 = arith.index_cast %add3A_79 : i32 to index
      %swap3A_89 = arith.constant 48 : index
      %swap3A_90 = tpu.vector_load %arg14[%swap3A_88, %swap3A_89] {strides = array<i32>} : memref<80x128xf32, #tpu.memory_space<vmem>>, vector<16xf32>,
      tpu.vector_store %arg14[%swap3A_88, %swap3A_89], %broadcast_in_dim3A_5 {strides = array<i32>} : memref<80x128xf32, #tpu.memory_space<vmem>>, vector<16xf32>,
      %swap3A_91 = arith.index_cast %add3A_79 : i32 to index
      %swap3A_92 = arith.constant 64 : index
      %swap3A_93 = tpu.vector_load %arg14[%swap3A_91, %swap3A_92] {strides = array<i32>} : memref<80x128xf32, #tpu.memory_space<vmem>>, vector<16xf32>,
      tpu.vector_store %arg14[%swap3A_91, %swap3A_92], %broadcast_in_dim3A_5 {strides = array<i32>} : memref<80x128xf32, #tpu.memory_space<vmem>>, vector<16xf32>,
      %swap3A_94 = arith.index_cast %add3A_79 : i32 to index
      %swap3A_95 = arith.constant 80 : index
      %swap3A_96 = tpu.vector_load %arg14[%swap3A_94, %swap3A_95] {strides = array<i32>} : memref<80x128xf32, #tpu.memory_space<vmem>>, vector<16xf32>,
      tpu.vector_store %arg14[%swap3A_94, %swap3A_95], %broadcast_in_dim3A_5 {strides = array<i32>} : memref<80x128xf32, #tpu.memory_space<vmem>>, vector<16xf32>,
      %swap3A_97 = arith.index_cast %add3A_79 : i32 to index
      %swap3A_98 = arith.constant 96 : index
      %swap3A_99 = tpu.vector_load %arg14[%swap3A_97, %swap3A_98] {strides = array<i32>} : memref<80x128xf32, #tpu.memory_space<vmem>>, vector<16xf32>,
      tpu.vector_store %arg14[%swap3A_97, %swap3A_98], %broadcast_in_dim3A_5 {strides = array<i32>} : memref<80x128xf32, #tpu.memory_space<vmem>>, vector<16xf32>,
      %swap3A_100 = arith.index_cast %add3A_79 : i32 to index
      %swap3A_101 = arith.constant 112 : index
      %swap3A_102 = tpu.vector_load %arg14[%swap3A_100, %swap3A_101] {strides = array<i32>} : memref<80x128xf32, #tpu.memory_space<vmem>>, vector<16xf32>,
      tpu.vector_store %arg14[%swap3A_100, %swap3A_101], %broadcast_in_dim3A_5 {strides = array<i32>} : memref<80x128xf32, #tpu.memory_space<vmem>>, vector<16xf32>,
    }
    %scan3A_9 = arith.constant 80 : i32
    %add3A_10 = arith.constant 0 : i32
    %add3A_11 = arith.addi %mul3A_2, %add3A_10 : i32
    "tpu.region"() ({
      %run_scoped3A = tpu.sem_alloc : memref<!tpu.dma_semaphore, #tpu.memory_space<semaphore_mem>>
      %dma_start3A_75 = arith.constant 0 : i32
      %dma_start3A_76 = tpu.memref_slice %arg17[%add3A_11, %dma_start3A_75] : memref<10240x128xf32, #tpu.memory_space<vmem_shared>> -> memref<80x128xf32, #tpu.memory_space<vmem_shared>>
      %dma_start3A_77 = arith.constant 0 : i32
      %dma_start3A_78 = tpu.memref_slice %arg17[%add3A_11, %dma_start3A_77] : memref<10240x128xf32, #tpu.memory_space<vmem_shared>> -> memref<80x128xf32, #tpu.memory_space<vmem_shared>>
      tpu.enqueue_dma source(%arg14 : memref<80x128xf32, #tpu.memory_space<vmem>>) target(%dma_start3A_78 : memref<80x128xf32, #tpu.memory_space<vmem_shared>>) target_semaphore(%run_scoped3A : memref<!tpu.dma_semaphore, #tpu.memory_space<semaphore_mem>>)
      %dma_wait3A_79 = arith.constant 0 : i32
      %dma_wait3A_80 = tpu.memref_slice %arg17[%add3A_11, %dma_wait3A_79] : memref<10240x128xf32, #tpu.memory_space<vmem_shared>> -> memref<80x128xf32, #tpu.memory_space<vmem_shared>>
      %dma_wait3A_81 = arith.constant 0 : i32
      %dma_wait3A_82 = tpu.memref_slice %arg17[%add3A_11, %dma_wait3A_81] : memref<10240x128xf32, #tpu.memory_space<vmem_shared>> -> memref<80x128xf32, #tpu.memory_space<vmem_shared>>
      tpu.wait_dma2 semaphore(%run_scoped3A : memref<!tpu.dma_semaphore, #tpu.memory_space<semaphore_mem>>) src(%arg14 : memref<80x128xf32, #tpu.memory_space<vmem>>) dst(%dma_wait3A_82 : memref<80x128xf32, #tpu.memory_space<vmem_shared>>)
      tpu.yield
    }) : () -> ()
    %add3A_12 = arith.constant 80 : i32
    %add3A_13 = arith.addi %mul3A_2, %add3A_12 : i32
    "tpu.region"() ({
      %run_scoped3A = tpu.sem_alloc : memref<!tpu.dma_semaphore, #tpu.memory_space<semaphore_mem>>
      %dma_start3A_75 = arith.constant 0 : i32
      %dma_start3A_76 = tpu.memref_slice %arg17[%add3A_13, %dma_start3A_75] : memref<10240x128xf32, #tpu.memory_space<vmem_shared>> -> memref<80x128xf32, #tpu.memory_space<vmem_shared>>
      %dma_start3A_77 = arith.constant 0 : i32
      %dma_start3A_78 = tpu.memref_slice %arg17[%add3A_13, %dma_start3A_77] : memref<10240x128xf32, #tpu.memory_space<vmem_shared>> -> memref<80x128xf32, #tpu.memory_space<vmem_shared>>
      tpu.enqueue_dma source(%arg14 : memref<80x128xf32, #tpu.memory_space<vmem>>) target(%dma_start3A_78 : memref<80x128xf32, #tpu.memory_space<vmem_shared>>) target_semaphore(%run_scoped3A : memref<!tpu.dma_semaphore, #tpu.memory_space<semaphore_mem>>)
      %dma_wait3A_79 = arith.constant 0 : i32
      %dma_wait3A_80 = tpu.memref_slice %arg17[%add3A_13, %dma_wait3A_79] : memref<10240x128xf32, #tpu.memory_space<vmem_shared>> -> memref<80x128xf32, #tpu.memory_space<vmem_shared>>
      %dma_wait3A_81 = arith.constant 0 : i32
      %dma_wait3A_82 = tpu.memref_slice %arg17[%add3A_13, %dma_wait3A_81] : memref<10240x128xf32, #tpu.memory_space<vmem_shared>> -> memref<80x128xf32, #tpu.memory_space<vmem_shared>>
      tpu.wait_dma2 semaphore(%run_scoped3A : memref<!tpu.dma_semaphore, #tpu.memory_space<semaphore_mem>>) src(%arg14 : memref<80x128xf32, #tpu.memory_space<vmem>>) dst(%dma_wait3A_82 : memref<80x128xf32, #tpu.memory_space<vmem_shared>>)
      tpu.yield
    }) : () -> ()
    %add3A_14 = arith.constant 160 : i32
    %add3A_15 = arith.addi %mul3A_2, %add3A_14 : i32
    "tpu.region"() ({
      %run_scoped3A = tpu.sem_alloc : memref<!tpu.dma_semaphore, #tpu.memory_space<semaphore_mem>>
      %dma_start3A_75 = arith.constant 0 : i32
      %dma_start3A_76 = tpu.memref_slice %arg17[%add3A_15, %dma_start3A_75] : memref<10240x128xf32, #tpu.memory_space<vmem_shared>> -> memref<80x128xf32, #tpu.memory_space<vmem_shared>>
      %dma_start3A_77 = arith.constant 0 : i32
      %dma_start3A_78 = tpu.memref_slice %arg17[%add3A_15, %dma_start3A_77] : memref<10240x128xf32, #tpu.memory_space<vmem_shared>> -> memref<80x128xf32, #tpu.memory_space<vmem_shared>>
      tpu.enqueue_dma source(%arg14 : memref<80x128xf32, #tpu.memory_space<vmem>>) target(%dma_start3A_78 : memref<80x128xf32, #tpu.memory_space<vmem_shared>>) target_semaphore(%run_scoped3A : memref<!tpu.dma_semaphore, #tpu.memory_space<semaphore_mem>>)
      %dma_wait3A_79 = arith.constant 0 : i32
      %dma_wait3A_80 = tpu.memref_slice %arg17[%add3A_15, %dma_wait3A_79] : memref<10240x128xf32, #tpu.memory_space<vmem_shared>> -> memref<80x128xf32, #tpu.memory_space<vmem_shared>>
      %dma_wait3A_81 = arith.constant 0 : i32
      %dma_wait3A_82 = tpu.memref_slice %arg17[%add3A_15, %dma_wait3A_81] : memref<10240x128xf32, #tpu.memory_space<vmem_shared>> -> memref<80x128xf32, #tpu.memory_space<vmem_shared>>
      tpu.wait_dma2 semaphore(%run_scoped3A : memref<!tpu.dma_semaphore, #tpu.memory_space<semaphore_mem>>) src(%arg14 : memref<80x128xf32, #tpu.memory_space<vmem>>) dst(%dma_wait3A_82 : memref<80x128xf32, #tpu.memory_space<vmem_shared>>)
      tpu.yield
    }) : () -> ()
    %add3A_16 = arith.constant 240 : i32
    %add3A_17 = arith.addi %mul3A_2, %add3A_16 : i32
    "tpu.region"() ({
      %run_scoped3A = tpu.sem_alloc : memref<!tpu.dma_semaphore, #tpu.memory_space<semaphore_mem>>
      %dma_start3A_75 = arith.constant 0 : i32
      %dma_start3A_76 = tpu.memref_slice %arg17[%add3A_17, %dma_start3A_75] : memref<10240x128xf32, #tpu.memory_space<vmem_shared>> -> memref<80x128xf32, #tpu.memory_space<vmem_shared>>
      %dma_start3A_77 = arith.constant 0 : i32
      %dma_start3A_78 = tpu.memref_slice %arg17[%add3A_17, %dma_start3A_77] : memref<10240x128xf32, #tpu.memory_space<vmem_shared>> -> memref<80x128xf32, #tpu.memory_space<vmem_shared>>
      tpu.enqueue_dma source(%arg14 : memref<80x128xf32, #tpu.memory_space<vmem>>) target(%dma_start3A_78 : memref<80x128xf32, #tpu.memory_space<vmem_shared>>) target_semaphore(%run_scoped3A : memref<!tpu.dma_semaphore, #tpu.memory_space<semaphore_mem>>)
      %dma_wait3A_79 = arith.constant 0 : i32
      %dma_wait3A_80 = tpu.memref_slice %arg17[%add3A_17, %dma_wait3A_79] : memref<10240x128xf32, #tpu.memory_space<vmem_shared>> -> memref<80x128xf32, #tpu.memory_space<vmem_shared>>
      %dma_wait3A_81 = arith.constant 0 : i32
      %dma_wait3A_82 = tpu.memref_slice %arg17[%add3A_17, %dma_wait3A_81] : memref<10240x128xf32, #tpu.memory_space<vmem_shared>> -> memref<80x128xf32, #tpu.memory_space<vmem_shared>>
      tpu.wait_dma2 semaphore(%run_scoped3A : memref<!tpu.dma_semaphore, #tpu.memory_space<semaphore_mem>>) src(%arg14 : memref<80x128xf32, #tpu.memory_space<vmem>>) dst(%dma_wait3A_82 : memref<80x128xf32, #tpu.memory_space<vmem_shared>>)
      tpu.yield
    }) : () -> ()
    %add3A_18 = arith.constant 320 : i32
    %add3A_19 = arith.addi %mul3A_2, %add3A_18 : i32
    "tpu.region"() ({
      %run_scoped3A = tpu.sem_alloc : memref<!tpu.dma_semaphore, #tpu.memory_space<semaphore_mem>>
      %dma_start3A_75 = arith.constant 0 : i32
      %dma_start3A_76 = tpu.memref_slice %arg17[%add3A_19, %dma_start3A_75] : memref<10240x128xf32, #tpu.memory_space<vmem_shared>> -> memref<80x128xf32, #tpu.memory_space<vmem_shared>>
      %dma_start3A_77 = arith.constant 0 : i32
      %dma_start3A_78 = tpu.memref_slice %arg17[%add3A_19, %dma_start3A_77] : memref<10240x128xf32, #tpu.memory_space<vmem_shared>> -> memref<80x128xf32, #tpu.memory_space<vmem_shared>>
      tpu.enqueue_dma source(%arg14 : memref<80x128xf32, #tpu.memory_space<vmem>>) target(%dma_start3A_78 : memref<80x128xf32, #tpu.memory_space<vmem_shared>>) target_semaphore(%run_scoped3A : memref<!tpu.dma_semaphore, #tpu.memory_space<semaphore_mem>>)
      %dma_wait3A_79 = arith.constant 0 : i32
      %dma_wait3A_80 = tpu.memref_slice %arg17[%add3A_19, %dma_wait3A_79] : memref<10240x128xf32, #tpu.memory_space<vmem_shared>> -> memref<80x128xf32, #tpu.memory_space<vmem_shared>>
      %dma_wait3A_81 = arith.constant 0 : i32
      %dma_wait3A_82 = tpu.memref_slice %arg17[%add3A_19, %dma_wait3A_81] : memref<10240x128xf32, #tpu.memory_space<vmem_shared>> -> memref<80x128xf32, #tpu.memory_space<vmem_shared>>
      tpu.wait_dma2 semaphore(%run_scoped3A : memref<!tpu.dma_semaphore, #tpu.memory_space<semaphore_mem>>) src(%arg14 : memref<80x128xf32, #tpu.memory_space<vmem>>) dst(%dma_wait3A_82 : memref<80x128xf32, #tpu.memory_space<vmem_shared>>)
      tpu.yield
    }) : () -> ()
    %add3A_20 = arith.constant 400 : i32
    %add3A_21 = arith.addi %mul3A_2, %add3A_20 : i32
    "tpu.region"() ({
      %run_scoped3A = tpu.sem_alloc : memref<!tpu.dma_semaphore, #tpu.memory_space<semaphore_mem>>
      %dma_start3A_75 = arith.constant 0 : i32
      %dma_start3A_76 = tpu.memref_slice %arg17[%add3A_21, %dma_start3A_75] : memref<10240x128xf32, #tpu.memory_space<vmem_shared>> -> memref<80x128xf32, #tpu.memory_space<vmem_shared>>
      %dma_start3A_77 = arith.constant 0 : i32
      %dma_start3A_78 = tpu.memref_slice %arg17[%add3A_21, %dma_start3A_77] : memref<10240x128xf32, #tpu.memory_space<vmem_shared>> -> memref<80x128xf32, #tpu.memory_space<vmem_shared>>
      tpu.enqueue_dma source(%arg14 : memref<80x128xf32, #tpu.memory_space<vmem>>) target(%dma_start3A_78 : memref<80x128xf32, #tpu.memory_space<vmem_shared>>) target_semaphore(%run_scoped3A : memref<!tpu.dma_semaphore, #tpu.memory_space<semaphore_mem>>)
      %dma_wait3A_79 = arith.constant 0 : i32
      %dma_wait3A_80 = tpu.memref_slice %arg17[%add3A_21, %dma_wait3A_79] : memref<10240x128xf32, #tpu.memory_space<vmem_shared>> -> memref<80x128xf32, #tpu.memory_space<vmem_shared>>
      %dma_wait3A_81 = arith.constant 0 : i32
      %dma_wait3A_82 = tpu.memref_slice %arg17[%add3A_21, %dma_wait3A_81] : memref<10240x128xf32, #tpu.memory_space<vmem_shared>> -> memref<80x128xf32, #tpu.memory_space<vmem_shared>>
      tpu.wait_dma2 semaphore(%run_scoped3A : memref<!tpu.dma_semaphore, #tpu.memory_space<semaphore_mem>>) src(%arg14 : memref<80x128xf32, #tpu.memory_space<vmem>>) dst(%dma_wait3A_82 : memref<80x128xf32, #tpu.memory_space<vmem_shared>>)
      tpu.yield
    }) : () -> ()
    %add3A_22 = arith.constant 480 : i32
    %add3A_23 = arith.addi %mul3A_2, %add3A_22 : i32
    "tpu.region"() ({
      %run_scoped3A = tpu.sem_alloc : memref<!tpu.dma_semaphore, #tpu.memory_space<semaphore_mem>>
      %dma_start3A_75 = arith.constant 0 : i32
      %dma_start3A_76 = tpu.memref_slice %arg17[%add3A_23, %dma_start3A_75] : memref<10240x128xf32, #tpu.memory_space<vmem_shared>> -> memref<80x128xf32, #tpu.memory_space<vmem_shared>>
      %dma_start3A_77 = arith.constant 0 : i32
      %dma_start3A_78 = tpu.memref_slice %arg17[%add3A_23, %dma_start3A_77] : memref<10240x128xf32, #tpu.memory_space<vmem_shared>> -> memref<80x128xf32, #tpu.memory_space<vmem_shared>>
      tpu.enqueue_dma source(%arg14 : memref<80x128xf32, #tpu.memory_space<vmem>>) target(%dma_start3A_78 : memref<80x128xf32, #tpu.memory_space<vmem_shared>>) target_semaphore(%run_scoped3A : memref<!tpu.dma_semaphore, #tpu.memory_space<semaphore_mem>>)
      %dma_wait3A_79 = arith.constant 0 : i32
      %dma_wait3A_80 = tpu.memref_slice %arg17[%add3A_23, %dma_wait3A_79] : memref<10240x128xf32, #tpu.memory_space<vmem_shared>> -> memref<80x128xf32, #tpu.memory_space<vmem_shared>>
      %dma_wait3A_81 = arith.constant 0 : i32
      %dma_wait3A_82 = tpu.memref_slice %arg17[%add3A_23, %dma_wait3A_81] : memref<10240x128xf32, #tpu.memory_space<vmem_shared>> -> memref<80x128xf32, #tpu.memory_space<vmem_shared>>
      tpu.wait_dma2 semaphore(%run_scoped3A : memref<!tpu.dma_semaphore, #tpu.memory_space<semaphore_mem>>) src(%arg14 : memref<80x128xf32, #tpu.memory_space<vmem>>) dst(%dma_wait3A_82 : memref<80x128xf32, #tpu.memory_space<vmem_shared>>)
      tpu.yield
    }) : () -> ()
    %add3A_24 = arith.constant 560 : i32
    %add3A_25 = arith.addi %mul3A_2, %add3A_24 : i32
    "tpu.region"() ({
      %run_scoped3A = tpu.sem_alloc : memref<!tpu.dma_semaphore, #tpu.memory_space<semaphore_mem>>
      %dma_start3A_75 = arith.constant 0 : i32
      %dma_start3A_76 = tpu.memref_slice %arg17[%add3A_25, %dma_start3A_75] : memref<10240x128xf32, #tpu.memory_space<vmem_shared>> -> memref<80x128xf32, #tpu.memory_space<vmem_shared>>
      %dma_start3A_77 = arith.constant 0 : i32
      %dma_start3A_78 = tpu.memref_slice %arg17[%add3A_25, %dma_start3A_77] : memref<10240x128xf32, #tpu.memory_space<vmem_shared>> -> memref<80x128xf32, #tpu.memory_space<vmem_shared>>
      tpu.enqueue_dma source(%arg14 : memref<80x128xf32, #tpu.memory_space<vmem>>) target(%dma_start3A_78 : memref<80x128xf32, #tpu.memory_space<vmem_shared>>) target_semaphore(%run_scoped3A : memref<!tpu.dma_semaphore, #tpu.memory_space<semaphore_mem>>)
      %dma_wait3A_79 = arith.constant 0 : i32
      %dma_wait3A_80 = tpu.memref_slice %arg17[%add3A_25, %dma_wait3A_79] : memref<10240x128xf32, #tpu.memory_space<vmem_shared>> -> memref<80x128xf32, #tpu.memory_space<vmem_shared>>
      %dma_wait3A_81 = arith.constant 0 : i32
      %dma_wait3A_82 = tpu.memref_slice %arg17[%add3A_25, %dma_wait3A_81] : memref<10240x128xf32, #tpu.memory_space<vmem_shared>> -> memref<80x128xf32, #tpu.memory_space<vmem_shared>>
      tpu.wait_dma2 semaphore(%run_scoped3A : memref<!tpu.dma_semaphore, #tpu.memory_space<semaphore_mem>>) src(%arg14 : memref<80x128xf32, #tpu.memory_space<vmem>>) dst(%dma_wait3A_82 : memref<80x128xf32, #tpu.memory_space<vmem_shared>>)
      tpu.yield
    }) : () -> ()
    %barrier3A = arith.constant 0 : index
    tpu.barrier barrier_id(%barrier3A)
    %mul3A_26 = arith.constant 10080 : i32
    %mul3A_27 = arith.muli %add3A, %mul3A_26 : i32
    "tpu.region"() ({
      %run_scoped3A = tpu.sem_alloc : memref<!tpu.dma_semaphore, #tpu.memory_space<semaphore_mem>>
      %dma_start3A_75 = tpu.memref_slice %arg3[%mul3A_27] : memref<322560xi32, #tpu.memory_space<hbm>> -> memref<10080xi32, #tpu.memory_space<hbm>>
      %dma_start3A_76 = tpu.memref_slice %arg3[%mul3A_27] : memref<322560xi32, #tpu.memory_space<hbm>> -> memref<10080xi32, #tpu.memory_space<hbm>>
      tpu.enqueue_dma source(%dma_start3A_76 : memref<10080xi32, #tpu.memory_space<hbm>>) target(%arg7 : memref<10080xi32, #tpu.memory_space<vmem>>) target_semaphore(%run_scoped3A : memref<!tpu.dma_semaphore, #tpu.memory_space<semaphore_mem>>)
      %dma_wait3A_77 = tpu.memref_slice %arg3[%mul3A_27] : memref<322560xi32, #tpu.memory_space<hbm>> -> memref<10080xi32, #tpu.memory_space<hbm>>
      %dma_wait3A_78 = tpu.memref_slice %arg3[%mul3A_27] : memref<322560xi32, #tpu.memory_space<hbm>> -> memref<10080xi32, #tpu.memory_space<hbm>>
      tpu.wait_dma2 semaphore(%run_scoped3A : memref<!tpu.dma_semaphore, #tpu.memory_space<semaphore_mem>>) src(%dma_wait3A_78 : memref<10080xi32, #tpu.memory_space<hbm>>) dst(%arg7 : memref<10080xi32, #tpu.memory_space<vmem>>)
      tpu.yield
    }) : () -> ()
    %add3A_28 = arith.constant 0 : i32
    %add3A_29 = arith.addi %mul3A_4, %add3A_28 : i32
    %mul3A_30 = arith.constant 80 : i32
    %mul3A_31 = arith.muli %add3A_29, %mul3A_30 : i32
    %dma_start3A = tpu.memref_slice %arg4[%mul3A_31] : memref<322560xi32, #tpu.memory_space<hbm>> -> memref<80xi32, #tpu.memory_space<hbm>>
    %dma_start3A_32 = tpu.memref_slice %arg4[%mul3A_31] : memref<322560xi32, #tpu.memory_space<hbm>> -> memref<80xi32, #tpu.memory_space<hbm>>
    tpu.enqueue_dma source(%dma_start3A_32 : memref<80xi32, #tpu.memory_space<hbm>>) target(%arg8 : memref<80xi32, #tpu.memory_space<vmem>>) target_semaphore(%arg18 : memref<!tpu.dma_semaphore, #tpu.memory_space<semaphore_mem>>)
    %add3A_33 = arith.constant 0 : i32
    %add3A_34 = arith.addi %mul3A_4, %add3A_33 : i32
    %mul3A_35 = arith.constant 80 : i32
    %mul3A_36 = arith.muli %add3A_34, %mul3A_35 : i32
    %dma_start3A_37 = tpu.memref_slice %arg5[%mul3A_36] : memref<322560xf32, #tpu.memory_space<hbm>> -> memref<80xf32, #tpu.memory_space<hbm>>
    %dma_start3A_38 = tpu.memref_slice %arg5[%mul3A_36] : memref<322560xf32, #tpu.memory_space<hbm>> -> memref<80xf32, #tpu.memory_space<hbm>>
    tpu.enqueue_dma source(%dma_start3A_38 : memref<80xf32, #tpu.memory_space<hbm>>) target(%arg11 : memref<80xf32, #tpu.memory_space<vmem>>) target_semaphore(%arg18 : memref<!tpu.dma_semaphore, #tpu.memory_space<semaphore_mem>>)
    %dma_start3A_39 = arith.constant 0 : i32
    %dma_start3A_40 = tpu.memref_slice %arg7[%dma_start3A_39] : memref<10080xi32, #tpu.memory_space<vmem>> -> memref<80xi32, #tpu.memory_space<vmem>>
    %dma_start3A_41 = arith.constant 0 : i32
    %dma_start3A_42 = arith.constant 0 : i32
    %dma_start3A_43 = tpu.memref_slice %arg2[%dma_start3A_41, %dma_start3A_42] : memref<10000x128xf32, #tpu.memory_space<hbm>> -> memref<10000x128xf32, #tpu.memory_space<hbm>>
    tpu.enqueue_indirect_dma source(%dma_start3A_43 : memref<10000x128xf32, #tpu.memory_space<hbm>>) target(%arg14 : memref<80x128xf32, #tpu.memory_space<vmem>>) offsets(%dma_start3A_40 : memref<80xi32, #tpu.memory_space<vmem>>) semaphore(%arg18 : memref<!tpu.dma_semaphore, #tpu.memory_space<semaphore_mem>>)
    %add3A_44 = arith.constant 1 : i32
    %add3A_45 = arith.addi %mul3A_4, %add3A_44 : i32
    %mul3A_46 = arith.constant 80 : i32
    %mul3A_47 = arith.muli %add3A_45, %mul3A_46 : i32
    %dma_start3A_48 = tpu.memref_slice %arg4[%mul3A_47] : memref<322560xi32, #tpu.memory_space<hbm>> -> memref<80xi32, #tpu.memory_space<hbm>>
    %dma_start3A_49 = tpu.memref_slice %arg4[%mul3A_47] : memref<322560xi32, #tpu.memory_space<hbm>> -> memref<80xi32, #tpu.memory_space<hbm>>
    tpu.enqueue_dma source(%dma_start3A_49 : memref<80xi32, #tpu.memory_space<hbm>>) target(%arg9 : memref<80xi32, #tpu.memory_space<vmem>>) target_semaphore(%arg19 : memref<!tpu.dma_semaphore, #tpu.memory_space<semaphore_mem>>)
    %add3A_50 = arith.constant 1 : i32
    %add3A_51 = arith.addi %mul3A_4, %add3A_50 : i32
    %mul3A_52 = arith.constant 80 : i32
    %mul3A_53 = arith.muli %add3A_51, %mul3A_52 : i32
    %dma_start3A_54 = tpu.memref_slice %arg5[%mul3A_53] : memref<322560xf32, #tpu.memory_space<hbm>> -> memref<80xf32, #tpu.memory_space<hbm>>
    %dma_start3A_55 = tpu.memref_slice %arg5[%mul3A_53] : memref<322560xf32, #tpu.memory_space<hbm>> -> memref<80xf32, #tpu.memory_space<hbm>>
    tpu.enqueue_dma source(%dma_start3A_55 : memref<80xf32, #tpu.memory_space<hbm>>) target(%arg12 : memref<80xf32, #tpu.memory_space<vmem>>) target_semaphore(%arg19 : memref<!tpu.dma_semaphore, #tpu.memory_space<semaphore_mem>>)
    %dma_start3A_56 = arith.constant 80 : i32
    %dma_start3A_57 = tpu.memref_slice %arg7[%dma_start3A_56] : memref<10080xi32, #tpu.memory_space<vmem>> -> memref<80xi32, #tpu.memory_space<vmem>>
    %dma_start3A_58 = arith.constant 0 : i32
    %dma_start3A_59 = arith.constant 0 : i32
    %dma_start3A_60 = tpu.memref_slice %arg2[%dma_start3A_58, %dma_start3A_59] : memref<10000x128xf32, #tpu.memory_space<hbm>> -> memref<10000x128xf32, #tpu.memory_space<hbm>>
    tpu.enqueue_indirect_dma source(%dma_start3A_60 : memref<10000x128xf32, #tpu.memory_space<hbm>>) target(%arg15 : memref<80x128xf32, #tpu.memory_space<vmem>>) offsets(%dma_start3A_57 : memref<80xi32, #tpu.memory_space<vmem>>) semaphore(%arg19 : memref<!tpu.dma_semaphore, #tpu.memory_space<semaphore_mem>>)
    %scan3A_61 = arith.constant 0 : i32
    %scan3A_62 = arith.constant 42 : i32
    %scan3A_63 = arith.addi %scan3A_61, %scan3A_62 : i32
    %scan3A_64 = arith.constant 1 : i32
    scf.for %scan3A_75 = %scan3A_61 to %scan3A_63 step %scan3A_64  : i32 {
      %mul3A_76 = arith.constant 3 : i32
      %mul3A_77 = arith.muli %scan3A_75, %mul3A_76 : i32
      %add3A_78 = arith.constant 0 : i32
      %add3A_79 = arith.addi %add3A_78, %mul3A_77 : i32
      %add3A_80 = arith.constant 0 : i32
      %add3A_81 = arith.addi %add3A_79, %add3A_80 : i32
      %add3A_82 = arith.addi %mul3A_4, %add3A_81 : i32
      %mul3A_83 = arith.constant 80 : i32
      %mul3A_84 = arith.muli %add3A_82, %mul3A_83 : i32
      %dma_wait3A_85 = tpu.memref_slice %arg4[%mul3A_84] : memref<322560xi32, #tpu.memory_space<hbm>> -> memref<80xi32, #tpu.memory_space<hbm>>
      %dma_wait3A_86 = tpu.memref_slice %arg4[%mul3A_84] : memref<322560xi32, #tpu.memory_space<hbm>> -> memref<80xi32, #tpu.memory_space<hbm>>
      tpu.wait_dma2 semaphore(%arg18 : memref<!tpu.dma_semaphore, #tpu.memory_space<semaphore_mem>>) src(%dma_wait3A_86 : memref<80xi32, #tpu.memory_space<hbm>>) dst(%arg8 : memref<80xi32, #tpu.memory_space<vmem>>)
      %add3A_87 = arith.addi %mul3A_4, %add3A_81 : i32
      %mul3A_88 = arith.constant 80 : i32
      %mul3A_89 = arith.muli %add3A_87, %mul3A_88 : i32
      %dma_wait3A_90 = tpu.memref_slice %arg5[%mul3A_89] : memref<322560xf32, #tpu.memory_space<hbm>> -> memref<80xf32, #tpu.memory_space<hbm>>
      %dma_wait3A_91 = tpu.memref_slice %arg5[%mul3A_89] : memref<322560xf32, #tpu.memory_space<hbm>> -> memref<80xf32, #tpu.memory_space<hbm>>
      tpu.wait_dma2 semaphore(%arg18 : memref<!tpu.dma_semaphore, #tpu.memory_space<semaphore_mem>>) src(%dma_wait3A_91 : memref<80xf32, #tpu.memory_space<hbm>>) dst(%arg11 : memref<80xf32, #tpu.memory_space<vmem>>)
      %mul3A_92 = arith.constant 80 : i32
      %mul3A_93 = arith.muli %add3A_81, %mul3A_92 : i32
      %dma_wait3A_94 = tpu.memref_slice %arg7[%mul3A_93] : memref<10080xi32, #tpu.memory_space<vmem>> -> memref<80xi32, #tpu.memory_space<vmem>>
      %dma_wait3A_95 = arith.constant 0 : i32
      %dma_wait3A_96 = arith.constant 0 : i32
      %dma_wait3A_97 = tpu.memref_slice %arg2[%dma_wait3A_95, %dma_wait3A_96] : memref<10000x128xf32, #tpu.memory_space<hbm>> -> memref<10000x128xf32, #tpu.memory_space<hbm>>
      tpu.wait_indirect_dma semaphore(%arg18 : memref<!tpu.dma_semaphore, #tpu.memory_space<semaphore_mem>>) src(%dma_wait3A_97 : memref<10000x128xf32, #tpu.memory_space<hbm>>) dst(%arg14 : memref<80x128xf32, #tpu.memory_space<vmem>>)
      %parallel_loop3A = arith.constant 0 : i32
      %parallel_loop3A_98 = arith.constant 80 : i32
      %parallel_loop3A_99 = arith.constant 1 : i32
      scf.for %parallel_loop3A_169 = %parallel_loop3A to %parallel_loop3A_98 step %parallel_loop3A_99  : i32 {
        %parallel_loop3A_170 = vector.broadcast %parallel_loop3A_169 : i32 to vector<16xi32>
        %parallel_loop3A_171 = tpu.vector_load_idx %arg11[%parallel_loop3A_170] : memref<80xf32, #tpu.memory_space<vmem>>[vector<16xi32>], vector<16xf32>,
        %parallel_loop3A_172 = arith.index_cast %parallel_loop3A_169 : i32 to index
        %parallel_loop3A_173 = arith.constant 0 : index
        %parallel_loop3A_174 = tpu.vector_load %arg14[%parallel_loop3A_172, %parallel_loop3A_173] {strides = array<i32>} : memref<80x128xf32, #tpu.memory_space<vmem>>, vector<16xf32>,
        %parallel_loop3A_175 = arith.mulf %parallel_loop3A_174, %parallel_loop3A_171 : vector<16xf32>
        %parallel_loop3A_176 = arith.index_cast %parallel_loop3A_169 : i32 to index
        %parallel_loop3A_177 = arith.constant 0 : index
        %parallel_loop3A_178 = tpu.vector_load %arg14[%parallel_loop3A_176, %parallel_loop3A_177] {strides = array<i32>} : memref<80x128xf32, #tpu.memory_space<vmem>>, vector<16xf32>,
        tpu.vector_store %arg14[%parallel_loop3A_176, %parallel_loop3A_177], %parallel_loop3A_175 {strides = array<i32>} : memref<80x128xf32, #tpu.memory_space<vmem>>, vector<16xf32>,
        %parallel_loop3A_179 = arith.index_cast %parallel_loop3A_169 : i32 to index
        %parallel_loop3A_180 = arith.constant 16 : index
        %parallel_loop3A_181 = tpu.vector_load %arg14[%parallel_loop3A_179, %parallel_loop3A_180] {strides = array<i32>} : memref<80x128xf32, #tpu.memory_space<vmem>>, vector<16xf32>,
        %parallel_loop3A_182 = arith.mulf %parallel_loop3A_181, %parallel_loop3A_171 : vector<16xf32>
        %parallel_loop3A_183 = arith.index_cast %parallel_loop3A_169 : i32 to index
        %parallel_loop3A_184 = arith.constant 16 : index
        %parallel_loop3A_185 = tpu.vector_load %arg14[%parallel_loop3A_183, %parallel_loop3A_184] {strides = array<i32>} : memref<80x128xf32, #tpu.memory_space<vmem>>, vector<16xf32>,
        tpu.vector_store %arg14[%parallel_loop3A_183, %parallel_loop3A_184], %parallel_loop3A_182 {strides = array<i32>} : memref<80x128xf32, #tpu.memory_space<vmem>>, vector<16xf32>,
        %parallel_loop3A_186 = arith.index_cast %parallel_loop3A_169 : i32 to index
        %parallel_loop3A_187 = arith.constant 32 : index
        %parallel_loop3A_188 = tpu.vector_load %arg14[%parallel_loop3A_186, %parallel_loop3A_187] {strides = array<i32>} : memref<80x128xf32, #tpu.memory_space<vmem>>, vector<16xf32>,
        %parallel_loop3A_189 = arith.mulf %parallel_loop3A_188, %parallel_loop3A_171 : vector<16xf32>
        %parallel_loop3A_190 = arith.index_cast %parallel_loop3A_169 : i32 to index
        %parallel_loop3A_191 = arith.constant 32 : index
        %parallel_loop3A_192 = tpu.vector_load %arg14[%parallel_loop3A_190, %parallel_loop3A_191] {strides = array<i32>} : memref<80x128xf32, #tpu.memory_space<vmem>>, vector<16xf32>,
        tpu.vector_store %arg14[%parallel_loop3A_190, %parallel_loop3A_191], %parallel_loop3A_189 {strides = array<i32>} : memref<80x128xf32, #tpu.memory_space<vmem>>, vector<16xf32>,
        %parallel_loop3A_193 = arith.index_cast %parallel_loop3A_169 : i32 to index
        %parallel_loop3A_194 = arith.constant 48 : index
        %parallel_loop3A_195 = tpu.vector_load %arg14[%parallel_loop3A_193, %parallel_loop3A_194] {strides = array<i32>} : memref<80x128xf32, #tpu.memory_space<vmem>>, vector<16xf32>,
        %parallel_loop3A_196 = arith.mulf %parallel_loop3A_195, %parallel_loop3A_171 : vector<16xf32>
        %parallel_loop3A_197 = arith.index_cast %parallel_loop3A_169 : i32 to index
        %parallel_loop3A_198 = arith.constant 48 : index
        %parallel_loop3A_199 = tpu.vector_load %arg14[%parallel_loop3A_197, %parallel_loop3A_198] {strides = array<i32>} : memref<80x128xf32, #tpu.memory_space<vmem>>, vector<16xf32>,
        tpu.vector_store %arg14[%parallel_loop3A_197, %parallel_loop3A_198], %parallel_loop3A_196 {strides = array<i32>} : memref<80x128xf32, #tpu.memory_space<vmem>>, vector<16xf32>,
        %parallel_loop3A_200 = arith.index_cast %parallel_loop3A_169 : i32 to index
        %parallel_loop3A_201 = arith.constant 64 : index
        %parallel_loop3A_202 = tpu.vector_load %arg14[%parallel_loop3A_200, %parallel_loop3A_201] {strides = array<i32>} : memref<80x128xf32, #tpu.memory_space<vmem>>, vector<16xf32>,
        %parallel_loop3A_203 = arith.mulf %parallel_loop3A_202, %parallel_loop3A_171 : vector<16xf32>
        %parallel_loop3A_204 = arith.index_cast %parallel_loop3A_169 : i32 to index
        %parallel_loop3A_205 = arith.constant 64 : index
        %parallel_loop3A_206 = tpu.vector_load %arg14[%parallel_loop3A_204, %parallel_loop3A_205] {strides = array<i32>} : memref<80x128xf32, #tpu.memory_space<vmem>>, vector<16xf32>,
        tpu.vector_store %arg14[%parallel_loop3A_204, %parallel_loop3A_205], %parallel_loop3A_203 {strides = array<i32>} : memref<80x128xf32, #tpu.memory_space<vmem>>, vector<16xf32>,
        %parallel_loop3A_207 = arith.index_cast %parallel_loop3A_169 : i32 to index
        %parallel_loop3A_208 = arith.constant 80 : index
        %parallel_loop3A_209 = tpu.vector_load %arg14[%parallel_loop3A_207, %parallel_loop3A_208] {strides = array<i32>} : memref<80x128xf32, #tpu.memory_space<vmem>>, vector<16xf32>,
        %parallel_loop3A_210 = arith.mulf %parallel_loop3A_209, %parallel_loop3A_171 : vector<16xf32>
        %parallel_loop3A_211 = arith.index_cast %parallel_loop3A_169 : i32 to index
        %parallel_loop3A_212 = arith.constant 80 : index
        %parallel_loop3A_213 = tpu.vector_load %arg14[%parallel_loop3A_211, %parallel_loop3A_212] {strides = array<i32>} : memref<80x128xf32, #tpu.memory_space<vmem>>, vector<16xf32>,
        tpu.vector_store %arg14[%parallel_loop3A_211, %parallel_loop3A_212], %parallel_loop3A_210 {strides = array<i32>} : memref<80x128xf32, #tpu.memory_space<vmem>>, vector<16xf32>,
        %parallel_loop3A_214 = arith.index_cast %parallel_loop3A_169 : i32 to index
        %parallel_loop3A_215 = arith.constant 96 : index
        %parallel_loop3A_216 = tpu.vector_load %arg14[%parallel_loop3A_214, %parallel_loop3A_215] {strides = array<i32>} : memref<80x128xf32, #tpu.memory_space<vmem>>, vector<16xf32>,
        %parallel_loop3A_217 = arith.mulf %parallel_loop3A_216, %parallel_loop3A_171 : vector<16xf32>
        %parallel_loop3A_218 = arith.index_cast %parallel_loop3A_169 : i32 to index
        %parallel_loop3A_219 = arith.constant 96 : index
        %parallel_loop3A_220 = tpu.vector_load %arg14[%parallel_loop3A_218, %parallel_loop3A_219] {strides = array<i32>} : memref<80x128xf32, #tpu.memory_space<vmem>>, vector<16xf32>,
        tpu.vector_store %arg14[%parallel_loop3A_218, %parallel_loop3A_219], %parallel_loop3A_217 {strides = array<i32>} : memref<80x128xf32, #tpu.memory_space<vmem>>, vector<16xf32>,
        %parallel_loop3A_221 = arith.index_cast %parallel_loop3A_169 : i32 to index
        %parallel_loop3A_222 = arith.constant 112 : index
        %parallel_loop3A_223 = tpu.vector_load %arg14[%parallel_loop3A_221, %parallel_loop3A_222] {strides = array<i32>} : memref<80x128xf32, #tpu.memory_space<vmem>>, vector<16xf32>,
        %parallel_loop3A_224 = arith.mulf %parallel_loop3A_223, %parallel_loop3A_171 : vector<16xf32>
        %parallel_loop3A_225 = arith.index_cast %parallel_loop3A_169 : i32 to index
        %parallel_loop3A_226 = arith.constant 112 : index
        %parallel_loop3A_227 = tpu.vector_load %arg14[%parallel_loop3A_225, %parallel_loop3A_226] {strides = array<i32>} : memref<80x128xf32, #tpu.memory_space<vmem>>, vector<16xf32>,
        tpu.vector_store %arg14[%parallel_loop3A_225, %parallel_loop3A_226], %parallel_loop3A_224 {strides = array<i32>} : memref<80x128xf32, #tpu.memory_space<vmem>>, vector<16xf32>,
      } {sc.loop_unroll_factor = 4 : i64, sc.parallel_access}
      %dma_start3A_100 = arith.constant 0 : i32
      %dma_start3A_101 = arith.constant 0 : i32
      %dma_start3A_102 = tpu.memref_slice %arg17[%dma_start3A_100, %dma_start3A_101] : memref<10240x128xf32, #tpu.memory_space<vmem_shared>> -> memref<10240x128xf32, #tpu.memory_space<vmem_shared>>
      tpu.enqueue_indirect_dma source(%arg14 : memref<80x128xf32, #tpu.memory_space<vmem>>) target(%dma_start3A_102 : memref<10240x128xf32, #tpu.memory_space<vmem_shared>>) offsets(%arg8 : memref<80xi32, #tpu.memory_space<vmem>>) semaphore(%arg21 : memref<!tpu.dma_semaphore, #tpu.memory_space<semaphore_mem>>) {add = true}
      %add3A_103 = arith.constant 2 : i32
      %add3A_104 = arith.addi %add3A_81, %add3A_103 : i32
      %lt3A = arith.constant 126 : i32
      %lt3A_105 = arith.cmpi slt, %add3A_104, %lt3A : i32
      %convert_element_type3A = arith.extui %lt3A_105 : i1 to i32
      %cond3A = arith.constant 0 : i32
      %cond3A_106 = arith.cmpi ne, %convert_element_type3A, %cond3A : i32
      scf.if %cond3A_106 {
        %ge3A = arith.constant 1 : i32
        %ge3A_169 = arith.cmpi sge, %add3A_81, %ge3A : i32
        %convert_element_type3A_170 = arith.extui %ge3A_169 : i1 to i32
        %cond3A_171 = arith.constant 0 : i32
        %cond3A_172 = arith.cmpi ne, %convert_element_type3A_170, %cond3A_171 : i32
        scf.if %cond3A_172 {
          %dma_wait3A_191 = arith.constant 0 : i32
          %dma_wait3A_192 = arith.constant 0 : i32
          %dma_wait3A_193 = tpu.memref_slice %arg17[%dma_wait3A_191, %dma_wait3A_192] : memref<10240x128xf32, #tpu.memory_space<vmem_shared>> -> memref<10240x128xf32, #tpu.memory_space<vmem_shared>>
          tpu.wait_indirect_dma semaphore(%arg23 : memref<!tpu.dma_semaphore, #tpu.memory_space<semaphore_mem>>) src(%arg16 : memref<80x128xf32, #tpu.memory_space<vmem>>) dst(%dma_wait3A_193 : memref<10240x128xf32, #tpu.memory_space<vmem_shared>>)
        } else {
        }
        %add3A_173 = arith.constant 2 : i32
        %add3A_174 = arith.addi %add3A_81, %add3A_173 : i32
        %add3A_175 = arith.addi %mul3A_4, %add3A_174 : i32
        %mul3A_176 = arith.constant 80 : i32
        %mul3A_177 = arith.muli %add3A_175, %mul3A_176 : i32
        %dma_start3A_178 = tpu.memref_slice %arg4[%mul3A_177] : memref<322560xi32, #tpu.memory_space<hbm>> -> memref<80xi32, #tpu.memory_space<hbm>>
        %dma_start3A_179 = tpu.memref_slice %arg4[%mul3A_177] : memref<322560xi32, #tpu.memory_space<hbm>> -> memref<80xi32, #tpu.memory_space<hbm>>
        tpu.enqueue_dma source(%dma_start3A_179 : memref<80xi32, #tpu.memory_space<hbm>>) target(%arg10 : memref<80xi32, #tpu.memory_space<vmem>>) target_semaphore(%arg20 : memref<!tpu.dma_semaphore, #tpu.memory_space<semaphore_mem>>)
        %add3A_180 = arith.addi %mul3A_4, %add3A_174 : i32
        %mul3A_181 = arith.constant 80 : i32
        %mul3A_182 = arith.muli %add3A_180, %mul3A_181 : i32
        %dma_start3A_183 = tpu.memref_slice %arg5[%mul3A_182] : memref<322560xf32, #tpu.memory_space<hbm>> -> memref<80xf32, #tpu.memory_space<hbm>>
        %dma_start3A_184 = tpu.memref_slice %arg5[%mul3A_182] : memref<322560xf32, #tpu.memory_space<hbm>> -> memref<80xf32, #tpu.memory_space<hbm>>
        tpu.enqueue_dma source(%dma_start3A_184 : memref<80xf32, #tpu.memory_space<hbm>>) target(%arg13 : memref<80xf32, #tpu.memory_space<vmem>>) target_semaphore(%arg20 : memref<!tpu.dma_semaphore, #tpu.memory_space<semaphore_mem>>)
        %mul3A_185 = arith.constant 80 : i32
        %mul3A_186 = arith.muli %add3A_174, %mul3A_185 : i32
        %dma_start3A_187 = tpu.memref_slice %arg7[%mul3A_186] : memref<10080xi32, #tpu.memory_space<vmem>> -> memref<80xi32, #tpu.memory_space<vmem>>
        %dma_start3A_188 = arith.constant 0 : i32
        %dma_start3A_189 = arith.constant 0 : i32
        %dma_start3A_190 = tpu.memref_slice %arg2[%dma_start3A_188, %dma_start3A_189] : memref<10000x128xf32, #tpu.memory_space<hbm>> -> memref<10000x128xf32, #tpu.memory_space<hbm>>
        tpu.enqueue_indirect_dma source(%dma_start3A_190 : memref<10000x128xf32, #tpu.memory_space<hbm>>) target(%arg16 : memref<80x128xf32, #tpu.memory_space<vmem>>) offsets(%dma_start3A_187 : memref<80xi32, #tpu.memory_space<vmem>>) semaphore(%arg20 : memref<!tpu.dma_semaphore, #tpu.memory_space<semaphore_mem>>)
      } else {
      }
      %add3A_107 = arith.constant 1 : i32
      %add3A_108 = arith.addi %add3A_79, %add3A_107 : i32
      %add3A_109 = arith.addi %mul3A_4, %add3A_108 : i32
      %mul3A_110 = arith.constant 80 : i32
      %mul3A_111 = arith.muli %add3A_109, %mul3A_110 : i32
      %dma_wait3A_112 = tpu.memref_slice %arg4[%mul3A_111] : memref<322560xi32, #tpu.memory_space<hbm>> -> memref<80xi32, #tpu.memory_space<hbm>>
      %dma_wait3A_113 = tpu.memref_slice %arg4[%mul3A_111] : memref<322560xi32, #tpu.memory_space<hbm>> -> memref<80xi32, #tpu.memory_space<hbm>>
      tpu.wait_dma2 semaphore(%arg19 : memref<!tpu.dma_semaphore, #tpu.memory_space<semaphore_mem>>) src(%dma_wait3A_113 : memref<80xi32, #tpu.memory_space<hbm>>) dst(%arg9 : memref<80xi32, #tpu.memory_space<vmem>>)
      %add3A_114 = arith.addi %mul3A_4, %add3A_108 : i32
      %mul3A_115 = arith.constant 80 : i32
      %mul3A_116 = arith.muli %add3A_114, %mul3A_115 : i32
      %dma_wait3A_117 = tpu.memref_slice %arg5[%mul3A_116] : memref<322560xf32, #tpu.memory_space<hbm>> -> memref<80xf32, #tpu.memory_space<hbm>>
      %dma_wait3A_118 = tpu.memref_slice %arg5[%mul3A_116] : memref<322560xf32, #tpu.memory_space<hbm>> -> memref<80xf32, #tpu.memory_space<hbm>>
      tpu.wait_dma2 semaphore(%arg19 : memref<!tpu.dma_semaphore, #tpu.memory_space<semaphore_mem>>) src(%dma_wait3A_118 : memref<80xf32, #tpu.memory_space<hbm>>) dst(%arg12 : memref<80xf32, #tpu.memory_space<vmem>>)
      %mul3A_119 = arith.constant 80 : i32
      %mul3A_120 = arith.muli %add3A_108, %mul3A_119 : i32
      %dma_wait3A_121 = tpu.memref_slice %arg7[%mul3A_120] : memref<10080xi32, #tpu.memory_space<vmem>> -> memref<80xi32, #tpu.memory_space<vmem>>
      %dma_wait3A_122 = arith.constant 0 : i32
      %dma_wait3A_123 = arith.constant 0 : i32
      %dma_wait3A_124 = tpu.memref_slice %arg2[%dma_wait3A_122, %dma_wait3A_123] : memref<10000x128xf32, #tpu.memory_space<hbm>> -> memref<10000x128xf32, #tpu.memory_space<hbm>>
      tpu.wait_indirect_dma semaphore(%arg19 : memref<!tpu.dma_semaphore, #tpu.memory_space<semaphore_mem>>) src(%dma_wait3A_124 : memref<10000x128xf32, #tpu.memory_space<hbm>>) dst(%arg15 : memref<80x128xf32, #tpu.memory_space<vmem>>)
      %parallel_loop3A_125 = arith.constant 0 : i32
      %parallel_loop3A_126 = arith.constant 80 : i32
      %parallel_loop3A_127 = arith.constant 1 : i32
      scf.for %parallel_loop3A_169 = %parallel_loop3A_125 to %parallel_loop3A_126 step %parallel_loop3A_127  : i32 {
        %parallel_loop3A_170 = vector.broadcast %parallel_loop3A_169 : i32 to vector<16xi32>
        %parallel_loop3A_171 = tpu.vector_load_idx %arg12[%parallel_loop3A_170] : memref<80xf32, #tpu.memory_space<vmem>>[vector<16xi32>], vector<16xf32>,
        %parallel_loop3A_172 = arith.index_cast %parallel_loop3A_169 : i32 to index
        %parallel_loop3A_173 = arith.constant 0 : index
        %parallel_loop3A_174 = tpu.vector_load %arg15[%parallel_loop3A_172, %parallel_loop3A_173] {strides = array<i32>} : memref<80x128xf32, #tpu.memory_space<vmem>>, vector<16xf32>,
        %parallel_loop3A_175 = arith.mulf %parallel_loop3A_174, %parallel_loop3A_171 : vector<16xf32>
        %parallel_loop3A_176 = arith.index_cast %parallel_loop3A_169 : i32 to index
        %parallel_loop3A_177 = arith.constant 0 : index
        %parallel_loop3A_178 = tpu.vector_load %arg15[%parallel_loop3A_176, %parallel_loop3A_177] {strides = array<i32>} : memref<80x128xf32, #tpu.memory_space<vmem>>, vector<16xf32>,
        tpu.vector_store %arg15[%parallel_loop3A_176, %parallel_loop3A_177], %parallel_loop3A_175 {strides = array<i32>} : memref<80x128xf32, #tpu.memory_space<vmem>>, vector<16xf32>,
        %parallel_loop3A_179 = arith.index_cast %parallel_loop3A_169 : i32 to index
        %parallel_loop3A_180 = arith.constant 16 : index
        %parallel_loop3A_181 = tpu.vector_load %arg15[%parallel_loop3A_179, %parallel_loop3A_180] {strides = array<i32>} : memref<80x128xf32, #tpu.memory_space<vmem>>, vector<16xf32>,
        %parallel_loop3A_182 = arith.mulf %parallel_loop3A_181, %parallel_loop3A_171 : vector<16xf32>
        %parallel_loop3A_183 = arith.index_cast %parallel_loop3A_169 : i32 to index
        %parallel_loop3A_184 = arith.constant 16 : index
        %parallel_loop3A_185 = tpu.vector_load %arg15[%parallel_loop3A_183, %parallel_loop3A_184] {strides = array<i32>} : memref<80x128xf32, #tpu.memory_space<vmem>>, vector<16xf32>,
        tpu.vector_store %arg15[%parallel_loop3A_183, %parallel_loop3A_184], %parallel_loop3A_182 {strides = array<i32>} : memref<80x128xf32, #tpu.memory_space<vmem>>, vector<16xf32>,
        %parallel_loop3A_186 = arith.index_cast %parallel_loop3A_169 : i32 to index
        %parallel_loop3A_187 = arith.constant 32 : index
        %parallel_loop3A_188 = tpu.vector_load %arg15[%parallel_loop3A_186, %parallel_loop3A_187] {strides = array<i32>} : memref<80x128xf32, #tpu.memory_space<vmem>>, vector<16xf32>,
        %parallel_loop3A_189 = arith.mulf %parallel_loop3A_188, %parallel_loop3A_171 : vector<16xf32>
        %parallel_loop3A_190 = arith.index_cast %parallel_loop3A_169 : i32 to index
        %parallel_loop3A_191 = arith.constant 32 : index
        %parallel_loop3A_192 = tpu.vector_load %arg15[%parallel_loop3A_190, %parallel_loop3A_191] {strides = array<i32>} : memref<80x128xf32, #tpu.memory_space<vmem>>, vector<16xf32>,
        tpu.vector_store %arg15[%parallel_loop3A_190, %parallel_loop3A_191], %parallel_loop3A_189 {strides = array<i32>} : memref<80x128xf32, #tpu.memory_space<vmem>>, vector<16xf32>,
        %parallel_loop3A_193 = arith.index_cast %parallel_loop3A_169 : i32 to index
        %parallel_loop3A_194 = arith.constant 48 : index
        %parallel_loop3A_195 = tpu.vector_load %arg15[%parallel_loop3A_193, %parallel_loop3A_194] {strides = array<i32>} : memref<80x128xf32, #tpu.memory_space<vmem>>, vector<16xf32>,
        %parallel_loop3A_196 = arith.mulf %parallel_loop3A_195, %parallel_loop3A_171 : vector<16xf32>
        %parallel_loop3A_197 = arith.index_cast %parallel_loop3A_169 : i32 to index
        %parallel_loop3A_198 = arith.constant 48 : index
        %parallel_loop3A_199 = tpu.vector_load %arg15[%parallel_loop3A_197, %parallel_loop3A_198] {strides = array<i32>} : memref<80x128xf32, #tpu.memory_space<vmem>>, vector<16xf32>,
        tpu.vector_store %arg15[%parallel_loop3A_197, %parallel_loop3A_198], %parallel_loop3A_196 {strides = array<i32>} : memref<80x128xf32, #tpu.memory_space<vmem>>, vector<16xf32>,
        %parallel_loop3A_200 = arith.index_cast %parallel_loop3A_169 : i32 to index
        %parallel_loop3A_201 = arith.constant 64 : index
        %parallel_loop3A_202 = tpu.vector_load %arg15[%parallel_loop3A_200, %parallel_loop3A_201] {strides = array<i32>} : memref<80x128xf32, #tpu.memory_space<vmem>>, vector<16xf32>,
        %parallel_loop3A_203 = arith.mulf %parallel_loop3A_202, %parallel_loop3A_171 : vector<16xf32>
        %parallel_loop3A_204 = arith.index_cast %parallel_loop3A_169 : i32 to index
        %parallel_loop3A_205 = arith.constant 64 : index
        %parallel_loop3A_206 = tpu.vector_load %arg15[%parallel_loop3A_204, %parallel_loop3A_205] {strides = array<i32>} : memref<80x128xf32, #tpu.memory_space<vmem>>, vector<16xf32>,
        tpu.vector_store %arg15[%parallel_loop3A_204, %parallel_loop3A_205], %parallel_loop3A_203 {strides = array<i32>} : memref<80x128xf32, #tpu.memory_space<vmem>>, vector<16xf32>,
        %parallel_loop3A_207 = arith.index_cast %parallel_loop3A_169 : i32 to index
        %parallel_loop3A_208 = arith.constant 80 : index
        %parallel_loop3A_209 = tpu.vector_load %arg15[%parallel_loop3A_207, %parallel_loop3A_208] {strides = array<i32>} : memref<80x128xf32, #tpu.memory_space<vmem>>, vector<16xf32>,
        %parallel_loop3A_210 = arith.mulf %parallel_loop3A_209, %parallel_loop3A_171 : vector<16xf32>
        %parallel_loop3A_211 = arith.index_cast %parallel_loop3A_169 : i32 to index
        %parallel_loop3A_212 = arith.constant 80 : index
        %parallel_loop3A_213 = tpu.vector_load %arg15[%parallel_loop3A_211, %parallel_loop3A_212] {strides = array<i32>} : memref<80x128xf32, #tpu.memory_space<vmem>>, vector<16xf32>,
        tpu.vector_store %arg15[%parallel_loop3A_211, %parallel_loop3A_212], %parallel_loop3A_210 {strides = array<i32>} : memref<80x128xf32, #tpu.memory_space<vmem>>, vector<16xf32>,
        %parallel_loop3A_214 = arith.index_cast %parallel_loop3A_169 : i32 to index
        %parallel_loop3A_215 = arith.constant 96 : index
        %parallel_loop3A_216 = tpu.vector_load %arg15[%parallel_loop3A_214, %parallel_loop3A_215] {strides = array<i32>} : memref<80x128xf32, #tpu.memory_space<vmem>>, vector<16xf32>,
        %parallel_loop3A_217 = arith.mulf %parallel_loop3A_216, %parallel_loop3A_171 : vector<16xf32>
        %parallel_loop3A_218 = arith.index_cast %parallel_loop3A_169 : i32 to index
        %parallel_loop3A_219 = arith.constant 96 : index
        %parallel_loop3A_220 = tpu.vector_load %arg15[%parallel_loop3A_218, %parallel_loop3A_219] {strides = array<i32>} : memref<80x128xf32, #tpu.memory_space<vmem>>, vector<16xf32>,
        tpu.vector_store %arg15[%parallel_loop3A_218, %parallel_loop3A_219], %parallel_loop3A_217 {strides = array<i32>} : memref<80x128xf32, #tpu.memory_space<vmem>>, vector<16xf32>,
        %parallel_loop3A_221 = arith.index_cast %parallel_loop3A_169 : i32 to index
        %parallel_loop3A_222 = arith.constant 112 : index
        %parallel_loop3A_223 = tpu.vector_load %arg15[%parallel_loop3A_221, %parallel_loop3A_222] {strides = array<i32>} : memref<80x128xf32, #tpu.memory_space<vmem>>, vector<16xf32>,
        %parallel_loop3A_224 = arith.mulf %parallel_loop3A_223, %parallel_loop3A_171 : vector<16xf32>
        %parallel_loop3A_225 = arith.index_cast %parallel_loop3A_169 : i32 to index
        %parallel_loop3A_226 = arith.constant 112 : index
        %parallel_loop3A_227 = tpu.vector_load %arg15[%parallel_loop3A_225, %parallel_loop3A_226] {strides = array<i32>} : memref<80x128xf32, #tpu.memory_space<vmem>>, vector<16xf32>,
        tpu.vector_store %arg15[%parallel_loop3A_225, %parallel_loop3A_226], %parallel_loop3A_224 {strides = array<i32>} : memref<80x128xf32, #tpu.memory_space<vmem>>, vector<16xf32>,
      } {sc.loop_unroll_factor = 4 : i64, sc.parallel_access}
      %dma_start3A_128 = arith.constant 0 : i32
      %dma_start3A_129 = arith.constant 0 : i32
      %dma_start3A_130 = tpu.memref_slice %arg17[%dma_start3A_128, %dma_start3A_129] : memref<10240x128xf32, #tpu.memory_space<vmem_shared>> -> memref<10240x128xf32, #tpu.memory_space<vmem_shared>>
      tpu.enqueue_indirect_dma source(%arg15 : memref<80x128xf32, #tpu.memory_space<vmem>>) target(%dma_start3A_130 : memref<10240x128xf32, #tpu.memory_space<vmem_shared>>) offsets(%arg9 : memref<80xi32, #tpu.memory_space<vmem>>) semaphore(%arg22 : memref<!tpu.dma_semaphore, #tpu.memory_space<semaphore_mem>>) {add = true}
      %add3A_131 = arith.constant 2 : i32
      %add3A_132 = arith.addi %add3A_108, %add3A_131 : i32
      %lt3A_133 = arith.constant 126 : i32
      %lt3A_134 = arith.cmpi slt, %add3A_132, %lt3A_133 : i32
      %convert_element_type3A_135 = arith.extui %lt3A_134 : i1 to i32
      %cond3A_136 = arith.constant 0 : i32
      %cond3A_137 = arith.cmpi ne, %convert_element_type3A_135, %cond3A_136 : i32
      scf.if %cond3A_137 {
        %ge3A = arith.constant 1 : i32
        %ge3A_169 = arith.cmpi sge, %add3A_108, %ge3A : i32
        %convert_element_type3A_170 = arith.extui %ge3A_169 : i1 to i32
        %cond3A_171 = arith.constant 0 : i32
        %cond3A_172 = arith.cmpi ne, %convert_element_type3A_170, %cond3A_171 : i32
        scf.if %cond3A_172 {
          %dma_wait3A_191 = arith.constant 0 : i32
          %dma_wait3A_192 = arith.constant 0 : i32
          %dma_wait3A_193 = tpu.memref_slice %arg17[%dma_wait3A_191, %dma_wait3A_192] : memref<10240x128xf32, #tpu.memory_space<vmem_shared>> -> memref<10240x128xf32, #tpu.memory_space<vmem_shared>>
          tpu.wait_indirect_dma semaphore(%arg21 : memref<!tpu.dma_semaphore, #tpu.memory_space<semaphore_mem>>) src(%arg14 : memref<80x128xf32, #tpu.memory_space<vmem>>) dst(%dma_wait3A_193 : memref<10240x128xf32, #tpu.memory_space<vmem_shared>>)
        } else {
        }
        %add3A_173 = arith.constant 2 : i32
        %add3A_174 = arith.addi %add3A_108, %add3A_173 : i32
        %add3A_175 = arith.addi %mul3A_4, %add3A_174 : i32
        %mul3A_176 = arith.constant 80 : i32
        %mul3A_177 = arith.muli %add3A_175, %mul3A_176 : i32
        %dma_start3A_178 = tpu.memref_slice %arg4[%mul3A_177] : memref<322560xi32, #tpu.memory_space<hbm>> -> memref<80xi32, #tpu.memory_space<hbm>>
        %dma_start3A_179 = tpu.memref_slice %arg4[%mul3A_177] : memref<322560xi32, #tpu.memory_space<hbm>> -> memref<80xi32, #tpu.memory_space<hbm>>
        tpu.enqueue_dma source(%dma_start3A_179 : memref<80xi32, #tpu.memory_space<hbm>>) target(%arg8 : memref<80xi32, #tpu.memory_space<vmem>>) target_semaphore(%arg18 : memref<!tpu.dma_semaphore, #tpu.memory_space<semaphore_mem>>)
        %add3A_180 = arith.addi %mul3A_4, %add3A_174 : i32
        %mul3A_181 = arith.constant 80 : i32
        %mul3A_182 = arith.muli %add3A_180, %mul3A_181 : i32
        %dma_start3A_183 = tpu.memref_slice %arg5[%mul3A_182] : memref<322560xf32, #tpu.memory_space<hbm>> -> memref<80xf32, #tpu.memory_space<hbm>>
        %dma_start3A_184 = tpu.memref_slice %arg5[%mul3A_182] : memref<322560xf32, #tpu.memory_space<hbm>> -> memref<80xf32, #tpu.memory_space<hbm>>
        tpu.enqueue_dma source(%dma_start3A_184 : memref<80xf32, #tpu.memory_space<hbm>>) target(%arg11 : memref<80xf32, #tpu.memory_space<vmem>>) target_semaphore(%arg18 : memref<!tpu.dma_semaphore, #tpu.memory_space<semaphore_mem>>)
        %mul3A_185 = arith.constant 80 : i32
        %mul3A_186 = arith.muli %add3A_174, %mul3A_185 : i32
        %dma_start3A_187 = tpu.memref_slice %arg7[%mul3A_186] : memref<10080xi32, #tpu.memory_space<vmem>> -> memref<80xi32, #tpu.memory_space<vmem>>
        %dma_start3A_188 = arith.constant 0 : i32
        %dma_start3A_189 = arith.constant 0 : i32
        %dma_start3A_190 = tpu.memref_slice %arg2[%dma_start3A_188, %dma_start3A_189] : memref<10000x128xf32, #tpu.memory_space<hbm>> -> memref<10000x128xf32, #tpu.memory_space<hbm>>
        tpu.enqueue_indirect_dma source(%dma_start3A_190 : memref<10000x128xf32, #tpu.memory_space<hbm>>) target(%arg14 : memref<80x128xf32, #tpu.memory_space<vmem>>) offsets(%dma_start3A_187 : memref<80xi32, #tpu.memory_space<vmem>>) semaphore(%arg18 : memref<!tpu.dma_semaphore, #tpu.memory_space<semaphore_mem>>)
      } else {
      }
      %add3A_138 = arith.constant 2 : i32
      %add3A_139 = arith.addi %add3A_79, %add3A_138 : i32
      %add3A_140 = arith.addi %mul3A_4, %add3A_139 : i32
      %mul3A_141 = arith.constant 80 : i32
      %mul3A_142 = arith.muli %add3A_140, %mul3A_141 : i32
      %dma_wait3A_143 = tpu.memref_slice %arg4[%mul3A_142] : memref<322560xi32, #tpu.memory_space<hbm>> -> memref<80xi32, #tpu.memory_space<hbm>>
      %dma_wait3A_144 = tpu.memref_slice %arg4[%mul3A_142] : memref<322560xi32, #tpu.memory_space<hbm>> -> memref<80xi32, #tpu.memory_space<hbm>>
      tpu.wait_dma2 semaphore(%arg20 : memref<!tpu.dma_semaphore, #tpu.memory_space<semaphore_mem>>) src(%dma_wait3A_144 : memref<80xi32, #tpu.memory_space<hbm>>) dst(%arg10 : memref<80xi32, #tpu.memory_space<vmem>>)
      %add3A_145 = arith.addi %mul3A_4, %add3A_139 : i32
      %mul3A_146 = arith.constant 80 : i32
      %mul3A_147 = arith.muli %add3A_145, %mul3A_146 : i32
      %dma_wait3A_148 = tpu.memref_slice %arg5[%mul3A_147] : memref<322560xf32, #tpu.memory_space<hbm>> -> memref<80xf32, #tpu.memory_space<hbm>>
      %dma_wait3A_149 = tpu.memref_slice %arg5[%mul3A_147] : memref<322560xf32, #tpu.memory_space<hbm>> -> memref<80xf32, #tpu.memory_space<hbm>>
      tpu.wait_dma2 semaphore(%arg20 : memref<!tpu.dma_semaphore, #tpu.memory_space<semaphore_mem>>) src(%dma_wait3A_149 : memref<80xf32, #tpu.memory_space<hbm>>) dst(%arg13 : memref<80xf32, #tpu.memory_space<vmem>>)
      %mul3A_150 = arith.constant 80 : i32
      %mul3A_151 = arith.muli %add3A_139, %mul3A_150 : i32
      %dma_wait3A_152 = tpu.memref_slice %arg7[%mul3A_151] : memref<10080xi32, #tpu.memory_space<vmem>> -> memref<80xi32, #tpu.memory_space<vmem>>
      %dma_wait3A_153 = arith.constant 0 : i32
      %dma_wait3A_154 = arith.constant 0 : i32
      %dma_wait3A_155 = tpu.memref_slice %arg2[%dma_wait3A_153, %dma_wait3A_154] : memref<10000x128xf32, #tpu.memory_space<hbm>> -> memref<10000x128xf32, #tpu.memory_space<hbm>>
      tpu.wait_indirect_dma semaphore(%arg20 : memref<!tpu.dma_semaphore, #tpu.memory_space<semaphore_mem>>) src(%dma_wait3A_155 : memref<10000x128xf32, #tpu.memory_space<hbm>>) dst(%arg16 : memref<80x128xf32, #tpu.memory_space<vmem>>)
      %parallel_loop3A_156 = arith.constant 0 : i32
      %parallel_loop3A_157 = arith.constant 80 : i32
      %parallel_loop3A_158 = arith.constant 1 : i32
      scf.for %parallel_loop3A_169 = %parallel_loop3A_156 to %parallel_loop3A_157 step %parallel_loop3A_158  : i32 {
        %parallel_loop3A_170 = vector.broadcast %parallel_loop3A_169 : i32 to vector<16xi32>
        %parallel_loop3A_171 = tpu.vector_load_idx %arg13[%parallel_loop3A_170] : memref<80xf32, #tpu.memory_space<vmem>>[vector<16xi32>], vector<16xf32>,
        %parallel_loop3A_172 = arith.index_cast %parallel_loop3A_169 : i32 to index
        %parallel_loop3A_173 = arith.constant 0 : index
        %parallel_loop3A_174 = tpu.vector_load %arg16[%parallel_loop3A_172, %parallel_loop3A_173] {strides = array<i32>} : memref<80x128xf32, #tpu.memory_space<vmem>>, vector<16xf32>,
        %parallel_loop3A_175 = arith.mulf %parallel_loop3A_174, %parallel_loop3A_171 : vector<16xf32>
        %parallel_loop3A_176 = arith.index_cast %parallel_loop3A_169 : i32 to index
        %parallel_loop3A_177 = arith.constant 0 : index
        %parallel_loop3A_178 = tpu.vector_load %arg16[%parallel_loop3A_176, %parallel_loop3A_177] {strides = array<i32>} : memref<80x128xf32, #tpu.memory_space<vmem>>, vector<16xf32>,
        tpu.vector_store %arg16[%parallel_loop3A_176, %parallel_loop3A_177], %parallel_loop3A_175 {strides = array<i32>} : memref<80x128xf32, #tpu.memory_space<vmem>>, vector<16xf32>,
        %parallel_loop3A_179 = arith.index_cast %parallel_loop3A_169 : i32 to index
        %parallel_loop3A_180 = arith.constant 16 : index
        %parallel_loop3A_181 = tpu.vector_load %arg16[%parallel_loop3A_179, %parallel_loop3A_180] {strides = array<i32>} : memref<80x128xf32, #tpu.memory_space<vmem>>, vector<16xf32>,
        %parallel_loop3A_182 = arith.mulf %parallel_loop3A_181, %parallel_loop3A_171 : vector<16xf32>
        %parallel_loop3A_183 = arith.index_cast %parallel_loop3A_169 : i32 to index
        %parallel_loop3A_184 = arith.constant 16 : index
        %parallel_loop3A_185 = tpu.vector_load %arg16[%parallel_loop3A_183, %parallel_loop3A_184] {strides = array<i32>} : memref<80x128xf32, #tpu.memory_space<vmem>>, vector<16xf32>,
        tpu.vector_store %arg16[%parallel_loop3A_183, %parallel_loop3A_184], %parallel_loop3A_182 {strides = array<i32>} : memref<80x128xf32, #tpu.memory_space<vmem>>, vector<16xf32>,
        %parallel_loop3A_186 = arith.index_cast %parallel_loop3A_169 : i32 to index
        %parallel_loop3A_187 = arith.constant 32 : index
        %parallel_loop3A_188 = tpu.vector_load %arg16[%parallel_loop3A_186, %parallel_loop3A_187] {strides = array<i32>} : memref<80x128xf32, #tpu.memory_space<vmem>>, vector<16xf32>,
        %parallel_loop3A_189 = arith.mulf %parallel_loop3A_188, %parallel_loop3A_171 : vector<16xf32>
        %parallel_loop3A_190 = arith.index_cast %parallel_loop3A_169 : i32 to index
        %parallel_loop3A_191 = arith.constant 32 : index
        %parallel_loop3A_192 = tpu.vector_load %arg16[%parallel_loop3A_190, %parallel_loop3A_191] {strides = array<i32>} : memref<80x128xf32, #tpu.memory_space<vmem>>, vector<16xf32>,
        tpu.vector_store %arg16[%parallel_loop3A_190, %parallel_loop3A_191], %parallel_loop3A_189 {strides = array<i32>} : memref<80x128xf32, #tpu.memory_space<vmem>>, vector<16xf32>,
        %parallel_loop3A_193 = arith.index_cast %parallel_loop3A_169 : i32 to index
        %parallel_loop3A_194 = arith.constant 48 : index
        %parallel_loop3A_195 = tpu.vector_load %arg16[%parallel_loop3A_193, %parallel_loop3A_194] {strides = array<i32>} : memref<80x128xf32, #tpu.memory_space<vmem>>, vector<16xf32>,
        %parallel_loop3A_196 = arith.mulf %parallel_loop3A_195, %parallel_loop3A_171 : vector<16xf32>
        %parallel_loop3A_197 = arith.index_cast %parallel_loop3A_169 : i32 to index
        %parallel_loop3A_198 = arith.constant 48 : index
        %parallel_loop3A_199 = tpu.vector_load %arg16[%parallel_loop3A_197, %parallel_loop3A_198] {strides = array<i32>} : memref<80x128xf32, #tpu.memory_space<vmem>>, vector<16xf32>,
        tpu.vector_store %arg16[%parallel_loop3A_197, %parallel_loop3A_198], %parallel_loop3A_196 {strides = array<i32>} : memref<80x128xf32, #tpu.memory_space<vmem>>, vector<16xf32>,
        %parallel_loop3A_200 = arith.index_cast %parallel_loop3A_169 : i32 to index
        %parallel_loop3A_201 = arith.constant 64 : index
        %parallel_loop3A_202 = tpu.vector_load %arg16[%parallel_loop3A_200, %parallel_loop3A_201] {strides = array<i32>} : memref<80x128xf32, #tpu.memory_space<vmem>>, vector<16xf32>,
        %parallel_loop3A_203 = arith.mulf %parallel_loop3A_202, %parallel_loop3A_171 : vector<16xf32>
        %parallel_loop3A_204 = arith.index_cast %parallel_loop3A_169 : i32 to index
        %parallel_loop3A_205 = arith.constant 64 : index
        %parallel_loop3A_206 = tpu.vector_load %arg16[%parallel_loop3A_204, %parallel_loop3A_205] {strides = array<i32>} : memref<80x128xf32, #tpu.memory_space<vmem>>, vector<16xf32>,
        tpu.vector_store %arg16[%parallel_loop3A_204, %parallel_loop3A_205], %parallel_loop3A_203 {strides = array<i32>} : memref<80x128xf32, #tpu.memory_space<vmem>>, vector<16xf32>,
        %parallel_loop3A_207 = arith.index_cast %parallel_loop3A_169 : i32 to index
        %parallel_loop3A_208 = arith.constant 80 : index
        %parallel_loop3A_209 = tpu.vector_load %arg16[%parallel_loop3A_207, %parallel_loop3A_208] {strides = array<i32>} : memref<80x128xf32, #tpu.memory_space<vmem>>, vector<16xf32>,
        %parallel_loop3A_210 = arith.mulf %parallel_loop3A_209, %parallel_loop3A_171 : vector<16xf32>
        %parallel_loop3A_211 = arith.index_cast %parallel_loop3A_169 : i32 to index
        %parallel_loop3A_212 = arith.constant 80 : index
        %parallel_loop3A_213 = tpu.vector_load %arg16[%parallel_loop3A_211, %parallel_loop3A_212] {strides = array<i32>} : memref<80x128xf32, #tpu.memory_space<vmem>>, vector<16xf32>,
        tpu.vector_store %arg16[%parallel_loop3A_211, %parallel_loop3A_212], %parallel_loop3A_210 {strides = array<i32>} : memref<80x128xf32, #tpu.memory_space<vmem>>, vector<16xf32>,
        %parallel_loop3A_214 = arith.index_cast %parallel_loop3A_169 : i32 to index
        %parallel_loop3A_215 = arith.constant 96 : index
        %parallel_loop3A_216 = tpu.vector_load %arg16[%parallel_loop3A_214, %parallel_loop3A_215] {strides = array<i32>} : memref<80x128xf32, #tpu.memory_space<vmem>>, vector<16xf32>,
        %parallel_loop3A_217 = arith.mulf %parallel_loop3A_216, %parallel_loop3A_171 : vector<16xf32>
        %parallel_loop3A_218 = arith.index_cast %parallel_loop3A_169 : i32 to index
        %parallel_loop3A_219 = arith.constant 96 : index
        %parallel_loop3A_220 = tpu.vector_load %arg16[%parallel_loop3A_218, %parallel_loop3A_219] {strides = array<i32>} : memref<80x128xf32, #tpu.memory_space<vmem>>, vector<16xf32>,
        tpu.vector_store %arg16[%parallel_loop3A_218, %parallel_loop3A_219], %parallel_loop3A_217 {strides = array<i32>} : memref<80x128xf32, #tpu.memory_space<vmem>>, vector<16xf32>,
        %parallel_loop3A_221 = arith.index_cast %parallel_loop3A_169 : i32 to index
        %parallel_loop3A_222 = arith.constant 112 : index
        %parallel_loop3A_223 = tpu.vector_load %arg16[%parallel_loop3A_221, %parallel_loop3A_222] {strides = array<i32>} : memref<80x128xf32, #tpu.memory_space<vmem>>, vector<16xf32>,
        %parallel_loop3A_224 = arith.mulf %parallel_loop3A_223, %parallel_loop3A_171 : vector<16xf32>
        %parallel_loop3A_225 = arith.index_cast %parallel_loop3A_169 : i32 to index
        %parallel_loop3A_226 = arith.constant 112 : index
        %parallel_loop3A_227 = tpu.vector_load %arg16[%parallel_loop3A_225, %parallel_loop3A_226] {strides = array<i32>} : memref<80x128xf32, #tpu.memory_space<vmem>>, vector<16xf32>,
        tpu.vector_store %arg16[%parallel_loop3A_225, %parallel_loop3A_226], %parallel_loop3A_224 {strides = array<i32>} : memref<80x128xf32, #tpu.memory_space<vmem>>, vector<16xf32>,
      } {sc.loop_unroll_factor = 4 : i64, sc.parallel_access}
      %dma_start3A_159 = arith.constant 0 : i32
      %dma_start3A_160 = arith.constant 0 : i32
      %dma_start3A_161 = tpu.memref_slice %arg17[%dma_start3A_159, %dma_start3A_160] : memref<10240x128xf32, #tpu.memory_space<vmem_shared>> -> memref<10240x128xf32, #tpu.memory_space<vmem_shared>>
      tpu.enqueue_indirect_dma source(%arg16 : memref<80x128xf32, #tpu.memory_space<vmem>>) target(%dma_start3A_161 : memref<10240x128xf32, #tpu.memory_space<vmem_shared>>) offsets(%arg10 : memref<80xi32, #tpu.memory_space<vmem>>) semaphore(%arg23 : memref<!tpu.dma_semaphore, #tpu.memory_space<semaphore_mem>>) {add = true}
      %add3A_162 = arith.constant 2 : i32
      %add3A_163 = arith.addi %add3A_139, %add3A_162 : i32
      %lt3A_164 = arith.constant 126 : i32
      %lt3A_165 = arith.cmpi slt, %add3A_163, %lt3A_164 : i32
      %convert_element_type3A_166 = arith.extui %lt3A_165 : i1 to i32
      %cond3A_167 = arith.constant 0 : i32
      %cond3A_168 = arith.cmpi ne, %convert_element_type3A_166, %cond3A_167 : i32
      scf.if %cond3A_168 {
        %ge3A = arith.constant 1 : i32
        %ge3A_169 = arith.cmpi sge, %add3A_139, %ge3A : i32
        %convert_element_type3A_170 = arith.extui %ge3A_169 : i1 to i32
        %cond3A_171 = arith.constant 0 : i32
        %cond3A_172 = arith.cmpi ne, %convert_element_type3A_170, %cond3A_171 : i32
        scf.if %cond3A_172 {
          %dma_wait3A_191 = arith.constant 0 : i32
          %dma_wait3A_192 = arith.constant 0 : i32
          %dma_wait3A_193 = tpu.memref_slice %arg17[%dma_wait3A_191, %dma_wait3A_192] : memref<10240x128xf32, #tpu.memory_space<vmem_shared>> -> memref<10240x128xf32, #tpu.memory_space<vmem_shared>>
          tpu.wait_indirect_dma semaphore(%arg22 : memref<!tpu.dma_semaphore, #tpu.memory_space<semaphore_mem>>) src(%arg15 : memref<80x128xf32, #tpu.memory_space<vmem>>) dst(%dma_wait3A_193 : memref<10240x128xf32, #tpu.memory_space<vmem_shared>>)
        } else {
        }
        %add3A_173 = arith.constant 2 : i32
        %add3A_174 = arith.addi %add3A_139, %add3A_173 : i32
        %add3A_175 = arith.addi %mul3A_4, %add3A_174 : i32
        %mul3A_176 = arith.constant 80 : i32
        %mul3A_177 = arith.muli %add3A_175, %mul3A_176 : i32
        %dma_start3A_178 = tpu.memref_slice %arg4[%mul3A_177] : memref<322560xi32, #tpu.memory_space<hbm>> -> memref<80xi32, #tpu.memory_space<hbm>>
        %dma_start3A_179 = tpu.memref_slice %arg4[%mul3A_177] : memref<322560xi32, #tpu.memory_space<hbm>> -> memref<80xi32, #tpu.memory_space<hbm>>
        tpu.enqueue_dma source(%dma_start3A_179 : memref<80xi32, #tpu.memory_space<hbm>>) target(%arg9 : memref<80xi32, #tpu.memory_space<vmem>>) target_semaphore(%arg19 : memref<!tpu.dma_semaphore, #tpu.memory_space<semaphore_mem>>)
        %add3A_180 = arith.addi %mul3A_4, %add3A_174 : i32
        %mul3A_181 = arith.constant 80 : i32
        %mul3A_182 = arith.muli %add3A_180, %mul3A_181 : i32
        %dma_start3A_183 = tpu.memref_slice %arg5[%mul3A_182] : memref<322560xf32, #tpu.memory_space<hbm>> -> memref<80xf32, #tpu.memory_space<hbm>>
        %dma_start3A_184 = tpu.memref_slice %arg5[%mul3A_182] : memref<322560xf32, #tpu.memory_space<hbm>> -> memref<80xf32, #tpu.memory_space<hbm>>
        tpu.enqueue_dma source(%dma_start3A_184 : memref<80xf32, #tpu.memory_space<hbm>>) target(%arg12 : memref<80xf32, #tpu.memory_space<vmem>>) target_semaphore(%arg19 : memref<!tpu.dma_semaphore, #tpu.memory_space<semaphore_mem>>)
        %mul3A_185 = arith.constant 80 : i32
        %mul3A_186 = arith.muli %add3A_174, %mul3A_185 : i32
        %dma_start3A_187 = tpu.memref_slice %arg7[%mul3A_186] : memref<10080xi32, #tpu.memory_space<vmem>> -> memref<80xi32, #tpu.memory_space<vmem>>
        %dma_start3A_188 = arith.constant 0 : i32
        %dma_start3A_189 = arith.constant 0 : i32
        %dma_start3A_190 = tpu.memref_slice %arg2[%dma_start3A_188, %dma_start3A_189] : memref<10000x128xf32, #tpu.memory_space<hbm>> -> memref<10000x128xf32, #tpu.memory_space<hbm>>
        tpu.enqueue_indirect_dma source(%dma_start3A_190 : memref<10000x128xf32, #tpu.memory_space<hbm>>) target(%arg15 : memref<80x128xf32, #tpu.memory_space<vmem>>) offsets(%dma_start3A_187 : memref<80xi32, #tpu.memory_space<vmem>>) semaphore(%arg19 : memref<!tpu.dma_semaphore, #tpu.memory_space<semaphore_mem>>)
      } else {
      }
    }
    %scan3A_65 = arith.constant 42 : i32
    %dma_wait3A = arith.constant 0 : i32
    %dma_wait3A_66 = arith.constant 0 : i32
    %dma_wait3A_67 = tpu.memref_slice %arg17[%dma_wait3A, %dma_wait3A_66] : memref<10240x128xf32, #tpu.memory_space<vmem_shared>> -> memref<10240x128xf32, #tpu.memory_space<vmem_shared>>
    tpu.wait_indirect_dma semaphore(%arg21 : memref<!tpu.dma_semaphore, #tpu.memory_space<semaphore_mem>>) src(%arg14 : memref<80x128xf32, #tpu.memory_space<vmem>>) dst(%dma_wait3A_67 : memref<10240x128xf32, #tpu.memory_space<vmem_shared>>)
    %dma_wait3A_68 = arith.constant 0 : i32
    %dma_wait3A_69 = arith.constant 0 : i32
    %dma_wait3A_70 = tpu.memref_slice %arg17[%dma_wait3A_68, %dma_wait3A_69] : memref<10240x128xf32, #tpu.memory_space<vmem_shared>> -> memref<10240x128xf32, #tpu.memory_space<vmem_shared>>
    tpu.wait_indirect_dma semaphore(%arg22 : memref<!tpu.dma_semaphore, #tpu.memory_space<semaphore_mem>>) src(%arg15 : memref<80x128xf32, #tpu.memory_space<vmem>>) dst(%dma_wait3A_70 : memref<10240x128xf32, #tpu.memory_space<vmem_shared>>)
    %dma_wait3A_71 = arith.constant 0 : i32
    %dma_wait3A_72 = arith.constant 0 : i32
    %dma_wait3A_73 = tpu.memref_slice %arg17[%dma_wait3A_71, %dma_wait3A_72] : memref<10240x128xf32, #tpu.memory_space<vmem_shared>> -> memref<10240x128xf32, #tpu.memory_space<vmem_shared>>
    tpu.wait_indirect_dma semaphore(%arg23 : memref<!tpu.dma_semaphore, #tpu.memory_space<semaphore_mem>>) src(%arg16 : memref<80x128xf32, #tpu.memory_space<vmem>>) dst(%dma_wait3A_73 : memref<10240x128xf32, #tpu.memory_space<vmem_shared>>)
    %barrier3A_74 = arith.constant 0 : index
    tpu.barrier barrier_id(%barrier3A_74)
    "tpu.region"() ({
      %run_scoped3A = tpu.sem_alloc : memref<!tpu.dma_semaphore, #tpu.memory_space<semaphore_mem>>
      %dma_start3A_75 = arith.constant 0 : i32
      %dma_start3A_76 = tpu.memref_slice %arg6[%arg0, %mul3A_2, %dma_start3A_75] : memref<2x10240x128xf32, #tpu.memory_space<hbm>> -> memref<1x640x128xf32, #tpu.memory_space<hbm>>
      %dma_start3A_77 = tpu.memref_squeeze %dma_start3A_76 : memref<1x640x128xf32, #tpu.memory_space<hbm>> -> memref<640x128xf32, #tpu.memory_space<hbm>>
      %dma_start3A_78 = arith.constant 0 : i32
      %dma_start3A_79 = tpu.memref_slice %arg17[%mul3A_2, %dma_start3A_78] : memref<10240x128xf32, #tpu.memory_space<vmem_shared>> -> memref<640x128xf32, #tpu.memory_space<vmem_shared>>
      tpu.enqueue_dma source(%dma_start3A_79 : memref<640x128xf32, #tpu.memory_space<vmem_shared>>) target(%dma_start3A_77 : memref<640x128xf32, #tpu.memory_space<hbm>>) target_semaphore(%run_scoped3A : memref<!tpu.dma_semaphore, #tpu.memory_space<semaphore_mem>>)
      %dma_wait3A_80 = arith.constant 0 : i32
      %dma_wait3A_81 = tpu.memref_slice %arg6[%arg0, %mul3A_2, %dma_wait3A_80] : memref<2x10240x128xf32, #tpu.memory_space<hbm>> -> memref<1x640x128xf32, #tpu.memory_space<hbm>>
      %dma_wait3A_82 = tpu.memref_squeeze %dma_wait3A_81 : memref<1x640x128xf32, #tpu.memory_space<hbm>> -> memref<640x128xf32, #tpu.memory_space<hbm>>
      %dma_wait3A_83 = arith.constant 0 : i32
      %dma_wait3A_84 = tpu.memref_slice %arg17[%mul3A_2, %dma_wait3A_83] : memref<10240x128xf32, #tpu.memory_space<vmem_shared>> -> memref<640x128xf32, #tpu.memory_space<vmem_shared>>
      tpu.wait_dma2 semaphore(%run_scoped3A : memref<!tpu.dma_semaphore, #tpu.memory_space<semaphore_mem>>) src(%dma_wait3A_84 : memref<640x128xf32, #tpu.memory_space<vmem_shared>>) dst(%dma_wait3A_82 : memref<640x128xf32, #tpu.memory_space<hbm>>)
      tpu.yield
    }) : () -> ()
    return
  }
}

#map = affine_map<(d0, d1) -> (0, 0)>
#map1 = affine_map<(d0, d1) -> (0)>
module attributes {stable_mosaic.version = 14 : i64} {
  func.func @body(%arg0: i32, %arg1: i32, %arg2: memref<2x10240xf32, #tpu.memory_space<hbm>>, %arg3: memref<322560xi32, #tpu.memory_space<hbm>>, %arg4: memref<322560xi32, #tpu.memory_space<hbm>>, %arg5: memref<322560xf32, #tpu.memory_space<hbm>>, %arg6: memref<322560xf32, #tpu.memory_space<hbm>>, %arg7: memref<2x10240xf32, #tpu.memory_space<vmem>>, %arg8: memref<10240xf32, #tpu.memory_space<vmem>>, %arg9: memref<10080xi32, #tpu.memory_space<vmem>>, %arg10: memref<10080xi32, #tpu.memory_space<vmem>>, %arg11: memref<10080xf32, #tpu.memory_space<vmem>>, %arg12: memref<10080xf32, #tpu.memory_space<vmem>>) attributes {dimension_semantics = [#tpu.dimension_semantics<core_parallel>, #tpu.dimension_semantics<subcore_parallel>], iteration_bounds = array<i64: 2, 16>, scalar_prefetch = 0 : i64, scratch_operands = 6 : i64, tpu.core_type = #tpu.core_type<sc_vector_subcore>, window_params = [{transform_indices = #map}, {transform_indices = #map1}, {transform_indices = #map1}, {transform_indices = #map1}, {transform_indices = #map1}]} {
    %mul3A = arith.constant 16 : i32
    %mul3A_0 = arith.muli %arg0, %mul3A : i32
    %add3A = arith.addi %mul3A_0, %arg1 : i32
    "tpu.region"() ({
      %run_scoped3A = tpu.sem_alloc : memref<!tpu.dma_semaphore, #tpu.memory_space<semaphore_mem>>
      tpu.enqueue_dma source(%arg2 : memref<2x10240xf32, #tpu.memory_space<hbm>>) target(%arg7 : memref<2x10240xf32, #tpu.memory_space<vmem>>) target_semaphore(%run_scoped3A : memref<!tpu.dma_semaphore, #tpu.memory_space<semaphore_mem>>)
      tpu.wait_dma2 semaphore(%run_scoped3A : memref<!tpu.dma_semaphore, #tpu.memory_space<semaphore_mem>>) src(%arg2 : memref<2x10240xf32, #tpu.memory_space<hbm>>) dst(%arg7 : memref<2x10240xf32, #tpu.memory_space<vmem>>)
      tpu.yield
    }) : () -> ()
    %mul3A_1 = arith.constant 10080 : i32
    %mul3A_2 = arith.muli %add3A, %mul3A_1 : i32
    "tpu.region"() ({
      %run_scoped3A = tpu.sem_alloc : memref<!tpu.dma_semaphore, #tpu.memory_space<semaphore_mem>>
      %dma_start3A = tpu.memref_slice %arg3[%mul3A_2] : memref<322560xi32, #tpu.memory_space<hbm>> -> memref<10080xi32, #tpu.memory_space<hbm>>
      %dma_start3A_15 = tpu.memref_slice %arg3[%mul3A_2] : memref<322560xi32, #tpu.memory_space<hbm>> -> memref<10080xi32, #tpu.memory_space<hbm>>
      tpu.enqueue_dma source(%dma_start3A_15 : memref<10080xi32, #tpu.memory_space<hbm>>) target(%arg9 : memref<10080xi32, #tpu.memory_space<vmem>>) target_semaphore(%run_scoped3A : memref<!tpu.dma_semaphore, #tpu.memory_space<semaphore_mem>>)
      %dma_wait3A = tpu.memref_slice %arg3[%mul3A_2] : memref<322560xi32, #tpu.memory_space<hbm>> -> memref<10080xi32, #tpu.memory_space<hbm>>
      %dma_wait3A_16 = tpu.memref_slice %arg3[%mul3A_2] : memref<322560xi32, #tpu.memory_space<hbm>> -> memref<10080xi32, #tpu.memory_space<hbm>>
      tpu.wait_dma2 semaphore(%run_scoped3A : memref<!tpu.dma_semaphore, #tpu.memory_space<semaphore_mem>>) src(%dma_wait3A_16 : memref<10080xi32, #tpu.memory_space<hbm>>) dst(%arg9 : memref<10080xi32, #tpu.memory_space<vmem>>)
      tpu.yield
    }) : () -> ()
    %mul3A_3 = arith.constant 10080 : i32
    %mul3A_4 = arith.muli %add3A, %mul3A_3 : i32
    "tpu.region"() ({
      %run_scoped3A = tpu.sem_alloc : memref<!tpu.dma_semaphore, #tpu.memory_space<semaphore_mem>>
      %dma_start3A = tpu.memref_slice %arg4[%mul3A_4] : memref<322560xi32, #tpu.memory_space<hbm>> -> memref<10080xi32, #tpu.memory_space<hbm>>
      %dma_start3A_15 = tpu.memref_slice %arg4[%mul3A_4] : memref<322560xi32, #tpu.memory_space<hbm>> -> memref<10080xi32, #tpu.memory_space<hbm>>
      tpu.enqueue_dma source(%dma_start3A_15 : memref<10080xi32, #tpu.memory_space<hbm>>) target(%arg10 : memref<10080xi32, #tpu.memory_space<vmem>>) target_semaphore(%run_scoped3A : memref<!tpu.dma_semaphore, #tpu.memory_space<semaphore_mem>>)
      %dma_wait3A = tpu.memref_slice %arg4[%mul3A_4] : memref<322560xi32, #tpu.memory_space<hbm>> -> memref<10080xi32, #tpu.memory_space<hbm>>
      %dma_wait3A_16 = tpu.memref_slice %arg4[%mul3A_4] : memref<322560xi32, #tpu.memory_space<hbm>> -> memref<10080xi32, #tpu.memory_space<hbm>>
      tpu.wait_dma2 semaphore(%run_scoped3A : memref<!tpu.dma_semaphore, #tpu.memory_space<semaphore_mem>>) src(%dma_wait3A_16 : memref<10080xi32, #tpu.memory_space<hbm>>) dst(%arg10 : memref<10080xi32, #tpu.memory_space<vmem>>)
      tpu.yield
    }) : () -> ()
    %mul3A_5 = arith.constant 10080 : i32
    %mul3A_6 = arith.muli %add3A, %mul3A_5 : i32
    "tpu.region"() ({
      %run_scoped3A = tpu.sem_alloc : memref<!tpu.dma_semaphore, #tpu.memory_space<semaphore_mem>>
      %dma_start3A = tpu.memref_slice %arg5[%mul3A_6] : memref<322560xf32, #tpu.memory_space<hbm>> -> memref<10080xf32, #tpu.memory_space<hbm>>
      %dma_start3A_15 = tpu.memref_slice %arg5[%mul3A_6] : memref<322560xf32, #tpu.memory_space<hbm>> -> memref<10080xf32, #tpu.memory_space<hbm>>
      tpu.enqueue_dma source(%dma_start3A_15 : memref<10080xf32, #tpu.memory_space<hbm>>) target(%arg11 : memref<10080xf32, #tpu.memory_space<vmem>>) target_semaphore(%run_scoped3A : memref<!tpu.dma_semaphore, #tpu.memory_space<semaphore_mem>>)
      %dma_wait3A = tpu.memref_slice %arg5[%mul3A_6] : memref<322560xf32, #tpu.memory_space<hbm>> -> memref<10080xf32, #tpu.memory_space<hbm>>
      %dma_wait3A_16 = tpu.memref_slice %arg5[%mul3A_6] : memref<322560xf32, #tpu.memory_space<hbm>> -> memref<10080xf32, #tpu.memory_space<hbm>>
      tpu.wait_dma2 semaphore(%run_scoped3A : memref<!tpu.dma_semaphore, #tpu.memory_space<semaphore_mem>>) src(%dma_wait3A_16 : memref<10080xf32, #tpu.memory_space<hbm>>) dst(%arg11 : memref<10080xf32, #tpu.memory_space<vmem>>)
      tpu.yield
    }) : () -> ()
    %scan3A = arith.constant 0 : i32
    %scan3A_7 = arith.constant 640 : i32
    %scan3A_8 = arith.addi %scan3A, %scan3A_7 : i32
    %scan3A_9 = arith.constant 1 : i32
    scf.for %scan3A_15 = %scan3A to %scan3A_8 step %scan3A_9  : i32 {
      %mul3A_16 = arith.constant 1 : i32
      %mul3A_17 = arith.muli %scan3A_15, %mul3A_16 : i32
      %add3A_18 = arith.constant 0 : i32
      %add3A_19 = arith.addi %add3A_18, %mul3A_17 : i32
      %mul3A_20 = arith.constant 16 : i32
      %mul3A_21 = arith.muli %add3A_19, %mul3A_20 : i32
      %get3A = arith.constant 0 : i32
      %get3A_22 = arith.index_cast %get3A : i32 to index
      %get3A_23 = arith.index_cast %mul3A_21 : i32 to index
      %get3A_24 = tpu.vector_load %arg7[%get3A_22, %get3A_23] {strides = array<i32>} : memref<2x10240xf32, #tpu.memory_space<vmem>>, vector<16xf32>,
      %mul3A_25 = arith.constant 16 : i32
      %mul3A_26 = arith.muli %add3A_19, %mul3A_25 : i32
      %get3A_27 = arith.constant 1 : i32
      %get3A_28 = arith.index_cast %get3A_27 : i32 to index
      %get3A_29 = arith.index_cast %mul3A_26 : i32 to index
      %get3A_30 = tpu.vector_load %arg7[%get3A_28, %get3A_29] {strides = array<i32>} : memref<2x10240xf32, #tpu.memory_space<vmem>>, vector<16xf32>,
      %add3A_31 = arith.addf %get3A_24, %get3A_30 : vector<16xf32>
      %bitcast3A = vector.bitcast %add3A_31 : vector<16xf32> to vector<16xi32>
      %shift_right_arithmetic3A = arith.constant 1 : i32
      %shift_right_arithmetic3A_32 = vector.broadcast %shift_right_arithmetic3A : i32 to vector<16xi32>
      %shift_right_arithmetic3A_33 = arith.shrsi %bitcast3A, %shift_right_arithmetic3A_32 : vector<16xi32>
      %sub3A = arith.constant 1597463007 : i32
      %sub3A_34 = vector.broadcast %sub3A : i32 to vector<16xi32>
      %sub3A_35 = arith.subi %sub3A_34, %shift_right_arithmetic3A_33 : vector<16xi32>
      %bitcast3A_36 = vector.bitcast %sub3A_35 : vector<16xi32> to vector<16xf32>
      %mul3A_37 = arith.constant 5.000000e-01 : f32
      %mul3A_38 = vector.broadcast %mul3A_37 : f32 to vector<16xf32>
      %mul3A_39 = arith.mulf %mul3A_38, %add3A_31 : vector<16xf32>
      %mul3A_40 = arith.mulf %mul3A_39, %bitcast3A_36 : vector<16xf32>
      %mul3A_41 = arith.mulf %mul3A_40, %bitcast3A_36 : vector<16xf32>
      %sub3A_42 = arith.constant 1.500000e+00 : f32
      %sub3A_43 = vector.broadcast %sub3A_42 : f32 to vector<16xf32>
      %sub3A_44 = arith.subf %sub3A_43, %mul3A_41 : vector<16xf32>
      %mul3A_45 = arith.mulf %bitcast3A_36, %sub3A_44 : vector<16xf32>
      %mul3A_46 = arith.constant 5.000000e-01 : f32
      %mul3A_47 = vector.broadcast %mul3A_46 : f32 to vector<16xf32>
      %mul3A_48 = arith.mulf %mul3A_47, %add3A_31 : vector<16xf32>
      %mul3A_49 = arith.mulf %mul3A_48, %mul3A_45 : vector<16xf32>
      %mul3A_50 = arith.mulf %mul3A_49, %mul3A_45 : vector<16xf32>
      %sub3A_51 = arith.constant 1.500000e+00 : f32
      %sub3A_52 = vector.broadcast %sub3A_51 : f32 to vector<16xf32>
      %sub3A_53 = arith.subf %sub3A_52, %mul3A_50 : vector<16xf32>
      %mul3A_54 = arith.mulf %mul3A_45, %sub3A_53 : vector<16xf32>
      %mul3A_55 = arith.constant 5.000000e-01 : f32
      %mul3A_56 = vector.broadcast %mul3A_55 : f32 to vector<16xf32>
      %mul3A_57 = arith.mulf %mul3A_56, %add3A_31 : vector<16xf32>
      %mul3A_58 = arith.mulf %mul3A_57, %mul3A_54 : vector<16xf32>
      %mul3A_59 = arith.mulf %mul3A_58, %mul3A_54 : vector<16xf32>
      %sub3A_60 = arith.constant 1.500000e+00 : f32
      %sub3A_61 = vector.broadcast %sub3A_60 : f32 to vector<16xf32>
      %sub3A_62 = arith.subf %sub3A_61, %mul3A_59 : vector<16xf32>
      %mul3A_63 = arith.mulf %mul3A_54, %sub3A_62 : vector<16xf32>
      %gt3A = arith.constant 0.000000e+00 : f32
      %gt3A_64 = vector.broadcast %gt3A : f32 to vector<16xf32>
      %gt3A_65 = arith.cmpf ogt, %add3A_31, %gt3A_64 : vector<16xf32>
      %jit3A = arith.constant 0.000000e+00 : f32
      %broadcast_in_dim3A = vector.broadcast %jit3A : f32 to vector<16xf32>
      %select_n3A = arith.select %gt3A_65, %mul3A_63, %broadcast_in_dim3A : vector<16xi1>, vector<16xf32>
      %mul3A_66 = arith.constant 16 : i32
      %mul3A_67 = arith.muli %add3A_19, %mul3A_66 : i32
      %swap3A = arith.index_cast %mul3A_67 : i32 to index
      %swap3A_68 = tpu.vector_load %arg8[%swap3A] {strides = array<i32>} : memref<10240xf32, #tpu.memory_space<vmem>>, vector<16xf32>,
      tpu.vector_store %arg8[%swap3A], %select_n3A {strides = array<i32>} : memref<10240xf32, #tpu.memory_space<vmem>>, vector<16xf32>,
    }
    %scan3A_10 = arith.constant 640 : i32
    %parallel_loop3A = arith.constant 0 : i32
    %parallel_loop3A_11 = arith.constant 630 : i32
    %parallel_loop3A_12 = arith.constant 1 : i32
    scf.for %parallel_loop3A_15 = %parallel_loop3A to %parallel_loop3A_11 step %parallel_loop3A_12  : i32 {
      %parallel_loop3A_16 = arith.constant 16 : i32
      %parallel_loop3A_17 = arith.muli %parallel_loop3A_15, %parallel_loop3A_16 : i32
      %parallel_loop3A_18 = arith.index_cast %parallel_loop3A_17 : i32 to index
      %parallel_loop3A_19 = tpu.vector_load %arg9[%parallel_loop3A_18] {strides = array<i32>} : memref<10080xi32, #tpu.memory_space<vmem>>, vector<16xi32>,
      %parallel_loop3A_20 = tpu.vector_load_idx %arg8[%parallel_loop3A_19] : memref<10240xf32, #tpu.memory_space<vmem>>[vector<16xi32>], vector<16xf32>,
      %parallel_loop3A_21 = arith.index_cast %parallel_loop3A_17 : i32 to index
      %parallel_loop3A_22 = tpu.vector_load %arg10[%parallel_loop3A_21] {strides = array<i32>} : memref<10080xi32, #tpu.memory_space<vmem>>, vector<16xi32>,
      %parallel_loop3A_23 = tpu.vector_load_idx %arg8[%parallel_loop3A_22] : memref<10240xf32, #tpu.memory_space<vmem>>[vector<16xi32>], vector<16xf32>,
      %parallel_loop3A_24 = arith.index_cast %parallel_loop3A_17 : i32 to index
      %parallel_loop3A_25 = tpu.vector_load %arg11[%parallel_loop3A_24] {strides = array<i32>} : memref<10080xf32, #tpu.memory_space<vmem>>, vector<16xf32>,
      %parallel_loop3A_26 = arith.mulf %parallel_loop3A_20, %parallel_loop3A_25 : vector<16xf32>
      %parallel_loop3A_27 = arith.mulf %parallel_loop3A_26, %parallel_loop3A_23 : vector<16xf32>
      %parallel_loop3A_28 = arith.index_cast %parallel_loop3A_17 : i32 to index
      %parallel_loop3A_29 = tpu.vector_load %arg12[%parallel_loop3A_28] {strides = array<i32>} : memref<10080xf32, #tpu.memory_space<vmem>>, vector<16xf32>,
      tpu.vector_store %arg12[%parallel_loop3A_28], %parallel_loop3A_27 {strides = array<i32>} : memref<10080xf32, #tpu.memory_space<vmem>>, vector<16xf32>,
    } {sc.loop_unroll_factor = 2 : i64, sc.parallel_access}
    %mul3A_13 = arith.constant 10080 : i32
    %mul3A_14 = arith.muli %add3A, %mul3A_13 : i32
    "tpu.region"() ({
      %run_scoped3A = tpu.sem_alloc : memref<!tpu.dma_semaphore, #tpu.memory_space<semaphore_mem>>
      %dma_start3A = tpu.memref_slice %arg6[%mul3A_14] : memref<322560xf32, #tpu.memory_space<hbm>> -> memref<10080xf32, #tpu.memory_space<hbm>>
      %dma_start3A_15 = tpu.memref_slice %arg6[%mul3A_14] : memref<322560xf32, #tpu.memory_space<hbm>> -> memref<10080xf32, #tpu.memory_space<hbm>>
      tpu.enqueue_dma source(%arg12 : memref<10080xf32, #tpu.memory_space<vmem>>) target(%dma_start3A_15 : memref<10080xf32, #tpu.memory_space<hbm>>) target_semaphore(%run_scoped3A : memref<!tpu.dma_semaphore, #tpu.memory_space<semaphore_mem>>)
      %dma_wait3A = tpu.memref_slice %arg6[%mul3A_14] : memref<322560xf32, #tpu.memory_space<hbm>> -> memref<10080xf32, #tpu.memory_space<hbm>>
      %dma_wait3A_16 = tpu.memref_slice %arg6[%mul3A_14] : memref<322560xf32, #tpu.memory_space<hbm>> -> memref<10080xf32, #tpu.memory_space<hbm>>
      tpu.wait_dma2 semaphore(%run_scoped3A : memref<!tpu.dma_semaphore, #tpu.memory_space<semaphore_mem>>) src(%arg12 : memref<10080xf32, #tpu.memory_space<vmem>>) dst(%dma_wait3A_16 : memref<10080xf32, #tpu.memory_space<hbm>>)
      tpu.yield
    }) : () -> ()
    return
  }
}

#map = affine_map<(d0, d1) -> (0)>
#map1 = affine_map<(d0, d1) -> (0, 0)>
module attributes {stable_mosaic.version = 14 : i64} {
  func.func @body(%arg0: i32, %arg1: i32, %arg2: memref<322560xi32, #tpu.memory_space<hbm>>, %arg3: memref<322560xf32, #tpu.memory_space<hbm>>, %arg4: memref<2x10240xf32, #tpu.memory_space<hbm>>, %arg5: memref<10080xi32, #tpu.memory_space<vmem>>, %arg6: memref<10080xf32, #tpu.memory_space<vmem>>, %arg7: memref<16x5120xf32, #tpu.memory_space<vmem>>, %arg8: memref<10240xf32, #tpu.memory_space<vmem>>, %arg9: memref<640xf32, #tpu.memory_space<vmem>>, %arg10: memref<640xf32, #tpu.memory_space<vmem>>, %arg11: memref<16x10240xf32, #tpu.memory_space<vmem_shared>>) attributes {dimension_semantics = [#tpu.dimension_semantics<core_parallel>, #tpu.dimension_semantics<subcore_parallel>], iteration_bounds = array<i64: 2, 16>, scalar_prefetch = 0 : i64, scratch_operands = 7 : i64, tpu.core_type = #tpu.core_type<sc_vector_subcore>, window_params = [{transform_indices = #map}, {transform_indices = #map}, {transform_indices = #map1}]} {
    %mul3A = arith.constant 16 : i32
    %mul3A_0 = arith.muli %arg0, %mul3A : i32
    %add3A = arith.addi %mul3A_0, %arg1 : i32
    %iota3A = tpu.iota {dimensions = array<i32: 0>} : vector<16xi32>
    %broadcast_in_dim3A = arith.constant 0.000000e+00 : f32
    %broadcast_in_dim3A_1 = vector.broadcast %broadcast_in_dim3A : f32 to vector<16xf32>
    %mul3A_2 = arith.constant 10080 : i32
    %mul3A_3 = arith.muli %add3A, %mul3A_2 : i32
    "tpu.region"() ({
      %run_scoped3A_169 = tpu.sem_alloc : memref<!tpu.dma_semaphore, #tpu.memory_space<semaphore_mem>>
      %dma_start3A = tpu.memref_slice %arg2[%mul3A_3] : memref<322560xi32, #tpu.memory_space<hbm>> -> memref<10080xi32, #tpu.memory_space<hbm>>
      %dma_start3A_170 = tpu.memref_slice %arg2[%mul3A_3] : memref<322560xi32, #tpu.memory_space<hbm>> -> memref<10080xi32, #tpu.memory_space<hbm>>
      tpu.enqueue_dma source(%dma_start3A_170 : memref<10080xi32, #tpu.memory_space<hbm>>) target(%arg5 : memref<10080xi32, #tpu.memory_space<vmem>>) target_semaphore(%run_scoped3A_169 : memref<!tpu.dma_semaphore, #tpu.memory_space<semaphore_mem>>)
      %dma_wait3A = tpu.memref_slice %arg2[%mul3A_3] : memref<322560xi32, #tpu.memory_space<hbm>> -> memref<10080xi32, #tpu.memory_space<hbm>>
      %dma_wait3A_171 = tpu.memref_slice %arg2[%mul3A_3] : memref<322560xi32, #tpu.memory_space<hbm>> -> memref<10080xi32, #tpu.memory_space<hbm>>
      tpu.wait_dma2 semaphore(%run_scoped3A_169 : memref<!tpu.dma_semaphore, #tpu.memory_space<semaphore_mem>>) src(%dma_wait3A_171 : memref<10080xi32, #tpu.memory_space<hbm>>) dst(%arg5 : memref<10080xi32, #tpu.memory_space<vmem>>)
      tpu.yield
    }) : () -> ()
    %mul3A_4 = arith.constant 10080 : i32
    %mul3A_5 = arith.muli %add3A, %mul3A_4 : i32
    "tpu.region"() ({
      %run_scoped3A_169 = tpu.sem_alloc : memref<!tpu.dma_semaphore, #tpu.memory_space<semaphore_mem>>
      %dma_start3A = tpu.memref_slice %arg3[%mul3A_5] : memref<322560xf32, #tpu.memory_space<hbm>> -> memref<10080xf32, #tpu.memory_space<hbm>>
      %dma_start3A_170 = tpu.memref_slice %arg3[%mul3A_5] : memref<322560xf32, #tpu.memory_space<hbm>> -> memref<10080xf32, #tpu.memory_space<hbm>>
      tpu.enqueue_dma source(%dma_start3A_170 : memref<10080xf32, #tpu.memory_space<hbm>>) target(%arg6 : memref<10080xf32, #tpu.memory_space<vmem>>) target_semaphore(%run_scoped3A_169 : memref<!tpu.dma_semaphore, #tpu.memory_space<semaphore_mem>>)
      %dma_wait3A = tpu.memref_slice %arg3[%mul3A_5] : memref<322560xf32, #tpu.memory_space<hbm>> -> memref<10080xf32, #tpu.memory_space<hbm>>
      %dma_wait3A_171 = tpu.memref_slice %arg3[%mul3A_5] : memref<322560xf32, #tpu.memory_space<hbm>> -> memref<10080xf32, #tpu.memory_space<hbm>>
      tpu.wait_dma2 semaphore(%run_scoped3A_169 : memref<!tpu.dma_semaphore, #tpu.memory_space<semaphore_mem>>) src(%dma_wait3A_171 : memref<10080xf32, #tpu.memory_space<hbm>>) dst(%arg6 : memref<10080xf32, #tpu.memory_space<vmem>>)
      tpu.yield
    }) : () -> ()
    %scan3A = arith.constant 0 : i32
    %scan3A_6 = arith.constant 320 : i32
    %scan3A_7 = arith.addi %scan3A, %scan3A_6 : i32
    %scan3A_8 = arith.constant 1 : i32
    scf.for %scan3A_169 = %scan3A to %scan3A_7 step %scan3A_8  : i32 {
      %mul3A_170 = arith.constant 1 : i32
      %mul3A_171 = arith.muli %scan3A_169, %mul3A_170 : i32
      %add3A_172 = arith.constant 0 : i32
      %add3A_173 = arith.addi %add3A_172, %mul3A_171 : i32
      %mul3A_174 = arith.constant 16 : i32
      %mul3A_175 = arith.muli %add3A_173, %mul3A_174 : i32
      %swap3A = arith.constant 0 : i32
      %swap3A_176 = arith.index_cast %swap3A : i32 to index
      %swap3A_177 = arith.index_cast %mul3A_175 : i32 to index
      %swap3A_178 = tpu.vector_load %arg7[%swap3A_176, %swap3A_177] {strides = array<i32>} : memref<16x5120xf32, #tpu.memory_space<vmem>>, vector<16xf32>,
      tpu.vector_store %arg7[%swap3A_176, %swap3A_177], %broadcast_in_dim3A_1 {strides = array<i32>} : memref<16x5120xf32, #tpu.memory_space<vmem>>, vector<16xf32>,
      %mul3A_179 = arith.constant 16 : i32
      %mul3A_180 = arith.muli %add3A_173, %mul3A_179 : i32
      %swap3A_181 = arith.constant 1 : i32
      %swap3A_182 = arith.index_cast %swap3A_181 : i32 to index
      %swap3A_183 = arith.index_cast %mul3A_180 : i32 to index
      %swap3A_184 = tpu.vector_load %arg7[%swap3A_182, %swap3A_183] {strides = array<i32>} : memref<16x5120xf32, #tpu.memory_space<vmem>>, vector<16xf32>,
      tpu.vector_store %arg7[%swap3A_182, %swap3A_183], %broadcast_in_dim3A_1 {strides = array<i32>} : memref<16x5120xf32, #tpu.memory_space<vmem>>, vector<16xf32>,
      %mul3A_185 = arith.constant 16 : i32
      %mul3A_186 = arith.muli %add3A_173, %mul3A_185 : i32
      %swap3A_187 = arith.constant 2 : i32
      %swap3A_188 = arith.index_cast %swap3A_187 : i32 to index
      %swap3A_189 = arith.index_cast %mul3A_186 : i32 to index
      %swap3A_190 = tpu.vector_load %arg7[%swap3A_188, %swap3A_189] {strides = array<i32>} : memref<16x5120xf32, #tpu.memory_space<vmem>>, vector<16xf32>,
      tpu.vector_store %arg7[%swap3A_188, %swap3A_189], %broadcast_in_dim3A_1 {strides = array<i32>} : memref<16x5120xf32, #tpu.memory_space<vmem>>, vector<16xf32>,
      %mul3A_191 = arith.constant 16 : i32
      %mul3A_192 = arith.muli %add3A_173, %mul3A_191 : i32
      %swap3A_193 = arith.constant 3 : i32
      %swap3A_194 = arith.index_cast %swap3A_193 : i32 to index
      %swap3A_195 = arith.index_cast %mul3A_192 : i32 to index
      %swap3A_196 = tpu.vector_load %arg7[%swap3A_194, %swap3A_195] {strides = array<i32>} : memref<16x5120xf32, #tpu.memory_space<vmem>>, vector<16xf32>,
      tpu.vector_store %arg7[%swap3A_194, %swap3A_195], %broadcast_in_dim3A_1 {strides = array<i32>} : memref<16x5120xf32, #tpu.memory_space<vmem>>, vector<16xf32>,
      %mul3A_197 = arith.constant 16 : i32
      %mul3A_198 = arith.muli %add3A_173, %mul3A_197 : i32
      %swap3A_199 = arith.constant 4 : i32
      %swap3A_200 = arith.index_cast %swap3A_199 : i32 to index
      %swap3A_201 = arith.index_cast %mul3A_198 : i32 to index
      %swap3A_202 = tpu.vector_load %arg7[%swap3A_200, %swap3A_201] {strides = array<i32>} : memref<16x5120xf32, #tpu.memory_space<vmem>>, vector<16xf32>,
      tpu.vector_store %arg7[%swap3A_200, %swap3A_201], %broadcast_in_dim3A_1 {strides = array<i32>} : memref<16x5120xf32, #tpu.memory_space<vmem>>, vector<16xf32>,
      %mul3A_203 = arith.constant 16 : i32
      %mul3A_204 = arith.muli %add3A_173, %mul3A_203 : i32
      %swap3A_205 = arith.constant 5 : i32
      %swap3A_206 = arith.index_cast %swap3A_205 : i32 to index
      %swap3A_207 = arith.index_cast %mul3A_204 : i32 to index
      %swap3A_208 = tpu.vector_load %arg7[%swap3A_206, %swap3A_207] {strides = array<i32>} : memref<16x5120xf32, #tpu.memory_space<vmem>>, vector<16xf32>,
      tpu.vector_store %arg7[%swap3A_206, %swap3A_207], %broadcast_in_dim3A_1 {strides = array<i32>} : memref<16x5120xf32, #tpu.memory_space<vmem>>, vector<16xf32>,
      %mul3A_209 = arith.constant 16 : i32
      %mul3A_210 = arith.muli %add3A_173, %mul3A_209 : i32
      %swap3A_211 = arith.constant 6 : i32
      %swap3A_212 = arith.index_cast %swap3A_211 : i32 to index
      %swap3A_213 = arith.index_cast %mul3A_210 : i32 to index
      %swap3A_214 = tpu.vector_load %arg7[%swap3A_212, %swap3A_213] {strides = array<i32>} : memref<16x5120xf32, #tpu.memory_space<vmem>>, vector<16xf32>,
      tpu.vector_store %arg7[%swap3A_212, %swap3A_213], %broadcast_in_dim3A_1 {strides = array<i32>} : memref<16x5120xf32, #tpu.memory_space<vmem>>, vector<16xf32>,
      %mul3A_215 = arith.constant 16 : i32
      %mul3A_216 = arith.muli %add3A_173, %mul3A_215 : i32
      %swap3A_217 = arith.constant 7 : i32
      %swap3A_218 = arith.index_cast %swap3A_217 : i32 to index
      %swap3A_219 = arith.index_cast %mul3A_216 : i32 to index
      %swap3A_220 = tpu.vector_load %arg7[%swap3A_218, %swap3A_219] {strides = array<i32>} : memref<16x5120xf32, #tpu.memory_space<vmem>>, vector<16xf32>,
      tpu.vector_store %arg7[%swap3A_218, %swap3A_219], %broadcast_in_dim3A_1 {strides = array<i32>} : memref<16x5120xf32, #tpu.memory_space<vmem>>, vector<16xf32>,
      %mul3A_221 = arith.constant 16 : i32
      %mul3A_222 = arith.muli %add3A_173, %mul3A_221 : i32
      %swap3A_223 = arith.constant 8 : i32
      %swap3A_224 = arith.index_cast %swap3A_223 : i32 to index
      %swap3A_225 = arith.index_cast %mul3A_222 : i32 to index
      %swap3A_226 = tpu.vector_load %arg7[%swap3A_224, %swap3A_225] {strides = array<i32>} : memref<16x5120xf32, #tpu.memory_space<vmem>>, vector<16xf32>,
      tpu.vector_store %arg7[%swap3A_224, %swap3A_225], %broadcast_in_dim3A_1 {strides = array<i32>} : memref<16x5120xf32, #tpu.memory_space<vmem>>, vector<16xf32>,
      %mul3A_227 = arith.constant 16 : i32
      %mul3A_228 = arith.muli %add3A_173, %mul3A_227 : i32
      %swap3A_229 = arith.constant 9 : i32
      %swap3A_230 = arith.index_cast %swap3A_229 : i32 to index
      %swap3A_231 = arith.index_cast %mul3A_228 : i32 to index
      %swap3A_232 = tpu.vector_load %arg7[%swap3A_230, %swap3A_231] {strides = array<i32>} : memref<16x5120xf32, #tpu.memory_space<vmem>>, vector<16xf32>,
      tpu.vector_store %arg7[%swap3A_230, %swap3A_231], %broadcast_in_dim3A_1 {strides = array<i32>} : memref<16x5120xf32, #tpu.memory_space<vmem>>, vector<16xf32>,
      %mul3A_233 = arith.constant 16 : i32
      %mul3A_234 = arith.muli %add3A_173, %mul3A_233 : i32
      %swap3A_235 = arith.constant 10 : i32
      %swap3A_236 = arith.index_cast %swap3A_235 : i32 to index
      %swap3A_237 = arith.index_cast %mul3A_234 : i32 to index
      %swap3A_238 = tpu.vector_load %arg7[%swap3A_236, %swap3A_237] {strides = array<i32>} : memref<16x5120xf32, #tpu.memory_space<vmem>>, vector<16xf32>,
      tpu.vector_store %arg7[%swap3A_236, %swap3A_237], %broadcast_in_dim3A_1 {strides = array<i32>} : memref<16x5120xf32, #tpu.memory_space<vmem>>, vector<16xf32>,
      %mul3A_239 = arith.constant 16 : i32
      %mul3A_240 = arith.muli %add3A_173, %mul3A_239 : i32
      %swap3A_241 = arith.constant 11 : i32
      %swap3A_242 = arith.index_cast %swap3A_241 : i32 to index
      %swap3A_243 = arith.index_cast %mul3A_240 : i32 to index
      %swap3A_244 = tpu.vector_load %arg7[%swap3A_242, %swap3A_243] {strides = array<i32>} : memref<16x5120xf32, #tpu.memory_space<vmem>>, vector<16xf32>,
      tpu.vector_store %arg7[%swap3A_242, %swap3A_243], %broadcast_in_dim3A_1 {strides = array<i32>} : memref<16x5120xf32, #tpu.memory_space<vmem>>, vector<16xf32>,
      %mul3A_245 = arith.constant 16 : i32
      %mul3A_246 = arith.muli %add3A_173, %mul3A_245 : i32
      %swap3A_247 = arith.constant 12 : i32
      %swap3A_248 = arith.index_cast %swap3A_247 : i32 to index
      %swap3A_249 = arith.index_cast %mul3A_246 : i32 to index
      %swap3A_250 = tpu.vector_load %arg7[%swap3A_248, %swap3A_249] {strides = array<i32>} : memref<16x5120xf32, #tpu.memory_space<vmem>>, vector<16xf32>,
      tpu.vector_store %arg7[%swap3A_248, %swap3A_249], %broadcast_in_dim3A_1 {strides = array<i32>} : memref<16x5120xf32, #tpu.memory_space<vmem>>, vector<16xf32>,
      %mul3A_251 = arith.constant 16 : i32
      %mul3A_252 = arith.muli %add3A_173, %mul3A_251 : i32
      %swap3A_253 = arith.constant 13 : i32
      %swap3A_254 = arith.index_cast %swap3A_253 : i32 to index
      %swap3A_255 = arith.index_cast %mul3A_252 : i32 to index
      %swap3A_256 = tpu.vector_load %arg7[%swap3A_254, %swap3A_255] {strides = array<i32>} : memref<16x5120xf32, #tpu.memory_space<vmem>>, vector<16xf32>,
      tpu.vector_store %arg7[%swap3A_254, %swap3A_255], %broadcast_in_dim3A_1 {strides = array<i32>} : memref<16x5120xf32, #tpu.memory_space<vmem>>, vector<16xf32>,
      %mul3A_257 = arith.constant 16 : i32
      %mul3A_258 = arith.muli %add3A_173, %mul3A_257 : i32
      %swap3A_259 = arith.constant 14 : i32
      %swap3A_260 = arith.index_cast %swap3A_259 : i32 to index
      %swap3A_261 = arith.index_cast %mul3A_258 : i32 to index
      %swap3A_262 = tpu.vector_load %arg7[%swap3A_260, %swap3A_261] {strides = array<i32>} : memref<16x5120xf32, #tpu.memory_space<vmem>>, vector<16xf32>,
      tpu.vector_store %arg7[%swap3A_260, %swap3A_261], %broadcast_in_dim3A_1 {strides = array<i32>} : memref<16x5120xf32, #tpu.memory_space<vmem>>, vector<16xf32>,
      %mul3A_263 = arith.constant 16 : i32
      %mul3A_264 = arith.muli %add3A_173, %mul3A_263 : i32
      %swap3A_265 = arith.constant 15 : i32
      %swap3A_266 = arith.index_cast %swap3A_265 : i32 to index
      %swap3A_267 = arith.index_cast %mul3A_264 : i32 to index
      %swap3A_268 = tpu.vector_load %arg7[%swap3A_266, %swap3A_267] {strides = array<i32>} : memref<16x5120xf32, #tpu.memory_space<vmem>>, vector<16xf32>,
      tpu.vector_store %arg7[%swap3A_266, %swap3A_267], %broadcast_in_dim3A_1 {strides = array<i32>} : memref<16x5120xf32, #tpu.memory_space<vmem>>, vector<16xf32>,
    }
    %scan3A_9 = arith.constant 320 : i32
    %scan3A_10 = arith.constant 0 : i32
    %scan3A_11 = arith.constant 630 : i32
    %scan3A_12 = arith.addi %scan3A_10, %scan3A_11 : i32
    %scan3A_13 = arith.constant 1 : i32
    scf.for %scan3A_169 = %scan3A_10 to %scan3A_12 step %scan3A_13  : i32 {
      %mul3A_170 = arith.constant 1 : i32
      %mul3A_171 = arith.muli %scan3A_169, %mul3A_170 : i32
      %add3A_172 = arith.constant 0 : i32
      %add3A_173 = arith.addi %add3A_172, %mul3A_171 : i32
      %mul3A_174 = arith.constant 16 : i32
      %mul3A_175 = arith.muli %add3A_173, %mul3A_174 : i32
      %get3A = arith.index_cast %mul3A_175 : i32 to index
      %get3A_176 = tpu.vector_load %arg5[%get3A] {strides = array<i32>} : memref<10080xi32, #tpu.memory_space<vmem>>, vector<16xi32>,
      %sub3A = arith.constant 0 : i32
      %sub3A_177 = vector.broadcast %sub3A : i32 to vector<16xi32>
      %sub3A_178 = arith.subi %get3A_176, %sub3A_177 : vector<16xi32>
      %mul3A_179 = arith.constant 16 : i32
      %mul3A_180 = arith.muli %add3A_173, %mul3A_179 : i32
      %get3A_181 = arith.index_cast %mul3A_180 : i32 to index
      %get3A_182 = tpu.vector_load %arg6[%get3A_181] {strides = array<i32>} : memref<10080xf32, #tpu.memory_space<vmem>>, vector<16xf32>,
      %ge3A = arith.constant 0 : i32
      %ge3A_183 = vector.broadcast %ge3A : i32 to vector<16xi32>
      %ge3A_184 = arith.cmpi sge, %sub3A_178, %ge3A_183 : vector<16xi32>
      %lt3A = arith.constant 5120 : i32
      %lt3A_185 = vector.broadcast %lt3A : i32 to vector<16xi32>
      %lt3A_186 = arith.cmpi slt, %sub3A_178, %lt3A_185 : vector<16xi32>
      %and3A = arith.andi %ge3A_184, %lt3A_186 : vector<16xi1>
      %max3A = arith.constant 0 : i32
      %max3A_187 = vector.broadcast %max3A : i32 to vector<16xi32>
      %max3A_188 = arith.maxsi %sub3A_178, %max3A_187 : vector<16xi32>
      %min3A = arith.constant 5119 : i32
      %min3A_189 = vector.broadcast %min3A : i32 to vector<16xi32>
      %min3A_190 = arith.minsi %max3A_188, %min3A_189 : vector<16xi32>
      tpu.vector_store_idx %arg7[%iota3A, %min3A_190], %get3A_182 masked %and3A {add = true} : memref<16x5120xf32, #tpu.memory_space<vmem>>[vector<16xi32>, vector<16xi32>], vector<16xf32>, vector<16xi1>
    }
    %scan3A_14 = arith.constant 630 : i32
    %scan3A_15 = arith.constant 0 : i32
    %scan3A_16 = arith.constant 320 : i32
    %scan3A_17 = arith.addi %scan3A_15, %scan3A_16 : i32
    %scan3A_18 = arith.constant 1 : i32
    scf.for %scan3A_169 = %scan3A_15 to %scan3A_17 step %scan3A_18  : i32 {
      %mul3A_170 = arith.constant 1 : i32
      %mul3A_171 = arith.muli %scan3A_169, %mul3A_170 : i32
      %add3A_172 = arith.constant 0 : i32
      %add3A_173 = arith.addi %add3A_172, %mul3A_171 : i32
      %mul3A_174 = arith.constant 16 : i32
      %mul3A_175 = arith.muli %add3A_173, %mul3A_174 : i32
      %get3A = arith.constant 0 : i32
      %get3A_176 = arith.index_cast %get3A : i32 to index
      %get3A_177 = arith.index_cast %mul3A_175 : i32 to index
      %get3A_178 = tpu.vector_load %arg7[%get3A_176, %get3A_177] {strides = array<i32>} : memref<16x5120xf32, #tpu.memory_space<vmem>>, vector<16xf32>,
      %mul3A_179 = arith.constant 16 : i32
      %mul3A_180 = arith.muli %add3A_173, %mul3A_179 : i32
      %get3A_181 = arith.constant 1 : i32
      %get3A_182 = arith.index_cast %get3A_181 : i32 to index
      %get3A_183 = arith.index_cast %mul3A_180 : i32 to index
      %get3A_184 = tpu.vector_load %arg7[%get3A_182, %get3A_183] {strides = array<i32>} : memref<16x5120xf32, #tpu.memory_space<vmem>>, vector<16xf32>,
      %mul3A_185 = arith.constant 16 : i32
      %mul3A_186 = arith.muli %add3A_173, %mul3A_185 : i32
      %get3A_187 = arith.constant 2 : i32
      %get3A_188 = arith.index_cast %get3A_187 : i32 to index
      %get3A_189 = arith.index_cast %mul3A_186 : i32 to index
      %get3A_190 = tpu.vector_load %arg7[%get3A_188, %get3A_189] {strides = array<i32>} : memref<16x5120xf32, #tpu.memory_space<vmem>>, vector<16xf32>,
      %mul3A_191 = arith.constant 16 : i32
      %mul3A_192 = arith.muli %add3A_173, %mul3A_191 : i32
      %get3A_193 = arith.constant 3 : i32
      %get3A_194 = arith.index_cast %get3A_193 : i32 to index
      %get3A_195 = arith.index_cast %mul3A_192 : i32 to index
      %get3A_196 = tpu.vector_load %arg7[%get3A_194, %get3A_195] {strides = array<i32>} : memref<16x5120xf32, #tpu.memory_space<vmem>>, vector<16xf32>,
      %mul3A_197 = arith.constant 16 : i32
      %mul3A_198 = arith.muli %add3A_173, %mul3A_197 : i32
      %get3A_199 = arith.constant 4 : i32
      %get3A_200 = arith.index_cast %get3A_199 : i32 to index
      %get3A_201 = arith.index_cast %mul3A_198 : i32 to index
      %get3A_202 = tpu.vector_load %arg7[%get3A_200, %get3A_201] {strides = array<i32>} : memref<16x5120xf32, #tpu.memory_space<vmem>>, vector<16xf32>,
      %mul3A_203 = arith.constant 16 : i32
      %mul3A_204 = arith.muli %add3A_173, %mul3A_203 : i32
      %get3A_205 = arith.constant 5 : i32
      %get3A_206 = arith.index_cast %get3A_205 : i32 to index
      %get3A_207 = arith.index_cast %mul3A_204 : i32 to index
      %get3A_208 = tpu.vector_load %arg7[%get3A_206, %get3A_207] {strides = array<i32>} : memref<16x5120xf32, #tpu.memory_space<vmem>>, vector<16xf32>,
      %mul3A_209 = arith.constant 16 : i32
      %mul3A_210 = arith.muli %add3A_173, %mul3A_209 : i32
      %get3A_211 = arith.constant 6 : i32
      %get3A_212 = arith.index_cast %get3A_211 : i32 to index
      %get3A_213 = arith.index_cast %mul3A_210 : i32 to index
      %get3A_214 = tpu.vector_load %arg7[%get3A_212, %get3A_213] {strides = array<i32>} : memref<16x5120xf32, #tpu.memory_space<vmem>>, vector<16xf32>,
      %mul3A_215 = arith.constant 16 : i32
      %mul3A_216 = arith.muli %add3A_173, %mul3A_215 : i32
      %get3A_217 = arith.constant 7 : i32
      %get3A_218 = arith.index_cast %get3A_217 : i32 to index
      %get3A_219 = arith.index_cast %mul3A_216 : i32 to index
      %get3A_220 = tpu.vector_load %arg7[%get3A_218, %get3A_219] {strides = array<i32>} : memref<16x5120xf32, #tpu.memory_space<vmem>>, vector<16xf32>,
      %mul3A_221 = arith.constant 16 : i32
      %mul3A_222 = arith.muli %add3A_173, %mul3A_221 : i32
      %get3A_223 = arith.constant 8 : i32
      %get3A_224 = arith.index_cast %get3A_223 : i32 to index
      %get3A_225 = arith.index_cast %mul3A_222 : i32 to index
      %get3A_226 = tpu.vector_load %arg7[%get3A_224, %get3A_225] {strides = array<i32>} : memref<16x5120xf32, #tpu.memory_space<vmem>>, vector<16xf32>,
      %mul3A_227 = arith.constant 16 : i32
      %mul3A_228 = arith.muli %add3A_173, %mul3A_227 : i32
      %get3A_229 = arith.constant 9 : i32
      %get3A_230 = arith.index_cast %get3A_229 : i32 to index
      %get3A_231 = arith.index_cast %mul3A_228 : i32 to index
      %get3A_232 = tpu.vector_load %arg7[%get3A_230, %get3A_231] {strides = array<i32>} : memref<16x5120xf32, #tpu.memory_space<vmem>>, vector<16xf32>,
      %mul3A_233 = arith.constant 16 : i32
      %mul3A_234 = arith.muli %add3A_173, %mul3A_233 : i32
      %get3A_235 = arith.constant 10 : i32
      %get3A_236 = arith.index_cast %get3A_235 : i32 to index
      %get3A_237 = arith.index_cast %mul3A_234 : i32 to index
      %get3A_238 = tpu.vector_load %arg7[%get3A_236, %get3A_237] {strides = array<i32>} : memref<16x5120xf32, #tpu.memory_space<vmem>>, vector<16xf32>,
      %mul3A_239 = arith.constant 16 : i32
      %mul3A_240 = arith.muli %add3A_173, %mul3A_239 : i32
      %get3A_241 = arith.constant 11 : i32
      %get3A_242 = arith.index_cast %get3A_241 : i32 to index
      %get3A_243 = arith.index_cast %mul3A_240 : i32 to index
      %get3A_244 = tpu.vector_load %arg7[%get3A_242, %get3A_243] {strides = array<i32>} : memref<16x5120xf32, #tpu.memory_space<vmem>>, vector<16xf32>,
      %mul3A_245 = arith.constant 16 : i32
      %mul3A_246 = arith.muli %add3A_173, %mul3A_245 : i32
      %get3A_247 = arith.constant 12 : i32
      %get3A_248 = arith.index_cast %get3A_247 : i32 to index
      %get3A_249 = arith.index_cast %mul3A_246 : i32 to index
      %get3A_250 = tpu.vector_load %arg7[%get3A_248, %get3A_249] {strides = array<i32>} : memref<16x5120xf32, #tpu.memory_space<vmem>>, vector<16xf32>,
      %mul3A_251 = arith.constant 16 : i32
      %mul3A_252 = arith.muli %add3A_173, %mul3A_251 : i32
      %get3A_253 = arith.constant 13 : i32
      %get3A_254 = arith.index_cast %get3A_253 : i32 to index
      %get3A_255 = arith.index_cast %mul3A_252 : i32 to index
      %get3A_256 = tpu.vector_load %arg7[%get3A_254, %get3A_255] {strides = array<i32>} : memref<16x5120xf32, #tpu.memory_space<vmem>>, vector<16xf32>,
      %mul3A_257 = arith.constant 16 : i32
      %mul3A_258 = arith.muli %add3A_173, %mul3A_257 : i32
      %get3A_259 = arith.constant 14 : i32
      %get3A_260 = arith.index_cast %get3A_259 : i32 to index
      %get3A_261 = arith.index_cast %mul3A_258 : i32 to index
      %get3A_262 = tpu.vector_load %arg7[%get3A_260, %get3A_261] {strides = array<i32>} : memref<16x5120xf32, #tpu.memory_space<vmem>>, vector<16xf32>,
      %mul3A_263 = arith.constant 16 : i32
      %mul3A_264 = arith.muli %add3A_173, %mul3A_263 : i32
      %get3A_265 = arith.constant 15 : i32
      %get3A_266 = arith.index_cast %get3A_265 : i32 to index
      %get3A_267 = arith.index_cast %mul3A_264 : i32 to index
      %get3A_268 = tpu.vector_load %arg7[%get3A_266, %get3A_267] {strides = array<i32>} : memref<16x5120xf32, #tpu.memory_space<vmem>>, vector<16xf32>,
      %add3A_269 = arith.addf %get3A_178, %get3A_184 : vector<16xf32>
      %add3A_270 = arith.addf %get3A_190, %get3A_196 : vector<16xf32>
      %add3A_271 = arith.addf %get3A_202, %get3A_208 : vector<16xf32>
      %add3A_272 = arith.addf %get3A_214, %get3A_220 : vector<16xf32>
      %add3A_273 = arith.addf %get3A_226, %get3A_232 : vector<16xf32>
      %add3A_274 = arith.addf %get3A_238, %get3A_244 : vector<16xf32>
      %add3A_275 = arith.addf %get3A_250, %get3A_256 : vector<16xf32>
      %add3A_276 = arith.addf %get3A_262, %get3A_268 : vector<16xf32>
      %add3A_277 = arith.addf %add3A_269, %add3A_270 : vector<16xf32>
      %add3A_278 = arith.addf %add3A_271, %add3A_272 : vector<16xf32>
      %add3A_279 = arith.addf %add3A_273, %add3A_274 : vector<16xf32>
      %add3A_280 = arith.addf %add3A_275, %add3A_276 : vector<16xf32>
      %add3A_281 = arith.addf %add3A_277, %add3A_278 : vector<16xf32>
      %add3A_282 = arith.addf %add3A_279, %add3A_280 : vector<16xf32>
      %add3A_283 = arith.addf %add3A_281, %add3A_282 : vector<16xf32>
      %mul3A_284 = arith.constant 16 : i32
      %mul3A_285 = arith.muli %add3A_173, %mul3A_284 : i32
      %add3A_286 = arith.constant 0 : i32
      %add3A_287 = arith.addi %add3A_286, %mul3A_285 : i32
      %swap3A = arith.index_cast %add3A_287 : i32 to index
      %swap3A_288 = tpu.vector_load %arg8[%swap3A] {strides = array<i32>} : memref<10240xf32, #tpu.memory_space<vmem>>, vector<16xf32>,
      tpu.vector_store %arg8[%swap3A], %add3A_283 {strides = array<i32>} : memref<10240xf32, #tpu.memory_space<vmem>>, vector<16xf32>,
    }
    %scan3A_19 = arith.constant 320 : i32
    %scan3A_20 = arith.constant 0 : i32
    %scan3A_21 = arith.constant 320 : i32
    %scan3A_22 = arith.addi %scan3A_20, %scan3A_21 : i32
    %scan3A_23 = arith.constant 1 : i32
    scf.for %scan3A_169 = %scan3A_20 to %scan3A_22 step %scan3A_23  : i32 {
      %mul3A_170 = arith.constant 1 : i32
      %mul3A_171 = arith.muli %scan3A_169, %mul3A_170 : i32
      %add3A_172 = arith.constant 0 : i32
      %add3A_173 = arith.addi %add3A_172, %mul3A_171 : i32
      %mul3A_174 = arith.constant 16 : i32
      %mul3A_175 = arith.muli %add3A_173, %mul3A_174 : i32
      %swap3A = arith.constant 0 : i32
      %swap3A_176 = arith.index_cast %swap3A : i32 to index
      %swap3A_177 = arith.index_cast %mul3A_175 : i32 to index
      %swap3A_178 = tpu.vector_load %arg7[%swap3A_176, %swap3A_177] {strides = array<i32>} : memref<16x5120xf32, #tpu.memory_space<vmem>>, vector<16xf32>,
      tpu.vector_store %arg7[%swap3A_176, %swap3A_177], %broadcast_in_dim3A_1 {strides = array<i32>} : memref<16x5120xf32, #tpu.memory_space<vmem>>, vector<16xf32>,
      %mul3A_179 = arith.constant 16 : i32
      %mul3A_180 = arith.muli %add3A_173, %mul3A_179 : i32
      %swap3A_181 = arith.constant 1 : i32
      %swap3A_182 = arith.index_cast %swap3A_181 : i32 to index
      %swap3A_183 = arith.index_cast %mul3A_180 : i32 to index
      %swap3A_184 = tpu.vector_load %arg7[%swap3A_182, %swap3A_183] {strides = array<i32>} : memref<16x5120xf32, #tpu.memory_space<vmem>>, vector<16xf32>,
      tpu.vector_store %arg7[%swap3A_182, %swap3A_183], %broadcast_in_dim3A_1 {strides = array<i32>} : memref<16x5120xf32, #tpu.memory_space<vmem>>, vector<16xf32>,
      %mul3A_185 = arith.constant 16 : i32
      %mul3A_186 = arith.muli %add3A_173, %mul3A_185 : i32
      %swap3A_187 = arith.constant 2 : i32
      %swap3A_188 = arith.index_cast %swap3A_187 : i32 to index
      %swap3A_189 = arith.index_cast %mul3A_186 : i32 to index
      %swap3A_190 = tpu.vector_load %arg7[%swap3A_188, %swap3A_189] {strides = array<i32>} : memref<16x5120xf32, #tpu.memory_space<vmem>>, vector<16xf32>,
      tpu.vector_store %arg7[%swap3A_188, %swap3A_189], %broadcast_in_dim3A_1 {strides = array<i32>} : memref<16x5120xf32, #tpu.memory_space<vmem>>, vector<16xf32>,
      %mul3A_191 = arith.constant 16 : i32
      %mul3A_192 = arith.muli %add3A_173, %mul3A_191 : i32
      %swap3A_193 = arith.constant 3 : i32
      %swap3A_194 = arith.index_cast %swap3A_193 : i32 to index
      %swap3A_195 = arith.index_cast %mul3A_192 : i32 to index
      %swap3A_196 = tpu.vector_load %arg7[%swap3A_194, %swap3A_195] {strides = array<i32>} : memref<16x5120xf32, #tpu.memory_space<vmem>>, vector<16xf32>,
      tpu.vector_store %arg7[%swap3A_194, %swap3A_195], %broadcast_in_dim3A_1 {strides = array<i32>} : memref<16x5120xf32, #tpu.memory_space<vmem>>, vector<16xf32>,
      %mul3A_197 = arith.constant 16 : i32
      %mul3A_198 = arith.muli %add3A_173, %mul3A_197 : i32
      %swap3A_199 = arith.constant 4 : i32
      %swap3A_200 = arith.index_cast %swap3A_199 : i32 to index
      %swap3A_201 = arith.index_cast %mul3A_198 : i32 to index
      %swap3A_202 = tpu.vector_load %arg7[%swap3A_200, %swap3A_201] {strides = array<i32>} : memref<16x5120xf32, #tpu.memory_space<vmem>>, vector<16xf32>,
      tpu.vector_store %arg7[%swap3A_200, %swap3A_201], %broadcast_in_dim3A_1 {strides = array<i32>} : memref<16x5120xf32, #tpu.memory_space<vmem>>, vector<16xf32>,
      %mul3A_203 = arith.constant 16 : i32
      %mul3A_204 = arith.muli %add3A_173, %mul3A_203 : i32
      %swap3A_205 = arith.constant 5 : i32
      %swap3A_206 = arith.index_cast %swap3A_205 : i32 to index
      %swap3A_207 = arith.index_cast %mul3A_204 : i32 to index
      %swap3A_208 = tpu.vector_load %arg7[%swap3A_206, %swap3A_207] {strides = array<i32>} : memref<16x5120xf32, #tpu.memory_space<vmem>>, vector<16xf32>,
      tpu.vector_store %arg7[%swap3A_206, %swap3A_207], %broadcast_in_dim3A_1 {strides = array<i32>} : memref<16x5120xf32, #tpu.memory_space<vmem>>, vector<16xf32>,
      %mul3A_209 = arith.constant 16 : i32
      %mul3A_210 = arith.muli %add3A_173, %mul3A_209 : i32
      %swap3A_211 = arith.constant 6 : i32
      %swap3A_212 = arith.index_cast %swap3A_211 : i32 to index
      %swap3A_213 = arith.index_cast %mul3A_210 : i32 to index
      %swap3A_214 = tpu.vector_load %arg7[%swap3A_212, %swap3A_213] {strides = array<i32>} : memref<16x5120xf32, #tpu.memory_space<vmem>>, vector<16xf32>,
      tpu.vector_store %arg7[%swap3A_212, %swap3A_213], %broadcast_in_dim3A_1 {strides = array<i32>} : memref<16x5120xf32, #tpu.memory_space<vmem>>, vector<16xf32>,
      %mul3A_215 = arith.constant 16 : i32
      %mul3A_216 = arith.muli %add3A_173, %mul3A_215 : i32
      %swap3A_217 = arith.constant 7 : i32
      %swap3A_218 = arith.index_cast %swap3A_217 : i32 to index
      %swap3A_219 = arith.index_cast %mul3A_216 : i32 to index
      %swap3A_220 = tpu.vector_load %arg7[%swap3A_218, %swap3A_219] {strides = array<i32>} : memref<16x5120xf32, #tpu.memory_space<vmem>>, vector<16xf32>,
      tpu.vector_store %arg7[%swap3A_218, %swap3A_219], %broadcast_in_dim3A_1 {strides = array<i32>} : memref<16x5120xf32, #tpu.memory_space<vmem>>, vector<16xf32>,
      %mul3A_221 = arith.constant 16 : i32
      %mul3A_222 = arith.muli %add3A_173, %mul3A_221 : i32
      %swap3A_223 = arith.constant 8 : i32
      %swap3A_224 = arith.index_cast %swap3A_223 : i32 to index
      %swap3A_225 = arith.index_cast %mul3A_222 : i32 to index
      %swap3A_226 = tpu.vector_load %arg7[%swap3A_224, %swap3A_225] {strides = array<i32>} : memref<16x5120xf32, #tpu.memory_space<vmem>>, vector<16xf32>,
      tpu.vector_store %arg7[%swap3A_224, %swap3A_225], %broadcast_in_dim3A_1 {strides = array<i32>} : memref<16x5120xf32, #tpu.memory_space<vmem>>, vector<16xf32>,
      %mul3A_227 = arith.constant 16 : i32
      %mul3A_228 = arith.muli %add3A_173, %mul3A_227 : i32
      %swap3A_229 = arith.constant 9 : i32
      %swap3A_230 = arith.index_cast %swap3A_229 : i32 to index
      %swap3A_231 = arith.index_cast %mul3A_228 : i32 to index
      %swap3A_232 = tpu.vector_load %arg7[%swap3A_230, %swap3A_231] {strides = array<i32>} : memref<16x5120xf32, #tpu.memory_space<vmem>>, vector<16xf32>,
      tpu.vector_store %arg7[%swap3A_230, %swap3A_231], %broadcast_in_dim3A_1 {strides = array<i32>} : memref<16x5120xf32, #tpu.memory_space<vmem>>, vector<16xf32>,
      %mul3A_233 = arith.constant 16 : i32
      %mul3A_234 = arith.muli %add3A_173, %mul3A_233 : i32
      %swap3A_235 = arith.constant 10 : i32
      %swap3A_236 = arith.index_cast %swap3A_235 : i32 to index
      %swap3A_237 = arith.index_cast %mul3A_234 : i32 to index
      %swap3A_238 = tpu.vector_load %arg7[%swap3A_236, %swap3A_237] {strides = array<i32>} : memref<16x5120xf32, #tpu.memory_space<vmem>>, vector<16xf32>,
      tpu.vector_store %arg7[%swap3A_236, %swap3A_237], %broadcast_in_dim3A_1 {strides = array<i32>} : memref<16x5120xf32, #tpu.memory_space<vmem>>, vector<16xf32>,
      %mul3A_239 = arith.constant 16 : i32
      %mul3A_240 = arith.muli %add3A_173, %mul3A_239 : i32
      %swap3A_241 = arith.constant 11 : i32
      %swap3A_242 = arith.index_cast %swap3A_241 : i32 to index
      %swap3A_243 = arith.index_cast %mul3A_240 : i32 to index
      %swap3A_244 = tpu.vector_load %arg7[%swap3A_242, %swap3A_243] {strides = array<i32>} : memref<16x5120xf32, #tpu.memory_space<vmem>>, vector<16xf32>,
      tpu.vector_store %arg7[%swap3A_242, %swap3A_243], %broadcast_in_dim3A_1 {strides = array<i32>} : memref<16x5120xf32, #tpu.memory_space<vmem>>, vector<16xf32>,
      %mul3A_245 = arith.constant 16 : i32
      %mul3A_246 = arith.muli %add3A_173, %mul3A_245 : i32
      %swap3A_247 = arith.constant 12 : i32
      %swap3A_248 = arith.index_cast %swap3A_247 : i32 to index
      %swap3A_249 = arith.index_cast %mul3A_246 : i32 to index
      %swap3A_250 = tpu.vector_load %arg7[%swap3A_248, %swap3A_249] {strides = array<i32>} : memref<16x5120xf32, #tpu.memory_space<vmem>>, vector<16xf32>,
      tpu.vector_store %arg7[%swap3A_248, %swap3A_249], %broadcast_in_dim3A_1 {strides = array<i32>} : memref<16x5120xf32, #tpu.memory_space<vmem>>, vector<16xf32>,
      %mul3A_251 = arith.constant 16 : i32
      %mul3A_252 = arith.muli %add3A_173, %mul3A_251 : i32
      %swap3A_253 = arith.constant 13 : i32
      %swap3A_254 = arith.index_cast %swap3A_253 : i32 to index
      %swap3A_255 = arith.index_cast %mul3A_252 : i32 to index
      %swap3A_256 = tpu.vector_load %arg7[%swap3A_254, %swap3A_255] {strides = array<i32>} : memref<16x5120xf32, #tpu.memory_space<vmem>>, vector<16xf32>,
      tpu.vector_store %arg7[%swap3A_254, %swap3A_255], %broadcast_in_dim3A_1 {strides = array<i32>} : memref<16x5120xf32, #tpu.memory_space<vmem>>, vector<16xf32>,
      %mul3A_257 = arith.constant 16 : i32
      %mul3A_258 = arith.muli %add3A_173, %mul3A_257 : i32
      %swap3A_259 = arith.constant 14 : i32
      %swap3A_260 = arith.index_cast %swap3A_259 : i32 to index
      %swap3A_261 = arith.index_cast %mul3A_258 : i32 to index
      %swap3A_262 = tpu.vector_load %arg7[%swap3A_260, %swap3A_261] {strides = array<i32>} : memref<16x5120xf32, #tpu.memory_space<vmem>>, vector<16xf32>,
      tpu.vector_store %arg7[%swap3A_260, %swap3A_261], %broadcast_in_dim3A_1 {strides = array<i32>} : memref<16x5120xf32, #tpu.memory_space<vmem>>, vector<16xf32>,
      %mul3A_263 = arith.constant 16 : i32
      %mul3A_264 = arith.muli %add3A_173, %mul3A_263 : i32
      %swap3A_265 = arith.constant 15 : i32
      %swap3A_266 = arith.index_cast %swap3A_265 : i32 to index
      %swap3A_267 = arith.index_cast %mul3A_264 : i32 to index
      %swap3A_268 = tpu.vector_load %arg7[%swap3A_266, %swap3A_267] {strides = array<i32>} : memref<16x5120xf32, #tpu.memory_space<vmem>>, vector<16xf32>,
      tpu.vector_store %arg7[%swap3A_266, %swap3A_267], %broadcast_in_dim3A_1 {strides = array<i32>} : memref<16x5120xf32, #tpu.memory_space<vmem>>, vector<16xf32>,
    }
    %scan3A_24 = arith.constant 320 : i32
    %scan3A_25 = arith.constant 0 : i32
    %scan3A_26 = arith.constant 630 : i32
    %scan3A_27 = arith.addi %scan3A_25, %scan3A_26 : i32
    %scan3A_28 = arith.constant 1 : i32
    scf.for %scan3A_169 = %scan3A_25 to %scan3A_27 step %scan3A_28  : i32 {
      %mul3A_170 = arith.constant 1 : i32
      %mul3A_171 = arith.muli %scan3A_169, %mul3A_170 : i32
      %add3A_172 = arith.constant 0 : i32
      %add3A_173 = arith.addi %add3A_172, %mul3A_171 : i32
      %mul3A_174 = arith.constant 16 : i32
      %mul3A_175 = arith.muli %add3A_173, %mul3A_174 : i32
      %get3A = arith.index_cast %mul3A_175 : i32 to index
      %get3A_176 = tpu.vector_load %arg5[%get3A] {strides = array<i32>} : memref<10080xi32, #tpu.memory_space<vmem>>, vector<16xi32>,
      %sub3A = arith.constant 5120 : i32
      %sub3A_177 = vector.broadcast %sub3A : i32 to vector<16xi32>
      %sub3A_178 = arith.subi %get3A_176, %sub3A_177 : vector<16xi32>
      %mul3A_179 = arith.constant 16 : i32
      %mul3A_180 = arith.muli %add3A_173, %mul3A_179 : i32
      %get3A_181 = arith.index_cast %mul3A_180 : i32 to index
      %get3A_182 = tpu.vector_load %arg6[%get3A_181] {strides = array<i32>} : memref<10080xf32, #tpu.memory_space<vmem>>, vector<16xf32>,
      %ge3A = arith.constant 0 : i32
      %ge3A_183 = vector.broadcast %ge3A : i32 to vector<16xi32>
      %ge3A_184 = arith.cmpi sge, %sub3A_178, %ge3A_183 : vector<16xi32>
      %lt3A = arith.constant 5120 : i32
      %lt3A_185 = vector.broadcast %lt3A : i32 to vector<16xi32>
      %lt3A_186 = arith.cmpi slt, %sub3A_178, %lt3A_185 : vector<16xi32>
      %and3A = arith.andi %ge3A_184, %lt3A_186 : vector<16xi1>
      %max3A = arith.constant 0 : i32
      %max3A_187 = vector.broadcast %max3A : i32 to vector<16xi32>
      %max3A_188 = arith.maxsi %sub3A_178, %max3A_187 : vector<16xi32>
      %min3A = arith.constant 5119 : i32
      %min3A_189 = vector.broadcast %min3A : i32 to vector<16xi32>
      %min3A_190 = arith.minsi %max3A_188, %min3A_189 : vector<16xi32>
      tpu.vector_store_idx %arg7[%iota3A, %min3A_190], %get3A_182 masked %and3A {add = true} : memref<16x5120xf32, #tpu.memory_space<vmem>>[vector<16xi32>, vector<16xi32>], vector<16xf32>, vector<16xi1>
    }
    %scan3A_29 = arith.constant 630 : i32
    %scan3A_30 = arith.constant 0 : i32
    %scan3A_31 = arith.constant 320 : i32
    %scan3A_32 = arith.addi %scan3A_30, %scan3A_31 : i32
    %scan3A_33 = arith.constant 1 : i32
    scf.for %scan3A_169 = %scan3A_30 to %scan3A_32 step %scan3A_33  : i32 {
      %mul3A_170 = arith.constant 1 : i32
      %mul3A_171 = arith.muli %scan3A_169, %mul3A_170 : i32
      %add3A_172 = arith.constant 0 : i32
      %add3A_173 = arith.addi %add3A_172, %mul3A_171 : i32
      %mul3A_174 = arith.constant 16 : i32
      %mul3A_175 = arith.muli %add3A_173, %mul3A_174 : i32
      %get3A = arith.constant 0 : i32
      %get3A_176 = arith.index_cast %get3A : i32 to index
      %get3A_177 = arith.index_cast %mul3A_175 : i32 to index
      %get3A_178 = tpu.vector_load %arg7[%get3A_176, %get3A_177] {strides = array<i32>} : memref<16x5120xf32, #tpu.memory_space<vmem>>, vector<16xf32>,
      %mul3A_179 = arith.constant 16 : i32
      %mul3A_180 = arith.muli %add3A_173, %mul3A_179 : i32
      %get3A_181 = arith.constant 1 : i32
      %get3A_182 = arith.index_cast %get3A_181 : i32 to index
      %get3A_183 = arith.index_cast %mul3A_180 : i32 to index
      %get3A_184 = tpu.vector_load %arg7[%get3A_182, %get3A_183] {strides = array<i32>} : memref<16x5120xf32, #tpu.memory_space<vmem>>, vector<16xf32>,
      %mul3A_185 = arith.constant 16 : i32
      %mul3A_186 = arith.muli %add3A_173, %mul3A_185 : i32
      %get3A_187 = arith.constant 2 : i32
      %get3A_188 = arith.index_cast %get3A_187 : i32 to index
      %get3A_189 = arith.index_cast %mul3A_186 : i32 to index
      %get3A_190 = tpu.vector_load %arg7[%get3A_188, %get3A_189] {strides = array<i32>} : memref<16x5120xf32, #tpu.memory_space<vmem>>, vector<16xf32>,
      %mul3A_191 = arith.constant 16 : i32
      %mul3A_192 = arith.muli %add3A_173, %mul3A_191 : i32
      %get3A_193 = arith.constant 3 : i32
      %get3A_194 = arith.index_cast %get3A_193 : i32 to index
      %get3A_195 = arith.index_cast %mul3A_192 : i32 to index
      %get3A_196 = tpu.vector_load %arg7[%get3A_194, %get3A_195] {strides = array<i32>} : memref<16x5120xf32, #tpu.memory_space<vmem>>, vector<16xf32>,
      %mul3A_197 = arith.constant 16 : i32
      %mul3A_198 = arith.muli %add3A_173, %mul3A_197 : i32
      %get3A_199 = arith.constant 4 : i32
      %get3A_200 = arith.index_cast %get3A_199 : i32 to index
      %get3A_201 = arith.index_cast %mul3A_198 : i32 to index
      %get3A_202 = tpu.vector_load %arg7[%get3A_200, %get3A_201] {strides = array<i32>} : memref<16x5120xf32, #tpu.memory_space<vmem>>, vector<16xf32>,
      %mul3A_203 = arith.constant 16 : i32
      %mul3A_204 = arith.muli %add3A_173, %mul3A_203 : i32
      %get3A_205 = arith.constant 5 : i32
      %get3A_206 = arith.index_cast %get3A_205 : i32 to index
      %get3A_207 = arith.index_cast %mul3A_204 : i32 to index
      %get3A_208 = tpu.vector_load %arg7[%get3A_206, %get3A_207] {strides = array<i32>} : memref<16x5120xf32, #tpu.memory_space<vmem>>, vector<16xf32>,
      %mul3A_209 = arith.constant 16 : i32
      %mul3A_210 = arith.muli %add3A_173, %mul3A_209 : i32
      %get3A_211 = arith.constant 6 : i32
      %get3A_212 = arith.index_cast %get3A_211 : i32 to index
      %get3A_213 = arith.index_cast %mul3A_210 : i32 to index
      %get3A_214 = tpu.vector_load %arg7[%get3A_212, %get3A_213] {strides = array<i32>} : memref<16x5120xf32, #tpu.memory_space<vmem>>, vector<16xf32>,
      %mul3A_215 = arith.constant 16 : i32
      %mul3A_216 = arith.muli %add3A_173, %mul3A_215 : i32
      %get3A_217 = arith.constant 7 : i32
      %get3A_218 = arith.index_cast %get3A_217 : i32 to index
      %get3A_219 = arith.index_cast %mul3A_216 : i32 to index
      %get3A_220 = tpu.vector_load %arg7[%get3A_218, %get3A_219] {strides = array<i32>} : memref<16x5120xf32, #tpu.memory_space<vmem>>, vector<16xf32>,
      %mul3A_221 = arith.constant 16 : i32
      %mul3A_222 = arith.muli %add3A_173, %mul3A_221 : i32
      %get3A_223 = arith.constant 8 : i32
      %get3A_224 = arith.index_cast %get3A_223 : i32 to index
      %get3A_225 = arith.index_cast %mul3A_222 : i32 to index
      %get3A_226 = tpu.vector_load %arg7[%get3A_224, %get3A_225] {strides = array<i32>} : memref<16x5120xf32, #tpu.memory_space<vmem>>, vector<16xf32>,
      %mul3A_227 = arith.constant 16 : i32
      %mul3A_228 = arith.muli %add3A_173, %mul3A_227 : i32
      %get3A_229 = arith.constant 9 : i32
      %get3A_230 = arith.index_cast %get3A_229 : i32 to index
      %get3A_231 = arith.index_cast %mul3A_228 : i32 to index
      %get3A_232 = tpu.vector_load %arg7[%get3A_230, %get3A_231] {strides = array<i32>} : memref<16x5120xf32, #tpu.memory_space<vmem>>, vector<16xf32>,
      %mul3A_233 = arith.constant 16 : i32
      %mul3A_234 = arith.muli %add3A_173, %mul3A_233 : i32
      %get3A_235 = arith.constant 10 : i32
      %get3A_236 = arith.index_cast %get3A_235 : i32 to index
      %get3A_237 = arith.index_cast %mul3A_234 : i32 to index
      %get3A_238 = tpu.vector_load %arg7[%get3A_236, %get3A_237] {strides = array<i32>} : memref<16x5120xf32, #tpu.memory_space<vmem>>, vector<16xf32>,
      %mul3A_239 = arith.constant 16 : i32
      %mul3A_240 = arith.muli %add3A_173, %mul3A_239 : i32
      %get3A_241 = arith.constant 11 : i32
      %get3A_242 = arith.index_cast %get3A_241 : i32 to index
      %get3A_243 = arith.index_cast %mul3A_240 : i32 to index
      %get3A_244 = tpu.vector_load %arg7[%get3A_242, %get3A_243] {strides = array<i32>} : memref<16x5120xf32, #tpu.memory_space<vmem>>, vector<16xf32>,
      %mul3A_245 = arith.constant 16 : i32
      %mul3A_246 = arith.muli %add3A_173, %mul3A_245 : i32
      %get3A_247 = arith.constant 12 : i32
      %get3A_248 = arith.index_cast %get3A_247 : i32 to index
      %get3A_249 = arith.index_cast %mul3A_246 : i32 to index
      %get3A_250 = tpu.vector_load %arg7[%get3A_248, %get3A_249] {strides = array<i32>} : memref<16x5120xf32, #tpu.memory_space<vmem>>, vector<16xf32>,
      %mul3A_251 = arith.constant 16 : i32
      %mul3A_252 = arith.muli %add3A_173, %mul3A_251 : i32
      %get3A_253 = arith.constant 13 : i32
      %get3A_254 = arith.index_cast %get3A_253 : i32 to index
      %get3A_255 = arith.index_cast %mul3A_252 : i32 to index
      %get3A_256 = tpu.vector_load %arg7[%get3A_254, %get3A_255] {strides = array<i32>} : memref<16x5120xf32, #tpu.memory_space<vmem>>, vector<16xf32>,
      %mul3A_257 = arith.constant 16 : i32
      %mul3A_258 = arith.muli %add3A_173, %mul3A_257 : i32
      %get3A_259 = arith.constant 14 : i32
      %get3A_260 = arith.index_cast %get3A_259 : i32 to index
      %get3A_261 = arith.index_cast %mul3A_258 : i32 to index
      %get3A_262 = tpu.vector_load %arg7[%get3A_260, %get3A_261] {strides = array<i32>} : memref<16x5120xf32, #tpu.memory_space<vmem>>, vector<16xf32>,
      %mul3A_263 = arith.constant 16 : i32
      %mul3A_264 = arith.muli %add3A_173, %mul3A_263 : i32
      %get3A_265 = arith.constant 15 : i32
      %get3A_266 = arith.index_cast %get3A_265 : i32 to index
      %get3A_267 = arith.index_cast %mul3A_264 : i32 to index
      %get3A_268 = tpu.vector_load %arg7[%get3A_266, %get3A_267] {strides = array<i32>} : memref<16x5120xf32, #tpu.memory_space<vmem>>, vector<16xf32>,
      %add3A_269 = arith.addf %get3A_178, %get3A_184 : vector<16xf32>
      %add3A_270 = arith.addf %get3A_190, %get3A_196 : vector<16xf32>
      %add3A_271 = arith.addf %get3A_202, %get3A_208 : vector<16xf32>
      %add3A_272 = arith.addf %get3A_214, %get3A_220 : vector<16xf32>
      %add3A_273 = arith.addf %get3A_226, %get3A_232 : vector<16xf32>
      %add3A_274 = arith.addf %get3A_238, %get3A_244 : vector<16xf32>
      %add3A_275 = arith.addf %get3A_250, %get3A_256 : vector<16xf32>
      %add3A_276 = arith.addf %get3A_262, %get3A_268 : vector<16xf32>
      %add3A_277 = arith.addf %add3A_269, %add3A_270 : vector<16xf32>
      %add3A_278 = arith.addf %add3A_271, %add3A_272 : vector<16xf32>
      %add3A_279 = arith.addf %add3A_273, %add3A_274 : vector<16xf32>
      %add3A_280 = arith.addf %add3A_275, %add3A_276 : vector<16xf32>
      %add3A_281 = arith.addf %add3A_277, %add3A_278 : vector<16xf32>
      %add3A_282 = arith.addf %add3A_279, %add3A_280 : vector<16xf32>
      %add3A_283 = arith.addf %add3A_281, %add3A_282 : vector<16xf32>
      %mul3A_284 = arith.constant 16 : i32
      %mul3A_285 = arith.muli %add3A_173, %mul3A_284 : i32
      %add3A_286 = arith.constant 5120 : i32
      %add3A_287 = arith.addi %add3A_286, %mul3A_285 : i32
      %swap3A = arith.index_cast %add3A_287 : i32 to index
      %swap3A_288 = tpu.vector_load %arg8[%swap3A] {strides = array<i32>} : memref<10240xf32, #tpu.memory_space<vmem>>, vector<16xf32>,
      tpu.vector_store %arg8[%swap3A], %add3A_283 {strides = array<i32>} : memref<10240xf32, #tpu.memory_space<vmem>>, vector<16xf32>,
    }
    %scan3A_34 = arith.constant 320 : i32
    "tpu.region"() ({
      %run_scoped3A_169 = tpu.sem_alloc : memref<!tpu.dma_semaphore, #tpu.memory_space<semaphore_mem>>
      %dma_start3A = arith.constant 0 : i32
      %dma_start3A_170 = tpu.memref_slice %arg11[%arg1, %dma_start3A] : memref<16x10240xf32, #tpu.memory_space<vmem_shared>> -> memref<1x10240xf32, #tpu.memory_space<vmem_shared>>
      %dma_start3A_171 = tpu.memref_squeeze %dma_start3A_170 : memref<1x10240xf32, #tpu.memory_space<vmem_shared>> -> memref<10240xf32, #tpu.memory_space<vmem_shared>>
      %dma_start3A_172 = arith.constant 0 : i32
      %dma_start3A_173 = tpu.memref_slice %arg11[%arg1, %dma_start3A_172] : memref<16x10240xf32, #tpu.memory_space<vmem_shared>> -> memref<1x10240xf32, #tpu.memory_space<vmem_shared>>
      %dma_start3A_174 = tpu.memref_squeeze %dma_start3A_173 : memref<1x10240xf32, #tpu.memory_space<vmem_shared>> -> memref<10240xf32, #tpu.memory_space<vmem_shared>>
      tpu.enqueue_dma source(%arg8 : memref<10240xf32, #tpu.memory_space<vmem>>) target(%dma_start3A_174 : memref<10240xf32, #tpu.memory_space<vmem_shared>>) target_semaphore(%run_scoped3A_169 : memref<!tpu.dma_semaphore, #tpu.memory_space<semaphore_mem>>)
      %dma_wait3A = arith.constant 0 : i32
      %dma_wait3A_175 = tpu.memref_slice %arg11[%arg1, %dma_wait3A] : memref<16x10240xf32, #tpu.memory_space<vmem_shared>> -> memref<1x10240xf32, #tpu.memory_space<vmem_shared>>
      %dma_wait3A_176 = tpu.memref_squeeze %dma_wait3A_175 : memref<1x10240xf32, #tpu.memory_space<vmem_shared>> -> memref<10240xf32, #tpu.memory_space<vmem_shared>>
      %dma_wait3A_177 = arith.constant 0 : i32
      %dma_wait3A_178 = tpu.memref_slice %arg11[%arg1, %dma_wait3A_177] : memref<16x10240xf32, #tpu.memory_space<vmem_shared>> -> memref<1x10240xf32, #tpu.memory_space<vmem_shared>>
      %dma_wait3A_179 = tpu.memref_squeeze %dma_wait3A_178 : memref<1x10240xf32, #tpu.memory_space<vmem_shared>> -> memref<10240xf32, #tpu.memory_space<vmem_shared>>
      tpu.wait_dma2 semaphore(%run_scoped3A_169 : memref<!tpu.dma_semaphore, #tpu.memory_space<semaphore_mem>>) src(%arg8 : memref<10240xf32, #tpu.memory_space<vmem>>) dst(%dma_wait3A_179 : memref<10240xf32, #tpu.memory_space<vmem_shared>>)
      tpu.yield
    }) : () -> ()
    %barrier3A = arith.constant 0 : index
    tpu.barrier barrier_id(%barrier3A)
    %scan3A_35 = arith.constant 0 : i32
    %scan3A_36 = arith.constant 40 : i32
    %scan3A_37 = arith.addi %scan3A_35, %scan3A_36 : i32
    %scan3A_38 = arith.constant 1 : i32
    scf.for %scan3A_169 = %scan3A_35 to %scan3A_37 step %scan3A_38  : i32 {
      %mul3A_170 = arith.constant 1 : i32
      %mul3A_171 = arith.muli %scan3A_169, %mul3A_170 : i32
      %add3A_172 = arith.constant 0 : i32
      %add3A_173 = arith.addi %add3A_172, %mul3A_171 : i32
      %mul3A_174 = arith.constant 16 : i32
      %mul3A_175 = arith.muli %add3A_173, %mul3A_174 : i32
      %swap3A = arith.index_cast %mul3A_175 : i32 to index
      %swap3A_176 = tpu.vector_load %arg10[%swap3A] {strides = array<i32>} : memref<640xf32, #tpu.memory_space<vmem>>, vector<16xf32>,
      tpu.vector_store %arg10[%swap3A], %broadcast_in_dim3A_1 {strides = array<i32>} : memref<640xf32, #tpu.memory_space<vmem>>, vector<16xf32>,
    }
    %scan3A_39 = arith.constant 40 : i32
    %mul3A_40 = arith.constant 640 : i32
    %mul3A_41 = arith.muli %arg1, %mul3A_40 : i32
    %run_scoped3A = arith.constant 0 : i32
    "tpu.region"() ({
      %run_scoped3A_169 = tpu.sem_alloc : memref<!tpu.dma_semaphore, #tpu.memory_space<semaphore_mem>>
      %dma_start3A = tpu.memref_slice %arg11[%run_scoped3A, %mul3A_41] : memref<16x10240xf32, #tpu.memory_space<vmem_shared>> -> memref<1x640xf32, #tpu.memory_space<vmem_shared>>
      %dma_start3A_170 = tpu.memref_squeeze %dma_start3A : memref<1x640xf32, #tpu.memory_space<vmem_shared>> -> memref<640xf32, #tpu.memory_space<vmem_shared>>
      %dma_start3A_171 = tpu.memref_slice %arg11[%run_scoped3A, %mul3A_41] : memref<16x10240xf32, #tpu.memory_space<vmem_shared>> -> memref<1x640xf32, #tpu.memory_space<vmem_shared>>
      %dma_start3A_172 = tpu.memref_squeeze %dma_start3A_171 : memref<1x640xf32, #tpu.memory_space<vmem_shared>> -> memref<640xf32, #tpu.memory_space<vmem_shared>>
      tpu.enqueue_dma source(%dma_start3A_172 : memref<640xf32, #tpu.memory_space<vmem_shared>>) target(%arg9 : memref<640xf32, #tpu.memory_space<vmem>>) target_semaphore(%run_scoped3A_169 : memref<!tpu.dma_semaphore, #tpu.memory_space<semaphore_mem>>)
      %dma_wait3A = tpu.memref_slice %arg11[%run_scoped3A, %mul3A_41] : memref<16x10240xf32, #tpu.memory_space<vmem_shared>> -> memref<1x640xf32, #tpu.memory_space<vmem_shared>>
      %dma_wait3A_173 = tpu.memref_squeeze %dma_wait3A : memref<1x640xf32, #tpu.memory_space<vmem_shared>> -> memref<640xf32, #tpu.memory_space<vmem_shared>>
      %dma_wait3A_174 = tpu.memref_slice %arg11[%run_scoped3A, %mul3A_41] : memref<16x10240xf32, #tpu.memory_space<vmem_shared>> -> memref<1x640xf32, #tpu.memory_space<vmem_shared>>
      %dma_wait3A_175 = tpu.memref_squeeze %dma_wait3A_174 : memref<1x640xf32, #tpu.memory_space<vmem_shared>> -> memref<640xf32, #tpu.memory_space<vmem_shared>>
      tpu.wait_dma2 semaphore(%run_scoped3A_169 : memref<!tpu.dma_semaphore, #tpu.memory_space<semaphore_mem>>) src(%dma_wait3A_175 : memref<640xf32, #tpu.memory_space<vmem_shared>>) dst(%arg9 : memref<640xf32, #tpu.memory_space<vmem>>)
      tpu.yield
    }) : () -> ()
    %scan3A_42 = arith.constant 0 : i32
    %scan3A_43 = arith.constant 40 : i32
    %scan3A_44 = arith.addi %scan3A_42, %scan3A_43 : i32
    %scan3A_45 = arith.constant 1 : i32
    scf.for %scan3A_169 = %scan3A_42 to %scan3A_44 step %scan3A_45  : i32 {
      %mul3A_170 = arith.constant 1 : i32
      %mul3A_171 = arith.muli %scan3A_169, %mul3A_170 : i32
      %add3A_172 = arith.constant 0 : i32
      %add3A_173 = arith.addi %add3A_172, %mul3A_171 : i32
      %mul3A_174 = arith.constant 16 : i32
      %mul3A_175 = arith.muli %add3A_173, %mul3A_174 : i32
      %get3A = arith.index_cast %mul3A_175 : i32 to index
      %get3A_176 = tpu.vector_load %arg10[%get3A] {strides = array<i32>} : memref<640xf32, #tpu.memory_space<vmem>>, vector<16xf32>,
      %get3A_177 = arith.index_cast %mul3A_175 : i32 to index
      %get3A_178 = tpu.vector_load %arg9[%get3A_177] {strides = array<i32>} : memref<640xf32, #tpu.memory_space<vmem>>, vector<16xf32>,
      %add3A_179 = arith.addf %get3A_176, %get3A_178 : vector<16xf32>
      %swap3A = arith.index_cast %mul3A_175 : i32 to index
      %swap3A_180 = tpu.vector_load %arg10[%swap3A] {strides = array<i32>} : memref<640xf32, #tpu.memory_space<vmem>>, vector<16xf32>,
      tpu.vector_store %arg10[%swap3A], %add3A_179 {strides = array<i32>} : memref<640xf32, #tpu.memory_space<vmem>>, vector<16xf32>,
    }
    %scan3A_46 = arith.constant 40 : i32
    %mul3A_47 = arith.constant 640 : i32
    %mul3A_48 = arith.muli %arg1, %mul3A_47 : i32
    %run_scoped3A_49 = arith.constant 1 : i32
    "tpu.region"() ({
      %run_scoped3A_169 = tpu.sem_alloc : memref<!tpu.dma_semaphore, #tpu.memory_space<semaphore_mem>>
      %dma_start3A = tpu.memref_slice %arg11[%run_scoped3A_49, %mul3A_48] : memref<16x10240xf32, #tpu.memory_space<vmem_shared>> -> memref<1x640xf32, #tpu.memory_space<vmem_shared>>
      %dma_start3A_170 = tpu.memref_squeeze %dma_start3A : memref<1x640xf32, #tpu.memory_space<vmem_shared>> -> memref<640xf32, #tpu.memory_space<vmem_shared>>
      %dma_start3A_171 = tpu.memref_slice %arg11[%run_scoped3A_49, %mul3A_48] : memref<16x10240xf32, #tpu.memory_space<vmem_shared>> -> memref<1x640xf32, #tpu.memory_space<vmem_shared>>
      %dma_start3A_172 = tpu.memref_squeeze %dma_start3A_171 : memref<1x640xf32, #tpu.memory_space<vmem_shared>> -> memref<640xf32, #tpu.memory_space<vmem_shared>>
      tpu.enqueue_dma source(%dma_start3A_172 : memref<640xf32, #tpu.memory_space<vmem_shared>>) target(%arg9 : memref<640xf32, #tpu.memory_space<vmem>>) target_semaphore(%run_scoped3A_169 : memref<!tpu.dma_semaphore, #tpu.memory_space<semaphore_mem>>)
      %dma_wait3A = tpu.memref_slice %arg11[%run_scoped3A_49, %mul3A_48] : memref<16x10240xf32, #tpu.memory_space<vmem_shared>> -> memref<1x640xf32, #tpu.memory_space<vmem_shared>>
      %dma_wait3A_173 = tpu.memref_squeeze %dma_wait3A : memref<1x640xf32, #tpu.memory_space<vmem_shared>> -> memref<640xf32, #tpu.memory_space<vmem_shared>>
      %dma_wait3A_174 = tpu.memref_slice %arg11[%run_scoped3A_49, %mul3A_48] : memref<16x10240xf32, #tpu.memory_space<vmem_shared>> -> memref<1x640xf32, #tpu.memory_space<vmem_shared>>
      %dma_wait3A_175 = tpu.memref_squeeze %dma_wait3A_174 : memref<1x640xf32, #tpu.memory_space<vmem_shared>> -> memref<640xf32, #tpu.memory_space<vmem_shared>>
      tpu.wait_dma2 semaphore(%run_scoped3A_169 : memref<!tpu.dma_semaphore, #tpu.memory_space<semaphore_mem>>) src(%dma_wait3A_175 : memref<640xf32, #tpu.memory_space<vmem_shared>>) dst(%arg9 : memref<640xf32, #tpu.memory_space<vmem>>)
      tpu.yield
    }) : () -> ()
    %scan3A_50 = arith.constant 0 : i32
    %scan3A_51 = arith.constant 40 : i32
    %scan3A_52 = arith.addi %scan3A_50, %scan3A_51 : i32
    %scan3A_53 = arith.constant 1 : i32
    scf.for %scan3A_169 = %scan3A_50 to %scan3A_52 step %scan3A_53  : i32 {
      %mul3A_170 = arith.constant 1 : i32
      %mul3A_171 = arith.muli %scan3A_169, %mul3A_170 : i32
      %add3A_172 = arith.constant 0 : i32
      %add3A_173 = arith.addi %add3A_172, %mul3A_171 : i32
      %mul3A_174 = arith.constant 16 : i32
      %mul3A_175 = arith.muli %add3A_173, %mul3A_174 : i32
      %get3A = arith.index_cast %mul3A_175 : i32 to index
      %get3A_176 = tpu.vector_load %arg10[%get3A] {strides = array<i32>} : memref<640xf32, #tpu.memory_space<vmem>>, vector<16xf32>,
      %get3A_177 = arith.index_cast %mul3A_175 : i32 to index
      %get3A_178 = tpu.vector_load %arg9[%get3A_177] {strides = array<i32>} : memref<640xf32, #tpu.memory_space<vmem>>, vector<16xf32>,
      %add3A_179 = arith.addf %get3A_176, %get3A_178 : vector<16xf32>
      %swap3A = arith.index_cast %mul3A_175 : i32 to index
      %swap3A_180 = tpu.vector_load %arg10[%swap3A] {strides = array<i32>} : memref<640xf32, #tpu.memory_space<vmem>>, vector<16xf32>,
      tpu.vector_store %arg10[%swap3A], %add3A_179 {strides = array<i32>} : memref<640xf32, #tpu.memory_space<vmem>>, vector<16xf32>,
    }
    %scan3A_54 = arith.constant 40 : i32
    %mul3A_55 = arith.constant 640 : i32
    %mul3A_56 = arith.muli %arg1, %mul3A_55 : i32
    %run_scoped3A_57 = arith.constant 2 : i32
    "tpu.region"() ({
      %run_scoped3A_169 = tpu.sem_alloc : memref<!tpu.dma_semaphore, #tpu.memory_space<semaphore_mem>>
      %dma_start3A = tpu.memref_slice %arg11[%run_scoped3A_57, %mul3A_56] : memref<16x10240xf32, #tpu.memory_space<vmem_shared>> -> memref<1x640xf32, #tpu.memory_space<vmem_shared>>
      %dma_start3A_170 = tpu.memref_squeeze %dma_start3A : memref<1x640xf32, #tpu.memory_space<vmem_shared>> -> memref<640xf32, #tpu.memory_space<vmem_shared>>
      %dma_start3A_171 = tpu.memref_slice %arg11[%run_scoped3A_57, %mul3A_56] : memref<16x10240xf32, #tpu.memory_space<vmem_shared>> -> memref<1x640xf32, #tpu.memory_space<vmem_shared>>
      %dma_start3A_172 = tpu.memref_squeeze %dma_start3A_171 : memref<1x640xf32, #tpu.memory_space<vmem_shared>> -> memref<640xf32, #tpu.memory_space<vmem_shared>>
      tpu.enqueue_dma source(%dma_start3A_172 : memref<640xf32, #tpu.memory_space<vmem_shared>>) target(%arg9 : memref<640xf32, #tpu.memory_space<vmem>>) target_semaphore(%run_scoped3A_169 : memref<!tpu.dma_semaphore, #tpu.memory_space<semaphore_mem>>)
      %dma_wait3A = tpu.memref_slice %arg11[%run_scoped3A_57, %mul3A_56] : memref<16x10240xf32, #tpu.memory_space<vmem_shared>> -> memref<1x640xf32, #tpu.memory_space<vmem_shared>>
      %dma_wait3A_173 = tpu.memref_squeeze %dma_wait3A : memref<1x640xf32, #tpu.memory_space<vmem_shared>> -> memref<640xf32, #tpu.memory_space<vmem_shared>>
      %dma_wait3A_174 = tpu.memref_slice %arg11[%run_scoped3A_57, %mul3A_56] : memref<16x10240xf32, #tpu.memory_space<vmem_shared>> -> memref<1x640xf32, #tpu.memory_space<vmem_shared>>
      %dma_wait3A_175 = tpu.memref_squeeze %dma_wait3A_174 : memref<1x640xf32, #tpu.memory_space<vmem_shared>> -> memref<640xf32, #tpu.memory_space<vmem_shared>>
      tpu.wait_dma2 semaphore(%run_scoped3A_169 : memref<!tpu.dma_semaphore, #tpu.memory_space<semaphore_mem>>) src(%dma_wait3A_175 : memref<640xf32, #tpu.memory_space<vmem_shared>>) dst(%arg9 : memref<640xf32, #tpu.memory_space<vmem>>)
      tpu.yield
    }) : () -> ()
    %scan3A_58 = arith.constant 0 : i32
    %scan3A_59 = arith.constant 40 : i32
    %scan3A_60 = arith.addi %scan3A_58, %scan3A_59 : i32
    %scan3A_61 = arith.constant 1 : i32
    scf.for %scan3A_169 = %scan3A_58 to %scan3A_60 step %scan3A_61  : i32 {
      %mul3A_170 = arith.constant 1 : i32
      %mul3A_171 = arith.muli %scan3A_169, %mul3A_170 : i32
      %add3A_172 = arith.constant 0 : i32
      %add3A_173 = arith.addi %add3A_172, %mul3A_171 : i32
      %mul3A_174 = arith.constant 16 : i32
      %mul3A_175 = arith.muli %add3A_173, %mul3A_174 : i32
      %get3A = arith.index_cast %mul3A_175 : i32 to index
      %get3A_176 = tpu.vector_load %arg10[%get3A] {strides = array<i32>} : memref<640xf32, #tpu.memory_space<vmem>>, vector<16xf32>,
      %get3A_177 = arith.index_cast %mul3A_175 : i32 to index
      %get3A_178 = tpu.vector_load %arg9[%get3A_177] {strides = array<i32>} : memref<640xf32, #tpu.memory_space<vmem>>, vector<16xf32>,
      %add3A_179 = arith.addf %get3A_176, %get3A_178 : vector<16xf32>
      %swap3A = arith.index_cast %mul3A_175 : i32 to index
      %swap3A_180 = tpu.vector_load %arg10[%swap3A] {strides = array<i32>} : memref<640xf32, #tpu.memory_space<vmem>>, vector<16xf32>,
      tpu.vector_store %arg10[%swap3A], %add3A_179 {strides = array<i32>} : memref<640xf32, #tpu.memory_space<vmem>>, vector<16xf32>,
    }
    %scan3A_62 = arith.constant 40 : i32
    %mul3A_63 = arith.constant 640 : i32
    %mul3A_64 = arith.muli %arg1, %mul3A_63 : i32
    %run_scoped3A_65 = arith.constant 3 : i32
    "tpu.region"() ({
      %run_scoped3A_169 = tpu.sem_alloc : memref<!tpu.dma_semaphore, #tpu.memory_space<semaphore_mem>>
      %dma_start3A = tpu.memref_slice %arg11[%run_scoped3A_65, %mul3A_64] : memref<16x10240xf32, #tpu.memory_space<vmem_shared>> -> memref<1x640xf32, #tpu.memory_space<vmem_shared>>
      %dma_start3A_170 = tpu.memref_squeeze %dma_start3A : memref<1x640xf32, #tpu.memory_space<vmem_shared>> -> memref<640xf32, #tpu.memory_space<vmem_shared>>
      %dma_start3A_171 = tpu.memref_slice %arg11[%run_scoped3A_65, %mul3A_64] : memref<16x10240xf32, #tpu.memory_space<vmem_shared>> -> memref<1x640xf32, #tpu.memory_space<vmem_shared>>
      %dma_start3A_172 = tpu.memref_squeeze %dma_start3A_171 : memref<1x640xf32, #tpu.memory_space<vmem_shared>> -> memref<640xf32, #tpu.memory_space<vmem_shared>>
      tpu.enqueue_dma source(%dma_start3A_172 : memref<640xf32, #tpu.memory_space<vmem_shared>>) target(%arg9 : memref<640xf32, #tpu.memory_space<vmem>>) target_semaphore(%run_scoped3A_169 : memref<!tpu.dma_semaphore, #tpu.memory_space<semaphore_mem>>)
      %dma_wait3A = tpu.memref_slice %arg11[%run_scoped3A_65, %mul3A_64] : memref<16x10240xf32, #tpu.memory_space<vmem_shared>> -> memref<1x640xf32, #tpu.memory_space<vmem_shared>>
      %dma_wait3A_173 = tpu.memref_squeeze %dma_wait3A : memref<1x640xf32, #tpu.memory_space<vmem_shared>> -> memref<640xf32, #tpu.memory_space<vmem_shared>>
      %dma_wait3A_174 = tpu.memref_slice %arg11[%run_scoped3A_65, %mul3A_64] : memref<16x10240xf32, #tpu.memory_space<vmem_shared>> -> memref<1x640xf32, #tpu.memory_space<vmem_shared>>
      %dma_wait3A_175 = tpu.memref_squeeze %dma_wait3A_174 : memref<1x640xf32, #tpu.memory_space<vmem_shared>> -> memref<640xf32, #tpu.memory_space<vmem_shared>>
      tpu.wait_dma2 semaphore(%run_scoped3A_169 : memref<!tpu.dma_semaphore, #tpu.memory_space<semaphore_mem>>) src(%dma_wait3A_175 : memref<640xf32, #tpu.memory_space<vmem_shared>>) dst(%arg9 : memref<640xf32, #tpu.memory_space<vmem>>)
      tpu.yield
    }) : () -> ()
    %scan3A_66 = arith.constant 0 : i32
    %scan3A_67 = arith.constant 40 : i32
    %scan3A_68 = arith.addi %scan3A_66, %scan3A_67 : i32
    %scan3A_69 = arith.constant 1 : i32
    scf.for %scan3A_169 = %scan3A_66 to %scan3A_68 step %scan3A_69  : i32 {
      %mul3A_170 = arith.constant 1 : i32
      %mul3A_171 = arith.muli %scan3A_169, %mul3A_170 : i32
      %add3A_172 = arith.constant 0 : i32
      %add3A_173 = arith.addi %add3A_172, %mul3A_171 : i32
      %mul3A_174 = arith.constant 16 : i32
      %mul3A_175 = arith.muli %add3A_173, %mul3A_174 : i32
      %get3A = arith.index_cast %mul3A_175 : i32 to index
      %get3A_176 = tpu.vector_load %arg10[%get3A] {strides = array<i32>} : memref<640xf32, #tpu.memory_space<vmem>>, vector<16xf32>,
      %get3A_177 = arith.index_cast %mul3A_175 : i32 to index
      %get3A_178 = tpu.vector_load %arg9[%get3A_177] {strides = array<i32>} : memref<640xf32, #tpu.memory_space<vmem>>, vector<16xf32>,
      %add3A_179 = arith.addf %get3A_176, %get3A_178 : vector<16xf32>
      %swap3A = arith.index_cast %mul3A_175 : i32 to index
      %swap3A_180 = tpu.vector_load %arg10[%swap3A] {strides = array<i32>} : memref<640xf32, #tpu.memory_space<vmem>>, vector<16xf32>,
      tpu.vector_store %arg10[%swap3A], %add3A_179 {strides = array<i32>} : memref<640xf32, #tpu.memory_space<vmem>>, vector<16xf32>,
    }
    %scan3A_70 = arith.constant 40 : i32
    %mul3A_71 = arith.constant 640 : i32
    %mul3A_72 = arith.muli %arg1, %mul3A_71 : i32
    %run_scoped3A_73 = arith.constant 4 : i32
    "tpu.region"() ({
      %run_scoped3A_169 = tpu.sem_alloc : memref<!tpu.dma_semaphore, #tpu.memory_space<semaphore_mem>>
      %dma_start3A = tpu.memref_slice %arg11[%run_scoped3A_73, %mul3A_72] : memref<16x10240xf32, #tpu.memory_space<vmem_shared>> -> memref<1x640xf32, #tpu.memory_space<vmem_shared>>
      %dma_start3A_170 = tpu.memref_squeeze %dma_start3A : memref<1x640xf32, #tpu.memory_space<vmem_shared>> -> memref<640xf32, #tpu.memory_space<vmem_shared>>
      %dma_start3A_171 = tpu.memref_slice %arg11[%run_scoped3A_73, %mul3A_72] : memref<16x10240xf32, #tpu.memory_space<vmem_shared>> -> memref<1x640xf32, #tpu.memory_space<vmem_shared>>
      %dma_start3A_172 = tpu.memref_squeeze %dma_start3A_171 : memref<1x640xf32, #tpu.memory_space<vmem_shared>> -> memref<640xf32, #tpu.memory_space<vmem_shared>>
      tpu.enqueue_dma source(%dma_start3A_172 : memref<640xf32, #tpu.memory_space<vmem_shared>>) target(%arg9 : memref<640xf32, #tpu.memory_space<vmem>>) target_semaphore(%run_scoped3A_169 : memref<!tpu.dma_semaphore, #tpu.memory_space<semaphore_mem>>)
      %dma_wait3A = tpu.memref_slice %arg11[%run_scoped3A_73, %mul3A_72] : memref<16x10240xf32, #tpu.memory_space<vmem_shared>> -> memref<1x640xf32, #tpu.memory_space<vmem_shared>>
      %dma_wait3A_173 = tpu.memref_squeeze %dma_wait3A : memref<1x640xf32, #tpu.memory_space<vmem_shared>> -> memref<640xf32, #tpu.memory_space<vmem_shared>>
      %dma_wait3A_174 = tpu.memref_slice %arg11[%run_scoped3A_73, %mul3A_72] : memref<16x10240xf32, #tpu.memory_space<vmem_shared>> -> memref<1x640xf32, #tpu.memory_space<vmem_shared>>
      %dma_wait3A_175 = tpu.memref_squeeze %dma_wait3A_174 : memref<1x640xf32, #tpu.memory_space<vmem_shared>> -> memref<640xf32, #tpu.memory_space<vmem_shared>>
      tpu.wait_dma2 semaphore(%run_scoped3A_169 : memref<!tpu.dma_semaphore, #tpu.memory_space<semaphore_mem>>) src(%dma_wait3A_175 : memref<640xf32, #tpu.memory_space<vmem_shared>>) dst(%arg9 : memref<640xf32, #tpu.memory_space<vmem>>)
      tpu.yield
    }) : () -> ()
    %scan3A_74 = arith.constant 0 : i32
    %scan3A_75 = arith.constant 40 : i32
    %scan3A_76 = arith.addi %scan3A_74, %scan3A_75 : i32
    %scan3A_77 = arith.constant 1 : i32
    scf.for %scan3A_169 = %scan3A_74 to %scan3A_76 step %scan3A_77  : i32 {
      %mul3A_170 = arith.constant 1 : i32
      %mul3A_171 = arith.muli %scan3A_169, %mul3A_170 : i32
      %add3A_172 = arith.constant 0 : i32
      %add3A_173 = arith.addi %add3A_172, %mul3A_171 : i32
      %mul3A_174 = arith.constant 16 : i32
      %mul3A_175 = arith.muli %add3A_173, %mul3A_174 : i32
      %get3A = arith.index_cast %mul3A_175 : i32 to index
      %get3A_176 = tpu.vector_load %arg10[%get3A] {strides = array<i32>} : memref<640xf32, #tpu.memory_space<vmem>>, vector<16xf32>,
      %get3A_177 = arith.index_cast %mul3A_175 : i32 to index
      %get3A_178 = tpu.vector_load %arg9[%get3A_177] {strides = array<i32>} : memref<640xf32, #tpu.memory_space<vmem>>, vector<16xf32>,
      %add3A_179 = arith.addf %get3A_176, %get3A_178 : vector<16xf32>
      %swap3A = arith.index_cast %mul3A_175 : i32 to index
      %swap3A_180 = tpu.vector_load %arg10[%swap3A] {strides = array<i32>} : memref<640xf32, #tpu.memory_space<vmem>>, vector<16xf32>,
      tpu.vector_store %arg10[%swap3A], %add3A_179 {strides = array<i32>} : memref<640xf32, #tpu.memory_space<vmem>>, vector<16xf32>,
    }
    %scan3A_78 = arith.constant 40 : i32
    %mul3A_79 = arith.constant 640 : i32
    %mul3A_80 = arith.muli %arg1, %mul3A_79 : i32
    %run_scoped3A_81 = arith.constant 5 : i32
    "tpu.region"() ({
      %run_scoped3A_169 = tpu.sem_alloc : memref<!tpu.dma_semaphore, #tpu.memory_space<semaphore_mem>>
      %dma_start3A = tpu.memref_slice %arg11[%run_scoped3A_81, %mul3A_80] : memref<16x10240xf32, #tpu.memory_space<vmem_shared>> -> memref<1x640xf32, #tpu.memory_space<vmem_shared>>
      %dma_start3A_170 = tpu.memref_squeeze %dma_start3A : memref<1x640xf32, #tpu.memory_space<vmem_shared>> -> memref<640xf32, #tpu.memory_space<vmem_shared>>
      %dma_start3A_171 = tpu.memref_slice %arg11[%run_scoped3A_81, %mul3A_80] : memref<16x10240xf32, #tpu.memory_space<vmem_shared>> -> memref<1x640xf32, #tpu.memory_space<vmem_shared>>
      %dma_start3A_172 = tpu.memref_squeeze %dma_start3A_171 : memref<1x640xf32, #tpu.memory_space<vmem_shared>> -> memref<640xf32, #tpu.memory_space<vmem_shared>>
      tpu.enqueue_dma source(%dma_start3A_172 : memref<640xf32, #tpu.memory_space<vmem_shared>>) target(%arg9 : memref<640xf32, #tpu.memory_space<vmem>>) target_semaphore(%run_scoped3A_169 : memref<!tpu.dma_semaphore, #tpu.memory_space<semaphore_mem>>)
      %dma_wait3A = tpu.memref_slice %arg11[%run_scoped3A_81, %mul3A_80] : memref<16x10240xf32, #tpu.memory_space<vmem_shared>> -> memref<1x640xf32, #tpu.memory_space<vmem_shared>>
      %dma_wait3A_173 = tpu.memref_squeeze %dma_wait3A : memref<1x640xf32, #tpu.memory_space<vmem_shared>> -> memref<640xf32, #tpu.memory_space<vmem_shared>>
      %dma_wait3A_174 = tpu.memref_slice %arg11[%run_scoped3A_81, %mul3A_80] : memref<16x10240xf32, #tpu.memory_space<vmem_shared>> -> memref<1x640xf32, #tpu.memory_space<vmem_shared>>
      %dma_wait3A_175 = tpu.memref_squeeze %dma_wait3A_174 : memref<1x640xf32, #tpu.memory_space<vmem_shared>> -> memref<640xf32, #tpu.memory_space<vmem_shared>>
      tpu.wait_dma2 semaphore(%run_scoped3A_169 : memref<!tpu.dma_semaphore, #tpu.memory_space<semaphore_mem>>) src(%dma_wait3A_175 : memref<640xf32, #tpu.memory_space<vmem_shared>>) dst(%arg9 : memref<640xf32, #tpu.memory_space<vmem>>)
      tpu.yield
    }) : () -> ()
    %scan3A_82 = arith.constant 0 : i32
    %scan3A_83 = arith.constant 40 : i32
    %scan3A_84 = arith.addi %scan3A_82, %scan3A_83 : i32
    %scan3A_85 = arith.constant 1 : i32
    scf.for %scan3A_169 = %scan3A_82 to %scan3A_84 step %scan3A_85  : i32 {
      %mul3A_170 = arith.constant 1 : i32
      %mul3A_171 = arith.muli %scan3A_169, %mul3A_170 : i32
      %add3A_172 = arith.constant 0 : i32
      %add3A_173 = arith.addi %add3A_172, %mul3A_171 : i32
      %mul3A_174 = arith.constant 16 : i32
      %mul3A_175 = arith.muli %add3A_173, %mul3A_174 : i32
      %get3A = arith.index_cast %mul3A_175 : i32 to index
      %get3A_176 = tpu.vector_load %arg10[%get3A] {strides = array<i32>} : memref<640xf32, #tpu.memory_space<vmem>>, vector<16xf32>,
      %get3A_177 = arith.index_cast %mul3A_175 : i32 to index
      %get3A_178 = tpu.vector_load %arg9[%get3A_177] {strides = array<i32>} : memref<640xf32, #tpu.memory_space<vmem>>, vector<16xf32>,
      %add3A_179 = arith.addf %get3A_176, %get3A_178 : vector<16xf32>
      %swap3A = arith.index_cast %mul3A_175 : i32 to index
      %swap3A_180 = tpu.vector_load %arg10[%swap3A] {strides = array<i32>} : memref<640xf32, #tpu.memory_space<vmem>>, vector<16xf32>,
      tpu.vector_store %arg10[%swap3A], %add3A_179 {strides = array<i32>} : memref<640xf32, #tpu.memory_space<vmem>>, vector<16xf32>,
    }
    %scan3A_86 = arith.constant 40 : i32
    %mul3A_87 = arith.constant 640 : i32
    %mul3A_88 = arith.muli %arg1, %mul3A_87 : i32
    %run_scoped3A_89 = arith.constant 6 : i32
    "tpu.region"() ({
      %run_scoped3A_169 = tpu.sem_alloc : memref<!tpu.dma_semaphore, #tpu.memory_space<semaphore_mem>>
      %dma_start3A = tpu.memref_slice %arg11[%run_scoped3A_89, %mul3A_88] : memref<16x10240xf32, #tpu.memory_space<vmem_shared>> -> memref<1x640xf32, #tpu.memory_space<vmem_shared>>
      %dma_start3A_170 = tpu.memref_squeeze %dma_start3A : memref<1x640xf32, #tpu.memory_space<vmem_shared>> -> memref<640xf32, #tpu.memory_space<vmem_shared>>
      %dma_start3A_171 = tpu.memref_slice %arg11[%run_scoped3A_89, %mul3A_88] : memref<16x10240xf32, #tpu.memory_space<vmem_shared>> -> memref<1x640xf32, #tpu.memory_space<vmem_shared>>
      %dma_start3A_172 = tpu.memref_squeeze %dma_start3A_171 : memref<1x640xf32, #tpu.memory_space<vmem_shared>> -> memref<640xf32, #tpu.memory_space<vmem_shared>>
      tpu.enqueue_dma source(%dma_start3A_172 : memref<640xf32, #tpu.memory_space<vmem_shared>>) target(%arg9 : memref<640xf32, #tpu.memory_space<vmem>>) target_semaphore(%run_scoped3A_169 : memref<!tpu.dma_semaphore, #tpu.memory_space<semaphore_mem>>)
      %dma_wait3A = tpu.memref_slice %arg11[%run_scoped3A_89, %mul3A_88] : memref<16x10240xf32, #tpu.memory_space<vmem_shared>> -> memref<1x640xf32, #tpu.memory_space<vmem_shared>>
      %dma_wait3A_173 = tpu.memref_squeeze %dma_wait3A : memref<1x640xf32, #tpu.memory_space<vmem_shared>> -> memref<640xf32, #tpu.memory_space<vmem_shared>>
      %dma_wait3A_174 = tpu.memref_slice %arg11[%run_scoped3A_89, %mul3A_88] : memref<16x10240xf32, #tpu.memory_space<vmem_shared>> -> memref<1x640xf32, #tpu.memory_space<vmem_shared>>
      %dma_wait3A_175 = tpu.memref_squeeze %dma_wait3A_174 : memref<1x640xf32, #tpu.memory_space<vmem_shared>> -> memref<640xf32, #tpu.memory_space<vmem_shared>>
      tpu.wait_dma2 semaphore(%run_scoped3A_169 : memref<!tpu.dma_semaphore, #tpu.memory_space<semaphore_mem>>) src(%dma_wait3A_175 : memref<640xf32, #tpu.memory_space<vmem_shared>>) dst(%arg9 : memref<640xf32, #tpu.memory_space<vmem>>)
      tpu.yield
    }) : () -> ()
    %scan3A_90 = arith.constant 0 : i32
    %scan3A_91 = arith.constant 40 : i32
    %scan3A_92 = arith.addi %scan3A_90, %scan3A_91 : i32
    %scan3A_93 = arith.constant 1 : i32
    scf.for %scan3A_169 = %scan3A_90 to %scan3A_92 step %scan3A_93  : i32 {
      %mul3A_170 = arith.constant 1 : i32
      %mul3A_171 = arith.muli %scan3A_169, %mul3A_170 : i32
      %add3A_172 = arith.constant 0 : i32
      %add3A_173 = arith.addi %add3A_172, %mul3A_171 : i32
      %mul3A_174 = arith.constant 16 : i32
      %mul3A_175 = arith.muli %add3A_173, %mul3A_174 : i32
      %get3A = arith.index_cast %mul3A_175 : i32 to index
      %get3A_176 = tpu.vector_load %arg10[%get3A] {strides = array<i32>} : memref<640xf32, #tpu.memory_space<vmem>>, vector<16xf32>,
      %get3A_177 = arith.index_cast %mul3A_175 : i32 to index
      %get3A_178 = tpu.vector_load %arg9[%get3A_177] {strides = array<i32>} : memref<640xf32, #tpu.memory_space<vmem>>, vector<16xf32>,
      %add3A_179 = arith.addf %get3A_176, %get3A_178 : vector<16xf32>
      %swap3A = arith.index_cast %mul3A_175 : i32 to index
      %swap3A_180 = tpu.vector_load %arg10[%swap3A] {strides = array<i32>} : memref<640xf32, #tpu.memory_space<vmem>>, vector<16xf32>,
      tpu.vector_store %arg10[%swap3A], %add3A_179 {strides = array<i32>} : memref<640xf32, #tpu.memory_space<vmem>>, vector<16xf32>,
    }
    %scan3A_94 = arith.constant 40 : i32
    %mul3A_95 = arith.constant 640 : i32
    %mul3A_96 = arith.muli %arg1, %mul3A_95 : i32
    %run_scoped3A_97 = arith.constant 7 : i32
    "tpu.region"() ({
      %run_scoped3A_169 = tpu.sem_alloc : memref<!tpu.dma_semaphore, #tpu.memory_space<semaphore_mem>>
      %dma_start3A = tpu.memref_slice %arg11[%run_scoped3A_97, %mul3A_96] : memref<16x10240xf32, #tpu.memory_space<vmem_shared>> -> memref<1x640xf32, #tpu.memory_space<vmem_shared>>
      %dma_start3A_170 = tpu.memref_squeeze %dma_start3A : memref<1x640xf32, #tpu.memory_space<vmem_shared>> -> memref<640xf32, #tpu.memory_space<vmem_shared>>
      %dma_start3A_171 = tpu.memref_slice %arg11[%run_scoped3A_97, %mul3A_96] : memref<16x10240xf32, #tpu.memory_space<vmem_shared>> -> memref<1x640xf32, #tpu.memory_space<vmem_shared>>
      %dma_start3A_172 = tpu.memref_squeeze %dma_start3A_171 : memref<1x640xf32, #tpu.memory_space<vmem_shared>> -> memref<640xf32, #tpu.memory_space<vmem_shared>>
      tpu.enqueue_dma source(%dma_start3A_172 : memref<640xf32, #tpu.memory_space<vmem_shared>>) target(%arg9 : memref<640xf32, #tpu.memory_space<vmem>>) target_semaphore(%run_scoped3A_169 : memref<!tpu.dma_semaphore, #tpu.memory_space<semaphore_mem>>)
      %dma_wait3A = tpu.memref_slice %arg11[%run_scoped3A_97, %mul3A_96] : memref<16x10240xf32, #tpu.memory_space<vmem_shared>> -> memref<1x640xf32, #tpu.memory_space<vmem_shared>>
      %dma_wait3A_173 = tpu.memref_squeeze %dma_wait3A : memref<1x640xf32, #tpu.memory_space<vmem_shared>> -> memref<640xf32, #tpu.memory_space<vmem_shared>>
      %dma_wait3A_174 = tpu.memref_slice %arg11[%run_scoped3A_97, %mul3A_96] : memref<16x10240xf32, #tpu.memory_space<vmem_shared>> -> memref<1x640xf32, #tpu.memory_space<vmem_shared>>
      %dma_wait3A_175 = tpu.memref_squeeze %dma_wait3A_174 : memref<1x640xf32, #tpu.memory_space<vmem_shared>> -> memref<640xf32, #tpu.memory_space<vmem_shared>>
      tpu.wait_dma2 semaphore(%run_scoped3A_169 : memref<!tpu.dma_semaphore, #tpu.memory_space<semaphore_mem>>) src(%dma_wait3A_175 : memref<640xf32, #tpu.memory_space<vmem_shared>>) dst(%arg9 : memref<640xf32, #tpu.memory_space<vmem>>)
      tpu.yield
    }) : () -> ()
    %scan3A_98 = arith.constant 0 : i32
    %scan3A_99 = arith.constant 40 : i32
    %scan3A_100 = arith.addi %scan3A_98, %scan3A_99 : i32
    %scan3A_101 = arith.constant 1 : i32
    scf.for %scan3A_169 = %scan3A_98 to %scan3A_100 step %scan3A_101  : i32 {
      %mul3A_170 = arith.constant 1 : i32
      %mul3A_171 = arith.muli %scan3A_169, %mul3A_170 : i32
      %add3A_172 = arith.constant 0 : i32
      %add3A_173 = arith.addi %add3A_172, %mul3A_171 : i32
      %mul3A_174 = arith.constant 16 : i32
      %mul3A_175 = arith.muli %add3A_173, %mul3A_174 : i32
      %get3A = arith.index_cast %mul3A_175 : i32 to index
      %get3A_176 = tpu.vector_load %arg10[%get3A] {strides = array<i32>} : memref<640xf32, #tpu.memory_space<vmem>>, vector<16xf32>,
      %get3A_177 = arith.index_cast %mul3A_175 : i32 to index
      %get3A_178 = tpu.vector_load %arg9[%get3A_177] {strides = array<i32>} : memref<640xf32, #tpu.memory_space<vmem>>, vector<16xf32>,
      %add3A_179 = arith.addf %get3A_176, %get3A_178 : vector<16xf32>
      %swap3A = arith.index_cast %mul3A_175 : i32 to index
      %swap3A_180 = tpu.vector_load %arg10[%swap3A] {strides = array<i32>} : memref<640xf32, #tpu.memory_space<vmem>>, vector<16xf32>,
      tpu.vector_store %arg10[%swap3A], %add3A_179 {strides = array<i32>} : memref<640xf32, #tpu.memory_space<vmem>>, vector<16xf32>,
    }
    %scan3A_102 = arith.constant 40 : i32
    %mul3A_103 = arith.constant 640 : i32
    %mul3A_104 = arith.muli %arg1, %mul3A_103 : i32
    %run_scoped3A_105 = arith.constant 8 : i32
    "tpu.region"() ({
      %run_scoped3A_169 = tpu.sem_alloc : memref<!tpu.dma_semaphore, #tpu.memory_space<semaphore_mem>>
      %dma_start3A = tpu.memref_slice %arg11[%run_scoped3A_105, %mul3A_104] : memref<16x10240xf32, #tpu.memory_space<vmem_shared>> -> memref<1x640xf32, #tpu.memory_space<vmem_shared>>
      %dma_start3A_170 = tpu.memref_squeeze %dma_start3A : memref<1x640xf32, #tpu.memory_space<vmem_shared>> -> memref<640xf32, #tpu.memory_space<vmem_shared>>
      %dma_start3A_171 = tpu.memref_slice %arg11[%run_scoped3A_105, %mul3A_104] : memref<16x10240xf32, #tpu.memory_space<vmem_shared>> -> memref<1x640xf32, #tpu.memory_space<vmem_shared>>
      %dma_start3A_172 = tpu.memref_squeeze %dma_start3A_171 : memref<1x640xf32, #tpu.memory_space<vmem_shared>> -> memref<640xf32, #tpu.memory_space<vmem_shared>>
      tpu.enqueue_dma source(%dma_start3A_172 : memref<640xf32, #tpu.memory_space<vmem_shared>>) target(%arg9 : memref<640xf32, #tpu.memory_space<vmem>>) target_semaphore(%run_scoped3A_169 : memref<!tpu.dma_semaphore, #tpu.memory_space<semaphore_mem>>)
      %dma_wait3A = tpu.memref_slice %arg11[%run_scoped3A_105, %mul3A_104] : memref<16x10240xf32, #tpu.memory_space<vmem_shared>> -> memref<1x640xf32, #tpu.memory_space<vmem_shared>>
      %dma_wait3A_173 = tpu.memref_squeeze %dma_wait3A : memref<1x640xf32, #tpu.memory_space<vmem_shared>> -> memref<640xf32, #tpu.memory_space<vmem_shared>>
      %dma_wait3A_174 = tpu.memref_slice %arg11[%run_scoped3A_105, %mul3A_104] : memref<16x10240xf32, #tpu.memory_space<vmem_shared>> -> memref<1x640xf32, #tpu.memory_space<vmem_shared>>
      %dma_wait3A_175 = tpu.memref_squeeze %dma_wait3A_174 : memref<1x640xf32, #tpu.memory_space<vmem_shared>> -> memref<640xf32, #tpu.memory_space<vmem_shared>>
      tpu.wait_dma2 semaphore(%run_scoped3A_169 : memref<!tpu.dma_semaphore, #tpu.memory_space<semaphore_mem>>) src(%dma_wait3A_175 : memref<640xf32, #tpu.memory_space<vmem_shared>>) dst(%arg9 : memref<640xf32, #tpu.memory_space<vmem>>)
      tpu.yield
    }) : () -> ()
    %scan3A_106 = arith.constant 0 : i32
    %scan3A_107 = arith.constant 40 : i32
    %scan3A_108 = arith.addi %scan3A_106, %scan3A_107 : i32
    %scan3A_109 = arith.constant 1 : i32
    scf.for %scan3A_169 = %scan3A_106 to %scan3A_108 step %scan3A_109  : i32 {
      %mul3A_170 = arith.constant 1 : i32
      %mul3A_171 = arith.muli %scan3A_169, %mul3A_170 : i32
      %add3A_172 = arith.constant 0 : i32
      %add3A_173 = arith.addi %add3A_172, %mul3A_171 : i32
      %mul3A_174 = arith.constant 16 : i32
      %mul3A_175 = arith.muli %add3A_173, %mul3A_174 : i32
      %get3A = arith.index_cast %mul3A_175 : i32 to index
      %get3A_176 = tpu.vector_load %arg10[%get3A] {strides = array<i32>} : memref<640xf32, #tpu.memory_space<vmem>>, vector<16xf32>,
      %get3A_177 = arith.index_cast %mul3A_175 : i32 to index
      %get3A_178 = tpu.vector_load %arg9[%get3A_177] {strides = array<i32>} : memref<640xf32, #tpu.memory_space<vmem>>, vector<16xf32>,
      %add3A_179 = arith.addf %get3A_176, %get3A_178 : vector<16xf32>
      %swap3A = arith.index_cast %mul3A_175 : i32 to index
      %swap3A_180 = tpu.vector_load %arg10[%swap3A] {strides = array<i32>} : memref<640xf32, #tpu.memory_space<vmem>>, vector<16xf32>,
      tpu.vector_store %arg10[%swap3A], %add3A_179 {strides = array<i32>} : memref<640xf32, #tpu.memory_space<vmem>>, vector<16xf32>,
    }
    %scan3A_110 = arith.constant 40 : i32
    %mul3A_111 = arith.constant 640 : i32
    %mul3A_112 = arith.muli %arg1, %mul3A_111 : i32
    %run_scoped3A_113 = arith.constant 9 : i32
    "tpu.region"() ({
      %run_scoped3A_169 = tpu.sem_alloc : memref<!tpu.dma_semaphore, #tpu.memory_space<semaphore_mem>>
      %dma_start3A = tpu.memref_slice %arg11[%run_scoped3A_113, %mul3A_112] : memref<16x10240xf32, #tpu.memory_space<vmem_shared>> -> memref<1x640xf32, #tpu.memory_space<vmem_shared>>
      %dma_start3A_170 = tpu.memref_squeeze %dma_start3A : memref<1x640xf32, #tpu.memory_space<vmem_shared>> -> memref<640xf32, #tpu.memory_space<vmem_shared>>
      %dma_start3A_171 = tpu.memref_slice %arg11[%run_scoped3A_113, %mul3A_112] : memref<16x10240xf32, #tpu.memory_space<vmem_shared>> -> memref<1x640xf32, #tpu.memory_space<vmem_shared>>
      %dma_start3A_172 = tpu.memref_squeeze %dma_start3A_171 : memref<1x640xf32, #tpu.memory_space<vmem_shared>> -> memref<640xf32, #tpu.memory_space<vmem_shared>>
      tpu.enqueue_dma source(%dma_start3A_172 : memref<640xf32, #tpu.memory_space<vmem_shared>>) target(%arg9 : memref<640xf32, #tpu.memory_space<vmem>>) target_semaphore(%run_scoped3A_169 : memref<!tpu.dma_semaphore, #tpu.memory_space<semaphore_mem>>)
      %dma_wait3A = tpu.memref_slice %arg11[%run_scoped3A_113, %mul3A_112] : memref<16x10240xf32, #tpu.memory_space<vmem_shared>> -> memref<1x640xf32, #tpu.memory_space<vmem_shared>>
      %dma_wait3A_173 = tpu.memref_squeeze %dma_wait3A : memref<1x640xf32, #tpu.memory_space<vmem_shared>> -> memref<640xf32, #tpu.memory_space<vmem_shared>>
      %dma_wait3A_174 = tpu.memref_slice %arg11[%run_scoped3A_113, %mul3A_112] : memref<16x10240xf32, #tpu.memory_space<vmem_shared>> -> memref<1x640xf32, #tpu.memory_space<vmem_shared>>
      %dma_wait3A_175 = tpu.memref_squeeze %dma_wait3A_174 : memref<1x640xf32, #tpu.memory_space<vmem_shared>> -> memref<640xf32, #tpu.memory_space<vmem_shared>>
      tpu.wait_dma2 semaphore(%run_scoped3A_169 : memref<!tpu.dma_semaphore, #tpu.memory_space<semaphore_mem>>) src(%dma_wait3A_175 : memref<640xf32, #tpu.memory_space<vmem_shared>>) dst(%arg9 : memref<640xf32, #tpu.memory_space<vmem>>)
      tpu.yield
    }) : () -> ()
    %scan3A_114 = arith.constant 0 : i32
    %scan3A_115 = arith.constant 40 : i32
    %scan3A_116 = arith.addi %scan3A_114, %scan3A_115 : i32
    %scan3A_117 = arith.constant 1 : i32
    scf.for %scan3A_169 = %scan3A_114 to %scan3A_116 step %scan3A_117  : i32 {
      %mul3A_170 = arith.constant 1 : i32
      %mul3A_171 = arith.muli %scan3A_169, %mul3A_170 : i32
      %add3A_172 = arith.constant 0 : i32
      %add3A_173 = arith.addi %add3A_172, %mul3A_171 : i32
      %mul3A_174 = arith.constant 16 : i32
      %mul3A_175 = arith.muli %add3A_173, %mul3A_174 : i32
      %get3A = arith.index_cast %mul3A_175 : i32 to index
      %get3A_176 = tpu.vector_load %arg10[%get3A] {strides = array<i32>} : memref<640xf32, #tpu.memory_space<vmem>>, vector<16xf32>,
      %get3A_177 = arith.index_cast %mul3A_175 : i32 to index
      %get3A_178 = tpu.vector_load %arg9[%get3A_177] {strides = array<i32>} : memref<640xf32, #tpu.memory_space<vmem>>, vector<16xf32>,
      %add3A_179 = arith.addf %get3A_176, %get3A_178 : vector<16xf32>
      %swap3A = arith.index_cast %mul3A_175 : i32 to index
      %swap3A_180 = tpu.vector_load %arg10[%swap3A] {strides = array<i32>} : memref<640xf32, #tpu.memory_space<vmem>>, vector<16xf32>,
      tpu.vector_store %arg10[%swap3A], %add3A_179 {strides = array<i32>} : memref<640xf32, #tpu.memory_space<vmem>>, vector<16xf32>,
    }
    %scan3A_118 = arith.constant 40 : i32
    %mul3A_119 = arith.constant 640 : i32
    %mul3A_120 = arith.muli %arg1, %mul3A_119 : i32
    %run_scoped3A_121 = arith.constant 10 : i32
    "tpu.region"() ({
      %run_scoped3A_169 = tpu.sem_alloc : memref<!tpu.dma_semaphore, #tpu.memory_space<semaphore_mem>>
      %dma_start3A = tpu.memref_slice %arg11[%run_scoped3A_121, %mul3A_120] : memref<16x10240xf32, #tpu.memory_space<vmem_shared>> -> memref<1x640xf32, #tpu.memory_space<vmem_shared>>
      %dma_start3A_170 = tpu.memref_squeeze %dma_start3A : memref<1x640xf32, #tpu.memory_space<vmem_shared>> -> memref<640xf32, #tpu.memory_space<vmem_shared>>
      %dma_start3A_171 = tpu.memref_slice %arg11[%run_scoped3A_121, %mul3A_120] : memref<16x10240xf32, #tpu.memory_space<vmem_shared>> -> memref<1x640xf32, #tpu.memory_space<vmem_shared>>
      %dma_start3A_172 = tpu.memref_squeeze %dma_start3A_171 : memref<1x640xf32, #tpu.memory_space<vmem_shared>> -> memref<640xf32, #tpu.memory_space<vmem_shared>>
      tpu.enqueue_dma source(%dma_start3A_172 : memref<640xf32, #tpu.memory_space<vmem_shared>>) target(%arg9 : memref<640xf32, #tpu.memory_space<vmem>>) target_semaphore(%run_scoped3A_169 : memref<!tpu.dma_semaphore, #tpu.memory_space<semaphore_mem>>)
      %dma_wait3A = tpu.memref_slice %arg11[%run_scoped3A_121, %mul3A_120] : memref<16x10240xf32, #tpu.memory_space<vmem_shared>> -> memref<1x640xf32, #tpu.memory_space<vmem_shared>>
      %dma_wait3A_173 = tpu.memref_squeeze %dma_wait3A : memref<1x640xf32, #tpu.memory_space<vmem_shared>> -> memref<640xf32, #tpu.memory_space<vmem_shared>>
      %dma_wait3A_174 = tpu.memref_slice %arg11[%run_scoped3A_121, %mul3A_120] : memref<16x10240xf32, #tpu.memory_space<vmem_shared>> -> memref<1x640xf32, #tpu.memory_space<vmem_shared>>
      %dma_wait3A_175 = tpu.memref_squeeze %dma_wait3A_174 : memref<1x640xf32, #tpu.memory_space<vmem_shared>> -> memref<640xf32, #tpu.memory_space<vmem_shared>>
      tpu.wait_dma2 semaphore(%run_scoped3A_169 : memref<!tpu.dma_semaphore, #tpu.memory_space<semaphore_mem>>) src(%dma_wait3A_175 : memref<640xf32, #tpu.memory_space<vmem_shared>>) dst(%arg9 : memref<640xf32, #tpu.memory_space<vmem>>)
      tpu.yield
    }) : () -> ()
    %scan3A_122 = arith.constant 0 : i32
    %scan3A_123 = arith.constant 40 : i32
    %scan3A_124 = arith.addi %scan3A_122, %scan3A_123 : i32
    %scan3A_125 = arith.constant 1 : i32
    scf.for %scan3A_169 = %scan3A_122 to %scan3A_124 step %scan3A_125  : i32 {
      %mul3A_170 = arith.constant 1 : i32
      %mul3A_171 = arith.muli %scan3A_169, %mul3A_170 : i32
      %add3A_172 = arith.constant 0 : i32
      %add3A_173 = arith.addi %add3A_172, %mul3A_171 : i32
      %mul3A_174 = arith.constant 16 : i32
      %mul3A_175 = arith.muli %add3A_173, %mul3A_174 : i32
      %get3A = arith.index_cast %mul3A_175 : i32 to index
      %get3A_176 = tpu.vector_load %arg10[%get3A] {strides = array<i32>} : memref<640xf32, #tpu.memory_space<vmem>>, vector<16xf32>,
      %get3A_177 = arith.index_cast %mul3A_175 : i32 to index
      %get3A_178 = tpu.vector_load %arg9[%get3A_177] {strides = array<i32>} : memref<640xf32, #tpu.memory_space<vmem>>, vector<16xf32>,
      %add3A_179 = arith.addf %get3A_176, %get3A_178 : vector<16xf32>
      %swap3A = arith.index_cast %mul3A_175 : i32 to index
      %swap3A_180 = tpu.vector_load %arg10[%swap3A] {strides = array<i32>} : memref<640xf32, #tpu.memory_space<vmem>>, vector<16xf32>,
      tpu.vector_store %arg10[%swap3A], %add3A_179 {strides = array<i32>} : memref<640xf32, #tpu.memory_space<vmem>>, vector<16xf32>,
    }
    %scan3A_126 = arith.constant 40 : i32
    %mul3A_127 = arith.constant 640 : i32
    %mul3A_128 = arith.muli %arg1, %mul3A_127 : i32
    %run_scoped3A_129 = arith.constant 11 : i32
    "tpu.region"() ({
      %run_scoped3A_169 = tpu.sem_alloc : memref<!tpu.dma_semaphore, #tpu.memory_space<semaphore_mem>>
      %dma_start3A = tpu.memref_slice %arg11[%run_scoped3A_129, %mul3A_128] : memref<16x10240xf32, #tpu.memory_space<vmem_shared>> -> memref<1x640xf32, #tpu.memory_space<vmem_shared>>
      %dma_start3A_170 = tpu.memref_squeeze %dma_start3A : memref<1x640xf32, #tpu.memory_space<vmem_shared>> -> memref<640xf32, #tpu.memory_space<vmem_shared>>
      %dma_start3A_171 = tpu.memref_slice %arg11[%run_scoped3A_129, %mul3A_128] : memref<16x10240xf32, #tpu.memory_space<vmem_shared>> -> memref<1x640xf32, #tpu.memory_space<vmem_shared>>
      %dma_start3A_172 = tpu.memref_squeeze %dma_start3A_171 : memref<1x640xf32, #tpu.memory_space<vmem_shared>> -> memref<640xf32, #tpu.memory_space<vmem_shared>>
      tpu.enqueue_dma source(%dma_start3A_172 : memref<640xf32, #tpu.memory_space<vmem_shared>>) target(%arg9 : memref<640xf32, #tpu.memory_space<vmem>>) target_semaphore(%run_scoped3A_169 : memref<!tpu.dma_semaphore, #tpu.memory_space<semaphore_mem>>)
      %dma_wait3A = tpu.memref_slice %arg11[%run_scoped3A_129, %mul3A_128] : memref<16x10240xf32, #tpu.memory_space<vmem_shared>> -> memref<1x640xf32, #tpu.memory_space<vmem_shared>>
      %dma_wait3A_173 = tpu.memref_squeeze %dma_wait3A : memref<1x640xf32, #tpu.memory_space<vmem_shared>> -> memref<640xf32, #tpu.memory_space<vmem_shared>>
      %dma_wait3A_174 = tpu.memref_slice %arg11[%run_scoped3A_129, %mul3A_128] : memref<16x10240xf32, #tpu.memory_space<vmem_shared>> -> memref<1x640xf32, #tpu.memory_space<vmem_shared>>
      %dma_wait3A_175 = tpu.memref_squeeze %dma_wait3A_174 : memref<1x640xf32, #tpu.memory_space<vmem_shared>> -> memref<640xf32, #tpu.memory_space<vmem_shared>>
      tpu.wait_dma2 semaphore(%run_scoped3A_169 : memref<!tpu.dma_semaphore, #tpu.memory_space<semaphore_mem>>) src(%dma_wait3A_175 : memref<640xf32, #tpu.memory_space<vmem_shared>>) dst(%arg9 : memref<640xf32, #tpu.memory_space<vmem>>)
      tpu.yield
    }) : () -> ()
    %scan3A_130 = arith.constant 0 : i32
    %scan3A_131 = arith.constant 40 : i32
    %scan3A_132 = arith.addi %scan3A_130, %scan3A_131 : i32
    %scan3A_133 = arith.constant 1 : i32
    scf.for %scan3A_169 = %scan3A_130 to %scan3A_132 step %scan3A_133  : i32 {
      %mul3A_170 = arith.constant 1 : i32
      %mul3A_171 = arith.muli %scan3A_169, %mul3A_170 : i32
      %add3A_172 = arith.constant 0 : i32
      %add3A_173 = arith.addi %add3A_172, %mul3A_171 : i32
      %mul3A_174 = arith.constant 16 : i32
      %mul3A_175 = arith.muli %add3A_173, %mul3A_174 : i32
      %get3A = arith.index_cast %mul3A_175 : i32 to index
      %get3A_176 = tpu.vector_load %arg10[%get3A] {strides = array<i32>} : memref<640xf32, #tpu.memory_space<vmem>>, vector<16xf32>,
      %get3A_177 = arith.index_cast %mul3A_175 : i32 to index
      %get3A_178 = tpu.vector_load %arg9[%get3A_177] {strides = array<i32>} : memref<640xf32, #tpu.memory_space<vmem>>, vector<16xf32>,
      %add3A_179 = arith.addf %get3A_176, %get3A_178 : vector<16xf32>
      %swap3A = arith.index_cast %mul3A_175 : i32 to index
      %swap3A_180 = tpu.vector_load %arg10[%swap3A] {strides = array<i32>} : memref<640xf32, #tpu.memory_space<vmem>>, vector<16xf32>,
      tpu.vector_store %arg10[%swap3A], %add3A_179 {strides = array<i32>} : memref<640xf32, #tpu.memory_space<vmem>>, vector<16xf32>,
    }
    %scan3A_134 = arith.constant 40 : i32
    %mul3A_135 = arith.constant 640 : i32
    %mul3A_136 = arith.muli %arg1, %mul3A_135 : i32
    %run_scoped3A_137 = arith.constant 12 : i32
    "tpu.region"() ({
      %run_scoped3A_169 = tpu.sem_alloc : memref<!tpu.dma_semaphore, #tpu.memory_space<semaphore_mem>>
      %dma_start3A = tpu.memref_slice %arg11[%run_scoped3A_137, %mul3A_136] : memref<16x10240xf32, #tpu.memory_space<vmem_shared>> -> memref<1x640xf32, #tpu.memory_space<vmem_shared>>
      %dma_start3A_170 = tpu.memref_squeeze %dma_start3A : memref<1x640xf32, #tpu.memory_space<vmem_shared>> -> memref<640xf32, #tpu.memory_space<vmem_shared>>
      %dma_start3A_171 = tpu.memref_slice %arg11[%run_scoped3A_137, %mul3A_136] : memref<16x10240xf32, #tpu.memory_space<vmem_shared>> -> memref<1x640xf32, #tpu.memory_space<vmem_shared>>
      %dma_start3A_172 = tpu.memref_squeeze %dma_start3A_171 : memref<1x640xf32, #tpu.memory_space<vmem_shared>> -> memref<640xf32, #tpu.memory_space<vmem_shared>>
      tpu.enqueue_dma source(%dma_start3A_172 : memref<640xf32, #tpu.memory_space<vmem_shared>>) target(%arg9 : memref<640xf32, #tpu.memory_space<vmem>>) target_semaphore(%run_scoped3A_169 : memref<!tpu.dma_semaphore, #tpu.memory_space<semaphore_mem>>)
      %dma_wait3A = tpu.memref_slice %arg11[%run_scoped3A_137, %mul3A_136] : memref<16x10240xf32, #tpu.memory_space<vmem_shared>> -> memref<1x640xf32, #tpu.memory_space<vmem_shared>>
      %dma_wait3A_173 = tpu.memref_squeeze %dma_wait3A : memref<1x640xf32, #tpu.memory_space<vmem_shared>> -> memref<640xf32, #tpu.memory_space<vmem_shared>>
      %dma_wait3A_174 = tpu.memref_slice %arg11[%run_scoped3A_137, %mul3A_136] : memref<16x10240xf32, #tpu.memory_space<vmem_shared>> -> memref<1x640xf32, #tpu.memory_space<vmem_shared>>
      %dma_wait3A_175 = tpu.memref_squeeze %dma_wait3A_174 : memref<1x640xf32, #tpu.memory_space<vmem_shared>> -> memref<640xf32, #tpu.memory_space<vmem_shared>>
      tpu.wait_dma2 semaphore(%run_scoped3A_169 : memref<!tpu.dma_semaphore, #tpu.memory_space<semaphore_mem>>) src(%dma_wait3A_175 : memref<640xf32, #tpu.memory_space<vmem_shared>>) dst(%arg9 : memref<640xf32, #tpu.memory_space<vmem>>)
      tpu.yield
    }) : () -> ()
    %scan3A_138 = arith.constant 0 : i32
    %scan3A_139 = arith.constant 40 : i32
    %scan3A_140 = arith.addi %scan3A_138, %scan3A_139 : i32
    %scan3A_141 = arith.constant 1 : i32
    scf.for %scan3A_169 = %scan3A_138 to %scan3A_140 step %scan3A_141  : i32 {
      %mul3A_170 = arith.constant 1 : i32
      %mul3A_171 = arith.muli %scan3A_169, %mul3A_170 : i32
      %add3A_172 = arith.constant 0 : i32
      %add3A_173 = arith.addi %add3A_172, %mul3A_171 : i32
      %mul3A_174 = arith.constant 16 : i32
      %mul3A_175 = arith.muli %add3A_173, %mul3A_174 : i32
      %get3A = arith.index_cast %mul3A_175 : i32 to index
      %get3A_176 = tpu.vector_load %arg10[%get3A] {strides = array<i32>} : memref<640xf32, #tpu.memory_space<vmem>>, vector<16xf32>,
      %get3A_177 = arith.index_cast %mul3A_175 : i32 to index
      %get3A_178 = tpu.vector_load %arg9[%get3A_177] {strides = array<i32>} : memref<640xf32, #tpu.memory_space<vmem>>, vector<16xf32>,
      %add3A_179 = arith.addf %get3A_176, %get3A_178 : vector<16xf32>
      %swap3A = arith.index_cast %mul3A_175 : i32 to index
      %swap3A_180 = tpu.vector_load %arg10[%swap3A] {strides = array<i32>} : memref<640xf32, #tpu.memory_space<vmem>>, vector<16xf32>,
      tpu.vector_store %arg10[%swap3A], %add3A_179 {strides = array<i32>} : memref<640xf32, #tpu.memory_space<vmem>>, vector<16xf32>,
    }
    %scan3A_142 = arith.constant 40 : i32
    %mul3A_143 = arith.constant 640 : i32
    %mul3A_144 = arith.muli %arg1, %mul3A_143 : i32
    %run_scoped3A_145 = arith.constant 13 : i32
    "tpu.region"() ({
      %run_scoped3A_169 = tpu.sem_alloc : memref<!tpu.dma_semaphore, #tpu.memory_space<semaphore_mem>>
      %dma_start3A = tpu.memref_slice %arg11[%run_scoped3A_145, %mul3A_144] : memref<16x10240xf32, #tpu.memory_space<vmem_shared>> -> memref<1x640xf32, #tpu.memory_space<vmem_shared>>
      %dma_start3A_170 = tpu.memref_squeeze %dma_start3A : memref<1x640xf32, #tpu.memory_space<vmem_shared>> -> memref<640xf32, #tpu.memory_space<vmem_shared>>
      %dma_start3A_171 = tpu.memref_slice %arg11[%run_scoped3A_145, %mul3A_144] : memref<16x10240xf32, #tpu.memory_space<vmem_shared>> -> memref<1x640xf32, #tpu.memory_space<vmem_shared>>
      %dma_start3A_172 = tpu.memref_squeeze %dma_start3A_171 : memref<1x640xf32, #tpu.memory_space<vmem_shared>> -> memref<640xf32, #tpu.memory_space<vmem_shared>>
      tpu.enqueue_dma source(%dma_start3A_172 : memref<640xf32, #tpu.memory_space<vmem_shared>>) target(%arg9 : memref<640xf32, #tpu.memory_space<vmem>>) target_semaphore(%run_scoped3A_169 : memref<!tpu.dma_semaphore, #tpu.memory_space<semaphore_mem>>)
      %dma_wait3A = tpu.memref_slice %arg11[%run_scoped3A_145, %mul3A_144] : memref<16x10240xf32, #tpu.memory_space<vmem_shared>> -> memref<1x640xf32, #tpu.memory_space<vmem_shared>>
      %dma_wait3A_173 = tpu.memref_squeeze %dma_wait3A : memref<1x640xf32, #tpu.memory_space<vmem_shared>> -> memref<640xf32, #tpu.memory_space<vmem_shared>>
      %dma_wait3A_174 = tpu.memref_slice %arg11[%run_scoped3A_145, %mul3A_144] : memref<16x10240xf32, #tpu.memory_space<vmem_shared>> -> memref<1x640xf32, #tpu.memory_space<vmem_shared>>
      %dma_wait3A_175 = tpu.memref_squeeze %dma_wait3A_174 : memref<1x640xf32, #tpu.memory_space<vmem_shared>> -> memref<640xf32, #tpu.memory_space<vmem_shared>>
      tpu.wait_dma2 semaphore(%run_scoped3A_169 : memref<!tpu.dma_semaphore, #tpu.memory_space<semaphore_mem>>) src(%dma_wait3A_175 : memref<640xf32, #tpu.memory_space<vmem_shared>>) dst(%arg9 : memref<640xf32, #tpu.memory_space<vmem>>)
      tpu.yield
    }) : () -> ()
    %scan3A_146 = arith.constant 0 : i32
    %scan3A_147 = arith.constant 40 : i32
    %scan3A_148 = arith.addi %scan3A_146, %scan3A_147 : i32
    %scan3A_149 = arith.constant 1 : i32
    scf.for %scan3A_169 = %scan3A_146 to %scan3A_148 step %scan3A_149  : i32 {
      %mul3A_170 = arith.constant 1 : i32
      %mul3A_171 = arith.muli %scan3A_169, %mul3A_170 : i32
      %add3A_172 = arith.constant 0 : i32
      %add3A_173 = arith.addi %add3A_172, %mul3A_171 : i32
      %mul3A_174 = arith.constant 16 : i32
      %mul3A_175 = arith.muli %add3A_173, %mul3A_174 : i32
      %get3A = arith.index_cast %mul3A_175 : i32 to index
      %get3A_176 = tpu.vector_load %arg10[%get3A] {strides = array<i32>} : memref<640xf32, #tpu.memory_space<vmem>>, vector<16xf32>,
      %get3A_177 = arith.index_cast %mul3A_175 : i32 to index
      %get3A_178 = tpu.vector_load %arg9[%get3A_177] {strides = array<i32>} : memref<640xf32, #tpu.memory_space<vmem>>, vector<16xf32>,
      %add3A_179 = arith.addf %get3A_176, %get3A_178 : vector<16xf32>
      %swap3A = arith.index_cast %mul3A_175 : i32 to index
      %swap3A_180 = tpu.vector_load %arg10[%swap3A] {strides = array<i32>} : memref<640xf32, #tpu.memory_space<vmem>>, vector<16xf32>,
      tpu.vector_store %arg10[%swap3A], %add3A_179 {strides = array<i32>} : memref<640xf32, #tpu.memory_space<vmem>>, vector<16xf32>,
    }
    %scan3A_150 = arith.constant 40 : i32
    %mul3A_151 = arith.constant 640 : i32
    %mul3A_152 = arith.muli %arg1, %mul3A_151 : i32
    %run_scoped3A_153 = arith.constant 14 : i32
    "tpu.region"() ({
      %run_scoped3A_169 = tpu.sem_alloc : memref<!tpu.dma_semaphore, #tpu.memory_space<semaphore_mem>>
      %dma_start3A = tpu.memref_slice %arg11[%run_scoped3A_153, %mul3A_152] : memref<16x10240xf32, #tpu.memory_space<vmem_shared>> -> memref<1x640xf32, #tpu.memory_space<vmem_shared>>
      %dma_start3A_170 = tpu.memref_squeeze %dma_start3A : memref<1x640xf32, #tpu.memory_space<vmem_shared>> -> memref<640xf32, #tpu.memory_space<vmem_shared>>
      %dma_start3A_171 = tpu.memref_slice %arg11[%run_scoped3A_153, %mul3A_152] : memref<16x10240xf32, #tpu.memory_space<vmem_shared>> -> memref<1x640xf32, #tpu.memory_space<vmem_shared>>
      %dma_start3A_172 = tpu.memref_squeeze %dma_start3A_171 : memref<1x640xf32, #tpu.memory_space<vmem_shared>> -> memref<640xf32, #tpu.memory_space<vmem_shared>>
      tpu.enqueue_dma source(%dma_start3A_172 : memref<640xf32, #tpu.memory_space<vmem_shared>>) target(%arg9 : memref<640xf32, #tpu.memory_space<vmem>>) target_semaphore(%run_scoped3A_169 : memref<!tpu.dma_semaphore, #tpu.memory_space<semaphore_mem>>)
      %dma_wait3A = tpu.memref_slice %arg11[%run_scoped3A_153, %mul3A_152] : memref<16x10240xf32, #tpu.memory_space<vmem_shared>> -> memref<1x640xf32, #tpu.memory_space<vmem_shared>>
      %dma_wait3A_173 = tpu.memref_squeeze %dma_wait3A : memref<1x640xf32, #tpu.memory_space<vmem_shared>> -> memref<640xf32, #tpu.memory_space<vmem_shared>>
      %dma_wait3A_174 = tpu.memref_slice %arg11[%run_scoped3A_153, %mul3A_152] : memref<16x10240xf32, #tpu.memory_space<vmem_shared>> -> memref<1x640xf32, #tpu.memory_space<vmem_shared>>
      %dma_wait3A_175 = tpu.memref_squeeze %dma_wait3A_174 : memref<1x640xf32, #tpu.memory_space<vmem_shared>> -> memref<640xf32, #tpu.memory_space<vmem_shared>>
      tpu.wait_dma2 semaphore(%run_scoped3A_169 : memref<!tpu.dma_semaphore, #tpu.memory_space<semaphore_mem>>) src(%dma_wait3A_175 : memref<640xf32, #tpu.memory_space<vmem_shared>>) dst(%arg9 : memref<640xf32, #tpu.memory_space<vmem>>)
      tpu.yield
    }) : () -> ()
    %scan3A_154 = arith.constant 0 : i32
    %scan3A_155 = arith.constant 40 : i32
    %scan3A_156 = arith.addi %scan3A_154, %scan3A_155 : i32
    %scan3A_157 = arith.constant 1 : i32
    scf.for %scan3A_169 = %scan3A_154 to %scan3A_156 step %scan3A_157  : i32 {
      %mul3A_170 = arith.constant 1 : i32
      %mul3A_171 = arith.muli %scan3A_169, %mul3A_170 : i32
      %add3A_172 = arith.constant 0 : i32
      %add3A_173 = arith.addi %add3A_172, %mul3A_171 : i32
      %mul3A_174 = arith.constant 16 : i32
      %mul3A_175 = arith.muli %add3A_173, %mul3A_174 : i32
      %get3A = arith.index_cast %mul3A_175 : i32 to index
      %get3A_176 = tpu.vector_load %arg10[%get3A] {strides = array<i32>} : memref<640xf32, #tpu.memory_space<vmem>>, vector<16xf32>,
      %get3A_177 = arith.index_cast %mul3A_175 : i32 to index
      %get3A_178 = tpu.vector_load %arg9[%get3A_177] {strides = array<i32>} : memref<640xf32, #tpu.memory_space<vmem>>, vector<16xf32>,
      %add3A_179 = arith.addf %get3A_176, %get3A_178 : vector<16xf32>
      %swap3A = arith.index_cast %mul3A_175 : i32 to index
      %swap3A_180 = tpu.vector_load %arg10[%swap3A] {strides = array<i32>} : memref<640xf32, #tpu.memory_space<vmem>>, vector<16xf32>,
      tpu.vector_store %arg10[%swap3A], %add3A_179 {strides = array<i32>} : memref<640xf32, #tpu.memory_space<vmem>>, vector<16xf32>,
    }
    %scan3A_158 = arith.constant 40 : i32
    %mul3A_159 = arith.constant 640 : i32
    %mul3A_160 = arith.muli %arg1, %mul3A_159 : i32
    %run_scoped3A_161 = arith.constant 15 : i32
    "tpu.region"() ({
      %run_scoped3A_169 = tpu.sem_alloc : memref<!tpu.dma_semaphore, #tpu.memory_space<semaphore_mem>>
      %dma_start3A = tpu.memref_slice %arg11[%run_scoped3A_161, %mul3A_160] : memref<16x10240xf32, #tpu.memory_space<vmem_shared>> -> memref<1x640xf32, #tpu.memory_space<vmem_shared>>
      %dma_start3A_170 = tpu.memref_squeeze %dma_start3A : memref<1x640xf32, #tpu.memory_space<vmem_shared>> -> memref<640xf32, #tpu.memory_space<vmem_shared>>
      %dma_start3A_171 = tpu.memref_slice %arg11[%run_scoped3A_161, %mul3A_160] : memref<16x10240xf32, #tpu.memory_space<vmem_shared>> -> memref<1x640xf32, #tpu.memory_space<vmem_shared>>
      %dma_start3A_172 = tpu.memref_squeeze %dma_start3A_171 : memref<1x640xf32, #tpu.memory_space<vmem_shared>> -> memref<640xf32, #tpu.memory_space<vmem_shared>>
      tpu.enqueue_dma source(%dma_start3A_172 : memref<640xf32, #tpu.memory_space<vmem_shared>>) target(%arg9 : memref<640xf32, #tpu.memory_space<vmem>>) target_semaphore(%run_scoped3A_169 : memref<!tpu.dma_semaphore, #tpu.memory_space<semaphore_mem>>)
      %dma_wait3A = tpu.memref_slice %arg11[%run_scoped3A_161, %mul3A_160] : memref<16x10240xf32, #tpu.memory_space<vmem_shared>> -> memref<1x640xf32, #tpu.memory_space<vmem_shared>>
      %dma_wait3A_173 = tpu.memref_squeeze %dma_wait3A : memref<1x640xf32, #tpu.memory_space<vmem_shared>> -> memref<640xf32, #tpu.memory_space<vmem_shared>>
      %dma_wait3A_174 = tpu.memref_slice %arg11[%run_scoped3A_161, %mul3A_160] : memref<16x10240xf32, #tpu.memory_space<vmem_shared>> -> memref<1x640xf32, #tpu.memory_space<vmem_shared>>
      %dma_wait3A_175 = tpu.memref_squeeze %dma_wait3A_174 : memref<1x640xf32, #tpu.memory_space<vmem_shared>> -> memref<640xf32, #tpu.memory_space<vmem_shared>>
      tpu.wait_dma2 semaphore(%run_scoped3A_169 : memref<!tpu.dma_semaphore, #tpu.memory_space<semaphore_mem>>) src(%dma_wait3A_175 : memref<640xf32, #tpu.memory_space<vmem_shared>>) dst(%arg9 : memref<640xf32, #tpu.memory_space<vmem>>)
      tpu.yield
    }) : () -> ()
    %scan3A_162 = arith.constant 0 : i32
    %scan3A_163 = arith.constant 40 : i32
    %scan3A_164 = arith.addi %scan3A_162, %scan3A_163 : i32
    %scan3A_165 = arith.constant 1 : i32
    scf.for %scan3A_169 = %scan3A_162 to %scan3A_164 step %scan3A_165  : i32 {
      %mul3A_170 = arith.constant 1 : i32
      %mul3A_171 = arith.muli %scan3A_169, %mul3A_170 : i32
      %add3A_172 = arith.constant 0 : i32
      %add3A_173 = arith.addi %add3A_172, %mul3A_171 : i32
      %mul3A_174 = arith.constant 16 : i32
      %mul3A_175 = arith.muli %add3A_173, %mul3A_174 : i32
      %get3A = arith.index_cast %mul3A_175 : i32 to index
      %get3A_176 = tpu.vector_load %arg10[%get3A] {strides = array<i32>} : memref<640xf32, #tpu.memory_space<vmem>>, vector<16xf32>,
      %get3A_177 = arith.index_cast %mul3A_175 : i32 to index
      %get3A_178 = tpu.vector_load %arg9[%get3A_177] {strides = array<i32>} : memref<640xf32, #tpu.memory_space<vmem>>, vector<16xf32>,
      %add3A_179 = arith.addf %get3A_176, %get3A_178 : vector<16xf32>
      %swap3A = arith.index_cast %mul3A_175 : i32 to index
      %swap3A_180 = tpu.vector_load %arg10[%swap3A] {strides = array<i32>} : memref<640xf32, #tpu.memory_space<vmem>>, vector<16xf32>,
      tpu.vector_store %arg10[%swap3A], %add3A_179 {strides = array<i32>} : memref<640xf32, #tpu.memory_space<vmem>>, vector<16xf32>,
    }
    %scan3A_166 = arith.constant 40 : i32
    %mul3A_167 = arith.constant 640 : i32
    %mul3A_168 = arith.muli %arg1, %mul3A_167 : i32
    "tpu.region"() ({
      %run_scoped3A_169 = tpu.sem_alloc : memref<!tpu.dma_semaphore, #tpu.memory_space<semaphore_mem>>
      %dma_start3A = tpu.memref_slice %arg4[%arg0, %mul3A_168] : memref<2x10240xf32, #tpu.memory_space<hbm>> -> memref<1x640xf32, #tpu.memory_space<hbm>>
      %dma_start3A_170 = tpu.memref_squeeze %dma_start3A : memref<1x640xf32, #tpu.memory_space<hbm>> -> memref<640xf32, #tpu.memory_space<hbm>>
      %dma_start3A_171 = tpu.memref_slice %arg4[%arg0, %mul3A_168] : memref<2x10240xf32, #tpu.memory_space<hbm>> -> memref<1x640xf32, #tpu.memory_space<hbm>>
      %dma_start3A_172 = tpu.memref_squeeze %dma_start3A_171 : memref<1x640xf32, #tpu.memory_space<hbm>> -> memref<640xf32, #tpu.memory_space<hbm>>
      tpu.enqueue_dma source(%arg10 : memref<640xf32, #tpu.memory_space<vmem>>) target(%dma_start3A_172 : memref<640xf32, #tpu.memory_space<hbm>>) target_semaphore(%run_scoped3A_169 : memref<!tpu.dma_semaphore, #tpu.memory_space<semaphore_mem>>)
      %dma_wait3A = tpu.memref_slice %arg4[%arg0, %mul3A_168] : memref<2x10240xf32, #tpu.memory_space<hbm>> -> memref<1x640xf32, #tpu.memory_space<hbm>>
      %dma_wait3A_173 = tpu.memref_squeeze %dma_wait3A : memref<1x640xf32, #tpu.memory_space<hbm>> -> memref<640xf32, #tpu.memory_space<hbm>>
      %dma_wait3A_174 = tpu.memref_slice %arg4[%arg0, %mul3A_168] : memref<2x10240xf32, #tpu.memory_space<hbm>> -> memref<1x640xf32, #tpu.memory_space<hbm>>
      %dma_wait3A_175 = tpu.memref_squeeze %dma_wait3A_174 : memref<1x640xf32, #tpu.memory_space<hbm>> -> memref<640xf32, #tpu.memory_space<hbm>>
      tpu.wait_dma2 semaphore(%run_scoped3A_169 : memref<!tpu.dma_semaphore, #tpu.memory_space<semaphore_mem>>) src(%arg10 : memref<640xf32, #tpu.memory_space<vmem>>) dst(%dma_wait3A_175 : memref<640xf32, #tpu.memory_space<hbm>>)
      tpu.yield
    }) : () -> ()
    return
  }
}

#map = affine_map<(d0, d1) -> (0, 0)>
#map1 = affine_map<(d0, d1) -> (0)>
#map2 = affine_map<(d0, d1) -> (0, 0, 0)>
module attributes {stable_mosaic.version = 14 : i64} {
  func.func @body(%arg0: i32, %arg1: i32, %arg2: memref<10000x128xf32, #tpu.memory_space<hbm>>, %arg3: memref<322560xi32, #tpu.memory_space<hbm>>, %arg4: memref<322560xi32, #tpu.memory_space<hbm>>, %arg5: memref<322560xf32, #tpu.memory_space<hbm>>, %arg6: memref<2x10240x128xf32, #tpu.memory_space<hbm>>, %arg7: memref<10080xi32, #tpu.memory_space<vmem>>, %arg8: memref<80xi32, #tpu.memory_space<vmem>>, %arg9: memref<80xi32, #tpu.memory_space<vmem>>, %arg10: memref<80xi32, #tpu.memory_space<vmem>>, %arg11: memref<80xf32, #tpu.memory_space<vmem>>, %arg12: memref<80xf32, #tpu.memory_space<vmem>>, %arg13: memref<80xf32, #tpu.memory_space<vmem>>, %arg14: memref<80x128xf32, #tpu.memory_space<vmem>>, %arg15: memref<80x128xf32, #tpu.memory_space<vmem>>, %arg16: memref<80x128xf32, #tpu.memory_space<vmem>>, %arg17: memref<10240x128xf32, #tpu.memory_space<vmem_shared>>, %arg18: memref<!tpu.dma_semaphore, #tpu.memory_space<semaphore_mem>>, %arg19: memref<!tpu.dma_semaphore, #tpu.memory_space<semaphore_mem>>, %arg20: memref<!tpu.dma_semaphore, #tpu.memory_space<semaphore_mem>>, %arg21: memref<!tpu.dma_semaphore, #tpu.memory_space<semaphore_mem>>, %arg22: memref<!tpu.dma_semaphore, #tpu.memory_space<semaphore_mem>>, %arg23: memref<!tpu.dma_semaphore, #tpu.memory_space<semaphore_mem>>) attributes {dimension_semantics = [#tpu.dimension_semantics<core_parallel>, #tpu.dimension_semantics<subcore_parallel>], iteration_bounds = array<i64: 2, 16>, scalar_prefetch = 0 : i64, scratch_operands = 17 : i64, tpu.core_type = #tpu.core_type<sc_vector_subcore>, window_params = [{transform_indices = #map}, {transform_indices = #map1}, {transform_indices = #map1}, {transform_indices = #map1}, {transform_indices = #map2}]} {
    %mul3A = arith.constant 16 : i32
    %mul3A_0 = arith.muli %arg0, %mul3A : i32
    %add3A = arith.addi %mul3A_0, %arg1 : i32
    %mul3A_1 = arith.constant 640 : i32
    %mul3A_2 = arith.muli %arg1, %mul3A_1 : i32
    %mul3A_3 = arith.constant 126 : i32
    %mul3A_4 = arith.muli %add3A, %mul3A_3 : i32
    %broadcast_in_dim3A = arith.constant 0.000000e+00 : f32
    %broadcast_in_dim3A_5 = vector.broadcast %broadcast_in_dim3A : f32 to vector<16xf32>
    %scan3A = arith.constant 0 : i32
    %scan3A_6 = arith.constant 80 : i32
    %scan3A_7 = arith.addi %scan3A, %scan3A_6 : i32
    %scan3A_8 = arith.constant 1 : i32
    scf.for %scan3A_75 = %scan3A to %scan3A_7 step %scan3A_8  : i32 {
      %mul3A_76 = arith.constant 1 : i32
      %mul3A_77 = arith.muli %scan3A_75, %mul3A_76 : i32
      %add3A_78 = arith.constant 0 : i32
      %add3A_79 = arith.addi %add3A_78, %mul3A_77 : i32
      %swap3A = arith.index_cast %add3A_79 : i32 to index
      %swap3A_80 = arith.constant 0 : index
      %swap3A_81 = tpu.vector_load %arg14[%swap3A, %swap3A_80] {strides = array<i32>} : memref<80x128xf32, #tpu.memory_space<vmem>>, vector<16xf32>,
      tpu.vector_store %arg14[%swap3A, %swap3A_80], %broadcast_in_dim3A_5 {strides = array<i32>} : memref<80x128xf32, #tpu.memory_space<vmem>>, vector<16xf32>,
      %swap3A_82 = arith.index_cast %add3A_79 : i32 to index
      %swap3A_83 = arith.constant 16 : index
      %swap3A_84 = tpu.vector_load %arg14[%swap3A_82, %swap3A_83] {strides = array<i32>} : memref<80x128xf32, #tpu.memory_space<vmem>>, vector<16xf32>,
      tpu.vector_store %arg14[%swap3A_82, %swap3A_83], %broadcast_in_dim3A_5 {strides = array<i32>} : memref<80x128xf32, #tpu.memory_space<vmem>>, vector<16xf32>,
      %swap3A_85 = arith.index_cast %add3A_79 : i32 to index
      %swap3A_86 = arith.constant 32 : index
      %swap3A_87 = tpu.vector_load %arg14[%swap3A_85, %swap3A_86] {strides = array<i32>} : memref<80x128xf32, #tpu.memory_space<vmem>>, vector<16xf32>,
      tpu.vector_store %arg14[%swap3A_85, %swap3A_86], %broadcast_in_dim3A_5 {strides = array<i32>} : memref<80x128xf32, #tpu.memory_space<vmem>>, vector<16xf32>,
      %swap3A_88 = arith.index_cast %add3A_79 : i32 to index
      %swap3A_89 = arith.constant 48 : index
      %swap3A_90 = tpu.vector_load %arg14[%swap3A_88, %swap3A_89] {strides = array<i32>} : memref<80x128xf32, #tpu.memory_space<vmem>>, vector<16xf32>,
      tpu.vector_store %arg14[%swap3A_88, %swap3A_89], %broadcast_in_dim3A_5 {strides = array<i32>} : memref<80x128xf32, #tpu.memory_space<vmem>>, vector<16xf32>,
      %swap3A_91 = arith.index_cast %add3A_79 : i32 to index
      %swap3A_92 = arith.constant 64 : index
      %swap3A_93 = tpu.vector_load %arg14[%swap3A_91, %swap3A_92] {strides = array<i32>} : memref<80x128xf32, #tpu.memory_space<vmem>>, vector<16xf32>,
      tpu.vector_store %arg14[%swap3A_91, %swap3A_92], %broadcast_in_dim3A_5 {strides = array<i32>} : memref<80x128xf32, #tpu.memory_space<vmem>>, vector<16xf32>,
      %swap3A_94 = arith.index_cast %add3A_79 : i32 to index
      %swap3A_95 = arith.constant 80 : index
      %swap3A_96 = tpu.vector_load %arg14[%swap3A_94, %swap3A_95] {strides = array<i32>} : memref<80x128xf32, #tpu.memory_space<vmem>>, vector<16xf32>,
      tpu.vector_store %arg14[%swap3A_94, %swap3A_95], %broadcast_in_dim3A_5 {strides = array<i32>} : memref<80x128xf32, #tpu.memory_space<vmem>>, vector<16xf32>,
      %swap3A_97 = arith.index_cast %add3A_79 : i32 to index
      %swap3A_98 = arith.constant 96 : index
      %swap3A_99 = tpu.vector_load %arg14[%swap3A_97, %swap3A_98] {strides = array<i32>} : memref<80x128xf32, #tpu.memory_space<vmem>>, vector<16xf32>,
      tpu.vector_store %arg14[%swap3A_97, %swap3A_98], %broadcast_in_dim3A_5 {strides = array<i32>} : memref<80x128xf32, #tpu.memory_space<vmem>>, vector<16xf32>,
      %swap3A_100 = arith.index_cast %add3A_79 : i32 to index
      %swap3A_101 = arith.constant 112 : index
      %swap3A_102 = tpu.vector_load %arg14[%swap3A_100, %swap3A_101] {strides = array<i32>} : memref<80x128xf32, #tpu.memory_space<vmem>>, vector<16xf32>,
      tpu.vector_store %arg14[%swap3A_100, %swap3A_101], %broadcast_in_dim3A_5 {strides = array<i32>} : memref<80x128xf32, #tpu.memory_space<vmem>>, vector<16xf32>,
    }
    %scan3A_9 = arith.constant 80 : i32
    %add3A_10 = arith.constant 0 : i32
    %add3A_11 = arith.addi %mul3A_2, %add3A_10 : i32
    "tpu.region"() ({
      %run_scoped3A = tpu.sem_alloc : memref<!tpu.dma_semaphore, #tpu.memory_space<semaphore_mem>>
      %dma_start3A_75 = arith.constant 0 : i32
      %dma_start3A_76 = tpu.memref_slice %arg17[%add3A_11, %dma_start3A_75] : memref<10240x128xf32, #tpu.memory_space<vmem_shared>> -> memref<80x128xf32, #tpu.memory_space<vmem_shared>>
      %dma_start3A_77 = arith.constant 0 : i32
      %dma_start3A_78 = tpu.memref_slice %arg17[%add3A_11, %dma_start3A_77] : memref<10240x128xf32, #tpu.memory_space<vmem_shared>> -> memref<80x128xf32, #tpu.memory_space<vmem_shared>>
      tpu.enqueue_dma source(%arg14 : memref<80x128xf32, #tpu.memory_space<vmem>>) target(%dma_start3A_78 : memref<80x128xf32, #tpu.memory_space<vmem_shared>>) target_semaphore(%run_scoped3A : memref<!tpu.dma_semaphore, #tpu.memory_space<semaphore_mem>>)
      %dma_wait3A_79 = arith.constant 0 : i32
      %dma_wait3A_80 = tpu.memref_slice %arg17[%add3A_11, %dma_wait3A_79] : memref<10240x128xf32, #tpu.memory_space<vmem_shared>> -> memref<80x128xf32, #tpu.memory_space<vmem_shared>>
      %dma_wait3A_81 = arith.constant 0 : i32
      %dma_wait3A_82 = tpu.memref_slice %arg17[%add3A_11, %dma_wait3A_81] : memref<10240x128xf32, #tpu.memory_space<vmem_shared>> -> memref<80x128xf32, #tpu.memory_space<vmem_shared>>
      tpu.wait_dma2 semaphore(%run_scoped3A : memref<!tpu.dma_semaphore, #tpu.memory_space<semaphore_mem>>) src(%arg14 : memref<80x128xf32, #tpu.memory_space<vmem>>) dst(%dma_wait3A_82 : memref<80x128xf32, #tpu.memory_space<vmem_shared>>)
      tpu.yield
    }) : () -> ()
    %add3A_12 = arith.constant 80 : i32
    %add3A_13 = arith.addi %mul3A_2, %add3A_12 : i32
    "tpu.region"() ({
      %run_scoped3A = tpu.sem_alloc : memref<!tpu.dma_semaphore, #tpu.memory_space<semaphore_mem>>
      %dma_start3A_75 = arith.constant 0 : i32
      %dma_start3A_76 = tpu.memref_slice %arg17[%add3A_13, %dma_start3A_75] : memref<10240x128xf32, #tpu.memory_space<vmem_shared>> -> memref<80x128xf32, #tpu.memory_space<vmem_shared>>
      %dma_start3A_77 = arith.constant 0 : i32
      %dma_start3A_78 = tpu.memref_slice %arg17[%add3A_13, %dma_start3A_77] : memref<10240x128xf32, #tpu.memory_space<vmem_shared>> -> memref<80x128xf32, #tpu.memory_space<vmem_shared>>
      tpu.enqueue_dma source(%arg14 : memref<80x128xf32, #tpu.memory_space<vmem>>) target(%dma_start3A_78 : memref<80x128xf32, #tpu.memory_space<vmem_shared>>) target_semaphore(%run_scoped3A : memref<!tpu.dma_semaphore, #tpu.memory_space<semaphore_mem>>)
      %dma_wait3A_79 = arith.constant 0 : i32
      %dma_wait3A_80 = tpu.memref_slice %arg17[%add3A_13, %dma_wait3A_79] : memref<10240x128xf32, #tpu.memory_space<vmem_shared>> -> memref<80x128xf32, #tpu.memory_space<vmem_shared>>
      %dma_wait3A_81 = arith.constant 0 : i32
      %dma_wait3A_82 = tpu.memref_slice %arg17[%add3A_13, %dma_wait3A_81] : memref<10240x128xf32, #tpu.memory_space<vmem_shared>> -> memref<80x128xf32, #tpu.memory_space<vmem_shared>>
      tpu.wait_dma2 semaphore(%run_scoped3A : memref<!tpu.dma_semaphore, #tpu.memory_space<semaphore_mem>>) src(%arg14 : memref<80x128xf32, #tpu.memory_space<vmem>>) dst(%dma_wait3A_82 : memref<80x128xf32, #tpu.memory_space<vmem_shared>>)
      tpu.yield
    }) : () -> ()
    %add3A_14 = arith.constant 160 : i32
    %add3A_15 = arith.addi %mul3A_2, %add3A_14 : i32
    "tpu.region"() ({
      %run_scoped3A = tpu.sem_alloc : memref<!tpu.dma_semaphore, #tpu.memory_space<semaphore_mem>>
      %dma_start3A_75 = arith.constant 0 : i32
      %dma_start3A_76 = tpu.memref_slice %arg17[%add3A_15, %dma_start3A_75] : memref<10240x128xf32, #tpu.memory_space<vmem_shared>> -> memref<80x128xf32, #tpu.memory_space<vmem_shared>>
      %dma_start3A_77 = arith.constant 0 : i32
      %dma_start3A_78 = tpu.memref_slice %arg17[%add3A_15, %dma_start3A_77] : memref<10240x128xf32, #tpu.memory_space<vmem_shared>> -> memref<80x128xf32, #tpu.memory_space<vmem_shared>>
      tpu.enqueue_dma source(%arg14 : memref<80x128xf32, #tpu.memory_space<vmem>>) target(%dma_start3A_78 : memref<80x128xf32, #tpu.memory_space<vmem_shared>>) target_semaphore(%run_scoped3A : memref<!tpu.dma_semaphore, #tpu.memory_space<semaphore_mem>>)
      %dma_wait3A_79 = arith.constant 0 : i32
      %dma_wait3A_80 = tpu.memref_slice %arg17[%add3A_15, %dma_wait3A_79] : memref<10240x128xf32, #tpu.memory_space<vmem_shared>> -> memref<80x128xf32, #tpu.memory_space<vmem_shared>>
      %dma_wait3A_81 = arith.constant 0 : i32
      %dma_wait3A_82 = tpu.memref_slice %arg17[%add3A_15, %dma_wait3A_81] : memref<10240x128xf32, #tpu.memory_space<vmem_shared>> -> memref<80x128xf32, #tpu.memory_space<vmem_shared>>
      tpu.wait_dma2 semaphore(%run_scoped3A : memref<!tpu.dma_semaphore, #tpu.memory_space<semaphore_mem>>) src(%arg14 : memref<80x128xf32, #tpu.memory_space<vmem>>) dst(%dma_wait3A_82 : memref<80x128xf32, #tpu.memory_space<vmem_shared>>)
      tpu.yield
    }) : () -> ()
    %add3A_16 = arith.constant 240 : i32
    %add3A_17 = arith.addi %mul3A_2, %add3A_16 : i32
    "tpu.region"() ({
      %run_scoped3A = tpu.sem_alloc : memref<!tpu.dma_semaphore, #tpu.memory_space<semaphore_mem>>
      %dma_start3A_75 = arith.constant 0 : i32
      %dma_start3A_76 = tpu.memref_slice %arg17[%add3A_17, %dma_start3A_75] : memref<10240x128xf32, #tpu.memory_space<vmem_shared>> -> memref<80x128xf32, #tpu.memory_space<vmem_shared>>
      %dma_start3A_77 = arith.constant 0 : i32
      %dma_start3A_78 = tpu.memref_slice %arg17[%add3A_17, %dma_start3A_77] : memref<10240x128xf32, #tpu.memory_space<vmem_shared>> -> memref<80x128xf32, #tpu.memory_space<vmem_shared>>
      tpu.enqueue_dma source(%arg14 : memref<80x128xf32, #tpu.memory_space<vmem>>) target(%dma_start3A_78 : memref<80x128xf32, #tpu.memory_space<vmem_shared>>) target_semaphore(%run_scoped3A : memref<!tpu.dma_semaphore, #tpu.memory_space<semaphore_mem>>)
      %dma_wait3A_79 = arith.constant 0 : i32
      %dma_wait3A_80 = tpu.memref_slice %arg17[%add3A_17, %dma_wait3A_79] : memref<10240x128xf32, #tpu.memory_space<vmem_shared>> -> memref<80x128xf32, #tpu.memory_space<vmem_shared>>
      %dma_wait3A_81 = arith.constant 0 : i32
      %dma_wait3A_82 = tpu.memref_slice %arg17[%add3A_17, %dma_wait3A_81] : memref<10240x128xf32, #tpu.memory_space<vmem_shared>> -> memref<80x128xf32, #tpu.memory_space<vmem_shared>>
      tpu.wait_dma2 semaphore(%run_scoped3A : memref<!tpu.dma_semaphore, #tpu.memory_space<semaphore_mem>>) src(%arg14 : memref<80x128xf32, #tpu.memory_space<vmem>>) dst(%dma_wait3A_82 : memref<80x128xf32, #tpu.memory_space<vmem_shared>>)
      tpu.yield
    }) : () -> ()
    %add3A_18 = arith.constant 320 : i32
    %add3A_19 = arith.addi %mul3A_2, %add3A_18 : i32
    "tpu.region"() ({
      %run_scoped3A = tpu.sem_alloc : memref<!tpu.dma_semaphore, #tpu.memory_space<semaphore_mem>>
      %dma_start3A_75 = arith.constant 0 : i32
      %dma_start3A_76 = tpu.memref_slice %arg17[%add3A_19, %dma_start3A_75] : memref<10240x128xf32, #tpu.memory_space<vmem_shared>> -> memref<80x128xf32, #tpu.memory_space<vmem_shared>>
      %dma_start3A_77 = arith.constant 0 : i32
      %dma_start3A_78 = tpu.memref_slice %arg17[%add3A_19, %dma_start3A_77] : memref<10240x128xf32, #tpu.memory_space<vmem_shared>> -> memref<80x128xf32, #tpu.memory_space<vmem_shared>>
      tpu.enqueue_dma source(%arg14 : memref<80x128xf32, #tpu.memory_space<vmem>>) target(%dma_start3A_78 : memref<80x128xf32, #tpu.memory_space<vmem_shared>>) target_semaphore(%run_scoped3A : memref<!tpu.dma_semaphore, #tpu.memory_space<semaphore_mem>>)
      %dma_wait3A_79 = arith.constant 0 : i32
      %dma_wait3A_80 = tpu.memref_slice %arg17[%add3A_19, %dma_wait3A_79] : memref<10240x128xf32, #tpu.memory_space<vmem_shared>> -> memref<80x128xf32, #tpu.memory_space<vmem_shared>>
      %dma_wait3A_81 = arith.constant 0 : i32
      %dma_wait3A_82 = tpu.memref_slice %arg17[%add3A_19, %dma_wait3A_81] : memref<10240x128xf32, #tpu.memory_space<vmem_shared>> -> memref<80x128xf32, #tpu.memory_space<vmem_shared>>
      tpu.wait_dma2 semaphore(%run_scoped3A : memref<!tpu.dma_semaphore, #tpu.memory_space<semaphore_mem>>) src(%arg14 : memref<80x128xf32, #tpu.memory_space<vmem>>) dst(%dma_wait3A_82 : memref<80x128xf32, #tpu.memory_space<vmem_shared>>)
      tpu.yield
    }) : () -> ()
    %add3A_20 = arith.constant 400 : i32
    %add3A_21 = arith.addi %mul3A_2, %add3A_20 : i32
    "tpu.region"() ({
      %run_scoped3A = tpu.sem_alloc : memref<!tpu.dma_semaphore, #tpu.memory_space<semaphore_mem>>
      %dma_start3A_75 = arith.constant 0 : i32
      %dma_start3A_76 = tpu.memref_slice %arg17[%add3A_21, %dma_start3A_75] : memref<10240x128xf32, #tpu.memory_space<vmem_shared>> -> memref<80x128xf32, #tpu.memory_space<vmem_shared>>
      %dma_start3A_77 = arith.constant 0 : i32
      %dma_start3A_78 = tpu.memref_slice %arg17[%add3A_21, %dma_start3A_77] : memref<10240x128xf32, #tpu.memory_space<vmem_shared>> -> memref<80x128xf32, #tpu.memory_space<vmem_shared>>
      tpu.enqueue_dma source(%arg14 : memref<80x128xf32, #tpu.memory_space<vmem>>) target(%dma_start3A_78 : memref<80x128xf32, #tpu.memory_space<vmem_shared>>) target_semaphore(%run_scoped3A : memref<!tpu.dma_semaphore, #tpu.memory_space<semaphore_mem>>)
      %dma_wait3A_79 = arith.constant 0 : i32
      %dma_wait3A_80 = tpu.memref_slice %arg17[%add3A_21, %dma_wait3A_79] : memref<10240x128xf32, #tpu.memory_space<vmem_shared>> -> memref<80x128xf32, #tpu.memory_space<vmem_shared>>
      %dma_wait3A_81 = arith.constant 0 : i32
      %dma_wait3A_82 = tpu.memref_slice %arg17[%add3A_21, %dma_wait3A_81] : memref<10240x128xf32, #tpu.memory_space<vmem_shared>> -> memref<80x128xf32, #tpu.memory_space<vmem_shared>>
      tpu.wait_dma2 semaphore(%run_scoped3A : memref<!tpu.dma_semaphore, #tpu.memory_space<semaphore_mem>>) src(%arg14 : memref<80x128xf32, #tpu.memory_space<vmem>>) dst(%dma_wait3A_82 : memref<80x128xf32, #tpu.memory_space<vmem_shared>>)
      tpu.yield
    }) : () -> ()
    %add3A_22 = arith.constant 480 : i32
    %add3A_23 = arith.addi %mul3A_2, %add3A_22 : i32
    "tpu.region"() ({
      %run_scoped3A = tpu.sem_alloc : memref<!tpu.dma_semaphore, #tpu.memory_space<semaphore_mem>>
      %dma_start3A_75 = arith.constant 0 : i32
      %dma_start3A_76 = tpu.memref_slice %arg17[%add3A_23, %dma_start3A_75] : memref<10240x128xf32, #tpu.memory_space<vmem_shared>> -> memref<80x128xf32, #tpu.memory_space<vmem_shared>>
      %dma_start3A_77 = arith.constant 0 : i32
      %dma_start3A_78 = tpu.memref_slice %arg17[%add3A_23, %dma_start3A_77] : memref<10240x128xf32, #tpu.memory_space<vmem_shared>> -> memref<80x128xf32, #tpu.memory_space<vmem_shared>>
      tpu.enqueue_dma source(%arg14 : memref<80x128xf32, #tpu.memory_space<vmem>>) target(%dma_start3A_78 : memref<80x128xf32, #tpu.memory_space<vmem_shared>>) target_semaphore(%run_scoped3A : memref<!tpu.dma_semaphore, #tpu.memory_space<semaphore_mem>>)
      %dma_wait3A_79 = arith.constant 0 : i32
      %dma_wait3A_80 = tpu.memref_slice %arg17[%add3A_23, %dma_wait3A_79] : memref<10240x128xf32, #tpu.memory_space<vmem_shared>> -> memref<80x128xf32, #tpu.memory_space<vmem_shared>>
      %dma_wait3A_81 = arith.constant 0 : i32
      %dma_wait3A_82 = tpu.memref_slice %arg17[%add3A_23, %dma_wait3A_81] : memref<10240x128xf32, #tpu.memory_space<vmem_shared>> -> memref<80x128xf32, #tpu.memory_space<vmem_shared>>
      tpu.wait_dma2 semaphore(%run_scoped3A : memref<!tpu.dma_semaphore, #tpu.memory_space<semaphore_mem>>) src(%arg14 : memref<80x128xf32, #tpu.memory_space<vmem>>) dst(%dma_wait3A_82 : memref<80x128xf32, #tpu.memory_space<vmem_shared>>)
      tpu.yield
    }) : () -> ()
    %add3A_24 = arith.constant 560 : i32
    %add3A_25 = arith.addi %mul3A_2, %add3A_24 : i32
    "tpu.region"() ({
      %run_scoped3A = tpu.sem_alloc : memref<!tpu.dma_semaphore, #tpu.memory_space<semaphore_mem>>
      %dma_start3A_75 = arith.constant 0 : i32
      %dma_start3A_76 = tpu.memref_slice %arg17[%add3A_25, %dma_start3A_75] : memref<10240x128xf32, #tpu.memory_space<vmem_shared>> -> memref<80x128xf32, #tpu.memory_space<vmem_shared>>
      %dma_start3A_77 = arith.constant 0 : i32
      %dma_start3A_78 = tpu.memref_slice %arg17[%add3A_25, %dma_start3A_77] : memref<10240x128xf32, #tpu.memory_space<vmem_shared>> -> memref<80x128xf32, #tpu.memory_space<vmem_shared>>
      tpu.enqueue_dma source(%arg14 : memref<80x128xf32, #tpu.memory_space<vmem>>) target(%dma_start3A_78 : memref<80x128xf32, #tpu.memory_space<vmem_shared>>) target_semaphore(%run_scoped3A : memref<!tpu.dma_semaphore, #tpu.memory_space<semaphore_mem>>)
      %dma_wait3A_79 = arith.constant 0 : i32
      %dma_wait3A_80 = tpu.memref_slice %arg17[%add3A_25, %dma_wait3A_79] : memref<10240x128xf32, #tpu.memory_space<vmem_shared>> -> memref<80x128xf32, #tpu.memory_space<vmem_shared>>
      %dma_wait3A_81 = arith.constant 0 : i32
      %dma_wait3A_82 = tpu.memref_slice %arg17[%add3A_25, %dma_wait3A_81] : memref<10240x128xf32, #tpu.memory_space<vmem_shared>> -> memref<80x128xf32, #tpu.memory_space<vmem_shared>>
      tpu.wait_dma2 semaphore(%run_scoped3A : memref<!tpu.dma_semaphore, #tpu.memory_space<semaphore_mem>>) src(%arg14 : memref<80x128xf32, #tpu.memory_space<vmem>>) dst(%dma_wait3A_82 : memref<80x128xf32, #tpu.memory_space<vmem_shared>>)
      tpu.yield
    }) : () -> ()
    %barrier3A = arith.constant 0 : index
    tpu.barrier barrier_id(%barrier3A)
    %mul3A_26 = arith.constant 10080 : i32
    %mul3A_27 = arith.muli %add3A, %mul3A_26 : i32
    "tpu.region"() ({
      %run_scoped3A = tpu.sem_alloc : memref<!tpu.dma_semaphore, #tpu.memory_space<semaphore_mem>>
      %dma_start3A_75 = tpu.memref_slice %arg3[%mul3A_27] : memref<322560xi32, #tpu.memory_space<hbm>> -> memref<10080xi32, #tpu.memory_space<hbm>>
      %dma_start3A_76 = tpu.memref_slice %arg3[%mul3A_27] : memref<322560xi32, #tpu.memory_space<hbm>> -> memref<10080xi32, #tpu.memory_space<hbm>>
      tpu.enqueue_dma source(%dma_start3A_76 : memref<10080xi32, #tpu.memory_space<hbm>>) target(%arg7 : memref<10080xi32, #tpu.memory_space<vmem>>) target_semaphore(%run_scoped3A : memref<!tpu.dma_semaphore, #tpu.memory_space<semaphore_mem>>)
      %dma_wait3A_77 = tpu.memref_slice %arg3[%mul3A_27] : memref<322560xi32, #tpu.memory_space<hbm>> -> memref<10080xi32, #tpu.memory_space<hbm>>
      %dma_wait3A_78 = tpu.memref_slice %arg3[%mul3A_27] : memref<322560xi32, #tpu.memory_space<hbm>> -> memref<10080xi32, #tpu.memory_space<hbm>>
      tpu.wait_dma2 semaphore(%run_scoped3A : memref<!tpu.dma_semaphore, #tpu.memory_space<semaphore_mem>>) src(%dma_wait3A_78 : memref<10080xi32, #tpu.memory_space<hbm>>) dst(%arg7 : memref<10080xi32, #tpu.memory_space<vmem>>)
      tpu.yield
    }) : () -> ()
    %add3A_28 = arith.constant 0 : i32
    %add3A_29 = arith.addi %mul3A_4, %add3A_28 : i32
    %mul3A_30 = arith.constant 80 : i32
    %mul3A_31 = arith.muli %add3A_29, %mul3A_30 : i32
    %dma_start3A = tpu.memref_slice %arg4[%mul3A_31] : memref<322560xi32, #tpu.memory_space<hbm>> -> memref<80xi32, #tpu.memory_space<hbm>>
    %dma_start3A_32 = tpu.memref_slice %arg4[%mul3A_31] : memref<322560xi32, #tpu.memory_space<hbm>> -> memref<80xi32, #tpu.memory_space<hbm>>
    tpu.enqueue_dma source(%dma_start3A_32 : memref<80xi32, #tpu.memory_space<hbm>>) target(%arg8 : memref<80xi32, #tpu.memory_space<vmem>>) target_semaphore(%arg18 : memref<!tpu.dma_semaphore, #tpu.memory_space<semaphore_mem>>)
    %add3A_33 = arith.constant 0 : i32
    %add3A_34 = arith.addi %mul3A_4, %add3A_33 : i32
    %mul3A_35 = arith.constant 80 : i32
    %mul3A_36 = arith.muli %add3A_34, %mul3A_35 : i32
    %dma_start3A_37 = tpu.memref_slice %arg5[%mul3A_36] : memref<322560xf32, #tpu.memory_space<hbm>> -> memref<80xf32, #tpu.memory_space<hbm>>
    %dma_start3A_38 = tpu.memref_slice %arg5[%mul3A_36] : memref<322560xf32, #tpu.memory_space<hbm>> -> memref<80xf32, #tpu.memory_space<hbm>>
    tpu.enqueue_dma source(%dma_start3A_38 : memref<80xf32, #tpu.memory_space<hbm>>) target(%arg11 : memref<80xf32, #tpu.memory_space<vmem>>) target_semaphore(%arg18 : memref<!tpu.dma_semaphore, #tpu.memory_space<semaphore_mem>>)
    %dma_start3A_39 = arith.constant 0 : i32
    %dma_start3A_40 = tpu.memref_slice %arg7[%dma_start3A_39] : memref<10080xi32, #tpu.memory_space<vmem>> -> memref<80xi32, #tpu.memory_space<vmem>>
    %dma_start3A_41 = arith.constant 0 : i32
    %dma_start3A_42 = arith.constant 0 : i32
    %dma_start3A_43 = tpu.memref_slice %arg2[%dma_start3A_41, %dma_start3A_42] : memref<10000x128xf32, #tpu.memory_space<hbm>> -> memref<10000x128xf32, #tpu.memory_space<hbm>>
    tpu.enqueue_indirect_dma source(%dma_start3A_43 : memref<10000x128xf32, #tpu.memory_space<hbm>>) target(%arg14 : memref<80x128xf32, #tpu.memory_space<vmem>>) offsets(%dma_start3A_40 : memref<80xi32, #tpu.memory_space<vmem>>) semaphore(%arg18 : memref<!tpu.dma_semaphore, #tpu.memory_space<semaphore_mem>>)
    %add3A_44 = arith.constant 1 : i32
    %add3A_45 = arith.addi %mul3A_4, %add3A_44 : i32
    %mul3A_46 = arith.constant 80 : i32
    %mul3A_47 = arith.muli %add3A_45, %mul3A_46 : i32
    %dma_start3A_48 = tpu.memref_slice %arg4[%mul3A_47] : memref<322560xi32, #tpu.memory_space<hbm>> -> memref<80xi32, #tpu.memory_space<hbm>>
    %dma_start3A_49 = tpu.memref_slice %arg4[%mul3A_47] : memref<322560xi32, #tpu.memory_space<hbm>> -> memref<80xi32, #tpu.memory_space<hbm>>
    tpu.enqueue_dma source(%dma_start3A_49 : memref<80xi32, #tpu.memory_space<hbm>>) target(%arg9 : memref<80xi32, #tpu.memory_space<vmem>>) target_semaphore(%arg19 : memref<!tpu.dma_semaphore, #tpu.memory_space<semaphore_mem>>)
    %add3A_50 = arith.constant 1 : i32
    %add3A_51 = arith.addi %mul3A_4, %add3A_50 : i32
    %mul3A_52 = arith.constant 80 : i32
    %mul3A_53 = arith.muli %add3A_51, %mul3A_52 : i32
    %dma_start3A_54 = tpu.memref_slice %arg5[%mul3A_53] : memref<322560xf32, #tpu.memory_space<hbm>> -> memref<80xf32, #tpu.memory_space<hbm>>
    %dma_start3A_55 = tpu.memref_slice %arg5[%mul3A_53] : memref<322560xf32, #tpu.memory_space<hbm>> -> memref<80xf32, #tpu.memory_space<hbm>>
    tpu.enqueue_dma source(%dma_start3A_55 : memref<80xf32, #tpu.memory_space<hbm>>) target(%arg12 : memref<80xf32, #tpu.memory_space<vmem>>) target_semaphore(%arg19 : memref<!tpu.dma_semaphore, #tpu.memory_space<semaphore_mem>>)
    %dma_start3A_56 = arith.constant 80 : i32
    %dma_start3A_57 = tpu.memref_slice %arg7[%dma_start3A_56] : memref<10080xi32, #tpu.memory_space<vmem>> -> memref<80xi32, #tpu.memory_space<vmem>>
    %dma_start3A_58 = arith.constant 0 : i32
    %dma_start3A_59 = arith.constant 0 : i32
    %dma_start3A_60 = tpu.memref_slice %arg2[%dma_start3A_58, %dma_start3A_59] : memref<10000x128xf32, #tpu.memory_space<hbm>> -> memref<10000x128xf32, #tpu.memory_space<hbm>>
    tpu.enqueue_indirect_dma source(%dma_start3A_60 : memref<10000x128xf32, #tpu.memory_space<hbm>>) target(%arg15 : memref<80x128xf32, #tpu.memory_space<vmem>>) offsets(%dma_start3A_57 : memref<80xi32, #tpu.memory_space<vmem>>) semaphore(%arg19 : memref<!tpu.dma_semaphore, #tpu.memory_space<semaphore_mem>>)
    %scan3A_61 = arith.constant 0 : i32
    %scan3A_62 = arith.constant 42 : i32
    %scan3A_63 = arith.addi %scan3A_61, %scan3A_62 : i32
    %scan3A_64 = arith.constant 1 : i32
    scf.for %scan3A_75 = %scan3A_61 to %scan3A_63 step %scan3A_64  : i32 {
      %mul3A_76 = arith.constant 3 : i32
      %mul3A_77 = arith.muli %scan3A_75, %mul3A_76 : i32
      %add3A_78 = arith.constant 0 : i32
      %add3A_79 = arith.addi %add3A_78, %mul3A_77 : i32
      %add3A_80 = arith.constant 0 : i32
      %add3A_81 = arith.addi %add3A_79, %add3A_80 : i32
      %add3A_82 = arith.addi %mul3A_4, %add3A_81 : i32
      %mul3A_83 = arith.constant 80 : i32
      %mul3A_84 = arith.muli %add3A_82, %mul3A_83 : i32
      %dma_wait3A_85 = tpu.memref_slice %arg4[%mul3A_84] : memref<322560xi32, #tpu.memory_space<hbm>> -> memref<80xi32, #tpu.memory_space<hbm>>
      %dma_wait3A_86 = tpu.memref_slice %arg4[%mul3A_84] : memref<322560xi32, #tpu.memory_space<hbm>> -> memref<80xi32, #tpu.memory_space<hbm>>
      tpu.wait_dma2 semaphore(%arg18 : memref<!tpu.dma_semaphore, #tpu.memory_space<semaphore_mem>>) src(%dma_wait3A_86 : memref<80xi32, #tpu.memory_space<hbm>>) dst(%arg8 : memref<80xi32, #tpu.memory_space<vmem>>)
      %add3A_87 = arith.addi %mul3A_4, %add3A_81 : i32
      %mul3A_88 = arith.constant 80 : i32
      %mul3A_89 = arith.muli %add3A_87, %mul3A_88 : i32
      %dma_wait3A_90 = tpu.memref_slice %arg5[%mul3A_89] : memref<322560xf32, #tpu.memory_space<hbm>> -> memref<80xf32, #tpu.memory_space<hbm>>
      %dma_wait3A_91 = tpu.memref_slice %arg5[%mul3A_89] : memref<322560xf32, #tpu.memory_space<hbm>> -> memref<80xf32, #tpu.memory_space<hbm>>
      tpu.wait_dma2 semaphore(%arg18 : memref<!tpu.dma_semaphore, #tpu.memory_space<semaphore_mem>>) src(%dma_wait3A_91 : memref<80xf32, #tpu.memory_space<hbm>>) dst(%arg11 : memref<80xf32, #tpu.memory_space<vmem>>)
      %mul3A_92 = arith.constant 80 : i32
      %mul3A_93 = arith.muli %add3A_81, %mul3A_92 : i32
      %dma_wait3A_94 = tpu.memref_slice %arg7[%mul3A_93] : memref<10080xi32, #tpu.memory_space<vmem>> -> memref<80xi32, #tpu.memory_space<vmem>>
      %dma_wait3A_95 = arith.constant 0 : i32
      %dma_wait3A_96 = arith.constant 0 : i32
      %dma_wait3A_97 = tpu.memref_slice %arg2[%dma_wait3A_95, %dma_wait3A_96] : memref<10000x128xf32, #tpu.memory_space<hbm>> -> memref<10000x128xf32, #tpu.memory_space<hbm>>
      tpu.wait_indirect_dma semaphore(%arg18 : memref<!tpu.dma_semaphore, #tpu.memory_space<semaphore_mem>>) src(%dma_wait3A_97 : memref<10000x128xf32, #tpu.memory_space<hbm>>) dst(%arg14 : memref<80x128xf32, #tpu.memory_space<vmem>>)
      %parallel_loop3A = arith.constant 0 : i32
      %parallel_loop3A_98 = arith.constant 80 : i32
      %parallel_loop3A_99 = arith.constant 1 : i32
      scf.for %parallel_loop3A_169 = %parallel_loop3A to %parallel_loop3A_98 step %parallel_loop3A_99  : i32 {
        %parallel_loop3A_170 = vector.broadcast %parallel_loop3A_169 : i32 to vector<16xi32>
        %parallel_loop3A_171 = tpu.vector_load_idx %arg11[%parallel_loop3A_170] : memref<80xf32, #tpu.memory_space<vmem>>[vector<16xi32>], vector<16xf32>,
        %parallel_loop3A_172 = arith.index_cast %parallel_loop3A_169 : i32 to index
        %parallel_loop3A_173 = arith.constant 0 : index
        %parallel_loop3A_174 = tpu.vector_load %arg14[%parallel_loop3A_172, %parallel_loop3A_173] {strides = array<i32>} : memref<80x128xf32, #tpu.memory_space<vmem>>, vector<16xf32>,
        %parallel_loop3A_175 = arith.mulf %parallel_loop3A_174, %parallel_loop3A_171 : vector<16xf32>
        %parallel_loop3A_176 = arith.index_cast %parallel_loop3A_169 : i32 to index
        %parallel_loop3A_177 = arith.constant 0 : index
        %parallel_loop3A_178 = tpu.vector_load %arg14[%parallel_loop3A_176, %parallel_loop3A_177] {strides = array<i32>} : memref<80x128xf32, #tpu.memory_space<vmem>>, vector<16xf32>,
        tpu.vector_store %arg14[%parallel_loop3A_176, %parallel_loop3A_177], %parallel_loop3A_175 {strides = array<i32>} : memref<80x128xf32, #tpu.memory_space<vmem>>, vector<16xf32>,
        %parallel_loop3A_179 = arith.index_cast %parallel_loop3A_169 : i32 to index
        %parallel_loop3A_180 = arith.constant 16 : index
        %parallel_loop3A_181 = tpu.vector_load %arg14[%parallel_loop3A_179, %parallel_loop3A_180] {strides = array<i32>} : memref<80x128xf32, #tpu.memory_space<vmem>>, vector<16xf32>,
        %parallel_loop3A_182 = arith.mulf %parallel_loop3A_181, %parallel_loop3A_171 : vector<16xf32>
        %parallel_loop3A_183 = arith.index_cast %parallel_loop3A_169 : i32 to index
        %parallel_loop3A_184 = arith.constant 16 : index
        %parallel_loop3A_185 = tpu.vector_load %arg14[%parallel_loop3A_183, %parallel_loop3A_184] {strides = array<i32>} : memref<80x128xf32, #tpu.memory_space<vmem>>, vector<16xf32>,
        tpu.vector_store %arg14[%parallel_loop3A_183, %parallel_loop3A_184], %parallel_loop3A_182 {strides = array<i32>} : memref<80x128xf32, #tpu.memory_space<vmem>>, vector<16xf32>,
        %parallel_loop3A_186 = arith.index_cast %parallel_loop3A_169 : i32 to index
        %parallel_loop3A_187 = arith.constant 32 : index
        %parallel_loop3A_188 = tpu.vector_load %arg14[%parallel_loop3A_186, %parallel_loop3A_187] {strides = array<i32>} : memref<80x128xf32, #tpu.memory_space<vmem>>, vector<16xf32>,
        %parallel_loop3A_189 = arith.mulf %parallel_loop3A_188, %parallel_loop3A_171 : vector<16xf32>
        %parallel_loop3A_190 = arith.index_cast %parallel_loop3A_169 : i32 to index
        %parallel_loop3A_191 = arith.constant 32 : index
        %parallel_loop3A_192 = tpu.vector_load %arg14[%parallel_loop3A_190, %parallel_loop3A_191] {strides = array<i32>} : memref<80x128xf32, #tpu.memory_space<vmem>>, vector<16xf32>,
        tpu.vector_store %arg14[%parallel_loop3A_190, %parallel_loop3A_191], %parallel_loop3A_189 {strides = array<i32>} : memref<80x128xf32, #tpu.memory_space<vmem>>, vector<16xf32>,
        %parallel_loop3A_193 = arith.index_cast %parallel_loop3A_169 : i32 to index
        %parallel_loop3A_194 = arith.constant 48 : index
        %parallel_loop3A_195 = tpu.vector_load %arg14[%parallel_loop3A_193, %parallel_loop3A_194] {strides = array<i32>} : memref<80x128xf32, #tpu.memory_space<vmem>>, vector<16xf32>,
        %parallel_loop3A_196 = arith.mulf %parallel_loop3A_195, %parallel_loop3A_171 : vector<16xf32>
        %parallel_loop3A_197 = arith.index_cast %parallel_loop3A_169 : i32 to index
        %parallel_loop3A_198 = arith.constant 48 : index
        %parallel_loop3A_199 = tpu.vector_load %arg14[%parallel_loop3A_197, %parallel_loop3A_198] {strides = array<i32>} : memref<80x128xf32, #tpu.memory_space<vmem>>, vector<16xf32>,
        tpu.vector_store %arg14[%parallel_loop3A_197, %parallel_loop3A_198], %parallel_loop3A_196 {strides = array<i32>} : memref<80x128xf32, #tpu.memory_space<vmem>>, vector<16xf32>,
        %parallel_loop3A_200 = arith.index_cast %parallel_loop3A_169 : i32 to index
        %parallel_loop3A_201 = arith.constant 64 : index
        %parallel_loop3A_202 = tpu.vector_load %arg14[%parallel_loop3A_200, %parallel_loop3A_201] {strides = array<i32>} : memref<80x128xf32, #tpu.memory_space<vmem>>, vector<16xf32>,
        %parallel_loop3A_203 = arith.mulf %parallel_loop3A_202, %parallel_loop3A_171 : vector<16xf32>
        %parallel_loop3A_204 = arith.index_cast %parallel_loop3A_169 : i32 to index
        %parallel_loop3A_205 = arith.constant 64 : index
        %parallel_loop3A_206 = tpu.vector_load %arg14[%parallel_loop3A_204, %parallel_loop3A_205] {strides = array<i32>} : memref<80x128xf32, #tpu.memory_space<vmem>>, vector<16xf32>,
        tpu.vector_store %arg14[%parallel_loop3A_204, %parallel_loop3A_205], %parallel_loop3A_203 {strides = array<i32>} : memref<80x128xf32, #tpu.memory_space<vmem>>, vector<16xf32>,
        %parallel_loop3A_207 = arith.index_cast %parallel_loop3A_169 : i32 to index
        %parallel_loop3A_208 = arith.constant 80 : index
        %parallel_loop3A_209 = tpu.vector_load %arg14[%parallel_loop3A_207, %parallel_loop3A_208] {strides = array<i32>} : memref<80x128xf32, #tpu.memory_space<vmem>>, vector<16xf32>,
        %parallel_loop3A_210 = arith.mulf %parallel_loop3A_209, %parallel_loop3A_171 : vector<16xf32>
        %parallel_loop3A_211 = arith.index_cast %parallel_loop3A_169 : i32 to index
        %parallel_loop3A_212 = arith.constant 80 : index
        %parallel_loop3A_213 = tpu.vector_load %arg14[%parallel_loop3A_211, %parallel_loop3A_212] {strides = array<i32>} : memref<80x128xf32, #tpu.memory_space<vmem>>, vector<16xf32>,
        tpu.vector_store %arg14[%parallel_loop3A_211, %parallel_loop3A_212], %parallel_loop3A_210 {strides = array<i32>} : memref<80x128xf32, #tpu.memory_space<vmem>>, vector<16xf32>,
        %parallel_loop3A_214 = arith.index_cast %parallel_loop3A_169 : i32 to index
        %parallel_loop3A_215 = arith.constant 96 : index
        %parallel_loop3A_216 = tpu.vector_load %arg14[%parallel_loop3A_214, %parallel_loop3A_215] {strides = array<i32>} : memref<80x128xf32, #tpu.memory_space<vmem>>, vector<16xf32>,
        %parallel_loop3A_217 = arith.mulf %parallel_loop3A_216, %parallel_loop3A_171 : vector<16xf32>
        %parallel_loop3A_218 = arith.index_cast %parallel_loop3A_169 : i32 to index
        %parallel_loop3A_219 = arith.constant 96 : index
        %parallel_loop3A_220 = tpu.vector_load %arg14[%parallel_loop3A_218, %parallel_loop3A_219] {strides = array<i32>} : memref<80x128xf32, #tpu.memory_space<vmem>>, vector<16xf32>,
        tpu.vector_store %arg14[%parallel_loop3A_218, %parallel_loop3A_219], %parallel_loop3A_217 {strides = array<i32>} : memref<80x128xf32, #tpu.memory_space<vmem>>, vector<16xf32>,
        %parallel_loop3A_221 = arith.index_cast %parallel_loop3A_169 : i32 to index
        %parallel_loop3A_222 = arith.constant 112 : index
        %parallel_loop3A_223 = tpu.vector_load %arg14[%parallel_loop3A_221, %parallel_loop3A_222] {strides = array<i32>} : memref<80x128xf32, #tpu.memory_space<vmem>>, vector<16xf32>,
        %parallel_loop3A_224 = arith.mulf %parallel_loop3A_223, %parallel_loop3A_171 : vector<16xf32>
        %parallel_loop3A_225 = arith.index_cast %parallel_loop3A_169 : i32 to index
        %parallel_loop3A_226 = arith.constant 112 : index
        %parallel_loop3A_227 = tpu.vector_load %arg14[%parallel_loop3A_225, %parallel_loop3A_226] {strides = array<i32>} : memref<80x128xf32, #tpu.memory_space<vmem>>, vector<16xf32>,
        tpu.vector_store %arg14[%parallel_loop3A_225, %parallel_loop3A_226], %parallel_loop3A_224 {strides = array<i32>} : memref<80x128xf32, #tpu.memory_space<vmem>>, vector<16xf32>,
      } {sc.loop_unroll_factor = 4 : i64, sc.parallel_access}
      %dma_start3A_100 = arith.constant 0 : i32
      %dma_start3A_101 = arith.constant 0 : i32
      %dma_start3A_102 = tpu.memref_slice %arg17[%dma_start3A_100, %dma_start3A_101] : memref<10240x128xf32, #tpu.memory_space<vmem_shared>> -> memref<10240x128xf32, #tpu.memory_space<vmem_shared>>
      tpu.enqueue_indirect_dma source(%arg14 : memref<80x128xf32, #tpu.memory_space<vmem>>) target(%dma_start3A_102 : memref<10240x128xf32, #tpu.memory_space<vmem_shared>>) offsets(%arg8 : memref<80xi32, #tpu.memory_space<vmem>>) semaphore(%arg21 : memref<!tpu.dma_semaphore, #tpu.memory_space<semaphore_mem>>) {add = true}
      %add3A_103 = arith.constant 2 : i32
      %add3A_104 = arith.addi %add3A_81, %add3A_103 : i32
      %lt3A = arith.constant 126 : i32
      %lt3A_105 = arith.cmpi slt, %add3A_104, %lt3A : i32
      %convert_element_type3A = arith.extui %lt3A_105 : i1 to i32
      %cond3A = arith.constant 0 : i32
      %cond3A_106 = arith.cmpi ne, %convert_element_type3A, %cond3A : i32
      scf.if %cond3A_106 {
        %ge3A = arith.constant 1 : i32
        %ge3A_169 = arith.cmpi sge, %add3A_81, %ge3A : i32
        %convert_element_type3A_170 = arith.extui %ge3A_169 : i1 to i32
        %cond3A_171 = arith.constant 0 : i32
        %cond3A_172 = arith.cmpi ne, %convert_element_type3A_170, %cond3A_171 : i32
        scf.if %cond3A_172 {
          %dma_wait3A_191 = arith.constant 0 : i32
          %dma_wait3A_192 = arith.constant 0 : i32
          %dma_wait3A_193 = tpu.memref_slice %arg17[%dma_wait3A_191, %dma_wait3A_192] : memref<10240x128xf32, #tpu.memory_space<vmem_shared>> -> memref<10240x128xf32, #tpu.memory_space<vmem_shared>>
          tpu.wait_indirect_dma semaphore(%arg23 : memref<!tpu.dma_semaphore, #tpu.memory_space<semaphore_mem>>) src(%arg16 : memref<80x128xf32, #tpu.memory_space<vmem>>) dst(%dma_wait3A_193 : memref<10240x128xf32, #tpu.memory_space<vmem_shared>>)
        } else {
        }
        %add3A_173 = arith.constant 2 : i32
        %add3A_174 = arith.addi %add3A_81, %add3A_173 : i32
        %add3A_175 = arith.addi %mul3A_4, %add3A_174 : i32
        %mul3A_176 = arith.constant 80 : i32
        %mul3A_177 = arith.muli %add3A_175, %mul3A_176 : i32
        %dma_start3A_178 = tpu.memref_slice %arg4[%mul3A_177] : memref<322560xi32, #tpu.memory_space<hbm>> -> memref<80xi32, #tpu.memory_space<hbm>>
        %dma_start3A_179 = tpu.memref_slice %arg4[%mul3A_177] : memref<322560xi32, #tpu.memory_space<hbm>> -> memref<80xi32, #tpu.memory_space<hbm>>
        tpu.enqueue_dma source(%dma_start3A_179 : memref<80xi32, #tpu.memory_space<hbm>>) target(%arg10 : memref<80xi32, #tpu.memory_space<vmem>>) target_semaphore(%arg20 : memref<!tpu.dma_semaphore, #tpu.memory_space<semaphore_mem>>)
        %add3A_180 = arith.addi %mul3A_4, %add3A_174 : i32
        %mul3A_181 = arith.constant 80 : i32
        %mul3A_182 = arith.muli %add3A_180, %mul3A_181 : i32
        %dma_start3A_183 = tpu.memref_slice %arg5[%mul3A_182] : memref<322560xf32, #tpu.memory_space<hbm>> -> memref<80xf32, #tpu.memory_space<hbm>>
        %dma_start3A_184 = tpu.memref_slice %arg5[%mul3A_182] : memref<322560xf32, #tpu.memory_space<hbm>> -> memref<80xf32, #tpu.memory_space<hbm>>
        tpu.enqueue_dma source(%dma_start3A_184 : memref<80xf32, #tpu.memory_space<hbm>>) target(%arg13 : memref<80xf32, #tpu.memory_space<vmem>>) target_semaphore(%arg20 : memref<!tpu.dma_semaphore, #tpu.memory_space<semaphore_mem>>)
        %mul3A_185 = arith.constant 80 : i32
        %mul3A_186 = arith.muli %add3A_174, %mul3A_185 : i32
        %dma_start3A_187 = tpu.memref_slice %arg7[%mul3A_186] : memref<10080xi32, #tpu.memory_space<vmem>> -> memref<80xi32, #tpu.memory_space<vmem>>
        %dma_start3A_188 = arith.constant 0 : i32
        %dma_start3A_189 = arith.constant 0 : i32
        %dma_start3A_190 = tpu.memref_slice %arg2[%dma_start3A_188, %dma_start3A_189] : memref<10000x128xf32, #tpu.memory_space<hbm>> -> memref<10000x128xf32, #tpu.memory_space<hbm>>
        tpu.enqueue_indirect_dma source(%dma_start3A_190 : memref<10000x128xf32, #tpu.memory_space<hbm>>) target(%arg16 : memref<80x128xf32, #tpu.memory_space<vmem>>) offsets(%dma_start3A_187 : memref<80xi32, #tpu.memory_space<vmem>>) semaphore(%arg20 : memref<!tpu.dma_semaphore, #tpu.memory_space<semaphore_mem>>)
      } else {
      }
      %add3A_107 = arith.constant 1 : i32
      %add3A_108 = arith.addi %add3A_79, %add3A_107 : i32
      %add3A_109 = arith.addi %mul3A_4, %add3A_108 : i32
      %mul3A_110 = arith.constant 80 : i32
      %mul3A_111 = arith.muli %add3A_109, %mul3A_110 : i32
      %dma_wait3A_112 = tpu.memref_slice %arg4[%mul3A_111] : memref<322560xi32, #tpu.memory_space<hbm>> -> memref<80xi32, #tpu.memory_space<hbm>>
      %dma_wait3A_113 = tpu.memref_slice %arg4[%mul3A_111] : memref<322560xi32, #tpu.memory_space<hbm>> -> memref<80xi32, #tpu.memory_space<hbm>>
      tpu.wait_dma2 semaphore(%arg19 : memref<!tpu.dma_semaphore, #tpu.memory_space<semaphore_mem>>) src(%dma_wait3A_113 : memref<80xi32, #tpu.memory_space<hbm>>) dst(%arg9 : memref<80xi32, #tpu.memory_space<vmem>>)
      %add3A_114 = arith.addi %mul3A_4, %add3A_108 : i32
      %mul3A_115 = arith.constant 80 : i32
      %mul3A_116 = arith.muli %add3A_114, %mul3A_115 : i32
      %dma_wait3A_117 = tpu.memref_slice %arg5[%mul3A_116] : memref<322560xf32, #tpu.memory_space<hbm>> -> memref<80xf32, #tpu.memory_space<hbm>>
      %dma_wait3A_118 = tpu.memref_slice %arg5[%mul3A_116] : memref<322560xf32, #tpu.memory_space<hbm>> -> memref<80xf32, #tpu.memory_space<hbm>>
      tpu.wait_dma2 semaphore(%arg19 : memref<!tpu.dma_semaphore, #tpu.memory_space<semaphore_mem>>) src(%dma_wait3A_118 : memref<80xf32, #tpu.memory_space<hbm>>) dst(%arg12 : memref<80xf32, #tpu.memory_space<vmem>>)
      %mul3A_119 = arith.constant 80 : i32
      %mul3A_120 = arith.muli %add3A_108, %mul3A_119 : i32
      %dma_wait3A_121 = tpu.memref_slice %arg7[%mul3A_120] : memref<10080xi32, #tpu.memory_space<vmem>> -> memref<80xi32, #tpu.memory_space<vmem>>
      %dma_wait3A_122 = arith.constant 0 : i32
      %dma_wait3A_123 = arith.constant 0 : i32
      %dma_wait3A_124 = tpu.memref_slice %arg2[%dma_wait3A_122, %dma_wait3A_123] : memref<10000x128xf32, #tpu.memory_space<hbm>> -> memref<10000x128xf32, #tpu.memory_space<hbm>>
      tpu.wait_indirect_dma semaphore(%arg19 : memref<!tpu.dma_semaphore, #tpu.memory_space<semaphore_mem>>) src(%dma_wait3A_124 : memref<10000x128xf32, #tpu.memory_space<hbm>>) dst(%arg15 : memref<80x128xf32, #tpu.memory_space<vmem>>)
      %parallel_loop3A_125 = arith.constant 0 : i32
      %parallel_loop3A_126 = arith.constant 80 : i32
      %parallel_loop3A_127 = arith.constant 1 : i32
      scf.for %parallel_loop3A_169 = %parallel_loop3A_125 to %parallel_loop3A_126 step %parallel_loop3A_127  : i32 {
        %parallel_loop3A_170 = vector.broadcast %parallel_loop3A_169 : i32 to vector<16xi32>
        %parallel_loop3A_171 = tpu.vector_load_idx %arg12[%parallel_loop3A_170] : memref<80xf32, #tpu.memory_space<vmem>>[vector<16xi32>], vector<16xf32>,
        %parallel_loop3A_172 = arith.index_cast %parallel_loop3A_169 : i32 to index
        %parallel_loop3A_173 = arith.constant 0 : index
        %parallel_loop3A_174 = tpu.vector_load %arg15[%parallel_loop3A_172, %parallel_loop3A_173] {strides = array<i32>} : memref<80x128xf32, #tpu.memory_space<vmem>>, vector<16xf32>,
        %parallel_loop3A_175 = arith.mulf %parallel_loop3A_174, %parallel_loop3A_171 : vector<16xf32>
        %parallel_loop3A_176 = arith.index_cast %parallel_loop3A_169 : i32 to index
        %parallel_loop3A_177 = arith.constant 0 : index
        %parallel_loop3A_178 = tpu.vector_load %arg15[%parallel_loop3A_176, %parallel_loop3A_177] {strides = array<i32>} : memref<80x128xf32, #tpu.memory_space<vmem>>, vector<16xf32>,
        tpu.vector_store %arg15[%parallel_loop3A_176, %parallel_loop3A_177], %parallel_loop3A_175 {strides = array<i32>} : memref<80x128xf32, #tpu.memory_space<vmem>>, vector<16xf32>,
        %parallel_loop3A_179 = arith.index_cast %parallel_loop3A_169 : i32 to index
        %parallel_loop3A_180 = arith.constant 16 : index
        %parallel_loop3A_181 = tpu.vector_load %arg15[%parallel_loop3A_179, %parallel_loop3A_180] {strides = array<i32>} : memref<80x128xf32, #tpu.memory_space<vmem>>, vector<16xf32>,
        %parallel_loop3A_182 = arith.mulf %parallel_loop3A_181, %parallel_loop3A_171 : vector<16xf32>
        %parallel_loop3A_183 = arith.index_cast %parallel_loop3A_169 : i32 to index
        %parallel_loop3A_184 = arith.constant 16 : index
        %parallel_loop3A_185 = tpu.vector_load %arg15[%parallel_loop3A_183, %parallel_loop3A_184] {strides = array<i32>} : memref<80x128xf32, #tpu.memory_space<vmem>>, vector<16xf32>,
        tpu.vector_store %arg15[%parallel_loop3A_183, %parallel_loop3A_184], %parallel_loop3A_182 {strides = array<i32>} : memref<80x128xf32, #tpu.memory_space<vmem>>, vector<16xf32>,
        %parallel_loop3A_186 = arith.index_cast %parallel_loop3A_169 : i32 to index
        %parallel_loop3A_187 = arith.constant 32 : index
        %parallel_loop3A_188 = tpu.vector_load %arg15[%parallel_loop3A_186, %parallel_loop3A_187] {strides = array<i32>} : memref<80x128xf32, #tpu.memory_space<vmem>>, vector<16xf32>,
        %parallel_loop3A_189 = arith.mulf %parallel_loop3A_188, %parallel_loop3A_171 : vector<16xf32>
        %parallel_loop3A_190 = arith.index_cast %parallel_loop3A_169 : i32 to index
        %parallel_loop3A_191 = arith.constant 32 : index
        %parallel_loop3A_192 = tpu.vector_load %arg15[%parallel_loop3A_190, %parallel_loop3A_191] {strides = array<i32>} : memref<80x128xf32, #tpu.memory_space<vmem>>, vector<16xf32>,
        tpu.vector_store %arg15[%parallel_loop3A_190, %parallel_loop3A_191], %parallel_loop3A_189 {strides = array<i32>} : memref<80x128xf32, #tpu.memory_space<vmem>>, vector<16xf32>,
        %parallel_loop3A_193 = arith.index_cast %parallel_loop3A_169 : i32 to index
        %parallel_loop3A_194 = arith.constant 48 : index
        %parallel_loop3A_195 = tpu.vector_load %arg15[%parallel_loop3A_193, %parallel_loop3A_194] {strides = array<i32>} : memref<80x128xf32, #tpu.memory_space<vmem>>, vector<16xf32>,
        %parallel_loop3A_196 = arith.mulf %parallel_loop3A_195, %parallel_loop3A_171 : vector<16xf32>
        %parallel_loop3A_197 = arith.index_cast %parallel_loop3A_169 : i32 to index
        %parallel_loop3A_198 = arith.constant 48 : index
        %parallel_loop3A_199 = tpu.vector_load %arg15[%parallel_loop3A_197, %parallel_loop3A_198] {strides = array<i32>} : memref<80x128xf32, #tpu.memory_space<vmem>>, vector<16xf32>,
        tpu.vector_store %arg15[%parallel_loop3A_197, %parallel_loop3A_198], %parallel_loop3A_196 {strides = array<i32>} : memref<80x128xf32, #tpu.memory_space<vmem>>, vector<16xf32>,
        %parallel_loop3A_200 = arith.index_cast %parallel_loop3A_169 : i32 to index
        %parallel_loop3A_201 = arith.constant 64 : index
        %parallel_loop3A_202 = tpu.vector_load %arg15[%parallel_loop3A_200, %parallel_loop3A_201] {strides = array<i32>} : memref<80x128xf32, #tpu.memory_space<vmem>>, vector<16xf32>,
        %parallel_loop3A_203 = arith.mulf %parallel_loop3A_202, %parallel_loop3A_171 : vector<16xf32>
        %parallel_loop3A_204 = arith.index_cast %parallel_loop3A_169 : i32 to index
        %parallel_loop3A_205 = arith.constant 64 : index
        %parallel_loop3A_206 = tpu.vector_load %arg15[%parallel_loop3A_204, %parallel_loop3A_205] {strides = array<i32>} : memref<80x128xf32, #tpu.memory_space<vmem>>, vector<16xf32>,
        tpu.vector_store %arg15[%parallel_loop3A_204, %parallel_loop3A_205], %parallel_loop3A_203 {strides = array<i32>} : memref<80x128xf32, #tpu.memory_space<vmem>>, vector<16xf32>,
        %parallel_loop3A_207 = arith.index_cast %parallel_loop3A_169 : i32 to index
        %parallel_loop3A_208 = arith.constant 80 : index
        %parallel_loop3A_209 = tpu.vector_load %arg15[%parallel_loop3A_207, %parallel_loop3A_208] {strides = array<i32>} : memref<80x128xf32, #tpu.memory_space<vmem>>, vector<16xf32>,
        %parallel_loop3A_210 = arith.mulf %parallel_loop3A_209, %parallel_loop3A_171 : vector<16xf32>
        %parallel_loop3A_211 = arith.index_cast %parallel_loop3A_169 : i32 to index
        %parallel_loop3A_212 = arith.constant 80 : index
        %parallel_loop3A_213 = tpu.vector_load %arg15[%parallel_loop3A_211, %parallel_loop3A_212] {strides = array<i32>} : memref<80x128xf32, #tpu.memory_space<vmem>>, vector<16xf32>,
        tpu.vector_store %arg15[%parallel_loop3A_211, %parallel_loop3A_212], %parallel_loop3A_210 {strides = array<i32>} : memref<80x128xf32, #tpu.memory_space<vmem>>, vector<16xf32>,
        %parallel_loop3A_214 = arith.index_cast %parallel_loop3A_169 : i32 to index
        %parallel_loop3A_215 = arith.constant 96 : index
        %parallel_loop3A_216 = tpu.vector_load %arg15[%parallel_loop3A_214, %parallel_loop3A_215] {strides = array<i32>} : memref<80x128xf32, #tpu.memory_space<vmem>>, vector<16xf32>,
        %parallel_loop3A_217 = arith.mulf %parallel_loop3A_216, %parallel_loop3A_171 : vector<16xf32>
        %parallel_loop3A_218 = arith.index_cast %parallel_loop3A_169 : i32 to index
        %parallel_loop3A_219 = arith.constant 96 : index
        %parallel_loop3A_220 = tpu.vector_load %arg15[%parallel_loop3A_218, %parallel_loop3A_219] {strides = array<i32>} : memref<80x128xf32, #tpu.memory_space<vmem>>, vector<16xf32>,
        tpu.vector_store %arg15[%parallel_loop3A_218, %parallel_loop3A_219], %parallel_loop3A_217 {strides = array<i32>} : memref<80x128xf32, #tpu.memory_space<vmem>>, vector<16xf32>,
        %parallel_loop3A_221 = arith.index_cast %parallel_loop3A_169 : i32 to index
        %parallel_loop3A_222 = arith.constant 112 : index
        %parallel_loop3A_223 = tpu.vector_load %arg15[%parallel_loop3A_221, %parallel_loop3A_222] {strides = array<i32>} : memref<80x128xf32, #tpu.memory_space<vmem>>, vector<16xf32>,
        %parallel_loop3A_224 = arith.mulf %parallel_loop3A_223, %parallel_loop3A_171 : vector<16xf32>
        %parallel_loop3A_225 = arith.index_cast %parallel_loop3A_169 : i32 to index
        %parallel_loop3A_226 = arith.constant 112 : index
        %parallel_loop3A_227 = tpu.vector_load %arg15[%parallel_loop3A_225, %parallel_loop3A_226] {strides = array<i32>} : memref<80x128xf32, #tpu.memory_space<vmem>>, vector<16xf32>,
        tpu.vector_store %arg15[%parallel_loop3A_225, %parallel_loop3A_226], %parallel_loop3A_224 {strides = array<i32>} : memref<80x128xf32, #tpu.memory_space<vmem>>, vector<16xf32>,
      } {sc.loop_unroll_factor = 4 : i64, sc.parallel_access}
      %dma_start3A_128 = arith.constant 0 : i32
      %dma_start3A_129 = arith.constant 0 : i32
      %dma_start3A_130 = tpu.memref_slice %arg17[%dma_start3A_128, %dma_start3A_129] : memref<10240x128xf32, #tpu.memory_space<vmem_shared>> -> memref<10240x128xf32, #tpu.memory_space<vmem_shared>>
      tpu.enqueue_indirect_dma source(%arg15 : memref<80x128xf32, #tpu.memory_space<vmem>>) target(%dma_start3A_130 : memref<10240x128xf32, #tpu.memory_space<vmem_shared>>) offsets(%arg9 : memref<80xi32, #tpu.memory_space<vmem>>) semaphore(%arg22 : memref<!tpu.dma_semaphore, #tpu.memory_space<semaphore_mem>>) {add = true}
      %add3A_131 = arith.constant 2 : i32
      %add3A_132 = arith.addi %add3A_108, %add3A_131 : i32
      %lt3A_133 = arith.constant 126 : i32
      %lt3A_134 = arith.cmpi slt, %add3A_132, %lt3A_133 : i32
      %convert_element_type3A_135 = arith.extui %lt3A_134 : i1 to i32
      %cond3A_136 = arith.constant 0 : i32
      %cond3A_137 = arith.cmpi ne, %convert_element_type3A_135, %cond3A_136 : i32
      scf.if %cond3A_137 {
        %ge3A = arith.constant 1 : i32
        %ge3A_169 = arith.cmpi sge, %add3A_108, %ge3A : i32
        %convert_element_type3A_170 = arith.extui %ge3A_169 : i1 to i32
        %cond3A_171 = arith.constant 0 : i32
        %cond3A_172 = arith.cmpi ne, %convert_element_type3A_170, %cond3A_171 : i32
        scf.if %cond3A_172 {
          %dma_wait3A_191 = arith.constant 0 : i32
          %dma_wait3A_192 = arith.constant 0 : i32
          %dma_wait3A_193 = tpu.memref_slice %arg17[%dma_wait3A_191, %dma_wait3A_192] : memref<10240x128xf32, #tpu.memory_space<vmem_shared>> -> memref<10240x128xf32, #tpu.memory_space<vmem_shared>>
          tpu.wait_indirect_dma semaphore(%arg21 : memref<!tpu.dma_semaphore, #tpu.memory_space<semaphore_mem>>) src(%arg14 : memref<80x128xf32, #tpu.memory_space<vmem>>) dst(%dma_wait3A_193 : memref<10240x128xf32, #tpu.memory_space<vmem_shared>>)
        } else {
        }
        %add3A_173 = arith.constant 2 : i32
        %add3A_174 = arith.addi %add3A_108, %add3A_173 : i32
        %add3A_175 = arith.addi %mul3A_4, %add3A_174 : i32
        %mul3A_176 = arith.constant 80 : i32
        %mul3A_177 = arith.muli %add3A_175, %mul3A_176 : i32
        %dma_start3A_178 = tpu.memref_slice %arg4[%mul3A_177] : memref<322560xi32, #tpu.memory_space<hbm>> -> memref<80xi32, #tpu.memory_space<hbm>>
        %dma_start3A_179 = tpu.memref_slice %arg4[%mul3A_177] : memref<322560xi32, #tpu.memory_space<hbm>> -> memref<80xi32, #tpu.memory_space<hbm>>
        tpu.enqueue_dma source(%dma_start3A_179 : memref<80xi32, #tpu.memory_space<hbm>>) target(%arg8 : memref<80xi32, #tpu.memory_space<vmem>>) target_semaphore(%arg18 : memref<!tpu.dma_semaphore, #tpu.memory_space<semaphore_mem>>)
        %add3A_180 = arith.addi %mul3A_4, %add3A_174 : i32
        %mul3A_181 = arith.constant 80 : i32
        %mul3A_182 = arith.muli %add3A_180, %mul3A_181 : i32
        %dma_start3A_183 = tpu.memref_slice %arg5[%mul3A_182] : memref<322560xf32, #tpu.memory_space<hbm>> -> memref<80xf32, #tpu.memory_space<hbm>>
        %dma_start3A_184 = tpu.memref_slice %arg5[%mul3A_182] : memref<322560xf32, #tpu.memory_space<hbm>> -> memref<80xf32, #tpu.memory_space<hbm>>
        tpu.enqueue_dma source(%dma_start3A_184 : memref<80xf32, #tpu.memory_space<hbm>>) target(%arg11 : memref<80xf32, #tpu.memory_space<vmem>>) target_semaphore(%arg18 : memref<!tpu.dma_semaphore, #tpu.memory_space<semaphore_mem>>)
        %mul3A_185 = arith.constant 80 : i32
        %mul3A_186 = arith.muli %add3A_174, %mul3A_185 : i32
        %dma_start3A_187 = tpu.memref_slice %arg7[%mul3A_186] : memref<10080xi32, #tpu.memory_space<vmem>> -> memref<80xi32, #tpu.memory_space<vmem>>
        %dma_start3A_188 = arith.constant 0 : i32
        %dma_start3A_189 = arith.constant 0 : i32
        %dma_start3A_190 = tpu.memref_slice %arg2[%dma_start3A_188, %dma_start3A_189] : memref<10000x128xf32, #tpu.memory_space<hbm>> -> memref<10000x128xf32, #tpu.memory_space<hbm>>
        tpu.enqueue_indirect_dma source(%dma_start3A_190 : memref<10000x128xf32, #tpu.memory_space<hbm>>) target(%arg14 : memref<80x128xf32, #tpu.memory_space<vmem>>) offsets(%dma_start3A_187 : memref<80xi32, #tpu.memory_space<vmem>>) semaphore(%arg18 : memref<!tpu.dma_semaphore, #tpu.memory_space<semaphore_mem>>)
      } else {
      }
      %add3A_138 = arith.constant 2 : i32
      %add3A_139 = arith.addi %add3A_79, %add3A_138 : i32
      %add3A_140 = arith.addi %mul3A_4, %add3A_139 : i32
      %mul3A_141 = arith.constant 80 : i32
      %mul3A_142 = arith.muli %add3A_140, %mul3A_141 : i32
      %dma_wait3A_143 = tpu.memref_slice %arg4[%mul3A_142] : memref<322560xi32, #tpu.memory_space<hbm>> -> memref<80xi32, #tpu.memory_space<hbm>>
      %dma_wait3A_144 = tpu.memref_slice %arg4[%mul3A_142] : memref<322560xi32, #tpu.memory_space<hbm>> -> memref<80xi32, #tpu.memory_space<hbm>>
      tpu.wait_dma2 semaphore(%arg20 : memref<!tpu.dma_semaphore, #tpu.memory_space<semaphore_mem>>) src(%dma_wait3A_144 : memref<80xi32, #tpu.memory_space<hbm>>) dst(%arg10 : memref<80xi32, #tpu.memory_space<vmem>>)
      %add3A_145 = arith.addi %mul3A_4, %add3A_139 : i32
      %mul3A_146 = arith.constant 80 : i32
      %mul3A_147 = arith.muli %add3A_145, %mul3A_146 : i32
      %dma_wait3A_148 = tpu.memref_slice %arg5[%mul3A_147] : memref<322560xf32, #tpu.memory_space<hbm>> -> memref<80xf32, #tpu.memory_space<hbm>>
      %dma_wait3A_149 = tpu.memref_slice %arg5[%mul3A_147] : memref<322560xf32, #tpu.memory_space<hbm>> -> memref<80xf32, #tpu.memory_space<hbm>>
      tpu.wait_dma2 semaphore(%arg20 : memref<!tpu.dma_semaphore, #tpu.memory_space<semaphore_mem>>) src(%dma_wait3A_149 : memref<80xf32, #tpu.memory_space<hbm>>) dst(%arg13 : memref<80xf32, #tpu.memory_space<vmem>>)
      %mul3A_150 = arith.constant 80 : i32
      %mul3A_151 = arith.muli %add3A_139, %mul3A_150 : i32
      %dma_wait3A_152 = tpu.memref_slice %arg7[%mul3A_151] : memref<10080xi32, #tpu.memory_space<vmem>> -> memref<80xi32, #tpu.memory_space<vmem>>
      %dma_wait3A_153 = arith.constant 0 : i32
      %dma_wait3A_154 = arith.constant 0 : i32
      %dma_wait3A_155 = tpu.memref_slice %arg2[%dma_wait3A_153, %dma_wait3A_154] : memref<10000x128xf32, #tpu.memory_space<hbm>> -> memref<10000x128xf32, #tpu.memory_space<hbm>>
      tpu.wait_indirect_dma semaphore(%arg20 : memref<!tpu.dma_semaphore, #tpu.memory_space<semaphore_mem>>) src(%dma_wait3A_155 : memref<10000x128xf32, #tpu.memory_space<hbm>>) dst(%arg16 : memref<80x128xf32, #tpu.memory_space<vmem>>)
      %parallel_loop3A_156 = arith.constant 0 : i32
      %parallel_loop3A_157 = arith.constant 80 : i32
      %parallel_loop3A_158 = arith.constant 1 : i32
      scf.for %parallel_loop3A_169 = %parallel_loop3A_156 to %parallel_loop3A_157 step %parallel_loop3A_158  : i32 {
        %parallel_loop3A_170 = vector.broadcast %parallel_loop3A_169 : i32 to vector<16xi32>
        %parallel_loop3A_171 = tpu.vector_load_idx %arg13[%parallel_loop3A_170] : memref<80xf32, #tpu.memory_space<vmem>>[vector<16xi32>], vector<16xf32>,
        %parallel_loop3A_172 = arith.index_cast %parallel_loop3A_169 : i32 to index
        %parallel_loop3A_173 = arith.constant 0 : index
        %parallel_loop3A_174 = tpu.vector_load %arg16[%parallel_loop3A_172, %parallel_loop3A_173] {strides = array<i32>} : memref<80x128xf32, #tpu.memory_space<vmem>>, vector<16xf32>,
        %parallel_loop3A_175 = arith.mulf %parallel_loop3A_174, %parallel_loop3A_171 : vector<16xf32>
        %parallel_loop3A_176 = arith.index_cast %parallel_loop3A_169 : i32 to index
        %parallel_loop3A_177 = arith.constant 0 : index
        %parallel_loop3A_178 = tpu.vector_load %arg16[%parallel_loop3A_176, %parallel_loop3A_177] {strides = array<i32>} : memref<80x128xf32, #tpu.memory_space<vmem>>, vector<16xf32>,
        tpu.vector_store %arg16[%parallel_loop3A_176, %parallel_loop3A_177], %parallel_loop3A_175 {strides = array<i32>} : memref<80x128xf32, #tpu.memory_space<vmem>>, vector<16xf32>,
        %parallel_loop3A_179 = arith.index_cast %parallel_loop3A_169 : i32 to index
        %parallel_loop3A_180 = arith.constant 16 : index
        %parallel_loop3A_181 = tpu.vector_load %arg16[%parallel_loop3A_179, %parallel_loop3A_180] {strides = array<i32>} : memref<80x128xf32, #tpu.memory_space<vmem>>, vector<16xf32>,
        %parallel_loop3A_182 = arith.mulf %parallel_loop3A_181, %parallel_loop3A_171 : vector<16xf32>
        %parallel_loop3A_183 = arith.index_cast %parallel_loop3A_169 : i32 to index
        %parallel_loop3A_184 = arith.constant 16 : index
        %parallel_loop3A_185 = tpu.vector_load %arg16[%parallel_loop3A_183, %parallel_loop3A_184] {strides = array<i32>} : memref<80x128xf32, #tpu.memory_space<vmem>>, vector<16xf32>,
        tpu.vector_store %arg16[%parallel_loop3A_183, %parallel_loop3A_184], %parallel_loop3A_182 {strides = array<i32>} : memref<80x128xf32, #tpu.memory_space<vmem>>, vector<16xf32>,
        %parallel_loop3A_186 = arith.index_cast %parallel_loop3A_169 : i32 to index
        %parallel_loop3A_187 = arith.constant 32 : index
        %parallel_loop3A_188 = tpu.vector_load %arg16[%parallel_loop3A_186, %parallel_loop3A_187] {strides = array<i32>} : memref<80x128xf32, #tpu.memory_space<vmem>>, vector<16xf32>,
        %parallel_loop3A_189 = arith.mulf %parallel_loop3A_188, %parallel_loop3A_171 : vector<16xf32>
        %parallel_loop3A_190 = arith.index_cast %parallel_loop3A_169 : i32 to index
        %parallel_loop3A_191 = arith.constant 32 : index
        %parallel_loop3A_192 = tpu.vector_load %arg16[%parallel_loop3A_190, %parallel_loop3A_191] {strides = array<i32>} : memref<80x128xf32, #tpu.memory_space<vmem>>, vector<16xf32>,
        tpu.vector_store %arg16[%parallel_loop3A_190, %parallel_loop3A_191], %parallel_loop3A_189 {strides = array<i32>} : memref<80x128xf32, #tpu.memory_space<vmem>>, vector<16xf32>,
        %parallel_loop3A_193 = arith.index_cast %parallel_loop3A_169 : i32 to index
        %parallel_loop3A_194 = arith.constant 48 : index
        %parallel_loop3A_195 = tpu.vector_load %arg16[%parallel_loop3A_193, %parallel_loop3A_194] {strides = array<i32>} : memref<80x128xf32, #tpu.memory_space<vmem>>, vector<16xf32>,
        %parallel_loop3A_196 = arith.mulf %parallel_loop3A_195, %parallel_loop3A_171 : vector<16xf32>
        %parallel_loop3A_197 = arith.index_cast %parallel_loop3A_169 : i32 to index
        %parallel_loop3A_198 = arith.constant 48 : index
        %parallel_loop3A_199 = tpu.vector_load %arg16[%parallel_loop3A_197, %parallel_loop3A_198] {strides = array<i32>} : memref<80x128xf32, #tpu.memory_space<vmem>>, vector<16xf32>,
        tpu.vector_store %arg16[%parallel_loop3A_197, %parallel_loop3A_198], %parallel_loop3A_196 {strides = array<i32>} : memref<80x128xf32, #tpu.memory_space<vmem>>, vector<16xf32>,
        %parallel_loop3A_200 = arith.index_cast %parallel_loop3A_169 : i32 to index
        %parallel_loop3A_201 = arith.constant 64 : index
        %parallel_loop3A_202 = tpu.vector_load %arg16[%parallel_loop3A_200, %parallel_loop3A_201] {strides = array<i32>} : memref<80x128xf32, #tpu.memory_space<vmem>>, vector<16xf32>,
        %parallel_loop3A_203 = arith.mulf %parallel_loop3A_202, %parallel_loop3A_171 : vector<16xf32>
        %parallel_loop3A_204 = arith.index_cast %parallel_loop3A_169 : i32 to index
        %parallel_loop3A_205 = arith.constant 64 : index
        %parallel_loop3A_206 = tpu.vector_load %arg16[%parallel_loop3A_204, %parallel_loop3A_205] {strides = array<i32>} : memref<80x128xf32, #tpu.memory_space<vmem>>, vector<16xf32>,
        tpu.vector_store %arg16[%parallel_loop3A_204, %parallel_loop3A_205], %parallel_loop3A_203 {strides = array<i32>} : memref<80x128xf32, #tpu.memory_space<vmem>>, vector<16xf32>,
        %parallel_loop3A_207 = arith.index_cast %parallel_loop3A_169 : i32 to index
        %parallel_loop3A_208 = arith.constant 80 : index
        %parallel_loop3A_209 = tpu.vector_load %arg16[%parallel_loop3A_207, %parallel_loop3A_208] {strides = array<i32>} : memref<80x128xf32, #tpu.memory_space<vmem>>, vector<16xf32>,
        %parallel_loop3A_210 = arith.mulf %parallel_loop3A_209, %parallel_loop3A_171 : vector<16xf32>
        %parallel_loop3A_211 = arith.index_cast %parallel_loop3A_169 : i32 to index
        %parallel_loop3A_212 = arith.constant 80 : index
        %parallel_loop3A_213 = tpu.vector_load %arg16[%parallel_loop3A_211, %parallel_loop3A_212] {strides = array<i32>} : memref<80x128xf32, #tpu.memory_space<vmem>>, vector<16xf32>,
        tpu.vector_store %arg16[%parallel_loop3A_211, %parallel_loop3A_212], %parallel_loop3A_210 {strides = array<i32>} : memref<80x128xf32, #tpu.memory_space<vmem>>, vector<16xf32>,
        %parallel_loop3A_214 = arith.index_cast %parallel_loop3A_169 : i32 to index
        %parallel_loop3A_215 = arith.constant 96 : index
        %parallel_loop3A_216 = tpu.vector_load %arg16[%parallel_loop3A_214, %parallel_loop3A_215] {strides = array<i32>} : memref<80x128xf32, #tpu.memory_space<vmem>>, vector<16xf32>,
        %parallel_loop3A_217 = arith.mulf %parallel_loop3A_216, %parallel_loop3A_171 : vector<16xf32>
        %parallel_loop3A_218 = arith.index_cast %parallel_loop3A_169 : i32 to index
        %parallel_loop3A_219 = arith.constant 96 : index
        %parallel_loop3A_220 = tpu.vector_load %arg16[%parallel_loop3A_218, %parallel_loop3A_219] {strides = array<i32>} : memref<80x128xf32, #tpu.memory_space<vmem>>, vector<16xf32>,
        tpu.vector_store %arg16[%parallel_loop3A_218, %parallel_loop3A_219], %parallel_loop3A_217 {strides = array<i32>} : memref<80x128xf32, #tpu.memory_space<vmem>>, vector<16xf32>,
        %parallel_loop3A_221 = arith.index_cast %parallel_loop3A_169 : i32 to index
        %parallel_loop3A_222 = arith.constant 112 : index
        %parallel_loop3A_223 = tpu.vector_load %arg16[%parallel_loop3A_221, %parallel_loop3A_222] {strides = array<i32>} : memref<80x128xf32, #tpu.memory_space<vmem>>, vector<16xf32>,
        %parallel_loop3A_224 = arith.mulf %parallel_loop3A_223, %parallel_loop3A_171 : vector<16xf32>
        %parallel_loop3A_225 = arith.index_cast %parallel_loop3A_169 : i32 to index
        %parallel_loop3A_226 = arith.constant 112 : index
        %parallel_loop3A_227 = tpu.vector_load %arg16[%parallel_loop3A_225, %parallel_loop3A_226] {strides = array<i32>} : memref<80x128xf32, #tpu.memory_space<vmem>>, vector<16xf32>,
        tpu.vector_store %arg16[%parallel_loop3A_225, %parallel_loop3A_226], %parallel_loop3A_224 {strides = array<i32>} : memref<80x128xf32, #tpu.memory_space<vmem>>, vector<16xf32>,
      } {sc.loop_unroll_factor = 4 : i64, sc.parallel_access}
      %dma_start3A_159 = arith.constant 0 : i32
      %dma_start3A_160 = arith.constant 0 : i32
      %dma_start3A_161 = tpu.memref_slice %arg17[%dma_start3A_159, %dma_start3A_160] : memref<10240x128xf32, #tpu.memory_space<vmem_shared>> -> memref<10240x128xf32, #tpu.memory_space<vmem_shared>>
      tpu.enqueue_indirect_dma source(%arg16 : memref<80x128xf32, #tpu.memory_space<vmem>>) target(%dma_start3A_161 : memref<10240x128xf32, #tpu.memory_space<vmem_shared>>) offsets(%arg10 : memref<80xi32, #tpu.memory_space<vmem>>) semaphore(%arg23 : memref<!tpu.dma_semaphore, #tpu.memory_space<semaphore_mem>>) {add = true}
      %add3A_162 = arith.constant 2 : i32
      %add3A_163 = arith.addi %add3A_139, %add3A_162 : i32
      %lt3A_164 = arith.constant 126 : i32
      %lt3A_165 = arith.cmpi slt, %add3A_163, %lt3A_164 : i32
      %convert_element_type3A_166 = arith.extui %lt3A_165 : i1 to i32
      %cond3A_167 = arith.constant 0 : i32
      %cond3A_168 = arith.cmpi ne, %convert_element_type3A_166, %cond3A_167 : i32
      scf.if %cond3A_168 {
        %ge3A = arith.constant 1 : i32
        %ge3A_169 = arith.cmpi sge, %add3A_139, %ge3A : i32
        %convert_element_type3A_170 = arith.extui %ge3A_169 : i1 to i32
        %cond3A_171 = arith.constant 0 : i32
        %cond3A_172 = arith.cmpi ne, %convert_element_type3A_170, %cond3A_171 : i32
        scf.if %cond3A_172 {
          %dma_wait3A_191 = arith.constant 0 : i32
          %dma_wait3A_192 = arith.constant 0 : i32
          %dma_wait3A_193 = tpu.memref_slice %arg17[%dma_wait3A_191, %dma_wait3A_192] : memref<10240x128xf32, #tpu.memory_space<vmem_shared>> -> memref<10240x128xf32, #tpu.memory_space<vmem_shared>>
          tpu.wait_indirect_dma semaphore(%arg22 : memref<!tpu.dma_semaphore, #tpu.memory_space<semaphore_mem>>) src(%arg15 : memref<80x128xf32, #tpu.memory_space<vmem>>) dst(%dma_wait3A_193 : memref<10240x128xf32, #tpu.memory_space<vmem_shared>>)
        } else {
        }
        %add3A_173 = arith.constant 2 : i32
        %add3A_174 = arith.addi %add3A_139, %add3A_173 : i32
        %add3A_175 = arith.addi %mul3A_4, %add3A_174 : i32
        %mul3A_176 = arith.constant 80 : i32
        %mul3A_177 = arith.muli %add3A_175, %mul3A_176 : i32
        %dma_start3A_178 = tpu.memref_slice %arg4[%mul3A_177] : memref<322560xi32, #tpu.memory_space<hbm>> -> memref<80xi32, #tpu.memory_space<hbm>>
        %dma_start3A_179 = tpu.memref_slice %arg4[%mul3A_177] : memref<322560xi32, #tpu.memory_space<hbm>> -> memref<80xi32, #tpu.memory_space<hbm>>
        tpu.enqueue_dma source(%dma_start3A_179 : memref<80xi32, #tpu.memory_space<hbm>>) target(%arg9 : memref<80xi32, #tpu.memory_space<vmem>>) target_semaphore(%arg19 : memref<!tpu.dma_semaphore, #tpu.memory_space<semaphore_mem>>)
        %add3A_180 = arith.addi %mul3A_4, %add3A_174 : i32
        %mul3A_181 = arith.constant 80 : i32
        %mul3A_182 = arith.muli %add3A_180, %mul3A_181 : i32
        %dma_start3A_183 = tpu.memref_slice %arg5[%mul3A_182] : memref<322560xf32, #tpu.memory_space<hbm>> -> memref<80xf32, #tpu.memory_space<hbm>>
        %dma_start3A_184 = tpu.memref_slice %arg5[%mul3A_182] : memref<322560xf32, #tpu.memory_space<hbm>> -> memref<80xf32, #tpu.memory_space<hbm>>
        tpu.enqueue_dma source(%dma_start3A_184 : memref<80xf32, #tpu.memory_space<hbm>>) target(%arg12 : memref<80xf32, #tpu.memory_space<vmem>>) target_semaphore(%arg19 : memref<!tpu.dma_semaphore, #tpu.memory_space<semaphore_mem>>)
        %mul3A_185 = arith.constant 80 : i32
        %mul3A_186 = arith.muli %add3A_174, %mul3A_185 : i32
        %dma_start3A_187 = tpu.memref_slice %arg7[%mul3A_186] : memref<10080xi32, #tpu.memory_space<vmem>> -> memref<80xi32, #tpu.memory_space<vmem>>
        %dma_start3A_188 = arith.constant 0 : i32
        %dma_start3A_189 = arith.constant 0 : i32
        %dma_start3A_190 = tpu.memref_slice %arg2[%dma_start3A_188, %dma_start3A_189] : memref<10000x128xf32, #tpu.memory_space<hbm>> -> memref<10000x128xf32, #tpu.memory_space<hbm>>
        tpu.enqueue_indirect_dma source(%dma_start3A_190 : memref<10000x128xf32, #tpu.memory_space<hbm>>) target(%arg15 : memref<80x128xf32, #tpu.memory_space<vmem>>) offsets(%dma_start3A_187 : memref<80xi32, #tpu.memory_space<vmem>>) semaphore(%arg19 : memref<!tpu.dma_semaphore, #tpu.memory_space<semaphore_mem>>)
      } else {
      }
    }
    %scan3A_65 = arith.constant 42 : i32
    %dma_wait3A = arith.constant 0 : i32
    %dma_wait3A_66 = arith.constant 0 : i32
    %dma_wait3A_67 = tpu.memref_slice %arg17[%dma_wait3A, %dma_wait3A_66] : memref<10240x128xf32, #tpu.memory_space<vmem_shared>> -> memref<10240x128xf32, #tpu.memory_space<vmem_shared>>
    tpu.wait_indirect_dma semaphore(%arg21 : memref<!tpu.dma_semaphore, #tpu.memory_space<semaphore_mem>>) src(%arg14 : memref<80x128xf32, #tpu.memory_space<vmem>>) dst(%dma_wait3A_67 : memref<10240x128xf32, #tpu.memory_space<vmem_shared>>)
    %dma_wait3A_68 = arith.constant 0 : i32
    %dma_wait3A_69 = arith.constant 0 : i32
    %dma_wait3A_70 = tpu.memref_slice %arg17[%dma_wait3A_68, %dma_wait3A_69] : memref<10240x128xf32, #tpu.memory_space<vmem_shared>> -> memref<10240x128xf32, #tpu.memory_space<vmem_shared>>
    tpu.wait_indirect_dma semaphore(%arg22 : memref<!tpu.dma_semaphore, #tpu.memory_space<semaphore_mem>>) src(%arg15 : memref<80x128xf32, #tpu.memory_space<vmem>>) dst(%dma_wait3A_70 : memref<10240x128xf32, #tpu.memory_space<vmem_shared>>)
    %dma_wait3A_71 = arith.constant 0 : i32
    %dma_wait3A_72 = arith.constant 0 : i32
    %dma_wait3A_73 = tpu.memref_slice %arg17[%dma_wait3A_71, %dma_wait3A_72] : memref<10240x128xf32, #tpu.memory_space<vmem_shared>> -> memref<10240x128xf32, #tpu.memory_space<vmem_shared>>
    tpu.wait_indirect_dma semaphore(%arg23 : memref<!tpu.dma_semaphore, #tpu.memory_space<semaphore_mem>>) src(%arg16 : memref<80x128xf32, #tpu.memory_space<vmem>>) dst(%dma_wait3A_73 : memref<10240x128xf32, #tpu.memory_space<vmem_shared>>)
    %barrier3A_74 = arith.constant 0 : index
    tpu.barrier barrier_id(%barrier3A_74)
    "tpu.region"() ({
      %run_scoped3A = tpu.sem_alloc : memref<!tpu.dma_semaphore, #tpu.memory_space<semaphore_mem>>
      %dma_start3A_75 = arith.constant 0 : i32
      %dma_start3A_76 = tpu.memref_slice %arg6[%arg0, %mul3A_2, %dma_start3A_75] : memref<2x10240x128xf32, #tpu.memory_space<hbm>> -> memref<1x640x128xf32, #tpu.memory_space<hbm>>
      %dma_start3A_77 = tpu.memref_squeeze %dma_start3A_76 : memref<1x640x128xf32, #tpu.memory_space<hbm>> -> memref<640x128xf32, #tpu.memory_space<hbm>>
      %dma_start3A_78 = arith.constant 0 : i32
      %dma_start3A_79 = tpu.memref_slice %arg17[%mul3A_2, %dma_start3A_78] : memref<10240x128xf32, #tpu.memory_space<vmem_shared>> -> memref<640x128xf32, #tpu.memory_space<vmem_shared>>
      tpu.enqueue_dma source(%dma_start3A_79 : memref<640x128xf32, #tpu.memory_space<vmem_shared>>) target(%dma_start3A_77 : memref<640x128xf32, #tpu.memory_space<hbm>>) target_semaphore(%run_scoped3A : memref<!tpu.dma_semaphore, #tpu.memory_space<semaphore_mem>>)
      %dma_wait3A_80 = arith.constant 0 : i32
      %dma_wait3A_81 = tpu.memref_slice %arg6[%arg0, %mul3A_2, %dma_wait3A_80] : memref<2x10240x128xf32, #tpu.memory_space<hbm>> -> memref<1x640x128xf32, #tpu.memory_space<hbm>>
      %dma_wait3A_82 = tpu.memref_squeeze %dma_wait3A_81 : memref<1x640x128xf32, #tpu.memory_space<hbm>> -> memref<640x128xf32, #tpu.memory_space<hbm>>
      %dma_wait3A_83 = arith.constant 0 : i32
      %dma_wait3A_84 = tpu.memref_slice %arg17[%mul3A_2, %dma_wait3A_83] : memref<10240x128xf32, #tpu.memory_space<vmem_shared>> -> memref<640x128xf32, #tpu.memory_space<vmem_shared>>
      tpu.wait_dma2 semaphore(%run_scoped3A : memref<!tpu.dma_semaphore, #tpu.memory_space<semaphore_mem>>) src(%dma_wait3A_84 : memref<640x128xf32, #tpu.memory_space<vmem_shared>>) dst(%dma_wait3A_82 : memref<640x128xf32, #tpu.memory_space<hbm>>)
      tpu.yield
    }) : () -> ()
    return
  }
}

module attributes {stable_mosaic.version = 14 : i64} {
  func.func @body(%arg0: i32, %arg1: memref<1000x128xf32, #tpu.memory_space<vmem>>, %arg2: memref<128x128xf32, #tpu.memory_space<vmem>>, %arg3: memref<1x128xf32, #tpu.memory_space<vmem>>, %arg4: memref<128x128xf32, #tpu.memory_space<vmem>>, %arg5: memref<1000x128xf32, #tpu.memory_space<vmem>>, %arg6: memref<1000x128xf32, #tpu.memory_space<vmem>>) attributes {dimension_semantics = [#tpu.dimension_semantics<arbitrary>], iteration_bounds = array<i64: 10>, scalar_prefetch = 0 : i64, scratch_operands = 0 : i64, tpu.core_type = #tpu.core_type<tc>, window_params = [{transform_indices = @transform_0, window_bounds = array<i64: 1000, 128>}, {pipeline_mode = #tpu.pipeline_mode<synchronous>, transform_indices = @transform_1, window_bounds = array<i64: 128, 128>}, {pipeline_mode = #tpu.pipeline_mode<synchronous>, transform_indices = @transform_2, window_bounds = array<i64: 1, 128>}, {pipeline_mode = #tpu.pipeline_mode<synchronous>, transform_indices = @transform_3, window_bounds = array<i64: 128, 128>}, {transform_indices = @transform_4, window_bounds = array<i64: 1000, 128>}, {transform_indices = @transform_5, window_bounds = array<i64: 1000, 128>}]} {
    %get3A = arith.constant 0 : index
    %get3A_0 = arith.constant 0 : index
    %get3A_1 = vector.load %arg1[%get3A, %get3A_0] : memref<1000x128xf32, #tpu.memory_space<vmem>>, vector<1000x128xf32>
    %get3A_2 = arith.constant 0 : index
    %get3A_3 = arith.constant 0 : index
    %get3A_4 = vector.load %arg2[%get3A_2, %get3A_3] : memref<128x128xf32, #tpu.memory_space<vmem>>, vector<128x128xf32>
    %dot_general3A = arith.constant dense<0.000000e+00> : vector<1000x128xf32>
    %dot_general3A_5 = tpu.matmul %get3A_1, %get3A_4, %dot_general3A {dimension_numbers = #tpu.dot_dimension_numbers<[1], [0], [0], [1], [0, 0, 1, 1], [], []>, transpose_lhs_hint = false} : vector<1000x128xf32>, vector<128x128xf32>, vector<1000x128xf32> -> vector<1000x128xf32>
    %get3A_6 = arith.constant 0 : index
    %get3A_7 = arith.constant 0 : index
    %get3A_8 = vector.load %arg3[%get3A_6, %get3A_7] : memref<1x128xf32, #tpu.memory_space<vmem>>, vector<1x128xf32>
    %add3A = vector.broadcast %get3A_8 : vector<1x128xf32> to vector<1000x128xf32>
    %add3A_9 = arith.addf %dot_general3A_5, %add3A : vector<1000x128xf32>
    %max3A = arith.constant 0.000000e+00 : f32
    %max3A_10 = vector.broadcast %max3A : f32 to vector<1000x128xf32>
    %max3A_11 = arith.maximumf %add3A_9, %max3A_10 : vector<1000x128xf32>
    %swap3A = arith.constant 0 : index
    %swap3A_12 = arith.constant 0 : index
    %swap3A_13 = vector.load %arg5[%swap3A, %swap3A_12] : memref<1000x128xf32, #tpu.memory_space<vmem>>, vector<1000x128xf32>
    tpu.vector_store %arg5[%swap3A, %swap3A_12], %max3A_11 {strides = array<i32>} : memref<1000x128xf32, #tpu.memory_space<vmem>>, vector<1000x128xf32>,
    %get3A_14 = arith.constant 0 : index
    %get3A_15 = arith.constant 0 : index
    %get3A_16 = vector.load %arg4[%get3A_14, %get3A_15] : memref<128x128xf32, #tpu.memory_space<vmem>>, vector<128x128xf32>
    %dot_general3A_17 = arith.constant dense<0.000000e+00> : vector<1000x128xf32>
    %dot_general3A_18 = tpu.matmul %max3A_11, %get3A_16, %dot_general3A_17 {dimension_numbers = #tpu.dot_dimension_numbers<[1], [0], [0], [1], [0, 0, 1, 1], [], []>, transpose_lhs_hint = false} : vector<1000x128xf32>, vector<128x128xf32>, vector<1000x128xf32> -> vector<1000x128xf32>
    %swap3A_19 = arith.constant 0 : index
    %swap3A_20 = arith.constant 0 : index
    %swap3A_21 = vector.load %arg6[%swap3A_19, %swap3A_20] : memref<1000x128xf32, #tpu.memory_space<vmem>>, vector<1000x128xf32>
    tpu.vector_store %arg6[%swap3A_19, %swap3A_20], %dot_general3A_18 {strides = array<i32>} : memref<1000x128xf32, #tpu.memory_space<vmem>>, vector<1000x128xf32>,
    return
  }
  func.func @transform_0(%arg0: i32) -> (i32, i32) {
    %c0_i32 = arith.constant 0 : i32
    %c0_i32_0 = arith.constant 0 : i32
    return %arg0, %c0_i32 : i32, i32
  }
  func.func @transform_1(%arg0: i32) -> (i32, i32) {
    %c0_i32 = arith.constant 0 : i32
    %c0_i32_0 = arith.constant 0 : i32
    %c0_i32_1 = arith.constant 0 : i32
    return %c0_i32, %c0_i32_0 : i32, i32
  }
  func.func @transform_2(%arg0: i32) -> (i32, i32) {
    %c0_i32 = arith.constant 0 : i32
    %c0_i32_0 = arith.constant 0 : i32
    %c0_i32_1 = arith.constant 0 : i32
    return %c0_i32, %c0_i32_0 : i32, i32
  }
  func.func @transform_3(%arg0: i32) -> (i32, i32) {
    %c0_i32 = arith.constant 0 : i32
    %c0_i32_0 = arith.constant 0 : i32
    %c0_i32_1 = arith.constant 0 : i32
    return %c0_i32, %c0_i32_0 : i32, i32
  }
  func.func @transform_4(%arg0: i32) -> (i32, i32) {
    %c0_i32 = arith.constant 0 : i32
    %c0_i32_0 = arith.constant 0 : i32
    return %arg0, %c0_i32 : i32, i32
  }
  func.func @transform_5(%arg0: i32) -> (i32, i32) {
    %c0_i32 = arith.constant 0 : i32
    %c0_i32_0 = arith.constant 0 : i32
    return %arg0, %c0_i32 : i32, i32
  }
}

module attributes {stable_mosaic.version = 14 : i64} {
  func.func @body(%arg0: i32, %arg1: memref<1000x128xf32, #tpu.memory_space<vmem>>, %arg2: memref<1x1000x128xf32, #tpu.memory_space<vmem>>, %arg3: memref<1x1000x128xf32, #tpu.memory_space<vmem>>, %arg4: memref<1x128xf32, #tpu.memory_space<vmem>>, %arg5: memref<128x128xf32, #tpu.memory_space<vmem>>, %arg6: memref<1000x128xf32, #tpu.memory_space<vmem>>, %arg7: memref<1000x128xf32, #tpu.memory_space<vmem>>) attributes {dimension_semantics = [#tpu.dimension_semantics<arbitrary>], iteration_bounds = array<i64: 10>, scalar_prefetch = 0 : i64, scratch_operands = 0 : i64, tpu.core_type = #tpu.core_type<tc>, window_params = [{transform_indices = @transform_0, window_bounds = array<i64: 1000, 128>}, {transform_indices = @transform_1, window_bounds = array<i64: 1, 1000, 128>}, {transform_indices = @transform_2, window_bounds = array<i64: 1, 1000, 128>}, {pipeline_mode = #tpu.pipeline_mode<synchronous>, transform_indices = @transform_3, window_bounds = array<i64: 1, 128>}, {pipeline_mode = #tpu.pipeline_mode<synchronous>, transform_indices = @transform_4, window_bounds = array<i64: 128, 128>}, {transform_indices = @transform_5, window_bounds = array<i64: 1000, 128>}, {transform_indices = @transform_6, window_bounds = array<i64: 1000, 128>}]} {
    %get3A = arith.constant 0 : index
    %get3A_0 = arith.constant 0 : index
    %get3A_1 = arith.constant 0 : index
    %get3A_2 = vector.load %arg2[%get3A, %get3A_0, %get3A_1] : memref<1x1000x128xf32, #tpu.memory_space<vmem>>, vector<1x1000x128xf32>
    %get3A_3 = vector.shape_cast %get3A_2 : vector<1x1000x128xf32> to vector<1000x128xf32>
    %get3A_4 = arith.constant 0 : index
    %get3A_5 = arith.constant 0 : index
    %get3A_6 = arith.constant 0 : index
    %get3A_7 = vector.load %arg3[%get3A_4, %get3A_5, %get3A_6] : memref<1x1000x128xf32, #tpu.memory_space<vmem>>, vector<1x1000x128xf32>
    %get3A_8 = vector.shape_cast %get3A_7 : vector<1x1000x128xf32> to vector<1000x128xf32>
    %add3A = arith.addf %get3A_3, %get3A_8 : vector<1000x128xf32>
    %get3A_9 = arith.constant 0 : index
    %get3A_10 = arith.constant 0 : index
    %get3A_11 = vector.load %arg4[%get3A_9, %get3A_10] : memref<1x128xf32, #tpu.memory_space<vmem>>, vector<1x128xf32>
    %add3A_12 = vector.broadcast %get3A_11 : vector<1x128xf32> to vector<1000x128xf32>
    %add3A_13 = arith.addf %add3A, %add3A_12 : vector<1000x128xf32>
    %max3A = arith.constant 0.000000e+00 : f32
    %max3A_14 = vector.broadcast %max3A : f32 to vector<1000x128xf32>
    %max3A_15 = arith.maximumf %add3A_13, %max3A_14 : vector<1000x128xf32>
    %get3A_16 = arith.constant 0 : index
    %get3A_17 = arith.constant 0 : index
    %get3A_18 = vector.load %arg1[%get3A_16, %get3A_17] : memref<1000x128xf32, #tpu.memory_space<vmem>>, vector<1000x128xf32>
    %add3A_19 = arith.addf %get3A_18, %max3A_15 : vector<1000x128xf32>
    %swap3A = arith.constant 0 : index
    %swap3A_20 = arith.constant 0 : index
    %swap3A_21 = vector.load %arg6[%swap3A, %swap3A_20] : memref<1000x128xf32, #tpu.memory_space<vmem>>, vector<1000x128xf32>
    tpu.vector_store %arg6[%swap3A, %swap3A_20], %add3A_19 {strides = array<i32>} : memref<1000x128xf32, #tpu.memory_space<vmem>>, vector<1000x128xf32>,
    %get3A_22 = arith.constant 0 : index
    %get3A_23 = arith.constant 0 : index
    %get3A_24 = vector.load %arg5[%get3A_22, %get3A_23] : memref<128x128xf32, #tpu.memory_space<vmem>>, vector<128x128xf32>
    %dot_general3A = arith.constant dense<0.000000e+00> : vector<1000x128xf32>
    %dot_general3A_25 = tpu.matmul %add3A_19, %get3A_24, %dot_general3A {dimension_numbers = #tpu.dot_dimension_numbers<[1], [0], [0], [1], [0, 0, 1, 1], [], []>, transpose_lhs_hint = false} : vector<1000x128xf32>, vector<128x128xf32>, vector<1000x128xf32> -> vector<1000x128xf32>
    %swap3A_26 = arith.constant 0 : index
    %swap3A_27 = arith.constant 0 : index
    %swap3A_28 = vector.load %arg7[%swap3A_26, %swap3A_27] : memref<1000x128xf32, #tpu.memory_space<vmem>>, vector<1000x128xf32>
    tpu.vector_store %arg7[%swap3A_26, %swap3A_27], %dot_general3A_25 {strides = array<i32>} : memref<1000x128xf32, #tpu.memory_space<vmem>>, vector<1000x128xf32>,
    return
  }
  func.func @transform_0(%arg0: i32) -> (i32, i32) {
    %c0_i32 = arith.constant 0 : i32
    %c0_i32_0 = arith.constant 0 : i32
    return %arg0, %c0_i32 : i32, i32
  }
  func.func @transform_1(%arg0: i32) -> (i32, i32, i32) {
    %c0_i32 = arith.constant 0 : i32
    %c0_i32_0 = arith.constant 0 : i32
    %c0_i32_1 = arith.constant 0 : i32
    return %c0_i32, %arg0, %c0_i32_0 : i32, i32, i32
  }
  func.func @transform_2(%arg0: i32) -> (i32, i32, i32) {
    %c1_i32 = arith.constant 1 : i32
    %c0_i32 = arith.constant 0 : i32
    %c0_i32_0 = arith.constant 0 : i32
    return %c1_i32, %arg0, %c0_i32 : i32, i32, i32
  }
  func.func @transform_3(%arg0: i32) -> (i32, i32) {
    %c0_i32 = arith.constant 0 : i32
    %c0_i32_0 = arith.constant 0 : i32
    %c0_i32_1 = arith.constant 0 : i32
    return %c0_i32, %c0_i32_0 : i32, i32
  }
  func.func @transform_4(%arg0: i32) -> (i32, i32) {
    %c0_i32 = arith.constant 0 : i32
    %c0_i32_0 = arith.constant 0 : i32
    %c0_i32_1 = arith.constant 0 : i32
    return %c0_i32, %c0_i32_0 : i32, i32
  }
  func.func @transform_5(%arg0: i32) -> (i32, i32) {
    %c0_i32 = arith.constant 0 : i32
    %c0_i32_0 = arith.constant 0 : i32
    return %arg0, %c0_i32 : i32, i32
  }
  func.func @transform_6(%arg0: i32) -> (i32, i32) {
    %c0_i32 = arith.constant 0 : i32
    %c0_i32_0 = arith.constant 0 : i32
    return %arg0, %c0_i32 : i32, i32
  }
}

module attributes {stable_mosaic.version = 14 : i64} {
  func.func @body(%arg0: i32, %arg1: memref<1000x128xf32, #tpu.memory_space<vmem>>, %arg2: memref<1x1000x128xf32, #tpu.memory_space<vmem>>, %arg3: memref<1x1000x128xf32, #tpu.memory_space<vmem>>, %arg4: memref<1x128xf32, #tpu.memory_space<vmem>>, %arg5: memref<1000x128xf32, #tpu.memory_space<vmem>>) attributes {dimension_semantics = [#tpu.dimension_semantics<arbitrary>], iteration_bounds = array<i64: 10>, scalar_prefetch = 0 : i64, scratch_operands = 0 : i64, tpu.core_type = #tpu.core_type<tc>, window_params = [{transform_indices = @transform_0, window_bounds = array<i64: 1000, 128>}, {transform_indices = @transform_1, window_bounds = array<i64: 1, 1000, 128>}, {transform_indices = @transform_2, window_bounds = array<i64: 1, 1000, 128>}, {pipeline_mode = #tpu.pipeline_mode<synchronous>, transform_indices = @transform_3, window_bounds = array<i64: 1, 128>}, {transform_indices = @transform_4, window_bounds = array<i64: 1000, 128>}]} {
    %get3A = arith.constant 0 : index
    %get3A_0 = arith.constant 0 : index
    %get3A_1 = arith.constant 0 : index
    %get3A_2 = vector.load %arg2[%get3A, %get3A_0, %get3A_1] : memref<1x1000x128xf32, #tpu.memory_space<vmem>>, vector<1x1000x128xf32>
    %get3A_3 = vector.shape_cast %get3A_2 : vector<1x1000x128xf32> to vector<1000x128xf32>
    %get3A_4 = arith.constant 0 : index
    %get3A_5 = arith.constant 0 : index
    %get3A_6 = arith.constant 0 : index
    %get3A_7 = vector.load %arg3[%get3A_4, %get3A_5, %get3A_6] : memref<1x1000x128xf32, #tpu.memory_space<vmem>>, vector<1x1000x128xf32>
    %get3A_8 = vector.shape_cast %get3A_7 : vector<1x1000x128xf32> to vector<1000x128xf32>
    %add3A = arith.addf %get3A_3, %get3A_8 : vector<1000x128xf32>
    %get3A_9 = arith.constant 0 : index
    %get3A_10 = arith.constant 0 : index
    %get3A_11 = vector.load %arg4[%get3A_9, %get3A_10] : memref<1x128xf32, #tpu.memory_space<vmem>>, vector<1x128xf32>
    %add3A_12 = vector.broadcast %get3A_11 : vector<1x128xf32> to vector<1000x128xf32>
    %add3A_13 = arith.addf %add3A, %add3A_12 : vector<1000x128xf32>
    %max3A = arith.constant 0.000000e+00 : f32
    %max3A_14 = vector.broadcast %max3A : f32 to vector<1000x128xf32>
    %max3A_15 = arith.maximumf %add3A_13, %max3A_14 : vector<1000x128xf32>
    %get3A_16 = arith.constant 0 : index
    %get3A_17 = arith.constant 0 : index
    %get3A_18 = vector.load %arg1[%get3A_16, %get3A_17] : memref<1000x128xf32, #tpu.memory_space<vmem>>, vector<1000x128xf32>
    %add3A_19 = arith.addf %get3A_18, %max3A_15 : vector<1000x128xf32>
    %swap3A = arith.constant 0 : index
    %swap3A_20 = arith.constant 0 : index
    %swap3A_21 = vector.load %arg5[%swap3A, %swap3A_20] : memref<1000x128xf32, #tpu.memory_space<vmem>>, vector<1000x128xf32>
    tpu.vector_store %arg5[%swap3A, %swap3A_20], %add3A_19 {strides = array<i32>} : memref<1000x128xf32, #tpu.memory_space<vmem>>, vector<1000x128xf32>,
    return
  }
  func.func @transform_0(%arg0: i32) -> (i32, i32) {
    %c0_i32 = arith.constant 0 : i32
    %c0_i32_0 = arith.constant 0 : i32
    return %arg0, %c0_i32 : i32, i32
  }
  func.func @transform_1(%arg0: i32) -> (i32, i32, i32) {
    %c0_i32 = arith.constant 0 : i32
    %c0_i32_0 = arith.constant 0 : i32
    %c0_i32_1 = arith.constant 0 : i32
    return %c0_i32, %arg0, %c0_i32_0 : i32, i32, i32
  }
  func.func @transform_2(%arg0: i32) -> (i32, i32, i32) {
    %c1_i32 = arith.constant 1 : i32
    %c0_i32 = arith.constant 0 : i32
    %c0_i32_0 = arith.constant 0 : i32
    return %c1_i32, %arg0, %c0_i32 : i32, i32, i32
  }
  func.func @transform_3(%arg0: i32) -> (i32, i32) {
    %c0_i32 = arith.constant 0 : i32
    %c0_i32_0 = arith.constant 0 : i32
    %c0_i32_1 = arith.constant 0 : i32
    return %c0_i32, %c0_i32_0 : i32, i32
  }
  func.func @transform_4(%arg0: i32) -> (i32, i32) {
    %c0_i32 = arith.constant 0 : i32
    %c0_i32_0 = arith.constant 0 : i32
    return %arg0, %c0_i32 : i32, i32
  }
}

</mosaic_0001>

<sc_bundles>
// kernel: kernel.12.cloned.1.call-start
scs
__scs_entry_jumppad:
0x0: {  	(pc) =	sbr.rel $0x88, $3  }
0x1: {  	(tag) =	ssettag $0x0;
	lr =	simm.s32 $0x1  }
0x2: {  	[smem:$0x3F98] =	sst lr;
	_ =	strace $0xD0000000  }
0x3: {  	_ = 	snop  }
0x4: {  	_ = 	snop  }
0x5: {  	_ = 	snop  }
0x6: {  	_ = 	snop  }
0x7: {  	_ = 	snop  }
__scs_overlays_trampoline_lowered:
0x8: {  	[smem:$0x3FA7] =	sst s0  }
0x9: {  	[smem:$0x3FA8] =	sst s1  }
0xa: {  	[smem:$0x3FA9] =	sst s2  }
0xb: {  	[smem:$0x3FAA] =	sst s3  }
0xc: {  	[smem:$0x3FAB] =	sst s4  }
0xd: {  	[smem:$0x3FAC] =	sst s5  }
0xe: {  	[smem:$0x3FAD] =	sst s6  }
0xf: {  	[smem:$0x3FAE] =	sst s7  }
0x10: {  	[smem:$0x3FAF] =	sst s8  }
0x11: {  	[smem:$0x3FB0] =	sst s9;
	s0 =	simm.s32 @!p0 $0x0  }
0x12: {  	s1 =	sld [smem:$0x3F96];
	s0 =	simm.s32 @p0 $0x1  }
0x13: {  	[smem:$0x3FB1] =	sst s0;
	s0 =	simm.s32 @!p1 $0x0  }
0x14: {  	s2 =	sld [smem:$0x3F95];
	s0 =	simm.s32 @p1 $0x1  }
0x15: {  	[smem:$0x3FB2] =	sst s0;
	s0 =	simm.s32 @!p2 $0x0  }
0x16: {  	s3 =	sld [smem:$0x3FDB];
	s0 =	simm.s32 @p2 $0x1  }
0x17: {  	s4 =	simm.s32 $0x1BF5;
	[smem:$0x3FB4] =	sst s0  }
0x18: {  	s0 =	sld [smem:$0x3F97];
	_ =	swait.ge [sflag:s4], $0x0  }
0x19: {  	s7 =	sld [smem:$0x3F98]  }
0x1a: {  	s8 =	sadd.s32 $0xFFFFE003, lr  }
0x1b: {  	s9 =	sadd.s32 $0xFFFFFEF7, lr;
	s5 =	simm.s32 $0xFFFFFFFF;
	p2 =	slt.u32 s8, $0xFFFFF086  }
0x1c: {  	p1 =	slt.u32 s9, $0xF7A;
	s5 =	simm.s32 @!p2 $0x0  }
0x1d: {  	s5 =	simm.s32 @p1 $0x1;
	p0 =	seq.s32 s7, s2  }
0x1e: {  	s7 =	smul.u32 @!p0 $0xF7A, s2;
	p2 =	seq.s32 @!p0 s5, $0x0  }
0x1f: {  	s9 =	smul.u32 $0xF7A, s1;
	s8 =	simm.s32 @!p0 $0x1BF5;
	p2 =	por !p2, p0  }
0x20: {  	[sflag:s8] =	ssyncset.s32 @!p0 $0xFFFFF086;
	s6 =	sadd.s32 @!p0 s3, s7;
	s7 =	simm.s32 @!p0 $0x108  }
0x21: {  	s3 =	sadd.s32 s3, s9;
	s6 =	sadd.s32 @!p0 $0x88, s6;
	s7 =	simm.s32 @p2 $0x1082  }
0x22: {  	[simem:s7], [sflag:s8] =	dma.local @!p0 [hbm:s6], $0xF7A  }
0x23: {  	s9 =	sor.u32 $0xD0000000, s2;
	s6 =	simm.s32 $0x108;
	_ =	swait.ge @!p0 [sflag:s8], $0x0  }
0x24: {  	s3 =	sadd.s32 $0x88, s3;
	s6 =	simm.s32 @!p1 $0x1082;
	[sflag:s4] =	ssyncset.s32 $0xFFFFF086  }
0x25: {  	[simem:s6], [sflag:s4] =	dma.local [hbm:s3], $0xF7A  }
0x26: {  	[smem:$0x3F98] =	sst s1;
	(tag) =	ssettag s2;
	_ =	strace s9  }
0x27: {  	s1 =	sld [smem:$0x3FA8]  }
0x28: {  	s2 =	sld [smem:$0x3FA9]  }
0x29: {  	s4 =	sld [smem:$0x3FAB]  }
0x2a: {  	p0 =	seq.s32 s5, $0x0;
	s5 =	sld [smem:$0x3FAC]  }
0x2b: {  	s6 =	sld [smem:$0x3FAD]  }
0x2c: {  	s7 =	sld [smem:$0x3FAE]  }
0x2d: {  	s3 =	simm.s32 $0x108;
	s8 =	sld [smem:$0x3FAF]  }
0x2e: {  	s3 =	simm.s32 @!p0 $0x1082;
	s9 =	sld [smem:$0x3FB0]  }
0x2f: {  	lr =	sadd.s32 s0, s3;
	s0 =	sld [smem:$0x3FA7]  }
0x30: {  	s3 =	sld [smem:$0x3FAA]  }
0x31: {  	[smem:$0x3FB3] =	sst s10  }
0x32: {  	s10 =	sld [smem:$0x3FB1];
	_ =	sdelay $0x3  }
0x33: {  	p0 =	seq.s32 s10, $0x1;
	s10 =	sld [smem:$0x3FB3];
	_ =	sdelay $0x3  }
0x34: {  	[smem:$0x3FB3] =	sst s10  }
0x35: {  	s10 =	sld [smem:$0x3FB2];
	_ =	sdelay $0x3  }
0x36: {  	p1 =	seq.s32 s10, $0x1;
	s10 =	sld [smem:$0x3FB3];
	_ =	sdelay $0x3  }
0x37: {  	[smem:$0x3FB3] =	sst s10  }
0x38: {  	s10 =	sld [smem:$0x3FB4]  }
0x39: {  	_ = 	snop;
	(pc) =	sbr.ind lr, $3  }
0x3a: {  	_ = 	snop  }
0x3b: {  	_ = 	snop  }
0x3c: {  	p2 =	seq.s32 s10, $0x1;
	s10 =	sld [smem:$0x3FB3]  }
0x3d: {  	_ =	shalt  }
0x3e: {  	_ =	shalt  }
0x3f: {  	_ =	shalt  }
0x40: {  	_ =	shalt  }
0x41: {  	_ =	shalt  }
0x42: {  	_ =	shalt  }
0x43: {  	_ =	shalt  }
0x44: {  	_ =	shalt  }
0x45: {  	_ =	shalt  }
0x46: {  	_ =	shalt  }
0x47: {  	_ =	shalt  }
0x48: {  	_ =	shalt  }
0x49: {  	_ =	shalt  }
0x4a: {  	_ =	shalt  }
0x4b: {  	_ =	shalt  }
0x4c: {  	_ =	shalt  }
0x4d: {  	_ =	shalt  }
0x4e: {  	_ =	shalt  }
0x4f: {  	_ =	shalt  }
0x50: {  	_ =	shalt  }
0x51: {  	_ =	shalt  }
0x52: {  	_ =	shalt  }
0x53: {  	_ =	shalt  }
0x54: {  	_ =	shalt  }
0x55: {  	_ =	shalt  }
0x56: {  	_ =	shalt  }
0x57: {  	_ =	shalt  }
0x58: {  	_ =	shalt  }
0x59: {  	_ =	shalt  }
0x5a: {  	_ =	shalt  }
0x5b: {  	_ =	shalt  }
0x5c: {  	_ =	shalt  }
0x5d: {  	_ =	shalt  }
0x5e: {  	_ =	shalt  }
0x5f: {  	_ =	shalt  }
0x60: {  	_ =	shalt  }
0x61: {  	_ =	shalt  }
0x62: {  	_ =	shalt  }
0x63: {  	_ =	shalt  }
0x64: {  	_ =	shalt  }
0x65: {  	_ =	shalt  }
0x66: {  	_ =	shalt  }
0x67: {  	_ =	shalt  }
0x68: {  	_ =	shalt  }
0x69: {  	_ =	shalt  }
0x6a: {  	_ =	shalt  }
0x6b: {  	_ =	shalt  }
0x6c: {  	_ =	shalt  }
0x6d: {  	_ =	shalt  }
0x6e: {  	_ =	shalt  }
0x6f: {  	_ =	shalt  }
0x70: {  	_ =	shalt  }
0x71: {  	_ =	shalt  }
0x72: {  	_ =	shalt  }
0x73: {  	_ =	shalt  }
0x74: {  	_ =	shalt  }
0x75: {  	_ =	shalt  }
0x76: {  	_ =	shalt  }
0x77: {  	_ =	shalt  }
0x78: {  	_ =	shalt  }
0x79: {  	_ =	shalt  }
0x7a: {  	_ =	shalt  }
0x7b: {  	_ =	shalt  }
0x7c: {  	_ =	shalt  }
0x7d: {  	_ =	shalt  }
0x7e: {  	_ =	shalt  }
0x7f: {  	_ =	shalt  }
0x80: {  	_ =	shalt  }
0x81: {  	_ =	shalt  }
0x82: {  	_ =	shalt  }
0x83: {  	_ =	shalt  }
0x84: {  	_ =	shalt  }
0x85: {  	_ =	shalt  }
0x86: {  	_ =	shalt  }
0x87: {  	_ =	shalt  }
.Lfunc_end0:
.L_simem_size_0:
called_computation.1_lowered:
.L_overlay_start_0:
0x88: {  	s2 =	sld [smem:$0x3FD9]  }
0x89: {  	s3 =	sld [smem:$0x3FFE];
	_ =	sdelay $0x1  }
0x8a: {  	s1 =	srdreg.scid  }
0x8b: {  	s0 =	sand.u32 $0x1, s1  }
0x8c: {  	s16 =	sshll.u32 s0, $0xA;
	s2 =	sadd.s32 s3, s2  }
0x8d: {  	s2 =	sadd.s32 s2, s16  }
0x8e: {  	[smem:$0x3FBF] =	sst s2  }
0x8f: {  	_ = 	snop  }
0x90: {  	(tm) =	ssettm $0x1  }
0x91: {  	s17 =	sld [smem:$0x3FFB];
	_ =	sdelay $0x3  }
0x92: {  	_ =	strace s17  }
0x93: {  	s2 =	sld [smem:$0x3FFC];
	_ =	sdelay $0x3  }
0x94: {  	_ =	strace s2  }
0x95: {  	s2 =	sld [smem:$0x3FFD];
	_ =	sdelay $0x3  }
0x96: {  	_ =	strace s2  }
0x97: {  	_ =	strace $0x8FFFFFFF  }
0x98: {  	s18 =	sld [smem:$0x3FDB];
	_ =	sdelay $0x1  }
0x99: {  	s19 =	simm.s32 $_scs_section_size  }
0x9a: {  	s4 =	simm.s32 $_size__tile_overlayer_lowered;
	s5 =	simm.s32 $_tile_overlayer_lowered  }
0x9b: {  	s22 =	simm.s32 $0x1BFF;
	s21 =	sshll.u32 s5, $0x1;
	s2 =	sadd.s32 s19, s18  }
0x9c: {  	s6 =	simm.s32 $0x0;
	s20 =	sshll.u32 s4, $0x1;
	s4 =	sadd.s32 s21, s2  }
0x9d: {  	[timem:s6], [sflag:s22] =	dma.local [hbm:s4], s20  }
0x9e: {  	_ =	swait.ge [sflag:s22], s20  }
0x9f: {  	s3 =	ssub.s32 $0x0, s20;
	[sflag:s22] =	ssyncset.done $0x0  }
0xa0: {  	[sflag:s22] =	ssyncadd.s32 s3;
	_ =	sdelay $0x1  }
0xa1: {  	s23 =	simm.s32 $0x1B8B  }
0xa2: {  	_ =	swait.ge [sflag:s23], $0x1  }
0xa3: {  	[sflag:s23] =	ssyncset.done $0x0  }
0xa4: {  	s25 =	simm.s32 $0x1B8E;
	s24 =	sld [smem:$0x3FFE];
	[sflag:s23] =	ssyncadd.s32 $0xFFFFFFFF  }
0xa5: {  	s26 =	simm.s32 $execute0_lowered;
	[smem:$0x3FD2] =	sst s25  }
0xa6: {  	s4 =	sshll.u32 s26, $0x1;
	_ =	strace $0x80000049;
	[dreg:$0x1] =	wrdreg $0xFFFFFFFF  }
0xa7: {  	s28 =	simm.s32 $_size_execute0_lowered;
	s2 =	sadd.s32 s2, s4;
	[dreg:$0x0] =	wrdreg $0x0  }
0xa8: {  	s4 =	sshll.u32 s28, $0x1;
	[dreg:$0x2] =	wrdreg s2  }
0xa9: {  	[dreg:$0x3] =	wrdreg s4  }
0xaa: {  	[dreg:$0x4] =	wrdreg $0xC0  }
0xab: {  	_ =	task [dreg:s6], $0x5FFFF  }
0xac: {  	[dreg:$0x1] =	wrdreg $0xFFFFFFFF  }
0xad: {  	[dreg:$0x0] =	wrdreg $0x60  }
0xae: {  	[dreg:$0x2] =	wrdreg s24  }
0xaf: {  	[dreg:$0x3] =	wrdreg $0x9  }
0xb0: {  	_ =	task.clear_ibuf [dreg:s6], $0x4FFFF;
	_ =	strace $0x90000049  }
0xb1: {  	s29 =	simm.s32 $0x9;
	_ =	strace $0x8000004B  }
0xb2: {  	_ =	swait.ge [sflag:s29], $0x1  }
0xb3: {  	[sflag:s29] =	ssyncadd.s32 $0xFFFFFFFF  }
0xb4: {  	_ =	strace $0x9000004B  }
0xb5: {  	_ =	sfence  }
0xb6: {  	s30 =	sld [smem:$0x0];
	_ =	sdelay $0x2  }
0xb7: {  	s31 =	sshll.u32 s1, $0xD;
	s1 =	sshrl.u32 s1, $0x2  }
0xb8: {  	s3 =	sand.u32 $0x4000, s31;
	s1 =	sadd.s32 s1, s30  }
0xb9: {  	s0 =	sor.u32 s3, s0;
	s1 =	sshll.u32 s1, $0x11  }
0xba: {  	s0 =	sor.u32 s1, s0  }
0xbb: {  	s0 =	sadd.s32 $0x8F2B, s0  }
0xbc: {  	[sflag:s0] =	ssyncadd.remote.s32 $0x1  }
0xbd: {  	_ =	sfence.sel $0xFFFF  }
0xbe: {  	[dreg:$0x0] =	wrdreg $0xFFFFFFFF;
	(pc) =	sbr.abs _section_cstart, $3  }
0xbf: {  	[dreg:$0x1] =	wrdreg $0xFFFFFFFF  }
0xc0: {  	_ =	task.clear_ibuf [dreg:s6], $0x2FFFF;
	_ =	strace $0x9FFFFFFF  }
0xc1: {  	(tm) =	ssettm $0x7FFFFFFF  }
tec
execute0_lowered:
.L_overlay_start_1:
0x0: {  	(tag) =	ssettag $0x1  }
0x1: {  	s0 =	srdreg.scid  }
0x2: {  	s4 =	rddreg [dreg:$0x0];
	s1 =	stileid.u32;
	s2 =	simm.s32 $0x0  }
0x3: {  	s10 =	simm.s32 $0x7800;
	s11 =	simm.s32 $0x9F80;
	s3 =	sand.u32 $0x1, s0  }
0x4: {  	s12 =	simm.s32 $0xC700;
	s13 =	simm.s32 $0x5000;
	s5 =	sshll.u32 s3, $0x4  }
0x5: {  	s14 =	simm.s32 $0xEE80;
	s15 =	simm.s32 $0x0;
	s5 =	sor.u32 s1, s5  }
0x6: {  	[smem:$0x7FF] =	sst s2;
	s6 =	ssub.s32 $0x2, s3;
	s5 =	smul.u32 $0x4EC, s5  }
0x7: {  	s0 =	rddreg [dreg:$0x1];
	_ =	strace $0x8000004A;
	s7 =	sshrl.u32 s6, $0x1  }
0x8: {  	s3 =	sadd.s32 $0x20400, s4;
	s9 =	ssub.s32 s6, s7;
	s8 =	sadd.s32 s5, s4  }
0x9: {  	s4 =	sadd.s32 $0x16600, s8;
	s5 =	sadd.s32 $0xC800, s8;
	s6 =	sadd.s32 $0x2A00, s8  }
0xa: {  	s7 =	sadd.s32 $0x20E00, s8;
	s8 =	smax.u32 s9, $0x1;
	s9 =	simm.s32 $0x1  }
.LBB2_1:
0xb: {  	[tilespmem:s2], [sflag:$0x1] =	stream.linear.gather [hbm4b:s3+s2], $0x5000, $0x38;
	[tilespmem:$0x11600] =	vst v63  }
0xc: {  	_ =	swait.ge [sflag:s9], $0x5000  }
0xd: {  	[sflag:s9] =	ssyncset.done $0x0  }
0xe: {  	[sflag:s9] =	ssyncadd.s32 $0xFFFFB000  }
0xf: {  	[tilespmem:s10], [sflag:$0x1] =	stream.linear.gather [hbm4b:s4+s2], $0x2760, $0x38;
	[tilespmem:$0x11600] =	vst v63  }
0x10: {  	_ =	swait.ge [sflag:s9], $0x2760  }
0x11: {  	[sflag:s9] =	ssyncset.done $0x0  }
0x12: {  	[sflag:s9] =	ssyncadd.s32 $0xFFFFD8A0  }
0x13: {  	[tilespmem:s11], [sflag:$0x1] =	stream.linear.gather [hbm4b:s5+s2], $0x2760, $0x38;
	[tilespmem:$0x11600] =	vst v63  }
0x14: {  	_ =	swait.ge [sflag:s9], $0x2760  }
0x15: {  	[sflag:s9] =	ssyncset.done $0x0  }
0x16: {  	[sflag:s9] =	ssyncadd.s32 $0xFFFFD8A0  }
0x17: {  	[tilespmem:s12], [sflag:$0x1] =	stream.linear.gather [hbm4b:s6+s2], $0x2760, $0x38;
	[tilespmem:$0x11600] =	vst v63  }
0x18: {  	_ =	swait.ge [sflag:s9], $0x2760  }
0x19: {  	s16 =	sand.u32 $0x70, s2;
	s17 =	sand.u32 $0x7F00, s2;
	[sflag:s9] =	ssyncset.done $0x0  }
0x1a: {  	s16 =	sor.u32 s16, s17;
	[sflag:s9] =	ssyncadd.s32 $0xFFFFD8A0  }
0x1b: {  	v0 =	vld [tilespmem:s16+$0x80]  }
0x1c: {  	v1 =	vld [tilespmem:s16+$0x0];
	_ =	sdelay $0x4  }
0x1d: {  	v0 =	vadd.f32 v0, v1;
	_ =	sdelay $0x1  }
0x1e: {  	v1 =	vshra.s32 v0, $0x1;
	v2 =	vmul.f32 $5.000000000e-01, v0  }
0x1f: {  	v1 =	vsub.s32 $0x5F3759DF, v1  }
0x20: {  	v3 =	vmul.f32 v1, v2;
	_ =	sdelay $0x1  }
0x21: {  	v3 =	vmul.f32 v1, v3;
	_ =	sdelay $0x1  }
0x22: {  	v3 =	vsub.f32 $1.500000000e+00, v3;
	_ =	sdelay $0x1  }
0x23: {  	v1 =	vmul.f32 v1, v3;
	_ =	sdelay $0x1  }
0x24: {  	v3 =	vmul.f32 v1, v2;
	_ =	sdelay $0x1  }
0x25: {  	v3 =	vmul.f32 v3, v1;
	_ =	sdelay $0x1  }
0x26: {  	v3 =	vsub.f32 $1.500000000e+00, v3;
	_ =	sdelay $0x1  }
0x27: {  	v1 =	vmul.f32 v3, v1;
	_ =	sdelay $0x1  }
0x28: {  	v2 =	vmul.f32 v1, v2;
	_ =	sdelay $0x1  }
0x29: {  	v2 =	vmul.f32 v2, v1;
	_ =	sdelay $0x1  }
0x2a: {  	v2 =	vsub.f32 $1.500000000e+00, v2;
	_ =	sdelay $0x1  }
0x2b: {  	v1 =	vmul.f32 v2, v1  }
0x2c: {  	s31 =	simm.s32 $0x10;
	s17 =	simm.s32 $0x20;
	vm0 =	vgt.f32 v0, $0.0e+00  }
0x2d: {  	s18 =	sand.u32 $0x7F00, s17;
	s16 =	sand.u32 $0x70, s31;
	v0 =	vnsel vm0, $0x0, v1  }
0x2e: {  	s19 =	sor.u32 s16, s18;
	s18 =	simm.s32 $0x20;
	s16 =	simm.s32 $0x5000;
	[tilespmem:s13+$0x0] =	vst v0  }
.LBB2_2:
0x2f: {  	p0 =	sne.s32 s18, $0x27F0;
	v0 =	vld [tilespmem:s19+$0x80]  }
0x30: {  	v1 =	vld [tilespmem:s19+$0x0];
	_ =	sdelay $0x4  }
0x31: {  	v0 =	vadd.f32 v0, v1;
	_ =	sdelay $0x1  }
0x32: {  	v1 =	vshra.s32 v0, $0x1;
	v2 =	vmul.f32 $5.000000000e-01, v0  }
0x33: {  	v1 =	vsub.s32 $0x5F3759DF, v1  }
0x34: {  	v3 =	vmul.f32 v1, v2;
	_ =	sdelay $0x1  }
0x35: {  	v3 =	vmul.f32 v1, v3;
	_ =	sdelay $0x1  }
0x36: {  	v3 =	vsub.f32 $1.500000000e+00, v3;
	_ =	sdelay $0x1  }
0x37: {  	v1 =	vmul.f32 v1, v3;
	_ =	sdelay $0x1  }
0x38: {  	v3 =	vmul.f32 v1, v2;
	_ =	sdelay $0x1  }
0x39: {  	v3 =	vmul.f32 v3, v1;
	_ =	sdelay $0x1  }
0x3a: {  	v3 =	vsub.f32 $1.500000000e+00, v3;
	_ =	sdelay $0x1  }
0x3b: {  	v1 =	vmul.f32 v3, v1;
	_ =	sdelay $0x1  }
0x3c: {  	v2 =	vmul.f32 v1, v2;
	_ =	sdelay $0x1  }
0x3d: {  	v2 =	vmul.f32 v2, v1;
	_ =	sdelay $0x1  }
0x3e: {  	v2 =	vsub.f32 $1.500000000e+00, v2  }
.Ltmp0:
0x3f: {  	(pc) =	sbr.rel @p0 .LBB2_2-.Ltmp0, $4  }
0x40: {  	v1 =	vmul.f32 v2, v1  }
0x41: {  	s17 =	sadd.s32 $0x20, s17;
	vm0 =	vgt.f32 v0, $0.0e+00  }
0x42: {  	s16 =	sadd.s32 $0x10, s16;
	s19 =	sand.u32 $0x70, s18;
	s20 =	sand.u32 $0x7F00, s17;
	v0 =	vnsel vm0, $0x0, v1  }
0x43: {  	s18 =	sadd.s32 $0x10, s18;
	s19 =	sor.u32 s19, s20;
	[tilespmem:s16+$0x0] =	vst v0  }
0x44: {  	v0 =	vld [tilespmem:s19+$0x80]  }
0x45: {  	v1 =	vld [tilespmem:s19+$0x0];
	_ =	sdelay $0x4  }
0x46: {  	v0 =	vadd.f32 v0, v1;
	_ =	sdelay $0x1  }
0x47: {  	v1 =	vshra.s32 v0, $0x1;
	v2 =	vmul.f32 $5.000000000e-01, v0  }
0x48: {  	v1 =	vsub.s32 $0x5F3759DF, v1  }
0x49: {  	v3 =	vmul.f32 v1, v2;
	_ =	sdelay $0x1  }
0x4a: {  	v3 =	vmul.f32 v1, v3;
	_ =	sdelay $0x1  }
0x4b: {  	v3 =	vsub.f32 $1.500000000e+00, v3;
	_ =	sdelay $0x1  }
0x4c: {  	v1 =	vmul.f32 v1, v3;
	_ =	sdelay $0x1  }
0x4d: {  	v3 =	vmul.f32 v1, v2;
	_ =	sdelay $0x1  }
0x4e: {  	v3 =	vmul.f32 v3, v1;
	_ =	sdelay $0x1  }
0x4f: {  	v3 =	vsub.f32 $1.500000000e+00, v3;
	_ =	sdelay $0x1  }
0x50: {  	v1 =	vmul.f32 v3, v1;
	_ =	sdelay $0x1  }
0x51: {  	v2 =	vmul.f32 v1, v2;
	_ =	sdelay $0x1  }
0x52: {  	v2 =	vmul.f32 v2, v1;
	_ =	sdelay $0x1  }
0x53: {  	v2 =	vsub.f32 $1.500000000e+00, v2;
	_ =	sdelay $0x1  }
0x54: {  	v1 =	vmul.f32 v2, v1  }
0x55: {  	vm0 =	vgt.f32 v0, $0.0e+00  }
0x56: {  	s16 =	sadd.s32 $0x10, s16;
	v0 =	vnsel vm0, $0x0, v1  }
0x57: {  	s29 =	simm.s32 $0x7810;
	[tilespmem:s16+$0x0] =	vst v0  }
0x58: {  	v0 =	vld [tilespmem:s29+$0x0]  }
0x59: {  	s17 =	simm.s32 $0x9F90  }
0x5a: {  	v1 =	vld [tilespmem:s17+$0x0];
	_ =	sdelay $0x1  }
0x5b: {  	v3 =	vld [tilespmem:s29+$0xFFFFFFF0]  }
0x5c: {  	s30 =	simm.s32 $0xC710;
	v4 =	vld [tilespmem:s17+$0xFFFFFFF0]  }
0x5d: {  	s31 =	simm.s32 $0x7830;
	v5 =	vld [tilespmem:s30+$0x0]  }
0x5e: {  	v7 =	vld [tilespmem:s31+$0x0]  }
0x5f: {  	s17 =	simm.s32 $0x9FB0;
	v6 =	vld.idx.msk [tilespmem:v0+s13+$0x0], $0xffff  }
0x60: {  	v2 =	vld [tilespmem:s17+$0xFFFFFFF0]  }
0x61: {  	v8 =	vld.idx.msk [tilespmem:v1+s13+$0x0], $0xffff  }
0x62: {  	v0 =	vld [tilespmem:s17+$0x0]  }
0x63: {  	v1 =	vld [tilespmem:s31+$0xFFFFFFF0]  }
0x64: {  	v3 =	vld.idx.msk [tilespmem:v3+s13+$0x0], $0xffff;
	v5 =	vmul.f32 v5, v6  }
0x65: {  	v6 =	vld [tilespmem:s30+$0xFFFFFFF0]  }
0x66: {  	v4 =	vld.idx.msk [tilespmem:v4+s13+$0x0], $0xffff;
	v8 =	vmul.f32 v5, v8  }
0x67: {  	s18 =	simm.s32 $0xC730;
	s16 =	simm.s32 $0xEE90;
	v7 =	vld.idx.msk [tilespmem:v7+s13+$0x0], $0xffff  }
0x68: {  	s19 =	simm.s32 $0x2;
	s20 =	simm.s32 $0x7850;
	v5 =	vld [tilespmem:s18+$0x0];
	[tilespmem:s16+$0x0] =	vst v8  }
.LBB2_4:
0x69: {  	v8 =	vld [tilespmem:s20+$0x0]  }
0x6a: {  	s19 =	sadd.s32 $0x2, s19;
	v9 =	vld.idx.msk [tilespmem:v0+s13+$0x0], $0xffff;
	v3 =	vmul.f32 v6, v3  }
0x6b: {  	s17 =	sadd.s32 $0x20, s17;
	p0 =	slt.u32 s19, $0x274;
	v10 =	vld [tilespmem:s20+$0xFFFFFFF0]  }
0x6c: {  	v0 =	vld [tilespmem:s17+$0x0];
	v4 =	vmul.f32 v3, v4  }
0x6d: {  	v11 =	vld [tilespmem:s17+$0xFFFFFFF0]  }
.Ltmp1:
0x6e: {  	v5 =	vmul.f32 v5, v7;
	v3 =	vld.idx.msk [tilespmem:v1+s13+$0x0], $0xffff;
	[tilespmem:s16+$0xFFFFFFF0] =	vst v4;
	(pc) =	sbr.rel @p0 .LBB2_4-.Ltmp1, $4  }
0x6f: {  	v6 =	vld [tilespmem:s18+$0xFFFFFFF0]  }
0x70: {  	v9 =	vmul.f32 v5, v9;
	s18 =	sadd.s32 $0x20, s18;
	v4 =	vld.idx.msk [tilespmem:v2+s13+$0x0], $0xffff;
	v1 =	vmov v10  }
0x71: {  	s16 =	sadd.s32 $0x20, s16;
	v5 =	vld [tilespmem:s18+$0x0]  }
0x72: {  	s20 =	sadd.s32 $0x20, s20;
	v7 =	vld.idx.msk [tilespmem:v8+s13+$0x0], $0xffff;
	[tilespmem:s16+$0x0] =	vst v9;
	v2 =	vmov v11  }
0x73: {  	_ =	sdelay $0x3  }
0x74: {  	v1 =	vld.idx.msk [tilespmem:v1+s13+$0x0], $0xffff  }
0x75: {  	v8 =	vld [tilespmem:s18+$0xFFFFFFF0]  }
0x76: {  	v0 =	vld.idx.msk [tilespmem:v0+s13+$0x0], $0xffff  }
0x77: {  	v2 =	vld.idx.msk [tilespmem:v2+s13+$0x0], $0xffff  }
0x78: {  	v3 =	vmul.f32 v6, v3  }
0x79: {  	v5 =	vmul.f32 v5, v7  }
0x7a: {  	v3 =	vmul.f32 v3, v4;
	v1 =	vmul.f32 v8, v1  }
0x7b: {  	v0 =	vmul.f32 v5, v0  }
0x7c: {  	s31 =	sadd.s32 $0x20, s16;
	s15 =	sadd.s32 $0x1, s15;
	[tilespmem:s16+$0xFFFFFFF0] =	vst v3;
	v1 =	vmul.f32 v1, v2  }
0x7d: {  	p0 =	sne.s32 s15, s8;
	[tilespmem:s31+$0x0] =	vst v0  }
.Ltmp2:
0x7e: {  	[tilespmem:s31+$0xFFFFFFF0] =	vst v1;
	(pc) =	sbr.rel @p0 .LBB2_1-.Ltmp2, $4  }
0x7f: {  	[hbm4b:s7+s2] =	stream.linear.scatter [tilespmem:s14], [sflag:$0x1], $0x2760, $0x38;
	[tilespmem:$0x11600] =	vst v63  }
0x80: {  	_ =	swait.ge [sflag:s9], $0x2760  }
0x81: {  	[sflag:s9] =	ssyncset.done $0x0  }
0x82: {  	[sflag:s9] =	ssyncadd.s32 $0xFFFFD8A0  }
0x83: {  	_ =	sfence.sel $0x180000  }
0x84: {  	[bflag:$0x0] =	sbarrier.arrive $0xFFFF  }
0x85: {  	p0 =	sne.s32 s1, $0x0;
	_ =	strace $0x9000004A  }
0x86: {  	s0 =	sadd.s32 @!p0 $0x100000, s0;
	[bflag:$0x2] =	sbarrier.arrive $0xFFFF  }
0x87: {  	[sflag:s0] =	ssyncadd.tile.s32 @!p0 $0x1;
	_ =	shalt  }
.Lfunc_end2:
_tile_overlayer_lowered:
.L_overlay_start_2:
0x88: {  	(tag) =	ssettag $0x2  }
0x89: {  	s0 =	rddreg [dreg:$0x0];
	s2 =	stileid.u32  }
0x8a: {  	s1 =	rddreg [dreg:$0x1];
	p0 =	sne.s32 s2, $0x0  }
0x8b: {  	s3 =	rddreg [dreg:$0x2];
	[bflag:$0x3] =	sbarrier.arrive $0xFFFF;
	s2 =	simm.s32 @!p0 $0x1C01  }
0x8c: {  	[timem:s3], [sflag:s2] =	dma.local @!p0 [hbm:s0], s1  }
0x8d: {  	s0 =	simm.s32 @!p0 $0x1  }
0x8e: {  	_ =	swait.ge @!p0 [sflag:s0], s1  }
0x8f: {  	s1 =	ssub.s32 @!p0 $0x0, s1;
	[sflag:s0] =	ssyncset.done @!p0 $0x0  }
0x90: {  	[sflag:s0] =	ssyncadd.s32 @!p0 s1  }
0x91: {  	[bflag:$0x3] =	sbarrier.arrive $0xFFFF  }
0x92: {  	_ =	shalt  }

// kernel: kernel.15.cloned.1.call-start
scs
__scs_entry_jumppad:
0x0: {  	(pc) =	sbr.rel $0x88, $3  }
0x1: {  	(tag) =	ssettag $0x0;
	lr =	simm.s32 $0x1  }
0x2: {  	[smem:$0x3F98] =	sst lr;
	_ =	strace $0xD0000000  }
0x3: {  	_ = 	snop  }
0x4: {  	_ = 	snop  }
0x5: {  	_ = 	snop  }
0x6: {  	_ = 	snop  }
0x7: {  	_ = 	snop  }
__scs_overlays_trampoline_lowered:
0x8: {  	[smem:$0x3FA7] =	sst s0  }
0x9: {  	[smem:$0x3FA8] =	sst s1  }
0xa: {  	[smem:$0x3FA9] =	sst s2  }
0xb: {  	[smem:$0x3FAA] =	sst s3  }
0xc: {  	[smem:$0x3FAB] =	sst s4  }
0xd: {  	[smem:$0x3FAC] =	sst s5  }
0xe: {  	[smem:$0x3FAD] =	sst s6  }
0xf: {  	[smem:$0x3FAE] =	sst s7  }
0x10: {  	[smem:$0x3FAF] =	sst s8  }
0x11: {  	[smem:$0x3FB0] =	sst s9;
	s0 =	simm.s32 @!p0 $0x0  }
0x12: {  	s1 =	sld [smem:$0x3F96];
	s0 =	simm.s32 @p0 $0x1  }
0x13: {  	[smem:$0x3FB1] =	sst s0;
	s0 =	simm.s32 @!p1 $0x0  }
0x14: {  	s2 =	sld [smem:$0x3F95];
	s0 =	simm.s32 @p1 $0x1  }
0x15: {  	[smem:$0x3FB2] =	sst s0;
	s0 =	simm.s32 @!p2 $0x0  }
0x16: {  	s3 =	sld [smem:$0x3FDB];
	s0 =	simm.s32 @p2 $0x1  }
0x17: {  	s4 =	simm.s32 $0x1BF5;
	[smem:$0x3FB4] =	sst s0  }
0x18: {  	s0 =	sld [smem:$0x3F97];
	_ =	swait.ge [sflag:s4], $0x0  }
0x19: {  	s7 =	sld [smem:$0x3F98]  }
0x1a: {  	s8 =	sadd.s32 $0xFFFFE003, lr  }
0x1b: {  	s9 =	sadd.s32 $0xFFFFFEF7, lr;
	s5 =	simm.s32 $0xFFFFFFFF;
	p2 =	slt.u32 s8, $0xFFFFF086  }
0x1c: {  	p1 =	slt.u32 s9, $0xF7A;
	s5 =	simm.s32 @!p2 $0x0  }
0x1d: {  	s5 =	simm.s32 @p1 $0x1;
	p0 =	seq.s32 s7, s2  }
0x1e: {  	s7 =	smul.u32 @!p0 $0xF7A, s2;
	p2 =	seq.s32 @!p0 s5, $0x0  }
0x1f: {  	s9 =	smul.u32 $0xF7A, s1;
	s8 =	simm.s32 @!p0 $0x1BF5;
	p2 =	por !p2, p0  }
0x20: {  	[sflag:s8] =	ssyncset.s32 @!p0 $0xFFFFF086;
	s6 =	sadd.s32 @!p0 s3, s7;
	s7 =	simm.s32 @!p0 $0x108  }
0x21: {  	s3 =	sadd.s32 s3, s9;
	s6 =	sadd.s32 @!p0 $0x88, s6;
	s7 =	simm.s32 @p2 $0x1082  }
0x22: {  	[simem:s7], [sflag:s8] =	dma.local @!p0 [hbm:s6], $0xF7A  }
0x23: {  	s9 =	sor.u32 $0xD0000000, s2;
	s6 =	simm.s32 $0x108;
	_ =	swait.ge @!p0 [sflag:s8], $0x0  }
0x24: {  	s3 =	sadd.s32 $0x88, s3;
	s6 =	simm.s32 @!p1 $0x1082;
	[sflag:s4] =	ssyncset.s32 $0xFFFFF086  }
0x25: {  	[simem:s6], [sflag:s4] =	dma.local [hbm:s3], $0xF7A  }
0x26: {  	[smem:$0x3F98] =	sst s1;
	(tag) =	ssettag s2;
	_ =	strace s9  }
0x27: {  	s1 =	sld [smem:$0x3FA8]  }
0x28: {  	s2 =	sld [smem:$0x3FA9]  }
0x29: {  	s4 =	sld [smem:$0x3FAB]  }
0x2a: {  	p0 =	seq.s32 s5, $0x0;
	s5 =	sld [smem:$0x3FAC]  }
0x2b: {  	s6 =	sld [smem:$0x3FAD]  }
0x2c: {  	s7 =	sld [smem:$0x3FAE]  }
0x2d: {  	s3 =	simm.s32 $0x108;
	s8 =	sld [smem:$0x3FAF]  }
0x2e: {  	s3 =	simm.s32 @!p0 $0x1082;
	s9 =	sld [smem:$0x3FB0]  }
0x2f: {  	lr =	sadd.s32 s0, s3;
	s0 =	sld [smem:$0x3FA7]  }
0x30: {  	s3 =	sld [smem:$0x3FAA]  }
0x31: {  	[smem:$0x3FB3] =	sst s10  }
0x32: {  	s10 =	sld [smem:$0x3FB1];
	_ =	sdelay $0x3  }
0x33: {  	p0 =	seq.s32 s10, $0x1;
	s10 =	sld [smem:$0x3FB3];
	_ =	sdelay $0x3  }
0x34: {  	[smem:$0x3FB3] =	sst s10  }
0x35: {  	s10 =	sld [smem:$0x3FB2];
	_ =	sdelay $0x3  }
0x36: {  	p1 =	seq.s32 s10, $0x1;
	s10 =	sld [smem:$0x3FB3];
	_ =	sdelay $0x3  }
0x37: {  	[smem:$0x3FB3] =	sst s10  }
0x38: {  	s10 =	sld [smem:$0x3FB4]  }
0x39: {  	_ = 	snop;
	(pc) =	sbr.ind lr, $3  }
0x3a: {  	_ = 	snop  }
0x3b: {  	_ = 	snop  }
0x3c: {  	p2 =	seq.s32 s10, $0x1;
	s10 =	sld [smem:$0x3FB3]  }
0x3d: {  	_ =	shalt  }
0x3e: {  	_ =	shalt  }
0x3f: {  	_ =	shalt  }
0x40: {  	_ =	shalt  }
0x41: {  	_ =	shalt  }
0x42: {  	_ =	shalt  }
0x43: {  	_ =	shalt  }
0x44: {  	_ =	shalt  }
0x45: {  	_ =	shalt  }
0x46: {  	_ =	shalt  }
0x47: {  	_ =	shalt  }
0x48: {  	_ =	shalt  }
0x49: {  	_ =	shalt  }
0x4a: {  	_ =	shalt  }
0x4b: {  	_ =	shalt  }
0x4c: {  	_ =	shalt  }
0x4d: {  	_ =	shalt  }
0x4e: {  	_ =	shalt  }
0x4f: {  	_ =	shalt  }
0x50: {  	_ =	shalt  }
0x51: {  	_ =	shalt  }
0x52: {  	_ =	shalt  }
0x53: {  	_ =	shalt  }
0x54: {  	_ =	shalt  }
0x55: {  	_ =	shalt  }
0x56: {  	_ =	shalt  }
0x57: {  	_ =	shalt  }
0x58: {  	_ =	shalt  }
0x59: {  	_ =	shalt  }
0x5a: {  	_ =	shalt  }
0x5b: {  	_ =	shalt  }
0x5c: {  	_ =	shalt  }
0x5d: {  	_ =	shalt  }
0x5e: {  	_ =	shalt  }
0x5f: {  	_ =	shalt  }
0x60: {  	_ =	shalt  }
0x61: {  	_ =	shalt  }
0x62: {  	_ =	shalt  }
0x63: {  	_ =	shalt  }
0x64: {  	_ =	shalt  }
0x65: {  	_ =	shalt  }
0x66: {  	_ =	shalt  }
0x67: {  	_ =	shalt  }
0x68: {  	_ =	shalt  }
0x69: {  	_ =	shalt  }
0x6a: {  	_ =	shalt  }
0x6b: {  	_ =	shalt  }
0x6c: {  	_ =	shalt  }
0x6d: {  	_ =	shalt  }
0x6e: {  	_ =	shalt  }
0x6f: {  	_ =	shalt  }
0x70: {  	_ =	shalt  }
0x71: {  	_ =	shalt  }
0x72: {  	_ =	shalt  }
0x73: {  	_ =	shalt  }
0x74: {  	_ =	shalt  }
0x75: {  	_ =	shalt  }
0x76: {  	_ =	shalt  }
0x77: {  	_ =	shalt  }
0x78: {  	_ =	shalt  }
0x79: {  	_ =	shalt  }
0x7a: {  	_ =	shalt  }
0x7b: {  	_ =	shalt  }
0x7c: {  	_ =	shalt  }
0x7d: {  	_ =	shalt  }
0x7e: {  	_ =	shalt  }
0x7f: {  	_ =	shalt  }
0x80: {  	_ =	shalt  }
0x81: {  	_ =	shalt  }
0x82: {  	_ =	shalt  }
0x83: {  	_ =	shalt  }
0x84: {  	_ =	shalt  }
0x85: {  	_ =	shalt  }
0x86: {  	_ =	shalt  }
0x87: {  	_ =	shalt  }
.Lfunc_end0:
.L_simem_size_0:
called_computation.2_lowered:
.L_overlay_start_0:
0x88: {  	s2 =	sld [smem:$0x3FD9]  }
0x89: {  	s3 =	sld [smem:$0x3FFE];
	_ =	sdelay $0x1  }
0x8a: {  	s1 =	srdreg.scid  }
0x8b: {  	s0 =	sand.u32 $0x1, s1  }
0x8c: {  	s17 =	sshll.u32 s0, $0xA;
	s2 =	sadd.s32 s3, s2  }
0x8d: {  	s2 =	sadd.s32 s2, s17  }
0x8e: {  	[smem:$0x3FBF] =	sst s2  }
0x8f: {  	_ = 	snop  }
0x90: {  	s2 =	sld [smem:$0x3FD0];
	(tm) =	ssettm $0x1  }
0x91: {  	s18 =	sld [smem:$0x3FFB];
	_ =	sdelay $0x3  }
0x92: {  	_ =	strace s18  }
0x93: {  	s3 =	sld [smem:$0x3FFC];
	_ =	sdelay $0x3  }
0x94: {  	_ =	strace s3  }
0x95: {  	s3 =	sld [smem:$0x3FFD];
	_ =	sdelay $0x3  }
0x96: {  	_ =	strace s3  }
0x97: {  	_ =	strace $0x8FFFFFFF  }
0x98: {  	s19 =	sld [smem:$0x3FDB];
	_ =	sdelay $0x1  }
0x99: {  	s4 =	simm.s32 $_scs_section_size  }
0x9a: {  	s5 =	simm.s32 $_size__tile_overlayer_lowered;
	s6 =	simm.s32 $_tile_overlayer_lowered  }
0x9b: {  	s22 =	simm.s32 $0x1BFF;
	s21 =	sshll.u32 s6, $0x1;
	s3 =	sadd.s32 s4, s19  }
0x9c: {  	s7 =	simm.s32 $0x0;
	s20 =	sshll.u32 s5, $0x1;
	s5 =	sadd.s32 s21, s3  }
0x9d: {  	[timem:s7], [sflag:s22] =	dma.local [hbm:s5], s20  }
0x9e: {  	_ =	swait.ge [sflag:s22], s20  }
0x9f: {  	s4 =	ssub.s32 $0x0, s20;
	[sflag:s22] =	ssyncset.done $0x0  }
0xa0: {  	[sflag:s22] =	ssyncadd.s32 s4;
	_ =	sdelay $0x1  }
0xa1: {  	s23 =	simm.s32 $0x1B8B  }
0xa2: {  	_ =	swait.ge [sflag:s23], $0x1  }
0xa3: {  	[sflag:s23] =	ssyncset.done $0x0  }
0xa4: {  	s25 =	simm.s32 $0x1B8E;
	s24 =	sld [smem:$0x3FFE];
	[sflag:s23] =	ssyncadd.s32 $0xFFFFFFFF  }
0xa5: {  	s26 =	simm.s32 $execute0_lowered;
	[smem:$0x3FD2] =	sst s25  }
0xa6: {  	s5 =	sshll.u32 s26, $0x1;
	_ =	strace $0x8000004C;
	[dreg:$0x1] =	wrdreg $0xFFFFFFFF  }
0xa7: {  	s28 =	simm.s32 $_size_execute0_lowered;
	s3 =	sadd.s32 s3, s5;
	[dreg:$0x0] =	wrdreg $0x0  }
0xa8: {  	s5 =	sshll.u32 s28, $0x1;
	[dreg:$0x2] =	wrdreg s3  }
0xa9: {  	[dreg:$0x3] =	wrdreg s5  }
0xaa: {  	[dreg:$0x4] =	wrdreg $0xC0  }
0xab: {  	_ =	task [dreg:s7], $0x5FFFF  }
0xac: {  	[dreg:$0x1] =	wrdreg $0xFFFFFFFF  }
0xad: {  	[dreg:$0x0] =	wrdreg $0x60  }
0xae: {  	[dreg:$0x2] =	wrdreg s2  }
0xaf: {  	[dreg:$0x3] =	wrdreg s24  }
0xb0: {  	[dreg:$0x4] =	wrdreg $0xA2800  }
0xb1: {  	[dreg:$0x5] =	wrdreg $0x9  }
0xb2: {  	_ =	task.clear_ibuf [dreg:s7], $0x6FFFF;
	_ =	strace $0x9000004C  }
0xb3: {  	s29 =	simm.s32 $0x9;
	_ =	strace $0x8000004E  }
0xb4: {  	_ =	swait.ge [sflag:s29], $0x1  }
0xb5: {  	[sflag:s29] =	ssyncadd.s32 $0xFFFFFFFF  }
0xb6: {  	_ =	strace $0x9000004E  }
0xb7: {  	_ =	sfence  }
0xb8: {  	s30 =	sld [smem:$0x0];
	_ =	sdelay $0x2  }
0xb9: {  	s31 =	sshll.u32 s1, $0xD;
	s1 =	sshrl.u32 s1, $0x2  }
0xba: {  	s3 =	sand.u32 $0x4000, s31;
	s1 =	sadd.s32 s1, s30  }
0xbb: {  	s0 =	sor.u32 s3, s0;
	s1 =	sshll.u32 s1, $0x11  }
0xbc: {  	s0 =	sor.u32 s1, s0  }
0xbd: {  	s0 =	sadd.s32 $0x8F2B, s0  }
0xbe: {  	[sflag:s0] =	ssyncadd.remote.s32 $0x1  }
0xbf: {  	_ =	sfence.sel $0xFFFF  }
0xc0: {  	[dreg:$0x0] =	wrdreg $0xFFFFFFFF;
	(pc) =	sbr.abs _section_cstart, $3  }
0xc1: {  	[dreg:$0x1] =	wrdreg $0xFFFFFFFF  }
0xc2: {  	_ =	task.clear_ibuf [dreg:s7], $0x2FFFF;
	_ =	strace $0x9FFFFFFF  }
0xc3: {  	(tm) =	ssettm $0x7FFFFFFF  }
tec
execute0_lowered:
.L_overlay_start_1:
0x0: {  	(tag) =	ssettag $0x1  }
0x1: {  	s1 =	rddreg [dreg:$0x0]  }
0x2: {  	s0 =	srdreg.scid;
	s7 =	rddreg [dreg:$0x1]  }
0x3: {  	s11 =	stileid.u32;
	s3 =	rddreg [dreg:$0x2];
	s4 =	simm.s32 $0x0  }
0x4: {  	s28 =	simm.s32 $0x50;
	s29 =	simm.s32 $0x2800;
	s30 =	simm.s32 $0x2980  }
0x5: {  	s31 =	simm.s32 $0x5280;
	s14 =	simm.s32 $0x5;
	s0 =	sand.u32 $0x1, s0  }
0x6: {  	[smem:$0x7FF] =	sst s4;
	s6 =	smul.u32 $0x14000, s11;
	s2 =	sshll.u32 s0, $0x4  }
0x7: {  	s5 =	smul.u32 $0x140000, s0;
	_ =	strace $0x8000004D;
	s0 =	ssub.s32 $0x2, s0  }
0x8: {  	s2 =	sor.u32 s11, s2;
	s11 =	smul.u32 $0x50000, s11;
	s16 =	sshrl.u32 s0, $0x1  }
0x9: {  	s9 =	smul.u32 $0x4EC, s2;
	s8 =	sadd.s32 s6, s5;
	s5 =	sadd.s32 $0xC800, s7  }
0xa: {  	s6 =	sadd.s32 $0x20E00, s7;
	s0 =	ssub.s32 s0, s16;
	s8 =	sshrl.u32 s8, $0x3  }
0xb: {  	s15 =	sshrl.u32 s11, $0x2;
	s0 =	smax.u32 s0, $0x1;
	s10 =	sadd.s32 s9, s7  }
0xc: {  	s12 =	sadd.s32 s8, s7;
	s24 =	sadd.s32 s5, s9;
	[dreg:$0x11] =	wrdreg s0  }
0xd: {  	s8 =	sadd.s32 s15, s3;
	s9 =	sadd.s32 s6, s9;
	[dreg:$0xc] =	wrdreg s24  }
0xe: {  	s16 =	simm.s32 $0x0;
	s17 =	sadd.s32 $0x2800, s8;
	[dreg:$0xd] =	wrdreg s9  }
0xf: {  	s11 =	simm.s32 $0x2;
	s18 =	sadd.s32 $0x5000, s8;
	[dreg:$0x4] =	wrdreg s17  }
0x10: {  	s7 =	smul.u32 $0x7E, s2;
	s19 =	sadd.s32 $0x7800, s8;
	[dreg:$0x5] =	wrdreg s18  }
0x11: {  	s2 =	smul.u32 $0x2760, s2;
	s20 =	sadd.s32 $0xA000, s8;
	[dreg:$0x6] =	wrdreg s19  }
0x12: {  	s0 =	simm.s32 $0x2880;
	s21 =	sadd.s32 $0xC800, s8;
	[dreg:$0x7] =	wrdreg s20  }
0x13: {  	s22 =	sadd.s32 $0xF000, s8;
	s23 =	sadd.s32 $0x11800, s8;
	[dreg:$0x8] =	wrdreg s21  }
0x14: {  	s10 =	sadd.s32 $0x16600, s10;
	s26 =	sadd.s32 $0x2AC00, s12;
	[dreg:$0x9] =	wrdreg s22  }
0x15: {  	s24 =	simm.s32 $0x7;
	s9 =	simm.s32 $0x2A00;
	[dreg:$0xa] =	wrdreg s23  }
.Ltmp0:
0x16: {  	s2 =	sshrl.u32 s2, $0x3;
	[dreg:$0xb] =	wrdreg s10;
	(pc) =	sbr.rel .LBB2_1-.Ltmp0, $4  }
0x17: {  	s12 =	simm.s32 $0x3;
	[dreg:$0x10] =	wrdreg s26;
	s2 =	sadd.s32 $0xA, s2  }
0x18: {  	s23 =	simm.s32 $0x2A80;
	s26 =	simm.s32 $0x2900;
	s25 =	sadd.s32 s5, s2  }
0x19: {  	s10 =	simm.s32 $0x7A80;
	s2 =	sadd.s32 s6, s2;
	[dreg:$0xe] =	wrdreg s25  }
0x1a: {  	v0 =	vimm.f32 $0.0e+00;
	[dreg:$0xf] =	wrdreg s2;
	s25 =	simm.s32 $0x2780;
	s2 =	simm.s32 $0x1  }
.LBB2_12:
0x1b: {  	s13 =	simm.s32 $0x4  }
0x1c: {  	_ =	swait.ge [sflag:s13], $0x2800  }
0x1d: {  	[sflag:s13] =	ssyncset.done $0x0  }
0x1e: {  	[sflag:s13] =	ssyncadd.s32 $0xFFFFD800  }
0x1f: {  	_ =	swait.ge [sflag:s14], $0x2800  }
0x20: {  	[sflag:s14] =	ssyncset.done $0x0  }
0x21: {  	s20 =	simm.s32 $0x6;
	[sflag:s14] =	ssyncadd.s32 $0xFFFFD800  }
0x22: {  	_ =	swait.ge [sflag:s20], $0x2800  }
0x23: {  	[sflag:s20] =	ssyncset.done $0x0  }
0x24: {  	s21 =	stileid.u32;
	[sflag:s20] =	ssyncadd.s32 $0xFFFFD800  }
0x25: {  	s13 =	sshll.u32 s21, $0x6;
	[bflag:$0x0] =	sbarrier.arrive $0xFFFF  }
0x26: {  	s15 =	sshrl.u32 s8, $0x3;
	s13 =	sor.u32 $0x1C07, s13;
	s17 =	rddreg [dreg:$0x10]  }
0x27: {  	[hbm:s17], [sflag:s13] =	dma.local [spmem:s15], $0x2800  }
0x28: {  	_ =	swait.ge [sflag:s24], $0x2800  }
0x29: {  	s16 =	sadd.s32 $0x1, s16;
	s22 =	rddreg [dreg:$0x11]  }
0x2a: {  	p0 =	sne.s32 s16, s22  }
.Ltmp1:
0x2b: {  	_ = 	snop;
	(pc) =	sbr.rel @!p0 .LBB2_13-.Ltmp1, $3  }
0x2c: {  	_ =	sdelay $0x1  }
0x2d: {  	[sflag:s24] =	ssyncset.done $0x0  }
0x2e: {  	[sflag:s24] =	ssyncadd.s32 $0xFFFFD800  }
.LBB2_1:
0x2f: {  	s17 =	simm.s32 $0x0;
	s18 =	simm.s32 $0x200  }
.LBB2_2:
0x30: {  	p0 =	sne.s32 s18, $0x9E00;
	[tilespmem:s17+$0x2AF0] =	vst v0  }
0x31: {  	[tilespmem:s17+$0x2A80] =	vst v0  }
0x32: {  	[tilespmem:s17+$0x2A90] =	vst v0  }
.Ltmp2:
0x33: {  	[tilespmem:s17+$0x2AA0] =	vst v0;
	(pc) =	sbr.rel @p0 .LBB2_2-.Ltmp2, $4  }
0x34: {  	[tilespmem:s17+$0x2AB0] =	vst v0  }
0x35: {  	[tilespmem:s17+$0x2AC0] =	vst v0  }
0x36: {  	[tilespmem:s17+$0x2AD0] =	vst v0  }
0x37: {  	[tilespmem:s17+$0x2AE0] =	vst v0;
	s17 =	sshra.s32 s18, $0x2;
	s18 =	sadd.s32 $0x200, s18  }
0x38: {  	[tilespmem:s17+$0x2AF0] =	vst v0  }
0x39: {  	[tilespmem:s17+$0x2A80] =	vst v0  }
0x3a: {  	[tilespmem:s17+$0x2A90] =	vst v0  }
0x3b: {  	[tilespmem:s17+$0x2AA0] =	vst v0  }
0x3c: {  	[tilespmem:s17+$0x2AB0] =	vst v0  }
0x3d: {  	[tilespmem:s17+$0x2AC0] =	vst v0  }
0x3e: {  	[tilespmem:s17+$0x2AD0] =	vst v0  }
0x3f: {  	[tilespmem:s17+$0x2AE0] =	vst v0  }
0x40: {  	[spmem:s8] =	stream.linear.scatter [tilespmem:s23], [sflag:$0x7], $0x2800, $0x38;
	[tilespmem:$0x1E280] =	vst v63  }
0x41: {  	_ =	swait.ge [sflag:s24], $0x2800  }
0x42: {  	[sflag:s24] =	ssyncset.done $0x0  }
0x43: {  	s13 =	rddreg [dreg:$0x4];
	[sflag:s24] =	ssyncadd.s32 $0xFFFFD800  }
0x44: {  	[spmem:s13] =	stream.linear.scatter [tilespmem:s23], [sflag:$0x7], $0x2800, $0x38;
	[tilespmem:$0x1E280] =	vst v63  }
0x45: {  	_ =	swait.ge [sflag:s24], $0x2800  }
0x46: {  	[sflag:s24] =	ssyncset.done $0x0  }
0x47: {  	s19 =	rddreg [dreg:$0x5];
	[sflag:s24] =	ssyncadd.s32 $0xFFFFD800  }
0x48: {  	[spmem:s19] =	stream.linear.scatter [tilespmem:s23], [sflag:$0x7], $0x2800, $0x38;
	[tilespmem:$0x1E280] =	vst v63  }
0x49: {  	_ =	swait.ge [sflag:s24], $0x2800  }
0x4a: {  	[sflag:s24] =	ssyncset.done $0x0  }
0x4b: {  	s20 =	rddreg [dreg:$0x6];
	[sflag:s24] =	ssyncadd.s32 $0xFFFFD800  }
0x4c: {  	[spmem:s20] =	stream.linear.scatter [tilespmem:s23], [sflag:$0x7], $0x2800, $0x38;
	[tilespmem:$0x1E280] =	vst v63  }
0x4d: {  	_ =	swait.ge [sflag:s24], $0x2800  }
0x4e: {  	[sflag:s24] =	ssyncset.done $0x0  }
0x4f: {  	s21 =	rddreg [dreg:$0x7];
	[sflag:s24] =	ssyncadd.s32 $0xFFFFD800  }
0x50: {  	[spmem:s21] =	stream.linear.scatter [tilespmem:s23], [sflag:$0x7], $0x2800, $0x38;
	[tilespmem:$0x1E280] =	vst v63  }
0x51: {  	_ =	swait.ge [sflag:s24], $0x2800  }
0x52: {  	[sflag:s24] =	ssyncset.done $0x0  }
0x53: {  	s22 =	rddreg [dreg:$0x8];
	[sflag:s24] =	ssyncadd.s32 $0xFFFFD800  }
0x54: {  	[spmem:s22] =	stream.linear.scatter [tilespmem:s23], [sflag:$0x7], $0x2800, $0x38;
	[tilespmem:$0x1E280] =	vst v63  }
0x55: {  	_ =	swait.ge [sflag:s24], $0x2800  }
0x56: {  	[sflag:s24] =	ssyncset.done $0x0  }
0x57: {  	s15 =	rddreg [dreg:$0x9];
	[sflag:s24] =	ssyncadd.s32 $0xFFFFD800  }
0x58: {  	[spmem:s15] =	stream.linear.scatter [tilespmem:s23], [sflag:$0x7], $0x2800, $0x38;
	[tilespmem:$0x1E280] =	vst v63  }
0x59: {  	_ =	swait.ge [sflag:s24], $0x2800  }
0x5a: {  	[sflag:s24] =	ssyncset.done $0x0  }
0x5b: {  	s17 =	rddreg [dreg:$0xa];
	[sflag:s24] =	ssyncadd.s32 $0xFFFFD800  }
0x5c: {  	[spmem:s17] =	stream.linear.scatter [tilespmem:s23], [sflag:$0x7], $0x2800, $0x38;
	[tilespmem:$0x1E280] =	vst v63  }
0x5d: {  	_ =	swait.ge [sflag:s24], $0x2800  }
0x5e: {  	[sflag:s24] =	ssyncset.done $0x0  }
0x5f: {  	[sflag:s24] =	ssyncadd.s32 $0xFFFFD800  }
0x60: {  	[bflag:$0x0] =	sbarrier.arrive $0xFFFF  }
0x61: {  	s17 =	simm.s32 $0x0;
	s18 =	rddreg [dreg:$0xb]  }
0x62: {  	[tilespmem:s17], [sflag:$0x7] =	stream.linear.gather [hbm4b:s18+s17], $0x2760, $0x38;
	[tilespmem:$0x1E280] =	vst v63  }
0x63: {  	_ =	swait.ge [sflag:s24], $0x2760  }
0x64: {  	[sflag:s24] =	ssyncset.done $0x0  }
0x65: {  	s19 =	rddreg [dreg:$0xc];
	[sflag:s24] =	ssyncadd.s32 $0xFFFFD8A0  }
0x66: {  	[tilespmem:s25], [sflag:$0x1] =	stream.linear.gather [hbm4b:s19+s17], $0x50, $0x38;
	[tilespmem:$0x1E280] =	vst v63  }
0x67: {  	s20 =	rddreg [dreg:$0xd]  }
0x68: {  	[tilespmem:s26], [sflag:$0x1] =	stream.linear.gather [hbm4b:s20+s17], $0x50, $0x38;
	[tilespmem:$0x1E280] =	vst v63  }
0x69: {  	_ = 	snop  }
0x6a: {  	[tilespmem:s23], [sflag:$0x1] =	stream.indirect.gather [hbm4b:s1+s28], $0x80, s17, s28, $0xb8;
	[tilespmem:$0x1E280] =	vst v63  }
0x6b: {  	s21 =	rddreg [dreg:$0xe]  }
0x6c: {  	[tilespmem:s29], [sflag:$0x2] =	stream.linear.gather [hbm4b:s21+s17], $0x50, $0x38;
	[tilespmem:$0x1E280] =	vst v63  }
0x6d: {  	s22 =	rddreg [dreg:$0xf]  }
0x6e: {  	[tilespmem:s30], [sflag:$0x2] =	stream.linear.gather [hbm4b:s22+s17], $0x50, $0x38;
	[tilespmem:$0x1E280] =	vst v63  }
0x6f: {  	s18 =	simm.s32 $0x0  }
0x70: {  	[tilespmem:s31], [sflag:$0x2] =	stream.indirect.gather [hbm4b:s1+s28], $0x80, s28, s28, $0xb8;
	[tilespmem:$0x1E280] =	vst v63  }
.LBB2_4:
0x71: {  	_ =	swait.ge [sflag:s2], $0x50  }
0x72: {  	v1 =	vmov s17;
	s13 =	simm.s32 $0x2;
	[sflag:s2] =	ssyncset.done $0x0  }
0x73: {  	v1 =	vand.u32 $0xFFFFFFFC, v1;
	v2 =	vmov s13;
	[sflag:s2] =	ssyncadd.s32 $0xFFFFFFB0  }
0x74: {  	v1 =	vbroadcast v1, $0x0;
	v2 =	vand.u32 $0xFFFFFFFE, v2;
	_ =	swait.ge [sflag:s2], $0x50  }
0x75: {  	v2 =	vbroadcast v2, $0x0;
	[sflag:s2] =	ssyncset.done $0x0  }
0x76: {  	[sflag:s2] =	ssyncadd.s32 $0xFFFFFFB0  }
0x77: {  	_ =	swait.ge [sflag:s2], $0x2800  }
0x78: {  	[sflag:s2] =	ssyncset.done $0x0  }
0x79: {  	[sflag:s2] =	ssyncadd.s32 $0xFFFFD800  }
0x7a: {  	v1 =	vld.idx.msk [tilespmem:v1+s26+$0x0], $0xffff  }
0x7b: {  	s19 =	simm.s32 $0x2B80;
	s15 =	simm.s32 $0x1;
	v2 =	vld.idx.msk [tilespmem:v2+s26+$0x0], $0xffff  }
0x7c: {  	v3 =	vmov s15;
	v4 =	vld [tilespmem:s19+$0x70]  }
0x7d: {  	v3 =	vand.u32 $0xFFFFFFFD, v3;
	v5 =	vld [tilespmem:s19+$0xFFFFFF00]  }
0x7e: {  	v3 =	vbroadcast v3, $0x0;
	v6 =	vld [tilespmem:s19+$0xFFFFFF10]  }
0x7f: {  	v7 =	vld [tilespmem:s19+$0xFFFFFF20]  }
0x80: {  	v8 =	vld [tilespmem:s19+$0xFFFFFF30]  }
0x81: {  	v9 =	vld [tilespmem:s19+$0xFFFFFF40]  }
0x82: {  	v10 =	vld [tilespmem:s19+$0xFFFFFF50]  }
0x83: {  	v11 =	vld [tilespmem:s19+$0xFFFFFF60];
	v5 =	vmul.f32 v5, v1  }
0x84: {  	v3 =	vld.idx.msk [tilespmem:v3+s26+$0x0], $0xffff;
	v4 =	vmul.f32 v4, v2  }
0x85: {  	v13 =	vld [tilespmem:s19+$0x40];
	[tilespmem:s19+$0xFFFFFF00] =	vst v5;
	v5 =	vmul.f32 v6, v1  }
0x86: {  	v6 =	vld [tilespmem:s19+$0xFFFFFF70];
	[tilespmem:s19+$0x70] =	vst v4;
	v4 =	vmul.f32 v7, v1  }
0x87: {  	v7 =	vld [tilespmem:s19+$0xFFFFFF80];
	[tilespmem:s19+$0xFFFFFF10] =	vst v5;
	v5 =	vmul.f32 v8, v1  }
0x88: {  	v8 =	vld [tilespmem:s19+$0xFFFFFF90];
	[tilespmem:s19+$0xFFFFFF20] =	vst v4;
	v4 =	vmul.f32 v9, v1  }
0x89: {  	v9 =	vld [tilespmem:s19+$0xFFFFFFA0];
	[tilespmem:s19+$0xFFFFFF30] =	vst v5;
	v5 =	vmul.f32 v10, v1  }
0x8a: {  	v10 =	vld [tilespmem:s19+$0xFFFFFFB0];
	[tilespmem:s19+$0xFFFFFF40] =	vst v4;
	v4 =	vmul.f32 v11, v1  }
0x8b: {  	v11 =	vld [tilespmem:s19+$0xFFFFFFC0];
	v6 =	vmul.f32 v6, v1;
	[tilespmem:s19+$0xFFFFFF50] =	vst v5  }
0x8c: {  	v5 =	vmul.f32 v7, v3;
	v7 =	vld [tilespmem:s19+$0xFFFFFFD0];
	[tilespmem:s19+$0xFFFFFF60] =	vst v4  }
0x8d: {  	s20 =	simm.s32 $0x3;
	v4 =	vld [tilespmem:s19+$0xFFFFFFE0];
	v8 =	vmul.f32 v8, v3;
	[tilespmem:s19+$0xFFFFFF70] =	vst v6  }
0x8e: {  	v12 =	vmov s20;
	v6 =	vld [tilespmem:s19+$0xFFFFFFF0];
	[tilespmem:s19+$0xFFFFFF80] =	vst v5;
	v5 =	vmul.f32 v9, v3  }
0x8f: {  	v9 =	vld [tilespmem:s19+$0x0];
	[tilespmem:s19+$0xFFFFFF90] =	vst v8;
	v8 =	vmul.f32 v10, v3  }
0x90: {  	v10 =	vld [tilespmem:s19+$0x10];
	[tilespmem:s19+$0xFFFFFFA0] =	vst v5;
	v5 =	vmul.f32 v11, v3  }
0x91: {  	[tilespmem:s19+$0xFFFFFFB0] =	vst v8;
	v7 =	vmul.f32 v7, v3;
	v8 =	vld [tilespmem:s19+$0x20]  }
0x92: {  	v11 =	vld [tilespmem:s19+$0x30];
	v4 =	vmul.f32 v4, v3;
	[tilespmem:s19+$0xFFFFFFC0] =	vst v5  }
0x93: {  	v1 =	vld.idx.msk [tilespmem:v12+s26+$0x0], $0xffff;
	v3 =	vmul.f32 v6, v3;
	[tilespmem:s19+$0xFFFFFFD0] =	vst v7  }
0x94: {  	[tilespmem:s19+$0xFFFFFFE0] =	vst v4;
	v5 =	vmul.f32 v9, v2;
	v4 =	vld [tilespmem:s19+$0x50]  }
0x95: {  	s21 =	simm.s32 $0x4;
	[tilespmem:s19+$0xFFFFFFF0] =	vst v3;
	v6 =	vmul.f32 v10, v2;
	v3 =	vld [tilespmem:s19+$0x60]  }
0x96: {  	s22 =	simm.s32 $0x7;
	v7 =	vmov s21;
	[tilespmem:s19+$0x0] =	vst v5;
	v9 =	vmul.f32 v8, v2;
	v8 =	vld [tilespmem:s19+$0x80]  }
0x97: {  	s20 =	simm.s32 $0x5;
	v12 =	vand.u32 $0xFFFFFFFC, v7;
	v7 =	vld [tilespmem:s19+$0x90];
	v5 =	vmov s22;
	v10 =	vmul.f32 v11, v2;
	[tilespmem:s19+$0x10] =	vst v6  }
0x98: {  	s21 =	simm.s32 $0x8;
	s22 =	simm.s32 $0x6;
	v11 =	vmul.f32 v13, v2;
	v6 =	vbroadcast v12, $0x0;
	v12 =	vmov s20;
	s20 =	simm.s32 $0x2B80;
	[tilespmem:s19+$0x20] =	vst v9;
	v9 =	vld [tilespmem:s19+$0xA0]  }
.LBB2_5:
0x99: {  	p0 =	slt.u32 s21, $0x4C;
	v12 =	vand.u32 $0xFFFFFFFD, v12;
	v13 =	vmov s22;
	[tilespmem:s19+$0x30] =	vst v10;
	v4 =	vmul.f32 v4, v2;
	v10 =	vld [tilespmem:s19+$0xB0]  }
0x9a: {  	v12 =	vbroadcast v12, $0x0;
	v13 =	vand.u32 $0xFFFFFFFE, v13;
	[tilespmem:s19+$0x40] =	vst v11;
	v2 =	vmul.f32 v3, v2;
	v3 =	vld [tilespmem:s19+$0xC0]  }
0x9b: {  	v11 =	vbroadcast v13, $0x0;
	[tilespmem:s19+$0x50] =	vst v4;
	v4 =	vmul.f32 v8, v1;
	v8 =	vld [tilespmem:s19+$0xD0]  }
0x9c: {  	[tilespmem:s19+$0x60] =	vst v2;
	v2 =	vmul.f32 v7, v1;
	v7 =	vld [tilespmem:s19+$0xE0]  }
0x9d: {  	[tilespmem:s19+$0x80] =	vst v4;
	v4 =	vmul.f32 v9, v1;
	v9 =	vld [tilespmem:s19+$0xF0]  }
0x9e: {  	v5 =	vld.idx.msk [tilespmem:v5+s26+$0x0], $0xffff;
	[tilespmem:s19+$0x90] =	vst v2;
	v2 =	vmul.f32 v10, v1  }
0x9f: {  	v6 =	vld.idx.msk [tilespmem:v6+s26+$0x0], $0xffff;
	[tilespmem:s19+$0xA0] =	vst v4;
	v3 =	vmul.f32 v3, v1  }
0xa0: {  	v4 =	vld.idx.msk [tilespmem:v12+s26+$0x0], $0xffff;
	[tilespmem:s19+$0xB0] =	vst v2;
	v8 =	vmul.f32 v8, v1  }
0xa1: {  	s19 =	sadd.s32 $0x200, s19;
	v2 =	vld.idx.msk [tilespmem:v11+s26+$0x0], $0xffff;
	[tilespmem:s20+$0xC0] =	vst v3;
	v3 =	vmul.f32 v7, v1  }
0xa2: {  	v7 =	vld [tilespmem:s19+$0x70];
	[tilespmem:s20+$0xD0] =	vst v8;
	v9 =	vmul.f32 v9, v1  }
0xa3: {  	v8 =	vld [tilespmem:s19+$0xFFFFFF00];
	[tilespmem:s20+$0xE0] =	vst v3  }
0xa4: {  	v1 =	vmov v5;
	v3 =	vld [tilespmem:s19+$0xFFFFFF10];
	[tilespmem:s20+$0xF0] =	vst v9;
	s20 =	smov.u32 s19  }
0xa5: {  	v5 =	vld [tilespmem:s19+$0xFFFFFF20]  }
0xa6: {  	v9 =	vld [tilespmem:s19+$0xFFFFFF30]  }
0xa7: {  	v10 =	vld [tilespmem:s19+$0xFFFFFF40];
	v7 =	vmul.f32 v7, v2  }
0xa8: {  	v8 =	vmul.f32 v8, v6;
	v11 =	vld [tilespmem:s19+$0xFFFFFF50]  }
0xa9: {  	v3 =	vmul.f32 v3, v6;
	v12 =	vld [tilespmem:s19+$0xFFFFFF60];
	[tilespmem:s19+$0x70] =	vst v7  }
0xaa: {  	[tilespmem:s19+$0xFFFFFF00] =	vst v8;
	v5 =	vmul.f32 v5, v6;
	v7 =	vld [tilespmem:s19+$0xFFFFFF70]  }
0xab: {  	[tilespmem:s19+$0xFFFFFF10] =	vst v3;
	v3 =	vmul.f32 v9, v6;
	v8 =	vld [tilespmem:s19+$0xFFFFFF80]  }
0xac: {  	[tilespmem:s19+$0xFFFFFF20] =	vst v5;
	v5 =	vmul.f32 v10, v6;
	v9 =	vld [tilespmem:s19+$0xFFFFFF90]  }
0xad: {  	[tilespmem:s19+$0xFFFFFF30] =	vst v3;
	v3 =	vmul.f32 v11, v6;
	v10 =	vld [tilespmem:s19+$0xFFFFFFA0]  }
0xae: {  	[tilespmem:s19+$0xFFFFFF40] =	vst v5;
	v5 =	vmul.f32 v12, v6;
	v11 =	vld [tilespmem:s19+$0xFFFFFFB0]  }
0xaf: {  	[tilespmem:s19+$0xFFFFFF50] =	vst v3;
	v3 =	vmul.f32 v7, v6;
	v6 =	vld [tilespmem:s19+$0xFFFFFFC0]  }
0xb0: {  	[tilespmem:s19+$0xFFFFFF60] =	vst v5;
	v5 =	vmul.f32 v8, v4;
	v7 =	vld [tilespmem:s19+$0xFFFFFFD0]  }
0xb1: {  	[tilespmem:s19+$0xFFFFFF70] =	vst v3;
	v3 =	vmul.f32 v9, v4;
	v8 =	vld [tilespmem:s19+$0xFFFFFFE0]  }
0xb2: {  	[tilespmem:s19+$0xFFFFFF80] =	vst v5;
	v5 =	vmul.f32 v10, v4;
	v9 =	vld [tilespmem:s19+$0xFFFFFFF0]  }
0xb3: {  	[tilespmem:s19+$0xFFFFFF90] =	vst v3;
	v3 =	vmul.f32 v11, v4;
	v10 =	vld [tilespmem:s19+$0x0]  }
0xb4: {  	[tilespmem:s19+$0xFFFFFFA0] =	vst v5;
	v5 =	vmul.f32 v6, v4;
	v6 =	vld [tilespmem:s19+$0x10]  }
0xb5: {  	[tilespmem:s19+$0xFFFFFFB0] =	vst v3;
	v3 =	vmul.f32 v7, v4;
	v7 =	vld [tilespmem:s19+$0x20]  }
0xb6: {  	[tilespmem:s19+$0xFFFFFFC0] =	vst v5;
	v5 =	vmul.f32 v8, v4;
	v11 =	vld [tilespmem:s19+$0x30]  }
0xb7: {  	[tilespmem:s19+$0xFFFFFFD0] =	vst v3;
	v3 =	vmul.f32 v9, v4;
	v9 =	vld [tilespmem:s19+$0x40]  }
.Ltmp3:
0xb8: {  	[tilespmem:s19+$0xFFFFFFE0] =	vst v5;
	v5 =	vmul.f32 v10, v2;
	v4 =	vld [tilespmem:s19+$0x50];
	(pc) =	sbr.rel @p0 .LBB2_5-.Ltmp3, $4  }
0xb9: {  	[tilespmem:s19+$0xFFFFFFF0] =	vst v3;
	v6 =	vmul.f32 v6, v2;
	v3 =	vld [tilespmem:s19+$0x60]  }
0xba: {  	s13 =	sadd.s32 $0x3, s21;
	v10 =	vmov s21;
	[tilespmem:s19+$0x0] =	vst v5;
	v13 =	vmul.f32 v7, v2;
	v8 =	vld [tilespmem:s19+$0x80]  }
0xbb: {  	s22 =	sadd.s32 $0x1, s21;
	v12 =	vand.u32 $0xFFFFFFFC, v10;
	v5 =	vmov s13;
	[tilespmem:s19+$0x10] =	vst v6;
	v10 =	vmul.f32 v11, v2;
	v7 =	vld [tilespmem:s19+$0x90]  }
0xbc: {  	v6 =	vbroadcast v12, $0x0;
	v12 =	vmov s22;
	s22 =	sadd.s32 $0x2, s21;
	s21 =	sadd.s32 $0x4, s21;
	[tilespmem:s19+$0x20] =	vst v13;
	v11 =	vmul.f32 v9, v2;
	v9 =	vld [tilespmem:s19+$0xA0]  }
0xbd: {  	v13 =	vld [tilespmem:s19+$0xB0]  }
0xbe: {  	v15 =	vld [tilespmem:s19+$0xC0]  }
0xbf: {  	v14 =	vmov s22;
	v16 =	vld [tilespmem:s19+$0xD0]  }
0xc0: {  	v17 =	vld [tilespmem:s19+$0xE0];
	[tilespmem:s19+$0x30] =	vst v10;
	v4 =	vmul.f32 v4, v2;
	v14 =	vand.u32 $0xFFFFFFFE, v14  }
0xc1: {  	v12 =	vand.u32 $0xFFFFFFFD, v12;
	v5 =	vld.idx.msk [tilespmem:v5+s26+$0x0], $0xffff;
	[tilespmem:s19+$0x40] =	vst v11;
	v2 =	vmul.f32 v3, v2;
	v14 =	vbroadcast v14, $0x0  }
0xc2: {  	s21 =	sadd.s32 $0x200, s19;
	v12 =	vbroadcast v12, $0x0;
	v3 =	vld.idx.msk [tilespmem:v6+s26+$0x0], $0xffff;
	v8 =	vmul.f32 v8, v1;
	[tilespmem:s19+$0x50] =	vst v4  }
0xc3: {  	v10 =	vld [tilespmem:s21+$0xFFFFFF00];
	v4 =	vmul.f32 v7, v1;
	[tilespmem:s19+$0x60] =	vst v2  }
0xc4: {  	[tilespmem:s19+$0x80] =	vst v8;
	v8 =	vld [tilespmem:s19+$0xF0];
	v2 =	vmul.f32 v9, v1  }
0xc5: {  	v11 =	vld [tilespmem:s21+$0xFFFFFF10];
	[tilespmem:s19+$0x90] =	vst v4;
	v4 =	vmul.f32 v13, v1  }
0xc6: {  	v9 =	vld [tilespmem:s21+$0x70];
	[tilespmem:s19+$0xA0] =	vst v2;
	v2 =	vmul.f32 v15, v1  }
0xc7: {  	[tilespmem:s19+$0xB0] =	vst v4;
	v4 =	vmul.f32 v16, v1;
	v7 =	vld.idx.msk [tilespmem:v14+s26+$0x0], $0xffff  }
0xc8: {  	v6 =	vld.idx.msk [tilespmem:v12+s26+$0x0], $0xffff;
	[tilespmem:s20+$0xC0] =	vst v2;
	v2 =	vmul.f32 v17, v1  }
0xc9: {  	v12 =	vld [tilespmem:s21+$0xFFFFFF20];
	[tilespmem:s20+$0xD0] =	vst v4;
	v1 =	vmul.f32 v8, v1  }
0xca: {  	v4 =	vld [tilespmem:s21+$0xFFFFFF30];
	[tilespmem:s20+$0xE0] =	vst v2  }
0xcb: {  	v2 =	vld [tilespmem:s21+$0xFFFFFF40];
	[tilespmem:s20+$0xF0] =	vst v1;
	v1 =	vmul.f32 v10, v3  }
0xcc: {  	v8 =	vmul.f32 v9, v7;
	v9 =	vld [tilespmem:s21+$0xFFFFFF50]  }
0xcd: {  	v10 =	vmul.f32 v11, v3;
	v11 =	vld [tilespmem:s21+$0xFFFFFF60];
	[tilespmem:s21+$0xFFFFFF00] =	vst v1  }
0xce: {  	v1 =	vmul.f32 v12, v3;
	[tilespmem:s21+$0x70] =	vst v8;
	v8 =	vld [tilespmem:s21+$0xFFFFFF70]  }
0xcf: {  	[tilespmem:s21+$0xFFFFFF10] =	vst v10;
	v10 =	vld [tilespmem:s21+$0xFFFFFF80];
	v4 =	vmul.f32 v4, v3  }
0xd0: {  	[tilespmem:s21+$0xFFFFFF20] =	vst v1;
	v1 =	vmul.f32 v2, v3;
	v2 =	vld [tilespmem:s21+$0xFFFFFF90]  }
0xd1: {  	[tilespmem:s21+$0xFFFFFF30] =	vst v4;
	v4 =	vmul.f32 v9, v3;
	v9 =	vld [tilespmem:s21+$0xFFFFFFA0]  }
0xd2: {  	[tilespmem:s21+$0xFFFFFF40] =	vst v1;
	v1 =	vmul.f32 v11, v3;
	v11 =	vld [tilespmem:s21+$0xFFFFFFB0]  }
0xd3: {  	[tilespmem:s21+$0xFFFFFF50] =	vst v4;
	v3 =	vmul.f32 v8, v3;
	v4 =	vld [tilespmem:s21+$0xFFFFFFC0]  }
0xd4: {  	[tilespmem:s21+$0xFFFFFF60] =	vst v1;
	v1 =	vmul.f32 v10, v6;
	v8 =	vld [tilespmem:s21+$0xFFFFFFD0]  }
0xd5: {  	v2 =	vmul.f32 v2, v6;
	[tilespmem:s21+$0xFFFFFF70] =	vst v3;
	v3 =	vld [tilespmem:s21+$0xFFFFFFE0]  }
0xd6: {  	[tilespmem:s21+$0xFFFFFF80] =	vst v1;
	v1 =	vmul.f32 v9, v6;
	v9 =	vld [tilespmem:s21+$0xFFFFFFF0]  }
0xd7: {  	v10 =	vld [tilespmem:s21+$0x0];
	[tilespmem:s21+$0xFFFFFF90] =	vst v2;
	v2 =	vmul.f32 v11, v6  }
0xd8: {  	[tilespmem:s21+$0xFFFFFFA0] =	vst v1;
	v1 =	vmul.f32 v4, v6;
	v4 =	vld [tilespmem:s21+$0x10]  }
0xd9: {  	[tilespmem:s21+$0xFFFFFFB0] =	vst v2;
	v2 =	vmul.f32 v8, v6;
	v8 =	vld [tilespmem:s21+$0x20]  }
0xda: {  	[tilespmem:s21+$0xFFFFFFC0] =	vst v1;
	v1 =	vmul.f32 v3, v6;
	v3 =	vld [tilespmem:s21+$0x30]  }
0xdb: {  	[tilespmem:s21+$0xFFFFFFD0] =	vst v2;
	v2 =	vmul.f32 v9, v6;
	v6 =	vld [tilespmem:s21+$0x40]  }
0xdc: {  	v9 =	vld [tilespmem:s21+$0x50];
	[tilespmem:s21+$0xFFFFFFE0] =	vst v1;
	v1 =	vmul.f32 v10, v7  }
0xdd: {  	[tilespmem:s21+$0xFFFFFFF0] =	vst v2;
	v2 =	vmul.f32 v4, v7;
	v4 =	vld [tilespmem:s21+$0x60]  }
0xde: {  	[tilespmem:s21+$0x0] =	vst v1;
	v1 =	vmul.f32 v8, v7;
	v8 =	vld [tilespmem:s21+$0x80]  }
0xdf: {  	[tilespmem:s21+$0x10] =	vst v2;
	v2 =	vmul.f32 v3, v7;
	v3 =	vld [tilespmem:s21+$0x90]  }
0xe0: {  	[tilespmem:s21+$0x20] =	vst v1;
	v1 =	vmul.f32 v6, v7;
	v6 =	vld [tilespmem:s21+$0xA0]  }
0xe1: {  	[tilespmem:s21+$0x30] =	vst v2;
	v2 =	vmul.f32 v9, v7;
	v9 =	vld [tilespmem:s21+$0xB0]  }
0xe2: {  	[tilespmem:s21+$0x40] =	vst v1;
	v1 =	vmul.f32 v4, v7;
	v4 =	vld [tilespmem:s21+$0xC0]  }
0xe3: {  	v7 =	vld [tilespmem:s21+$0xD0];
	[tilespmem:s21+$0x50] =	vst v2;
	v2 =	vmul.f32 v8, v5  }
0xe4: {  	[tilespmem:s21+$0x60] =	vst v1;
	v1 =	vmul.f32 v3, v5;
	v3 =	vld [tilespmem:s21+$0xE0]  }
0xe5: {  	[tilespmem:s21+$0x80] =	vst v2;
	v2 =	vmul.f32 v6, v5;
	v6 =	vld [tilespmem:s21+$0xF0]  }
0xe6: {  	[tilespmem:s21+$0x90] =	vst v1;
	v1 =	vmul.f32 v9, v5  }
0xe7: {  	[tilespmem:s21+$0xA0] =	vst v2;
	v2 =	vmul.f32 v4, v5  }
0xe8: {  	[tilespmem:s21+$0xB0] =	vst v1;
	v1 =	vmul.f32 v7, v5  }
0xe9: {  	s19 =	smul.u32 $0x3, s18;
	[tilespmem:s21+$0xC0] =	vst v2;
	v2 =	vmul.f32 v3, v5  }
0xea: {  	[tilespmem:s21+$0xD0] =	vst v1;
	v1 =	vmul.f32 v6, v5  }
0xeb: {  	p0 =	seq.s32 s18, $0x0;
	s13 =	sadd.s32 $0x2, s19;
	[tilespmem:s21+$0xE0] =	vst v2  }
0xec: {  	s22 =	sadd.s32 s7, s13;
	s20 =	simm.s32 @!p0 $0x6;
	[tilespmem:s21+$0xF0] =	vst v1  }
0xed: {  	[spmem:s3] =	stream.indirect.scatter.add.f32 [tilespmem:s23], [sflag:$0x4], $0x80, s25, s28, $0xb8;
	[tilespmem:$0x1E280] =	vst v63  }
0xee: {  	s21 =	smul.u32 $0xA, s22;
	_ =	swait.ge @!p0 [sflag:s20], $0x2800  }
0xef: {  	[sflag:s20] =	ssyncset.done @!p0 $0x0  }
0xf0: {  	s22 =	simm.s32 $0x0;
	s15 =	sadd.s32 s5, s21;
	[sflag:s20] =	ssyncadd.s32 @!p0 $0xFFFFD800  }
0xf1: {  	[tilespmem:s0], [sflag:$0x3] =	stream.linear.gather [hbm4b:s15+s22], $0x50, $0x38;
	[tilespmem:$0x1E280] =	vst v63  }
0xf2: {  	s13 =	smul.u32 $0x140, s13;
	s15 =	sadd.s32 s6, s21  }
0xf3: {  	[tilespmem:s9], [sflag:$0x3] =	stream.linear.gather [hbm4b:s15+s22], $0x50, $0x38;
	[tilespmem:$0x1E280] =	vst v63  }
0xf4: {  	s13 =	sshra.s32 s13, $0x2  }
0xf5: {  	[tilespmem:s10], [sflag:$0x3] =	stream.indirect.gather [hbm4b:s1+s28], $0x80, s13, s28, $0xb8;
	[tilespmem:$0x1E280] =	vst v63  }
0xf6: {  	_ =	swait.ge [sflag:s11], $0x50  }
0xf7: {  	v1 =	vmov s22;
	s20 =	simm.s32 $0x2;
	[sflag:s11] =	ssyncset.done $0x0  }
0xf8: {  	v1 =	vand.u32 $0xFFFFFFFC, v1;
	v2 =	vmov s20;
	[sflag:s11] =	ssyncadd.s32 $0xFFFFFFB0  }
0xf9: {  	v1 =	vbroadcast v1, $0x0;
	v2 =	vand.u32 $0xFFFFFFFE, v2;
	_ =	swait.ge [sflag:s11], $0x50  }
0xfa: {  	v2 =	vbroadcast v2, $0x0;
	[sflag:s11] =	ssyncset.done $0x0  }
0xfb: {  	[sflag:s11] =	ssyncadd.s32 $0xFFFFFFB0  }
0xfc: {  	_ =	swait.ge [sflag:s11], $0x2800  }
0xfd: {  	[sflag:s11] =	ssyncset.done $0x0  }
0xfe: {  	[sflag:s11] =	ssyncadd.s32 $0xFFFFD800  }
0xff: {  	v1 =	vld.idx.msk [tilespmem:v1+s30+$0x0], $0xffff  }
0x100: {  	s20 =	simm.s32 $0x5380;
	s21 =	simm.s32 $0x1;
	v2 =	vld.idx.msk [tilespmem:v2+s30+$0x0], $0xffff  }
0x101: {  	v3 =	vmov s21;
	v4 =	vld [tilespmem:s20+$0x70]  }
0x102: {  	v3 =	vand.u32 $0xFFFFFFFD, v3;
	v5 =	vld [tilespmem:s20+$0xFFFFFF00]  }
0x103: {  	v3 =	vbroadcast v3, $0x0;
	v6 =	vld [tilespmem:s20+$0xFFFFFF10]  }
0x104: {  	v7 =	vld [tilespmem:s20+$0xFFFFFF20]  }
0x105: {  	v8 =	vld [tilespmem:s20+$0xFFFFFF30]  }
0x106: {  	v9 =	vld [tilespmem:s20+$0xFFFFFF40]  }
0x107: {  	v10 =	vld [tilespmem:s20+$0xFFFFFF50]  }
0x108: {  	v11 =	vld [tilespmem:s20+$0xFFFFFF60];
	v5 =	vmul.f32 v5, v1  }
0x109: {  	v3 =	vld.idx.msk [tilespmem:v3+s30+$0x0], $0xffff;
	v4 =	vmul.f32 v4, v2  }
0x10a: {  	v13 =	vld [tilespmem:s20+$0x40];
	[tilespmem:s20+$0xFFFFFF00] =	vst v5;
	v5 =	vmul.f32 v6, v1  }
0x10b: {  	v6 =	vld [tilespmem:s20+$0xFFFFFF70];
	[tilespmem:s20+$0x70] =	vst v4;
	v4 =	vmul.f32 v7, v1  }
0x10c: {  	v7 =	vld [tilespmem:s20+$0xFFFFFF80];
	[tilespmem:s20+$0xFFFFFF10] =	vst v5;
	v5 =	vmul.f32 v8, v1  }
0x10d: {  	v8 =	vld [tilespmem:s20+$0xFFFFFF90];
	[tilespmem:s20+$0xFFFFFF20] =	vst v4;
	v4 =	vmul.f32 v9, v1  }
0x10e: {  	v9 =	vld [tilespmem:s20+$0xFFFFFFA0];
	[tilespmem:s20+$0xFFFFFF30] =	vst v5;
	v5 =	vmul.f32 v10, v1  }
0x10f: {  	v10 =	vld [tilespmem:s20+$0xFFFFFFB0];
	[tilespmem:s20+$0xFFFFFF40] =	vst v4;
	v4 =	vmul.f32 v11, v1  }
0x110: {  	v11 =	vld [tilespmem:s20+$0xFFFFFFC0];
	v6 =	vmul.f32 v6, v1;
	[tilespmem:s20+$0xFFFFFF50] =	vst v5  }
0x111: {  	v5 =	vmul.f32 v7, v3;
	v7 =	vld [tilespmem:s20+$0xFFFFFFD0];
	[tilespmem:s20+$0xFFFFFF60] =	vst v4  }
0x112: {  	s22 =	simm.s32 $0x3;
	v4 =	vld [tilespmem:s20+$0xFFFFFFE0];
	v8 =	vmul.f32 v8, v3;
	[tilespmem:s20+$0xFFFFFF70] =	vst v6  }
0x113: {  	v12 =	vmov s22;
	v6 =	vld [tilespmem:s20+$0xFFFFFFF0];
	[tilespmem:s20+$0xFFFFFF80] =	vst v5;
	v5 =	vmul.f32 v9, v3  }
0x114: {  	v9 =	vld [tilespmem:s20+$0x0];
	[tilespmem:s20+$0xFFFFFF90] =	vst v8;
	v8 =	vmul.f32 v10, v3  }
0x115: {  	v10 =	vld [tilespmem:s20+$0x10];
	[tilespmem:s20+$0xFFFFFFA0] =	vst v5;
	v5 =	vmul.f32 v11, v3  }
0x116: {  	[tilespmem:s20+$0xFFFFFFB0] =	vst v8;
	v7 =	vmul.f32 v7, v3;
	v8 =	vld [tilespmem:s20+$0x20]  }
0x117: {  	v11 =	vld [tilespmem:s20+$0x30];
	v4 =	vmul.f32 v4, v3;
	[tilespmem:s20+$0xFFFFFFC0] =	vst v5  }
0x118: {  	v1 =	vld.idx.msk [tilespmem:v12+s30+$0x0], $0xffff;
	v3 =	vmul.f32 v6, v3;
	[tilespmem:s20+$0xFFFFFFD0] =	vst v7  }
0x119: {  	[tilespmem:s20+$0xFFFFFFE0] =	vst v4;
	v5 =	vmul.f32 v9, v2;
	v4 =	vld [tilespmem:s20+$0x50]  }
0x11a: {  	s15 =	simm.s32 $0x4;
	[tilespmem:s20+$0xFFFFFFF0] =	vst v3;
	v6 =	vmul.f32 v10, v2;
	v3 =	vld [tilespmem:s20+$0x60]  }
0x11b: {  	s21 =	simm.s32 $0x7;
	v7 =	vmov s15;
	[tilespmem:s20+$0x0] =	vst v5;
	v9 =	vmul.f32 v8, v2;
	v8 =	vld [tilespmem:s20+$0x80]  }
0x11c: {  	s22 =	simm.s32 $0x5;
	v12 =	vand.u32 $0xFFFFFFFC, v7;
	v7 =	vld [tilespmem:s20+$0x90];
	v5 =	vmov s21;
	v10 =	vmul.f32 v11, v2;
	[tilespmem:s20+$0x10] =	vst v6  }
0x11d: {  	s13 =	simm.s32 $0x6;
	v11 =	vmul.f32 v13, v2;
	s21 =	simm.s32 $0x5380;
	v6 =	vbroadcast v12, $0x0;
	v12 =	vmov s22;
	s22 =	simm.s32 $0x8;
	[tilespmem:s20+$0x20] =	vst v9;
	v9 =	vld [tilespmem:s20+$0xA0]  }
.LBB2_7:
0x11e: {  	p0 =	slt.u32 s22, $0x4C;
	v12 =	vand.u32 $0xFFFFFFFD, v12;
	v13 =	vmov s13;
	[tilespmem:s20+$0x30] =	vst v10;
	v4 =	vmul.f32 v4, v2;
	v10 =	vld [tilespmem:s20+$0xB0]  }
0x11f: {  	v12 =	vbroadcast v12, $0x0;
	v13 =	vand.u32 $0xFFFFFFFE, v13;
	[tilespmem:s20+$0x40] =	vst v11;
	v2 =	vmul.f32 v3, v2;
	v3 =	vld [tilespmem:s20+$0xC0]  }
0x120: {  	v11 =	vbroadcast v13, $0x0;
	[tilespmem:s20+$0x50] =	vst v4;
	v4 =	vmul.f32 v8, v1;
	v8 =	vld [tilespmem:s20+$0xD0]  }
0x121: {  	[tilespmem:s20+$0x60] =	vst v2;
	v2 =	vmul.f32 v7, v1;
	v7 =	vld [tilespmem:s20+$0xE0]  }
0x122: {  	[tilespmem:s20+$0x80] =	vst v4;
	v4 =	vmul.f32 v9, v1;
	v9 =	vld [tilespmem:s20+$0xF0]  }
0x123: {  	v5 =	vld.idx.msk [tilespmem:v5+s30+$0x0], $0xffff;
	[tilespmem:s20+$0x90] =	vst v2;
	v2 =	vmul.f32 v10, v1  }
0x124: {  	v6 =	vld.idx.msk [tilespmem:v6+s30+$0x0], $0xffff;
	[tilespmem:s20+$0xA0] =	vst v4;
	v3 =	vmul.f32 v3, v1  }
0x125: {  	v4 =	vld.idx.msk [tilespmem:v12+s30+$0x0], $0xffff;
	[tilespmem:s20+$0xB0] =	vst v2;
	v8 =	vmul.f32 v8, v1  }
0x126: {  	s20 =	sadd.s32 $0x200, s20;
	v2 =	vld.idx.msk [tilespmem:v11+s30+$0x0], $0xffff;
	[tilespmem:s21+$0xC0] =	vst v3;
	v3 =	vmul.f32 v7, v1  }
0x127: {  	v7 =	vld [tilespmem:s20+$0x70];
	[tilespmem:s21+$0xD0] =	vst v8;
	v9 =	vmul.f32 v9, v1  }
0x128: {  	v8 =	vld [tilespmem:s20+$0xFFFFFF00];
	[tilespmem:s21+$0xE0] =	vst v3  }
0x129: {  	v1 =	vmov v5;
	v3 =	vld [tilespmem:s20+$0xFFFFFF10];
	[tilespmem:s21+$0xF0] =	vst v9;
	s21 =	smov.u32 s20  }
0x12a: {  	v5 =	vld [tilespmem:s20+$0xFFFFFF20]  }
0x12b: {  	v9 =	vld [tilespmem:s20+$0xFFFFFF30]  }
0x12c: {  	v10 =	vld [tilespmem:s20+$0xFFFFFF40];
	v7 =	vmul.f32 v7, v2  }
0x12d: {  	v8 =	vmul.f32 v8, v6;
	v11 =	vld [tilespmem:s20+$0xFFFFFF50]  }
0x12e: {  	v3 =	vmul.f32 v3, v6;
	v12 =	vld [tilespmem:s20+$0xFFFFFF60];
	[tilespmem:s20+$0x70] =	vst v7  }
0x12f: {  	[tilespmem:s20+$0xFFFFFF00] =	vst v8;
	v5 =	vmul.f32 v5, v6;
	v7 =	vld [tilespmem:s20+$0xFFFFFF70]  }
0x130: {  	[tilespmem:s20+$0xFFFFFF10] =	vst v3;
	v3 =	vmul.f32 v9, v6;
	v8 =	vld [tilespmem:s20+$0xFFFFFF80]  }
0x131: {  	[tilespmem:s20+$0xFFFFFF20] =	vst v5;
	v5 =	vmul.f32 v10, v6;
	v9 =	vld [tilespmem:s20+$0xFFFFFF90]  }
0x132: {  	[tilespmem:s20+$0xFFFFFF30] =	vst v3;
	v3 =	vmul.f32 v11, v6;
	v10 =	vld [tilespmem:s20+$0xFFFFFFA0]  }
0x133: {  	[tilespmem:s20+$0xFFFFFF40] =	vst v5;
	v5 =	vmul.f32 v12, v6;
	v11 =	vld [tilespmem:s20+$0xFFFFFFB0]  }
0x134: {  	[tilespmem:s20+$0xFFFFFF50] =	vst v3;
	v3 =	vmul.f32 v7, v6;
	v6 =	vld [tilespmem:s20+$0xFFFFFFC0]  }
0x135: {  	[tilespmem:s20+$0xFFFFFF60] =	vst v5;
	v5 =	vmul.f32 v8, v4;
	v7 =	vld [tilespmem:s20+$0xFFFFFFD0]  }
0x136: {  	[tilespmem:s20+$0xFFFFFF70] =	vst v3;
	v3 =	vmul.f32 v9, v4;
	v8 =	vld [tilespmem:s20+$0xFFFFFFE0]  }
0x137: {  	[tilespmem:s20+$0xFFFFFF80] =	vst v5;
	v5 =	vmul.f32 v10, v4;
	v9 =	vld [tilespmem:s20+$0xFFFFFFF0]  }
0x138: {  	[tilespmem:s20+$0xFFFFFF90] =	vst v3;
	v3 =	vmul.f32 v11, v4;
	v10 =	vld [tilespmem:s20+$0x0]  }
0x139: {  	[tilespmem:s20+$0xFFFFFFA0] =	vst v5;
	v5 =	vmul.f32 v6, v4;
	v6 =	vld [tilespmem:s20+$0x10]  }
0x13a: {  	[tilespmem:s20+$0xFFFFFFB0] =	vst v3;
	v3 =	vmul.f32 v7, v4;
	v7 =	vld [tilespmem:s20+$0x20]  }
0x13b: {  	[tilespmem:s20+$0xFFFFFFC0] =	vst v5;
	v5 =	vmul.f32 v8, v4;
	v11 =	vld [tilespmem:s20+$0x30]  }
0x13c: {  	[tilespmem:s20+$0xFFFFFFD0] =	vst v3;
	v3 =	vmul.f32 v9, v4;
	v9 =	vld [tilespmem:s20+$0x40]  }
.Ltmp4:
0x13d: {  	[tilespmem:s20+$0xFFFFFFE0] =	vst v5;
	v5 =	vmul.f32 v10, v2;
	v4 =	vld [tilespmem:s20+$0x50];
	(pc) =	sbr.rel @p0 .LBB2_7-.Ltmp4, $4  }
0x13e: {  	[tilespmem:s20+$0xFFFFFFF0] =	vst v3;
	v6 =	vmul.f32 v6, v2;
	v3 =	vld [tilespmem:s20+$0x60]  }
0x13f: {  	s13 =	sadd.s32 $0x3, s22;
	v10 =	vmov s22;
	[tilespmem:s20+$0x0] =	vst v5;
	v13 =	vmul.f32 v7, v2;
	v8 =	vld [tilespmem:s20+$0x80]  }
0x140: {  	s15 =	sadd.s32 $0x1, s22;
	v12 =	vand.u32 $0xFFFFFFFC, v10;
	v5 =	vmov s13;
	[tilespmem:s20+$0x10] =	vst v6;
	v10 =	vmul.f32 v11, v2;
	v7 =	vld [tilespmem:s20+$0x90]  }
0x141: {  	s13 =	sadd.s32 $0x2, s22;
	s22 =	sadd.s32 $0x4, s22;
	v6 =	vbroadcast v12, $0x0;
	v12 =	vmov s15;
	[tilespmem:s20+$0x20] =	vst v13;
	v11 =	vmul.f32 v9, v2;
	v9 =	vld [tilespmem:s20+$0xA0]  }
0x142: {  	v13 =	vld [tilespmem:s20+$0xB0]  }
0x143: {  	v15 =	vld [tilespmem:s20+$0xC0]  }
0x144: {  	v14 =	vmov s13;
	v16 =	vld [tilespmem:s20+$0xD0]  }
0x145: {  	v17 =	vld [tilespmem:s20+$0xE0];
	[tilespmem:s20+$0x30] =	vst v10;
	v4 =	vmul.f32 v4, v2;
	v14 =	vand.u32 $0xFFFFFFFE, v14  }
0x146: {  	v12 =	vand.u32 $0xFFFFFFFD, v12;
	v5 =	vld.idx.msk [tilespmem:v5+s30+$0x0], $0xffff;
	[tilespmem:s20+$0x40] =	vst v11;
	v2 =	vmul.f32 v3, v2;
	v14 =	vbroadcast v14, $0x0  }
0x147: {  	s22 =	sadd.s32 $0x200, s20;
	v12 =	vbroadcast v12, $0x0;
	v3 =	vld.idx.msk [tilespmem:v6+s30+$0x0], $0xffff;
	v8 =	vmul.f32 v8, v1;
	[tilespmem:s20+$0x50] =	vst v4  }
0x148: {  	v10 =	vld [tilespmem:s22+$0xFFFFFF00];
	v4 =	vmul.f32 v7, v1;
	[tilespmem:s20+$0x60] =	vst v2  }
0x149: {  	[tilespmem:s20+$0x80] =	vst v8;
	v8 =	vld [tilespmem:s20+$0xF0];
	v2 =	vmul.f32 v9, v1  }
0x14a: {  	v11 =	vld [tilespmem:s22+$0xFFFFFF10];
	[tilespmem:s20+$0x90] =	vst v4;
	v4 =	vmul.f32 v13, v1  }
0x14b: {  	v9 =	vld [tilespmem:s22+$0x70];
	[tilespmem:s20+$0xA0] =	vst v2;
	v2 =	vmul.f32 v15, v1  }
0x14c: {  	[tilespmem:s20+$0xB0] =	vst v4;
	v4 =	vmul.f32 v16, v1;
	v7 =	vld.idx.msk [tilespmem:v14+s30+$0x0], $0xffff  }
0x14d: {  	v6 =	vld.idx.msk [tilespmem:v12+s30+$0x0], $0xffff;
	[tilespmem:s21+$0xC0] =	vst v2;
	v2 =	vmul.f32 v17, v1  }
0x14e: {  	v12 =	vld [tilespmem:s22+$0xFFFFFF20];
	[tilespmem:s21+$0xD0] =	vst v4;
	v1 =	vmul.f32 v8, v1  }
0x14f: {  	v4 =	vld [tilespmem:s22+$0xFFFFFF30];
	[tilespmem:s21+$0xE0] =	vst v2  }
0x150: {  	v2 =	vld [tilespmem:s22+$0xFFFFFF40];
	[tilespmem:s21+$0xF0] =	vst v1;
	v1 =	vmul.f32 v10, v3  }
0x151: {  	v8 =	vmul.f32 v9, v7;
	v9 =	vld [tilespmem:s22+$0xFFFFFF50]  }
0x152: {  	v10 =	vmul.f32 v11, v3;
	v11 =	vld [tilespmem:s22+$0xFFFFFF60];
	[tilespmem:s22+$0xFFFFFF00] =	vst v1  }
0x153: {  	v1 =	vmul.f32 v12, v3;
	[tilespmem:s22+$0x70] =	vst v8;
	v8 =	vld [tilespmem:s22+$0xFFFFFF70]  }
0x154: {  	[tilespmem:s22+$0xFFFFFF10] =	vst v10;
	v10 =	vld [tilespmem:s22+$0xFFFFFF80];
	v4 =	vmul.f32 v4, v3  }
0x155: {  	[tilespmem:s22+$0xFFFFFF20] =	vst v1;
	v1 =	vmul.f32 v2, v3;
	v2 =	vld [tilespmem:s22+$0xFFFFFF90]  }
0x156: {  	[tilespmem:s22+$0xFFFFFF30] =	vst v4;
	v4 =	vmul.f32 v9, v3;
	v9 =	vld [tilespmem:s22+$0xFFFFFFA0]  }
0x157: {  	[tilespmem:s22+$0xFFFFFF40] =	vst v1;
	v1 =	vmul.f32 v11, v3;
	v11 =	vld [tilespmem:s22+$0xFFFFFFB0]  }
0x158: {  	[tilespmem:s22+$0xFFFFFF50] =	vst v4;
	v3 =	vmul.f32 v8, v3;
	v4 =	vld [tilespmem:s22+$0xFFFFFFC0]  }
0x159: {  	[tilespmem:s22+$0xFFFFFF60] =	vst v1;
	v1 =	vmul.f32 v10, v6;
	v8 =	vld [tilespmem:s22+$0xFFFFFFD0]  }
0x15a: {  	v2 =	vmul.f32 v2, v6;
	[tilespmem:s22+$0xFFFFFF70] =	vst v3;
	v3 =	vld [tilespmem:s22+$0xFFFFFFE0]  }
0x15b: {  	[tilespmem:s22+$0xFFFFFF80] =	vst v1;
	v1 =	vmul.f32 v9, v6;
	v9 =	vld [tilespmem:s22+$0xFFFFFFF0]  }
0x15c: {  	v10 =	vld [tilespmem:s22+$0x0];
	[tilespmem:s22+$0xFFFFFF90] =	vst v2;
	v2 =	vmul.f32 v11, v6  }
0x15d: {  	[tilespmem:s22+$0xFFFFFFA0] =	vst v1;
	v1 =	vmul.f32 v4, v6;
	v4 =	vld [tilespmem:s22+$0x10]  }
0x15e: {  	[tilespmem:s22+$0xFFFFFFB0] =	vst v2;
	v2 =	vmul.f32 v8, v6;
	v8 =	vld [tilespmem:s22+$0x20]  }
0x15f: {  	[tilespmem:s22+$0xFFFFFFC0] =	vst v1;
	v1 =	vmul.f32 v3, v6;
	v3 =	vld [tilespmem:s22+$0x30]  }
0x160: {  	[tilespmem:s22+$0xFFFFFFD0] =	vst v2;
	v2 =	vmul.f32 v9, v6;
	v6 =	vld [tilespmem:s22+$0x40]  }
0x161: {  	v9 =	vld [tilespmem:s22+$0x50];
	[tilespmem:s22+$0xFFFFFFE0] =	vst v1;
	v1 =	vmul.f32 v10, v7  }
0x162: {  	[tilespmem:s22+$0xFFFFFFF0] =	vst v2;
	v2 =	vmul.f32 v4, v7;
	v4 =	vld [tilespmem:s22+$0x60]  }
0x163: {  	[tilespmem:s22+$0x0] =	vst v1;
	v1 =	vmul.f32 v8, v7;
	v8 =	vld [tilespmem:s22+$0x80]  }
0x164: {  	[tilespmem:s22+$0x10] =	vst v2;
	v2 =	vmul.f32 v3, v7;
	v3 =	vld [tilespmem:s22+$0x90]  }
0x165: {  	[tilespmem:s22+$0x20] =	vst v1;
	v1 =	vmul.f32 v6, v7;
	v6 =	vld [tilespmem:s22+$0xA0]  }
0x166: {  	[tilespmem:s22+$0x30] =	vst v2;
	v2 =	vmul.f32 v9, v7;
	v9 =	vld [tilespmem:s22+$0xB0]  }
0x167: {  	[tilespmem:s22+$0x40] =	vst v1;
	v1 =	vmul.f32 v4, v7;
	v4 =	vld [tilespmem:s22+$0xC0]  }
0x168: {  	v7 =	vld [tilespmem:s22+$0xD0];
	[tilespmem:s22+$0x50] =	vst v2;
	v2 =	vmul.f32 v8, v5  }
0x169: {  	[tilespmem:s22+$0x60] =	vst v1;
	v1 =	vmul.f32 v3, v5;
	v3 =	vld [tilespmem:s22+$0xE0]  }
0x16a: {  	[tilespmem:s22+$0x80] =	vst v2;
	v2 =	vmul.f32 v6, v5;
	v6 =	vld [tilespmem:s22+$0xF0]  }
0x16b: {  	[tilespmem:s22+$0x90] =	vst v1;
	v1 =	vmul.f32 v9, v5  }
0x16c: {  	[tilespmem:s22+$0xA0] =	vst v2;
	v2 =	vmul.f32 v4, v5  }
0x16d: {  	[tilespmem:s22+$0xB0] =	vst v1;
	v1 =	vmul.f32 v7, v5  }
0x16e: {  	[tilespmem:s22+$0xC0] =	vst v2;
	v2 =	vmul.f32 v3, v5  }
0x16f: {  	p0 =	seq.s32 s18, $0x29;
	[tilespmem:s22+$0xD0] =	vst v1;
	v1 =	vmul.f32 v6, v5  }
0x170: {  	s13 =	sadd.s32 @!p0 $0x3, s19;
	[tilespmem:s22+$0xE0] =	vst v2  }
0x171: {  	s15 =	simm.s32 @!p0 $0x4;
	s20 =	sadd.s32 @!p0 s7, s13;
	[tilespmem:s22+$0xF0] =	vst v1  }
0x172: {  	[spmem:s3] =	stream.indirect.scatter.add.f32 [tilespmem:s31], [sflag:$0x5], $0x80, s29, s28, $0xb8;
	[tilespmem:$0x1E280] =	vst v63  }
0x173: {  	s20 =	smul.u32 @!p0 $0xA, s20;
	_ =	swait.ge @!p0 [sflag:s15], $0x2800  }
0x174: {  	s21 =	simm.s32 @!p0 $0x0;
	[sflag:s15] =	ssyncset.done @!p0 $0x0  }
0x175: {  	s22 =	simm.s32 @!p0 $0x2780;
	[sflag:s15] =	ssyncadd.s32 @!p0 $0xFFFFD800;
	s15 =	sadd.s32 @!p0 s5, s20  }
0x176: {  	[tilespmem:s22], [sflag:$0x1] =	stream.linear.gather @!p0 [hbm4b:s15+s21], $0x50, $0x38;
	[tilespmem:$0x1E280] =	vst v63  }
0x177: {  	s13 =	smul.u32 @!p0 $0x140, s13;
	s15 =	sadd.s32 @!p0 s6, s20;
	s20 =	simm.s32 @!p0 $0x2900  }
0x178: {  	[tilespmem:s20], [sflag:$0x1] =	stream.linear.gather @!p0 [hbm4b:s15+s21], $0x50, $0x38;
	[tilespmem:$0x1E280] =	vst v63  }
0x179: {  	s13 =	sshra.s32 @!p0 s13, $0x2;
	s15 =	simm.s32 @!p0 $0x50;
	s20 =	simm.s32 @!p0 $0x2A80  }
0x17a: {  	[tilespmem:s20], [sflag:$0x1] =	stream.indirect.gather @!p0 [hbm4b:s1+s15], $0x80, s13, s15, $0xb8;
	[tilespmem:$0x1E280] =	vst v63  }
0x17b: {  	s15 =	simm.s32 $0x0;
	_ =	swait.ge [sflag:s12], $0x50  }
0x17c: {  	s20 =	simm.s32 $0x2;
	v1 =	vmov s15;
	[sflag:s12] =	ssyncset.done $0x0  }
0x17d: {  	v2 =	vmov s20;
	v1 =	vand.u32 $0xFFFFFFFC, v1;
	[sflag:s12] =	ssyncadd.s32 $0xFFFFFFB0  }
0x17e: {  	v2 =	vand.u32 $0xFFFFFFFE, v2;
	v1 =	vbroadcast v1, $0x0;
	_ =	swait.ge [sflag:s12], $0x50  }
0x17f: {  	v2 =	vbroadcast v2, $0x0;
	[sflag:s12] =	ssyncset.done $0x0  }
0x180: {  	[sflag:s12] =	ssyncadd.s32 $0xFFFFFFB0  }
0x181: {  	_ =	swait.ge [sflag:s12], $0x2800  }
0x182: {  	[sflag:s12] =	ssyncset.done $0x0  }
0x183: {  	[sflag:s12] =	ssyncadd.s32 $0xFFFFD800  }
0x184: {  	v1 =	vld.idx.msk [tilespmem:v1+s9+$0x0], $0xffff  }
0x185: {  	s21 =	simm.s32 $0x1;
	s20 =	simm.s32 $0x7B80;
	v2 =	vld.idx.msk [tilespmem:v2+s9+$0x0], $0xffff  }
0x186: {  	v3 =	vmov s21;
	v4 =	vld [tilespmem:s20+$0x70]  }
0x187: {  	v3 =	vand.u32 $0xFFFFFFFD, v3;
	v5 =	vld [tilespmem:s20+$0xFFFFFF00]  }
0x188: {  	v3 =	vbroadcast v3, $0x0;
	v6 =	vld [tilespmem:s20+$0xFFFFFF10]  }
0x189: {  	v7 =	vld [tilespmem:s20+$0xFFFFFF20]  }
0x18a: {  	v8 =	vld [tilespmem:s20+$0xFFFFFF30]  }
0x18b: {  	v9 =	vld [tilespmem:s20+$0xFFFFFF40]  }
0x18c: {  	v10 =	vld [tilespmem:s20+$0xFFFFFF50]  }
0x18d: {  	v11 =	vld [tilespmem:s20+$0xFFFFFF60];
	v5 =	vmul.f32 v5, v1  }
0x18e: {  	v3 =	vld.idx.msk [tilespmem:v3+s9+$0x0], $0xffff;
	v4 =	vmul.f32 v4, v2  }
0x18f: {  	v13 =	vld [tilespmem:s20+$0x40];
	[tilespmem:s20+$0xFFFFFF00] =	vst v5;
	v5 =	vmul.f32 v6, v1  }
0x190: {  	v6 =	vld [tilespmem:s20+$0xFFFFFF70];
	[tilespmem:s20+$0x70] =	vst v4;
	v4 =	vmul.f32 v7, v1  }
0x191: {  	v7 =	vld [tilespmem:s20+$0xFFFFFF80];
	[tilespmem:s20+$0xFFFFFF10] =	vst v5;
	v5 =	vmul.f32 v8, v1  }
0x192: {  	v8 =	vld [tilespmem:s20+$0xFFFFFF90];
	[tilespmem:s20+$0xFFFFFF20] =	vst v4;
	v4 =	vmul.f32 v9, v1  }
0x193: {  	v9 =	vld [tilespmem:s20+$0xFFFFFFA0];
	[tilespmem:s20+$0xFFFFFF30] =	vst v5;
	v5 =	vmul.f32 v10, v1  }
0x194: {  	v10 =	vld [tilespmem:s20+$0xFFFFFFB0];
	[tilespmem:s20+$0xFFFFFF40] =	vst v4;
	v4 =	vmul.f32 v11, v1  }
0x195: {  	v11 =	vld [tilespmem:s20+$0xFFFFFFC0];
	v6 =	vmul.f32 v6, v1;
	[tilespmem:s20+$0xFFFFFF50] =	vst v5  }
0x196: {  	v5 =	vmul.f32 v7, v3;
	v7 =	vld [tilespmem:s20+$0xFFFFFFD0];
	[tilespmem:s20+$0xFFFFFF60] =	vst v4  }
0x197: {  	s22 =	simm.s32 $0x3;
	v4 =	vld [tilespmem:s20+$0xFFFFFFE0];
	v8 =	vmul.f32 v8, v3;
	[tilespmem:s20+$0xFFFFFF70] =	vst v6  }
0x198: {  	v12 =	vmov s22;
	v6 =	vld [tilespmem:s20+$0xFFFFFFF0];
	[tilespmem:s20+$0xFFFFFF80] =	vst v5;
	v5 =	vmul.f32 v9, v3  }
0x199: {  	v9 =	vld [tilespmem:s20+$0x0];
	[tilespmem:s20+$0xFFFFFF90] =	vst v8;
	v8 =	vmul.f32 v10, v3  }
0x19a: {  	v10 =	vld [tilespmem:s20+$0x10];
	[tilespmem:s20+$0xFFFFFFA0] =	vst v5;
	v5 =	vmul.f32 v11, v3  }
0x19b: {  	[tilespmem:s20+$0xFFFFFFB0] =	vst v8;
	v7 =	vmul.f32 v7, v3;
	v8 =	vld [tilespmem:s20+$0x20]  }
0x19c: {  	v11 =	vld [tilespmem:s20+$0x30];
	v4 =	vmul.f32 v4, v3;
	[tilespmem:s20+$0xFFFFFFC0] =	vst v5  }
0x19d: {  	v1 =	vld.idx.msk [tilespmem:v12+s9+$0x0], $0xffff;
	v3 =	vmul.f32 v6, v3;
	[tilespmem:s20+$0xFFFFFFD0] =	vst v7  }
0x19e: {  	[tilespmem:s20+$0xFFFFFFE0] =	vst v4;
	v5 =	vmul.f32 v9, v2;
	v4 =	vld [tilespmem:s20+$0x50]  }
0x19f: {  	s15 =	simm.s32 $0x4;
	[tilespmem:s20+$0xFFFFFFF0] =	vst v3;
	v6 =	vmul.f32 v10, v2;
	v3 =	vld [tilespmem:s20+$0x60]  }
0x1a0: {  	s21 =	simm.s32 $0x7;
	v7 =	vmov s15;
	[tilespmem:s20+$0x0] =	vst v5;
	v9 =	vmul.f32 v8, v2;
	v8 =	vld [tilespmem:s20+$0x80]  }
0x1a1: {  	s22 =	simm.s32 $0x5;
	v12 =	vand.u32 $0xFFFFFFFC, v7;
	v7 =	vld [tilespmem:s20+$0x90];
	v5 =	vmov s21;
	v10 =	vmul.f32 v11, v2;
	[tilespmem:s20+$0x10] =	vst v6  }
0x1a2: {  	s13 =	simm.s32 $0x6;
	v11 =	vmul.f32 v13, v2;
	s21 =	simm.s32 $0x7B80;
	v6 =	vbroadcast v12, $0x0;
	v12 =	vmov s22;
	s22 =	simm.s32 $0x8;
	[tilespmem:s20+$0x20] =	vst v9;
	v9 =	vld [tilespmem:s20+$0xA0]  }
.LBB2_9:
0x1a3: {  	p1 =	slt.u32 s22, $0x4C;
	v12 =	vand.u32 $0xFFFFFFFD, v12;
	v13 =	vmov s13;
	[tilespmem:s20+$0x30] =	vst v10;
	v4 =	vmul.f32 v4, v2;
	v10 =	vld [tilespmem:s20+$0xB0]  }
0x1a4: {  	v12 =	vbroadcast v12, $0x0;
	v13 =	vand.u32 $0xFFFFFFFE, v13;
	[tilespmem:s20+$0x40] =	vst v11;
	v2 =	vmul.f32 v3, v2;
	v3 =	vld [tilespmem:s20+$0xC0]  }
0x1a5: {  	v11 =	vbroadcast v13, $0x0;
	[tilespmem:s20+$0x50] =	vst v4;
	v4 =	vmul.f32 v8, v1;
	v8 =	vld [tilespmem:s20+$0xD0]  }
0x1a6: {  	[tilespmem:s20+$0x60] =	vst v2;
	v2 =	vmul.f32 v7, v1;
	v7 =	vld [tilespmem:s20+$0xE0]  }
0x1a7: {  	[tilespmem:s20+$0x80] =	vst v4;
	v4 =	vmul.f32 v9, v1;
	v9 =	vld [tilespmem:s20+$0xF0]  }
0x1a8: {  	v5 =	vld.idx.msk [tilespmem:v5+s9+$0x0], $0xffff;
	[tilespmem:s20+$0x90] =	vst v2;
	v2 =	vmul.f32 v10, v1  }
0x1a9: {  	v6 =	vld.idx.msk [tilespmem:v6+s9+$0x0], $0xffff;
	[tilespmem:s20+$0xA0] =	vst v4;
	v3 =	vmul.f32 v3, v1  }
0x1aa: {  	v4 =	vld.idx.msk [tilespmem:v12+s9+$0x0], $0xffff;
	[tilespmem:s20+$0xB0] =	vst v2;
	v8 =	vmul.f32 v8, v1  }
0x1ab: {  	s20 =	sadd.s32 $0x200, s20;
	v2 =	vld.idx.msk [tilespmem:v11+s9+$0x0], $0xffff;
	[tilespmem:s21+$0xC0] =	vst v3;
	v3 =	vmul.f32 v7, v1  }
0x1ac: {  	v7 =	vld [tilespmem:s20+$0x70];
	[tilespmem:s21+$0xD0] =	vst v8;
	v9 =	vmul.f32 v9, v1  }
0x1ad: {  	v8 =	vld [tilespmem:s20+$0xFFFFFF00];
	[tilespmem:s21+$0xE0] =	vst v3  }
0x1ae: {  	v1 =	vmov v5;
	v3 =	vld [tilespmem:s20+$0xFFFFFF10];
	[tilespmem:s21+$0xF0] =	vst v9;
	s21 =	smov.u32 s20  }
0x1af: {  	v5 =	vld [tilespmem:s20+$0xFFFFFF20]  }
0x1b0: {  	v9 =	vld [tilespmem:s20+$0xFFFFFF30]  }
0x1b1: {  	v10 =	vld [tilespmem:s20+$0xFFFFFF40];
	v7 =	vmul.f32 v7, v2  }
0x1b2: {  	v8 =	vmul.f32 v8, v6;
	v11 =	vld [tilespmem:s20+$0xFFFFFF50]  }
0x1b3: {  	v3 =	vmul.f32 v3, v6;
	v12 =	vld [tilespmem:s20+$0xFFFFFF60];
	[tilespmem:s20+$0x70] =	vst v7  }
0x1b4: {  	[tilespmem:s20+$0xFFFFFF00] =	vst v8;
	v5 =	vmul.f32 v5, v6;
	v7 =	vld [tilespmem:s20+$0xFFFFFF70]  }
0x1b5: {  	[tilespmem:s20+$0xFFFFFF10] =	vst v3;
	v3 =	vmul.f32 v9, v6;
	v8 =	vld [tilespmem:s20+$0xFFFFFF80]  }
0x1b6: {  	[tilespmem:s20+$0xFFFFFF20] =	vst v5;
	v5 =	vmul.f32 v10, v6;
	v9 =	vld [tilespmem:s20+$0xFFFFFF90]  }
0x1b7: {  	[tilespmem:s20+$0xFFFFFF30] =	vst v3;
	v3 =	vmul.f32 v11, v6;
	v10 =	vld [tilespmem:s20+$0xFFFFFFA0]  }
0x1b8: {  	[tilespmem:s20+$0xFFFFFF40] =	vst v5;
	v5 =	vmul.f32 v12, v6;
	v11 =	vld [tilespmem:s20+$0xFFFFFFB0]  }
0x1b9: {  	[tilespmem:s20+$0xFFFFFF50] =	vst v3;
	v3 =	vmul.f32 v7, v6;
	v6 =	vld [tilespmem:s20+$0xFFFFFFC0]  }
0x1ba: {  	[tilespmem:s20+$0xFFFFFF60] =	vst v5;
	v5 =	vmul.f32 v8, v4;
	v7 =	vld [tilespmem:s20+$0xFFFFFFD0]  }
0x1bb: {  	[tilespmem:s20+$0xFFFFFF70] =	vst v3;
	v3 =	vmul.f32 v9, v4;
	v8 =	vld [tilespmem:s20+$0xFFFFFFE0]  }
0x1bc: {  	[tilespmem:s20+$0xFFFFFF80] =	vst v5;
	v5 =	vmul.f32 v10, v4;
	v9 =	vld [tilespmem:s20+$0xFFFFFFF0]  }
0x1bd: {  	[tilespmem:s20+$0xFFFFFF90] =	vst v3;
	v3 =	vmul.f32 v11, v4;
	v10 =	vld [tilespmem:s20+$0x0]  }
0x1be: {  	[tilespmem:s20+$0xFFFFFFA0] =	vst v5;
	v5 =	vmul.f32 v6, v4;
	v6 =	vld [tilespmem:s20+$0x10]  }
0x1bf: {  	[tilespmem:s20+$0xFFFFFFB0] =	vst v3;
	v3 =	vmul.f32 v7, v4;
	v7 =	vld [tilespmem:s20+$0x20]  }
0x1c0: {  	[tilespmem:s20+$0xFFFFFFC0] =	vst v5;
	v5 =	vmul.f32 v8, v4;
	v11 =	vld [tilespmem:s20+$0x30]  }
0x1c1: {  	[tilespmem:s20+$0xFFFFFFD0] =	vst v3;
	v3 =	vmul.f32 v9, v4;
	v9 =	vld [tilespmem:s20+$0x40]  }
.Ltmp5:
0x1c2: {  	[tilespmem:s20+$0xFFFFFFE0] =	vst v5;
	v5 =	vmul.f32 v10, v2;
	v4 =	vld [tilespmem:s20+$0x50];
	(pc) =	sbr.rel @p1 .LBB2_9-.Ltmp5, $4  }
0x1c3: {  	[tilespmem:s20+$0xFFFFFFF0] =	vst v3;
	v6 =	vmul.f32 v6, v2;
	v3 =	vld [tilespmem:s20+$0x60]  }
0x1c4: {  	s13 =	sadd.s32 $0x3, s22;
	v10 =	vmov s22;
	[tilespmem:s20+$0x0] =	vst v5;
	v13 =	vmul.f32 v7, v2;
	v8 =	vld [tilespmem:s20+$0x80]  }
0x1c5: {  	s15 =	sadd.s32 $0x1, s22;
	v12 =	vand.u32 $0xFFFFFFFC, v10;
	v5 =	vmov s13;
	[tilespmem:s20+$0x10] =	vst v6;
	v10 =	vmul.f32 v11, v2;
	v7 =	vld [tilespmem:s20+$0x90]  }
0x1c6: {  	s13 =	sadd.s32 $0x2, s22;
	s22 =	sadd.s32 $0x4, s22;
	v6 =	vbroadcast v12, $0x0;
	v12 =	vmov s15;
	[tilespmem:s20+$0x20] =	vst v13;
	v11 =	vmul.f32 v9, v2;
	v9 =	vld [tilespmem:s20+$0xA0]  }
0x1c7: {  	v13 =	vld [tilespmem:s20+$0xB0]  }
0x1c8: {  	v15 =	vld [tilespmem:s20+$0xC0]  }
0x1c9: {  	v16 =	vld [tilespmem:s20+$0xD0]  }
0x1ca: {  	v17 =	vld [tilespmem:s20+$0xE0]  }
0x1cb: {  	v29 =	vld [tilespmem:s20+$0xF0];
	[tilespmem:s20+$0x30] =	vst v10;
	v4 =	vmul.f32 v4, v2  }
0x1cc: {  	v5 =	vld.idx.msk [tilespmem:v5+s9+$0x0], $0xffff;
	[tilespmem:s20+$0x40] =	vst v11;
	v2 =	vmul.f32 v3, v2  }
0x1cd: {  	s22 =	sadd.s32 $0x200, s20;
	v3 =	vld.idx.msk [tilespmem:v6+s9+$0x0], $0xffff;
	v8 =	vmul.f32 v8, v1;
	[tilespmem:s20+$0x50] =	vst v4  }
0x1ce: {  	v14 =	vmov s13;
	v34 =	vld [tilespmem:s22+$0x70];
	v30 =	vmul.f32 v7, v1;
	[tilespmem:s20+$0x60] =	vst v2  }
0x1cf: {  	v14 =	vand.u32 $0xFFFFFFFE, v14;
	v35 =	vld [tilespmem:s22+$0xFFFFFF00];
	[tilespmem:s20+$0x80] =	vst v8;
	v2 =	vmul.f32 v9, v1  }
0x1d0: {  	v37 =	vld [tilespmem:s22+$0xFFFFFF10];
	v14 =	vbroadcast v14, $0x0;
	[tilespmem:s20+$0x90] =	vst v30;
	v33 =	vmul.f32 v13, v1  }
0x1d1: {  	v38 =	vld [tilespmem:s22+$0xFFFFFF20];
	[tilespmem:s20+$0xA0] =	vst v2;
	v2 =	vmul.f32 v15, v1  }
0x1d2: {  	v12 =	vand.u32 $0xFFFFFFFD, v12;
	v39 =	vld [tilespmem:s22+$0xFFFFFF30];
	v36 =	vmul.f32 v16, v1;
	[tilespmem:s20+$0xB0] =	vst v33  }
0x1d3: {  	v12 =	vbroadcast v12, $0x0;
	v41 =	vld [tilespmem:s22+$0xFFFFFF50];
	[tilespmem:s21+$0xC0] =	vst v2;
	v2 =	vmul.f32 v17, v1  }
0x1d4: {  	v43 =	vld [tilespmem:s22+$0xFFFFFF60];
	[tilespmem:s21+$0xD0] =	vst v36;
	v1 =	vmul.f32 v29, v1  }
0x1d5: {  	v42 =	vmul.f32 v37, v3;
	[tilespmem:s21+$0xE0] =	vst v2;
	v2 =	vld [tilespmem:s22+$0xFFFFFF40]  }
0x1d6: {  	v32 =	vld.idx.msk [tilespmem:v14+s9+$0x0], $0xffff;
	[tilespmem:s21+$0xF0] =	vst v1;
	v1 =	vmul.f32 v35, v3  }
0x1d7: {  	v44 =	vld [tilespmem:s22+$0xFFFFFF70];
	v4 =	vmul.f32 v39, v3;
	[tilespmem:s22+$0xFFFFFF10] =	vst v42  }
0x1d8: {  	v45 =	vld [tilespmem:s22+$0xFFFFFF80];
	[tilespmem:s22+$0xFFFFFF00] =	vst v1;
	v1 =	vmul.f32 v38, v3  }
0x1d9: {  	v46 =	vmul.f32 v41, v3;
	v31 =	vld.idx.msk [tilespmem:v12+s9+$0x0], $0xffff;
	[tilespmem:s22+$0xFFFFFF30] =	vst v4  }
0x1da: {  	[tilespmem:s22+$0xFFFFFF20] =	vst v1;
	v1 =	vmul.f32 v2, v3;
	v2 =	vld [tilespmem:s22+$0xFFFFFF90]  }
0x1db: {  	v47 =	vld [tilespmem:s22+$0xFFFFFFA0];
	[tilespmem:s22+$0xFFFFFF50] =	vst v46;
	v40 =	vmul.f32 v34, v32  }
0x1dc: {  	v48 =	vld [tilespmem:s22+$0xFFFFFFB0];
	[tilespmem:s22+$0xFFFFFF40] =	vst v1;
	v1 =	vmul.f32 v43, v3  }
0x1dd: {  	v49 =	vld [tilespmem:s22+$0xFFFFFFC0];
	[tilespmem:s22+$0x70] =	vst v40;
	v3 =	vmul.f32 v44, v3  }
0x1de: {  	v50 =	vld [tilespmem:s22+$0xFFFFFFD0];
	[tilespmem:s22+$0xFFFFFF60] =	vst v1;
	v1 =	vmul.f32 v45, v31  }
0x1df: {  	[tilespmem:s22+$0xFFFFFF70] =	vst v3;
	v3 =	vld [tilespmem:s22+$0xFFFFFFE0];
	v2 =	vmul.f32 v2, v31  }
0x1e0: {  	v51 =	vld [tilespmem:s22+$0xFFFFFFF0];
	[tilespmem:s22+$0xFFFFFF80] =	vst v1;
	v1 =	vmul.f32 v47, v31  }
0x1e1: {  	v52 =	vld [tilespmem:s22+$0x0];
	[tilespmem:s22+$0xFFFFFF90] =	vst v2;
	v2 =	vmul.f32 v48, v31  }
0x1e2: {  	v53 =	vld [tilespmem:s22+$0x10];
	[tilespmem:s22+$0xFFFFFFA0] =	vst v1;
	v1 =	vmul.f32 v49, v31  }
0x1e3: {  	v54 =	vld [tilespmem:s22+$0x20];
	[tilespmem:s22+$0xFFFFFFB0] =	vst v2;
	v2 =	vmul.f32 v50, v31  }
0x1e4: {  	[tilespmem:s22+$0xFFFFFFC0] =	vst v1;
	v1 =	vmul.f32 v3, v31;
	v3 =	vld [tilespmem:s22+$0x30]  }
0x1e5: {  	v55 =	vld [tilespmem:s22+$0x40];
	[tilespmem:s22+$0xFFFFFFD0] =	vst v2;
	v2 =	vmul.f32 v51, v31  }
0x1e6: {  	v56 =	vld [tilespmem:s22+$0x50];
	[tilespmem:s22+$0xFFFFFFE0] =	vst v1;
	v1 =	vmul.f32 v52, v32  }
0x1e7: {  	v57 =	vld [tilespmem:s22+$0x60];
	[tilespmem:s22+$0xFFFFFFF0] =	vst v2;
	v2 =	vmul.f32 v53, v32  }
0x1e8: {  	v58 =	vld [tilespmem:s22+$0x80];
	[tilespmem:s22+$0x0] =	vst v1;
	v1 =	vmul.f32 v54, v32  }
0x1e9: {  	[tilespmem:s22+$0x10] =	vst v2;
	v2 =	vmul.f32 v3, v32;
	v3 =	vld [tilespmem:s22+$0x90]  }
0x1ea: {  	v59 =	vld [tilespmem:s22+$0xA0];
	[tilespmem:s22+$0x20] =	vst v1;
	v1 =	vmul.f32 v55, v32  }
0x1eb: {  	v60 =	vld [tilespmem:s22+$0xB0];
	[tilespmem:s22+$0x30] =	vst v2;
	v2 =	vmul.f32 v56, v32  }
0x1ec: {  	v61 =	vld [tilespmem:s22+$0xC0];
	[tilespmem:s22+$0x40] =	vst v1;
	v1 =	vmul.f32 v57, v32  }
0x1ed: {  	v62 =	vld [tilespmem:s22+$0xD0];
	[tilespmem:s22+$0x50] =	vst v2;
	v2 =	vmul.f32 v58, v5  }
0x1ee: {  	[tilespmem:s22+$0x60] =	vst v1;
	v1 =	vmul.f32 v3, v5;
	v3 =	vld [tilespmem:s22+$0xE0]  }
0x1ef: {  	v63 =	vld [tilespmem:s22+$0xF0];
	[tilespmem:s22+$0x80] =	vst v2;
	v2 =	vmul.f32 v59, v5  }
0x1f0: {  	[tilespmem:s22+$0x90] =	vst v1;
	v1 =	vmul.f32 v60, v5  }
0x1f1: {  	[tilespmem:s22+$0xA0] =	vst v2;
	v2 =	vmul.f32 v61, v5  }
0x1f2: {  	[tilespmem:s22+$0xB0] =	vst v1;
	v1 =	vmul.f32 v62, v5  }
.Ltmp6:
0x1f3: {  	[tilespmem:s22+$0xC0] =	vst v2;
	v2 =	vmul.f32 v3, v5;
	(pc) =	sbr.rel @p0 .LBB2_12-.Ltmp6, $4  }
0x1f4: {  	[tilespmem:s22+$0xD0] =	vst v1;
	v1 =	vmul.f32 v63, v5  }
0x1f5: {  	[tilespmem:s22+$0xE0] =	vst v2  }
0x1f6: {  	[tilespmem:s22+$0xF0] =	vst v1  }
0x1f7: {  	[spmem:s3] =	stream.indirect.scatter.add.f32 [tilespmem:s10], [sflag:$0x6], $0x80, s0, s28, $0xb8;
	[tilespmem:$0x1E280] =	vst v63  }
0x1f8: {  	s13 =	sadd.s32 $0x4, s19  }
0x1f9: {  	s15 =	sadd.s32 s7, s13  }
0x1fa: {  	_ =	swait.ge [sflag:s14], $0x2800;
	s15 =	smul.u32 $0xA, s15  }
0x1fb: {  	[sflag:s14] =	ssyncset.done $0x0  }
0x1fc: {  	[sflag:s14] =	ssyncadd.s32 $0xFFFFD800;
	s22 =	sadd.s32 s5, s15  }
0x1fd: {  	[tilespmem:s29], [sflag:$0x2] =	stream.linear.gather [hbm4b:s22+s4], $0x50, $0x38;
	[tilespmem:$0x1E280] =	vst v63  }
.Ltmp7:
0x1fe: {  	_ = 	snop;
	(pc) =	sbr.rel .LBB2_4-.Ltmp7, $4  }
0x1ff: {  	s13 =	smul.u32 $0x140, s13;
	s15 =	sadd.s32 s6, s15  }
0x200: {  	[tilespmem:s30], [sflag:$0x2] =	stream.linear.gather [hbm4b:s15+s4], $0x50, $0x38;
	[tilespmem:$0x1E280] =	vst v63  }
0x201: {  	s18 =	sadd.s32 $0x1, s18;
	s13 =	sshra.s32 s13, $0x2  }
0x202: {  	[tilespmem:s31], [sflag:$0x2] =	stream.indirect.gather [hbm4b:s1+s28], $0x80, s13, s28, $0xb8;
	[tilespmem:$0x1E280] =	vst v63  }
.LBB2_13:
0x203: {  	_ =	sfence.sel $0x180000  }
0x204: {  	[bflag:$0x0] =	sbarrier.arrive $0xFFFF  }
0x205: {  	_ =	strace $0x9000004D  }
0x206: {  	s0 =	stileid.u32;
	[bflag:$0x2] =	sbarrier.arrive $0xFFFF  }
0x207: {  	p0 =	sne.s32 s0, $0x0;
	s0 =	rddreg [dreg:$0x3]  }
0x208: {  	s0 =	sadd.s32 @!p0 $0x100000, s0  }
0x209: {  	[sflag:s0] =	ssyncadd.tile.s32 @!p0 $0x1;
	_ =	shalt  }
.Lfunc_end2:
_tile_overlayer_lowered:
.L_overlay_start_2:
0x20a: {  	(tag) =	ssettag $0x2  }
0x20b: {  	s0 =	rddreg [dreg:$0x0];
	s2 =	stileid.u32  }
0x20c: {  	s1 =	rddreg [dreg:$0x1];
	p0 =	sne.s32 s2, $0x0  }
0x20d: {  	s3 =	rddreg [dreg:$0x2];
	[bflag:$0x3] =	sbarrier.arrive $0xFFFF;
	s2 =	simm.s32 @!p0 $0x1C07  }
0x20e: {  	[timem:s3], [sflag:s2] =	dma.local @!p0 [hbm:s0], s1  }
0x20f: {  	s0 =	simm.s32 @!p0 $0x7  }
0x210: {  	_ =	swait.ge @!p0 [sflag:s0], s1  }
0x211: {  	s1 =	ssub.s32 @!p0 $0x0, s1;
	[sflag:s0] =	ssyncset.done @!p0 $0x0  }
0x212: {  	[sflag:s0] =	ssyncadd.s32 @!p0 s1  }
0x213: {  	[bflag:$0x3] =	sbarrier.arrive $0xFFFF  }
0x214: {  	_ =	shalt  }

// kernel: kernel.18.cloned.1.call-start
scs
__scs_entry_jumppad:
0x0: {  	(pc) =	sbr.rel $0x88, $3  }
0x1: {  	(tag) =	ssettag $0x0;
	lr =	simm.s32 $0x1  }
0x2: {  	[smem:$0x3F98] =	sst lr;
	_ =	strace $0xD0000000  }
0x3: {  	_ = 	snop  }
0x4: {  	_ = 	snop  }
0x5: {  	_ = 	snop  }
0x6: {  	_ = 	snop  }
0x7: {  	_ = 	snop  }
__scs_overlays_trampoline_lowered:
0x8: {  	[smem:$0x3FA7] =	sst s0  }
0x9: {  	[smem:$0x3FA8] =	sst s1  }
0xa: {  	[smem:$0x3FA9] =	sst s2  }
0xb: {  	[smem:$0x3FAA] =	sst s3  }
0xc: {  	[smem:$0x3FAB] =	sst s4  }
0xd: {  	[smem:$0x3FAC] =	sst s5  }
0xe: {  	[smem:$0x3FAD] =	sst s6  }
0xf: {  	[smem:$0x3FAE] =	sst s7  }
0x10: {  	[smem:$0x3FAF] =	sst s8  }
0x11: {  	[smem:$0x3FB0] =	sst s9;
	s0 =	simm.s32 @!p0 $0x0  }
0x12: {  	s1 =	sld [smem:$0x3F96];
	s0 =	simm.s32 @p0 $0x1  }
0x13: {  	[smem:$0x3FB1] =	sst s0;
	s0 =	simm.s32 @!p1 $0x0  }
0x14: {  	s2 =	sld [smem:$0x3F95];
	s0 =	simm.s32 @p1 $0x1  }
0x15: {  	[smem:$0x3FB2] =	sst s0;
	s0 =	simm.s32 @!p2 $0x0  }
0x16: {  	s3 =	sld [smem:$0x3FDB];
	s0 =	simm.s32 @p2 $0x1  }
0x17: {  	s4 =	simm.s32 $0x1BF5;
	[smem:$0x3FB4] =	sst s0  }
0x18: {  	s0 =	sld [smem:$0x3F97];
	_ =	swait.ge [sflag:s4], $0x0  }
0x19: {  	s7 =	sld [smem:$0x3F98]  }
0x1a: {  	s8 =	sadd.s32 $0xFFFFE003, lr  }
0x1b: {  	s9 =	sadd.s32 $0xFFFFFEF7, lr;
	s5 =	simm.s32 $0xFFFFFFFF;
	p2 =	slt.u32 s8, $0xFFFFF086  }
0x1c: {  	p1 =	slt.u32 s9, $0xF7A;
	s5 =	simm.s32 @!p2 $0x0  }
0x1d: {  	s5 =	simm.s32 @p1 $0x1;
	p0 =	seq.s32 s7, s2  }
0x1e: {  	s7 =	smul.u32 @!p0 $0xF7A, s2;
	p2 =	seq.s32 @!p0 s5, $0x0  }
0x1f: {  	s9 =	smul.u32 $0xF7A, s1;
	s8 =	simm.s32 @!p0 $0x1BF5;
	p2 =	por !p2, p0  }
0x20: {  	[sflag:s8] =	ssyncset.s32 @!p0 $0xFFFFF086;
	s6 =	sadd.s32 @!p0 s3, s7;
	s7 =	simm.s32 @!p0 $0x108  }
0x21: {  	s3 =	sadd.s32 s3, s9;
	s6 =	sadd.s32 @!p0 $0x88, s6;
	s7 =	simm.s32 @p2 $0x1082  }
0x22: {  	[simem:s7], [sflag:s8] =	dma.local @!p0 [hbm:s6], $0xF7A  }
0x23: {  	s9 =	sor.u32 $0xD0000000, s2;
	s6 =	simm.s32 $0x108;
	_ =	swait.ge @!p0 [sflag:s8], $0x0  }
0x24: {  	s3 =	sadd.s32 $0x88, s3;
	s6 =	simm.s32 @!p1 $0x1082;
	[sflag:s4] =	ssyncset.s32 $0xFFFFF086  }
0x25: {  	[simem:s6], [sflag:s4] =	dma.local [hbm:s3], $0xF7A  }
0x26: {  	[smem:$0x3F98] =	sst s1;
	(tag) =	ssettag s2;
	_ =	strace s9  }
0x27: {  	s1 =	sld [smem:$0x3FA8]  }
0x28: {  	s2 =	sld [smem:$0x3FA9]  }
0x29: {  	s4 =	sld [smem:$0x3FAB]  }
0x2a: {  	p0 =	seq.s32 s5, $0x0;
	s5 =	sld [smem:$0x3FAC]  }
0x2b: {  	s6 =	sld [smem:$0x3FAD]  }
0x2c: {  	s7 =	sld [smem:$0x3FAE]  }
0x2d: {  	s3 =	simm.s32 $0x108;
	s8 =	sld [smem:$0x3FAF]  }
0x2e: {  	s3 =	simm.s32 @!p0 $0x1082;
	s9 =	sld [smem:$0x3FB0]  }
0x2f: {  	lr =	sadd.s32 s0, s3;
	s0 =	sld [smem:$0x3FA7]  }
0x30: {  	s3 =	sld [smem:$0x3FAA]  }
0x31: {  	[smem:$0x3FB3] =	sst s10  }
0x32: {  	s10 =	sld [smem:$0x3FB1];
	_ =	sdelay $0x3  }
0x33: {  	p0 =	seq.s32 s10, $0x1;
	s10 =	sld [smem:$0x3FB3];
	_ =	sdelay $0x3  }
0x34: {  	[smem:$0x3FB3] =	sst s10  }
0x35: {  	s10 =	sld [smem:$0x3FB2];
	_ =	sdelay $0x3  }
0x36: {  	p1 =	seq.s32 s10, $0x1;
	s10 =	sld [smem:$0x3FB3];
	_ =	sdelay $0x3  }
0x37: {  	[smem:$0x3FB3] =	sst s10  }
0x38: {  	s10 =	sld [smem:$0x3FB4]  }
0x39: {  	_ = 	snop;
	(pc) =	sbr.ind lr, $3  }
0x3a: {  	_ = 	snop  }
0x3b: {  	_ = 	snop  }
0x3c: {  	p2 =	seq.s32 s10, $0x1;
	s10 =	sld [smem:$0x3FB3]  }
0x3d: {  	_ =	shalt  }
0x3e: {  	_ =	shalt  }
0x3f: {  	_ =	shalt  }
0x40: {  	_ =	shalt  }
0x41: {  	_ =	shalt  }
0x42: {  	_ =	shalt  }
0x43: {  	_ =	shalt  }
0x44: {  	_ =	shalt  }
0x45: {  	_ =	shalt  }
0x46: {  	_ =	shalt  }
0x47: {  	_ =	shalt  }
0x48: {  	_ =	shalt  }
0x49: {  	_ =	shalt  }
0x4a: {  	_ =	shalt  }
0x4b: {  	_ =	shalt  }
0x4c: {  	_ =	shalt  }
0x4d: {  	_ =	shalt  }
0x4e: {  	_ =	shalt  }
0x4f: {  	_ =	shalt  }
0x50: {  	_ =	shalt  }
0x51: {  	_ =	shalt  }
0x52: {  	_ =	shalt  }
0x53: {  	_ =	shalt  }
0x54: {  	_ =	shalt  }
0x55: {  	_ =	shalt  }
0x56: {  	_ =	shalt  }
0x57: {  	_ =	shalt  }
0x58: {  	_ =	shalt  }
0x59: {  	_ =	shalt  }
0x5a: {  	_ =	shalt  }
0x5b: {  	_ =	shalt  }
0x5c: {  	_ =	shalt  }
0x5d: {  	_ =	shalt  }
0x5e: {  	_ =	shalt  }
0x5f: {  	_ =	shalt  }
0x60: {  	_ =	shalt  }
0x61: {  	_ =	shalt  }
0x62: {  	_ =	shalt  }
0x63: {  	_ =	shalt  }
0x64: {  	_ =	shalt  }
0x65: {  	_ =	shalt  }
0x66: {  	_ =	shalt  }
0x67: {  	_ =	shalt  }
0x68: {  	_ =	shalt  }
0x69: {  	_ =	shalt  }
0x6a: {  	_ =	shalt  }
0x6b: {  	_ =	shalt  }
0x6c: {  	_ =	shalt  }
0x6d: {  	_ =	shalt  }
0x6e: {  	_ =	shalt  }
0x6f: {  	_ =	shalt  }
0x70: {  	_ =	shalt  }
0x71: {  	_ =	shalt  }
0x72: {  	_ =	shalt  }
0x73: {  	_ =	shalt  }
0x74: {  	_ =	shalt  }
0x75: {  	_ =	shalt  }
0x76: {  	_ =	shalt  }
0x77: {  	_ =	shalt  }
0x78: {  	_ =	shalt  }
0x79: {  	_ =	shalt  }
0x7a: {  	_ =	shalt  }
0x7b: {  	_ =	shalt  }
0x7c: {  	_ =	shalt  }
0x7d: {  	_ =	shalt  }
0x7e: {  	_ =	shalt  }
0x7f: {  	_ =	shalt  }
0x80: {  	_ =	shalt  }
0x81: {  	_ =	shalt  }
0x82: {  	_ =	shalt  }
0x83: {  	_ =	shalt  }
0x84: {  	_ =	shalt  }
0x85: {  	_ =	shalt  }
0x86: {  	_ =	shalt  }
0x87: {  	_ =	shalt  }
.Lfunc_end0:
.L_simem_size_0:
called_computation.3_lowered:
.L_overlay_start_0:
0x88: {  	s2 =	sld [smem:$0x3FD9]  }
0x89: {  	s3 =	sld [smem:$0x3FFE];
	_ =	sdelay $0x1  }
0x8a: {  	s1 =	srdreg.scid  }
0x8b: {  	s0 =	sand.u32 $0x1, s1  }
0x8c: {  	s17 =	sshll.u32 s0, $0xA;
	s2 =	sadd.s32 s3, s2  }
0x8d: {  	s2 =	sadd.s32 s2, s17  }
0x8e: {  	[smem:$0x3FBF] =	sst s2  }
0x8f: {  	_ = 	snop  }
0x90: {  	s2 =	sld [smem:$0x3FD0];
	(tm) =	ssettm $0x1  }
0x91: {  	s18 =	sld [smem:$0x3FFB];
	_ =	sdelay $0x3  }
0x92: {  	_ =	strace s18  }
0x93: {  	s3 =	sld [smem:$0x3FFC];
	_ =	sdelay $0x3  }
0x94: {  	_ =	strace s3  }
0x95: {  	s3 =	sld [smem:$0x3FFD];
	_ =	sdelay $0x3  }
0x96: {  	_ =	strace s3  }
0x97: {  	_ =	strace $0x8FFFFFFF  }
0x98: {  	s19 =	sld [smem:$0x3FDB];
	_ =	sdelay $0x1  }
0x99: {  	s4 =	simm.s32 $_scs_section_size  }
0x9a: {  	s5 =	simm.s32 $_size__tile_overlayer_lowered;
	s6 =	simm.s32 $_tile_overlayer_lowered  }
0x9b: {  	s22 =	simm.s32 $0x1BFF;
	s21 =	sshll.u32 s6, $0x1;
	s3 =	sadd.s32 s4, s19  }
0x9c: {  	s7 =	simm.s32 $0x0;
	s20 =	sshll.u32 s5, $0x1;
	s5 =	sadd.s32 s21, s3  }
0x9d: {  	[timem:s7], [sflag:s22] =	dma.local [hbm:s5], s20  }
0x9e: {  	_ =	swait.ge [sflag:s22], s20  }
0x9f: {  	s4 =	ssub.s32 $0x0, s20;
	[sflag:s22] =	ssyncset.done $0x0  }
0xa0: {  	[sflag:s22] =	ssyncadd.s32 s4;
	_ =	sdelay $0x1  }
0xa1: {  	s23 =	simm.s32 $0x1B8B  }
0xa2: {  	_ =	swait.ge [sflag:s23], $0x1  }
0xa3: {  	[sflag:s23] =	ssyncset.done $0x0  }
0xa4: {  	s25 =	simm.s32 $0x1B8E;
	s24 =	sld [smem:$0x3FFE];
	[sflag:s23] =	ssyncadd.s32 $0xFFFFFFFF  }
0xa5: {  	s26 =	simm.s32 $execute0_lowered;
	[smem:$0x3FD2] =	sst s25  }
0xa6: {  	s5 =	sshll.u32 s26, $0x1;
	_ =	strace $0x8000004F;
	[dreg:$0x1] =	wrdreg $0xFFFFFFFF  }
0xa7: {  	s28 =	simm.s32 $_size_execute0_lowered;
	s3 =	sadd.s32 s3, s5;
	[dreg:$0x0] =	wrdreg $0x0  }
0xa8: {  	s5 =	sshll.u32 s28, $0x1;
	[dreg:$0x2] =	wrdreg s3  }
0xa9: {  	[dreg:$0x3] =	wrdreg s5  }
0xaa: {  	[dreg:$0x4] =	wrdreg $0xC0  }
0xab: {  	_ =	task [dreg:s7], $0x5FFFF  }
0xac: {  	[dreg:$0x1] =	wrdreg $0xFFFFFFFF  }
0xad: {  	[dreg:$0x0] =	wrdreg $0x60  }
0xae: {  	[dreg:$0x2] =	wrdreg s2  }
0xaf: {  	[dreg:$0x3] =	wrdreg s24  }
0xb0: {  	[dreg:$0x4] =	wrdreg $0xA2800  }
0xb1: {  	[dreg:$0x5] =	wrdreg $0x9  }
0xb2: {  	_ =	task.clear_ibuf [dreg:s7], $0x6FFFF;
	_ =	strace $0x9000004F  }
0xb3: {  	s29 =	simm.s32 $0x9;
	_ =	strace $0x80000051  }
0xb4: {  	_ =	swait.ge [sflag:s29], $0x1  }
0xb5: {  	[sflag:s29] =	ssyncadd.s32 $0xFFFFFFFF  }
0xb6: {  	_ =	strace $0x90000051  }
0xb7: {  	_ =	sfence  }
0xb8: {  	s30 =	sld [smem:$0x0];
	_ =	sdelay $0x2  }
0xb9: {  	s31 =	sshll.u32 s1, $0xD;
	s1 =	sshrl.u32 s1, $0x2  }
0xba: {  	s3 =	sand.u32 $0x4000, s31;
	s1 =	sadd.s32 s1, s30  }
0xbb: {  	s0 =	sor.u32 s3, s0;
	s1 =	sshll.u32 s1, $0x11  }
0xbc: {  	s0 =	sor.u32 s1, s0  }
0xbd: {  	s0 =	sadd.s32 $0x8F2B, s0  }
0xbe: {  	[sflag:s0] =	ssyncadd.remote.s32 $0x1  }
0xbf: {  	_ =	sfence.sel $0xFFFF  }
0xc0: {  	[dreg:$0x0] =	wrdreg $0xFFFFFFFF;
	(pc) =	sbr.abs _section_cstart, $3  }
0xc1: {  	[dreg:$0x1] =	wrdreg $0xFFFFFFFF  }
0xc2: {  	_ =	task.clear_ibuf [dreg:s7], $0x2FFFF;
	_ =	strace $0x9FFFFFFF  }
0xc3: {  	(tm) =	ssettm $0x7FFFFFFF  }
tec
execute0_lowered:
.L_overlay_start_1:
0x0: {  	(tag) =	ssettag $0x1  }
0x1: {  	s1 =	rddreg [dreg:$0x0]  }
0x2: {  	s0 =	srdreg.scid;
	s7 =	rddreg [dreg:$0x1]  }
0x3: {  	s11 =	stileid.u32;
	s3 =	rddreg [dreg:$0x2];
	s4 =	simm.s32 $0x0  }
0x4: {  	s28 =	simm.s32 $0x50;
	s29 =	simm.s32 $0x2800;
	s30 =	simm.s32 $0x2980  }
0x5: {  	s31 =	simm.s32 $0x5280;
	s14 =	simm.s32 $0x5;
	s0 =	sand.u32 $0x1, s0  }
0x6: {  	[smem:$0x7FF] =	sst s4;
	s6 =	smul.u32 $0x14000, s11;
	s2 =	sshll.u32 s0, $0x4  }
0x7: {  	s5 =	smul.u32 $0x140000, s0;
	_ =	strace $0x80000050;
	s0 =	ssub.s32 $0x2, s0  }
0x8: {  	s2 =	sor.u32 s11, s2;
	s11 =	smul.u32 $0x50000, s11;
	s16 =	sshrl.u32 s0, $0x1  }
0x9: {  	s9 =	smul.u32 $0x4EC, s2;
	s8 =	sadd.s32 s6, s5;
	s5 =	sadd.s32 $0xC800, s7  }
0xa: {  	s6 =	sadd.s32 $0x20E00, s7;
	s0 =	ssub.s32 s0, s16;
	s8 =	sshrl.u32 s8, $0x3  }
0xb: {  	s15 =	sshrl.u32 s11, $0x2;
	s0 =	smax.u32 s0, $0x1;
	s10 =	sadd.s32 s9, s7  }
0xc: {  	s12 =	sadd.s32 s8, s7;
	s24 =	sadd.s32 s5, s9;
	[dreg:$0x11] =	wrdreg s0  }
0xd: {  	s8 =	sadd.s32 s15, s3;
	s9 =	sadd.s32 s6, s9;
	[dreg:$0xc] =	wrdreg s24  }
0xe: {  	s16 =	simm.s32 $0x0;
	s17 =	sadd.s32 $0x2800, s8;
	[dreg:$0xd] =	wrdreg s9  }
0xf: {  	s11 =	simm.s32 $0x2;
	s18 =	sadd.s32 $0x5000, s8;
	[dreg:$0x4] =	wrdreg s17  }
0x10: {  	s7 =	smul.u32 $0x7E, s2;
	s19 =	sadd.s32 $0x7800, s8;
	[dreg:$0x5] =	wrdreg s18  }
0x11: {  	s2 =	smul.u32 $0x2760, s2;
	s20 =	sadd.s32 $0xA000, s8;
	[dreg:$0x6] =	wrdreg s19  }
0x12: {  	s0 =	simm.s32 $0x2880;
	s21 =	sadd.s32 $0xC800, s8;
	[dreg:$0x7] =	wrdreg s20  }
0x13: {  	s22 =	sadd.s32 $0xF000, s8;
	s23 =	sadd.s32 $0x11800, s8;
	[dreg:$0x8] =	wrdreg s21  }
0x14: {  	s10 =	sadd.s32 $0x16600, s10;
	s26 =	sadd.s32 $0x2AC00, s12;
	[dreg:$0x9] =	wrdreg s22  }
0x15: {  	s24 =	simm.s32 $0x7;
	s9 =	simm.s32 $0x2A00;
	[dreg:$0xa] =	wrdreg s23  }
.Ltmp0:
0x16: {  	s2 =	sshrl.u32 s2, $0x3;
	[dreg:$0xb] =	wrdreg s10;
	(pc) =	sbr.rel .LBB2_1-.Ltmp0, $4  }
0x17: {  	s12 =	simm.s32 $0x3;
	[dreg:$0x10] =	wrdreg s26;
	s2 =	sadd.s32 $0xA, s2  }
0x18: {  	s23 =	simm.s32 $0x2A80;
	s26 =	simm.s32 $0x2900;
	s25 =	sadd.s32 s5, s2  }
0x19: {  	s10 =	simm.s32 $0x7A80;
	s2 =	sadd.s32 s6, s2;
	[dreg:$0xe] =	wrdreg s25  }
0x1a: {  	v0 =	vimm.f32 $0.0e+00;
	[dreg:$0xf] =	wrdreg s2;
	s25 =	simm.s32 $0x2780;
	s2 =	simm.s32 $0x1  }
.LBB2_12:
0x1b: {  	s13 =	simm.s32 $0x4  }
0x1c: {  	_ =	swait.ge [sflag:s13], $0x2800  }
0x1d: {  	[sflag:s13] =	ssyncset.done $0x0  }
0x1e: {  	[sflag:s13] =	ssyncadd.s32 $0xFFFFD800  }
0x1f: {  	_ =	swait.ge [sflag:s14], $0x2800  }
0x20: {  	[sflag:s14] =	ssyncset.done $0x0  }
0x21: {  	s20 =	simm.s32 $0x6;
	[sflag:s14] =	ssyncadd.s32 $0xFFFFD800  }
0x22: {  	_ =	swait.ge [sflag:s20], $0x2800  }
0x23: {  	[sflag:s20] =	ssyncset.done $0x0  }
0x24: {  	s21 =	stileid.u32;
	[sflag:s20] =	ssyncadd.s32 $0xFFFFD800  }
0x25: {  	s13 =	sshll.u32 s21, $0x6;
	[bflag:$0x0] =	sbarrier.arrive $0xFFFF  }
0x26: {  	s15 =	sshrl.u32 s8, $0x3;
	s13 =	sor.u32 $0x1C07, s13;
	s17 =	rddreg [dreg:$0x10]  }
0x27: {  	[hbm:s17], [sflag:s13] =	dma.local [spmem:s15], $0x2800  }
0x28: {  	_ =	swait.ge [sflag:s24], $0x2800  }
0x29: {  	s16 =	sadd.s32 $0x1, s16;
	s22 =	rddreg [dreg:$0x11]  }
0x2a: {  	p0 =	sne.s32 s16, s22  }
.Ltmp1:
0x2b: {  	_ = 	snop;
	(pc) =	sbr.rel @!p0 .LBB2_13-.Ltmp1, $3  }
0x2c: {  	_ =	sdelay $0x1  }
0x2d: {  	[sflag:s24] =	ssyncset.done $0x0  }
0x2e: {  	[sflag:s24] =	ssyncadd.s32 $0xFFFFD800  }
.LBB2_1:
0x2f: {  	s17 =	simm.s32 $0x0;
	s18 =	simm.s32 $0x200  }
.LBB2_2:
0x30: {  	p0 =	sne.s32 s18, $0x9E00;
	[tilespmem:s17+$0x2AF0] =	vst v0  }
0x31: {  	[tilespmem:s17+$0x2A80] =	vst v0  }
0x32: {  	[tilespmem:s17+$0x2A90] =	vst v0  }
.Ltmp2:
0x33: {  	[tilespmem:s17+$0x2AA0] =	vst v0;
	(pc) =	sbr.rel @p0 .LBB2_2-.Ltmp2, $4  }
0x34: {  	[tilespmem:s17+$0x2AB0] =	vst v0  }
0x35: {  	[tilespmem:s17+$0x2AC0] =	vst v0  }
0x36: {  	[tilespmem:s17+$0x2AD0] =	vst v0  }
0x37: {  	[tilespmem:s17+$0x2AE0] =	vst v0;
	s17 =	sshra.s32 s18, $0x2;
	s18 =	sadd.s32 $0x200, s18  }
0x38: {  	[tilespmem:s17+$0x2AF0] =	vst v0  }
0x39: {  	[tilespmem:s17+$0x2A80] =	vst v0  }
0x3a: {  	[tilespmem:s17+$0x2A90] =	vst v0  }
0x3b: {  	[tilespmem:s17+$0x2AA0] =	vst v0  }
0x3c: {  	[tilespmem:s17+$0x2AB0] =	vst v0  }
0x3d: {  	[tilespmem:s17+$0x2AC0] =	vst v0  }
0x3e: {  	[tilespmem:s17+$0x2AD0] =	vst v0  }
0x3f: {  	[tilespmem:s17+$0x2AE0] =	vst v0  }
0x40: {  	[spmem:s8] =	stream.linear.scatter [tilespmem:s23], [sflag:$0x7], $0x2800, $0x38;
	[tilespmem:$0x1E280] =	vst v63  }
0x41: {  	_ =	swait.ge [sflag:s24], $0x2800  }
0x42: {  	[sflag:s24] =	ssyncset.done $0x0  }
0x43: {  	s13 =	rddreg [dreg:$0x4];
	[sflag:s24] =	ssyncadd.s32 $0xFFFFD800  }
0x44: {  	[spmem:s13] =	stream.linear.scatter [tilespmem:s23], [sflag:$0x7], $0x2800, $0x38;
	[tilespmem:$0x1E280] =	vst v63  }
0x45: {  	_ =	swait.ge [sflag:s24], $0x2800  }
0x46: {  	[sflag:s24] =	ssyncset.done $0x0  }
0x47: {  	s19 =	rddreg [dreg:$0x5];
	[sflag:s24] =	ssyncadd.s32 $0xFFFFD800  }
0x48: {  	[spmem:s19] =	stream.linear.scatter [tilespmem:s23], [sflag:$0x7], $0x2800, $0x38;
	[tilespmem:$0x1E280] =	vst v63  }
0x49: {  	_ =	swait.ge [sflag:s24], $0x2800  }
0x4a: {  	[sflag:s24] =	ssyncset.done $0x0  }
0x4b: {  	s20 =	rddreg [dreg:$0x6];
	[sflag:s24] =	ssyncadd.s32 $0xFFFFD800  }
0x4c: {  	[spmem:s20] =	stream.linear.scatter [tilespmem:s23], [sflag:$0x7], $0x2800, $0x38;
	[tilespmem:$0x1E280] =	vst v63  }
0x4d: {  	_ =	swait.ge [sflag:s24], $0x2800  }
0x4e: {  	[sflag:s24] =	ssyncset.done $0x0  }
0x4f: {  	s21 =	rddreg [dreg:$0x7];
	[sflag:s24] =	ssyncadd.s32 $0xFFFFD800  }
0x50: {  	[spmem:s21] =	stream.linear.scatter [tilespmem:s23], [sflag:$0x7], $0x2800, $0x38;
	[tilespmem:$0x1E280] =	vst v63  }
0x51: {  	_ =	swait.ge [sflag:s24], $0x2800  }
0x52: {  	[sflag:s24] =	ssyncset.done $0x0  }
0x53: {  	s22 =	rddreg [dreg:$0x8];
	[sflag:s24] =	ssyncadd.s32 $0xFFFFD800  }
0x54: {  	[spmem:s22] =	stream.linear.scatter [tilespmem:s23], [sflag:$0x7], $0x2800, $0x38;
	[tilespmem:$0x1E280] =	vst v63  }
0x55: {  	_ =	swait.ge [sflag:s24], $0x2800  }
0x56: {  	[sflag:s24] =	ssyncset.done $0x0  }
0x57: {  	s15 =	rddreg [dreg:$0x9];
	[sflag:s24] =	ssyncadd.s32 $0xFFFFD800  }
0x58: {  	[spmem:s15] =	stream.linear.scatter [tilespmem:s23], [sflag:$0x7], $0x2800, $0x38;
	[tilespmem:$0x1E280] =	vst v63  }
0x59: {  	_ =	swait.ge [sflag:s24], $0x2800  }
0x5a: {  	[sflag:s24] =	ssyncset.done $0x0  }
0x5b: {  	s17 =	rddreg [dreg:$0xa];
	[sflag:s24] =	ssyncadd.s32 $0xFFFFD800  }
0x5c: {  	[spmem:s17] =	stream.linear.scatter [tilespmem:s23], [sflag:$0x7], $0x2800, $0x38;
	[tilespmem:$0x1E280] =	vst v63  }
0x5d: {  	_ =	swait.ge [sflag:s24], $0x2800  }
0x5e: {  	[sflag:s24] =	ssyncset.done $0x0  }
0x5f: {  	[sflag:s24] =	ssyncadd.s32 $0xFFFFD800  }
0x60: {  	[bflag:$0x0] =	sbarrier.arrive $0xFFFF  }
0x61: {  	s17 =	simm.s32 $0x0;
	s18 =	rddreg [dreg:$0xb]  }
0x62: {  	[tilespmem:s17], [sflag:$0x7] =	stream.linear.gather [hbm4b:s18+s17], $0x2760, $0x38;
	[tilespmem:$0x1E280] =	vst v63  }
0x63: {  	_ =	swait.ge [sflag:s24], $0x2760  }
0x64: {  	[sflag:s24] =	ssyncset.done $0x0  }
0x65: {  	s19 =	rddreg [dreg:$0xc];
	[sflag:s24] =	ssyncadd.s32 $0xFFFFD8A0  }
0x66: {  	[tilespmem:s25], [sflag:$0x1] =	stream.linear.gather [hbm4b:s19+s17], $0x50, $0x38;
	[tilespmem:$0x1E280] =	vst v63  }
0x67: {  	s20 =	rddreg [dreg:$0xd]  }
0x68: {  	[tilespmem:s26], [sflag:$0x1] =	stream.linear.gather [hbm4b:s20+s17], $0x50, $0x38;
	[tilespmem:$0x1E280] =	vst v63  }
0x69: {  	_ = 	snop  }
0x6a: {  	[tilespmem:s23], [sflag:$0x1] =	stream.indirect.gather [hbm4b:s1+s28], $0x80, s17, s28, $0xb8;
	[tilespmem:$0x1E280] =	vst v63  }
0x6b: {  	s21 =	rddreg [dreg:$0xe]  }
0x6c: {  	[tilespmem:s29], [sflag:$0x2] =	stream.linear.gather [hbm4b:s21+s17], $0x50, $0x38;
	[tilespmem:$0x1E280] =	vst v63  }
0x6d: {  	s22 =	rddreg [dreg:$0xf]  }
0x6e: {  	[tilespmem:s30], [sflag:$0x2] =	stream.linear.gather [hbm4b:s22+s17], $0x50, $0x38;
	[tilespmem:$0x1E280] =	vst v63  }
0x6f: {  	s18 =	simm.s32 $0x0  }
0x70: {  	[tilespmem:s31], [sflag:$0x2] =	stream.indirect.gather [hbm4b:s1+s28], $0x80, s28, s28, $0xb8;
	[tilespmem:$0x1E280] =	vst v63  }
.LBB2_4:
0x71: {  	_ =	swait.ge [sflag:s2], $0x50  }
0x72: {  	v1 =	vmov s17;
	s13 =	simm.s32 $0x2;
	[sflag:s2] =	ssyncset.done $0x0  }
0x73: {  	v1 =	vand.u32 $0xFFFFFFFC, v1;
	v2 =	vmov s13;
	[sflag:s2] =	ssyncadd.s32 $0xFFFFFFB0  }
0x74: {  	v1 =	vbroadcast v1, $0x0;
	v2 =	vand.u32 $0xFFFFFFFE, v2;
	_ =	swait.ge [sflag:s2], $0x50  }
0x75: {  	v2 =	vbroadcast v2, $0x0;
	[sflag:s2] =	ssyncset.done $0x0  }
0x76: {  	[sflag:s2] =	ssyncadd.s32 $0xFFFFFFB0  }
0x77: {  	_ =	swait.ge [sflag:s2], $0x2800  }
0x78: {  	[sflag:s2] =	ssyncset.done $0x0  }
0x79: {  	[sflag:s2] =	ssyncadd.s32 $0xFFFFD800  }
0x7a: {  	v1 =	vld.idx.msk [tilespmem:v1+s26+$0x0], $0xffff  }
0x7b: {  	s19 =	simm.s32 $0x2B80;
	s15 =	simm.s32 $0x1;
	v2 =	vld.idx.msk [tilespmem:v2+s26+$0x0], $0xffff  }
0x7c: {  	v3 =	vmov s15;
	v4 =	vld [tilespmem:s19+$0x70]  }
0x7d: {  	v3 =	vand.u32 $0xFFFFFFFD, v3;
	v5 =	vld [tilespmem:s19+$0xFFFFFF00]  }
0x7e: {  	v3 =	vbroadcast v3, $0x0;
	v6 =	vld [tilespmem:s19+$0xFFFFFF10]  }
0x7f: {  	v7 =	vld [tilespmem:s19+$0xFFFFFF20]  }
0x80: {  	v8 =	vld [tilespmem:s19+$0xFFFFFF30]  }
0x81: {  	v9 =	vld [tilespmem:s19+$0xFFFFFF40]  }
0x82: {  	v10 =	vld [tilespmem:s19+$0xFFFFFF50]  }
0x83: {  	v11 =	vld [tilespmem:s19+$0xFFFFFF60];
	v5 =	vmul.f32 v5, v1  }
0x84: {  	v3 =	vld.idx.msk [tilespmem:v3+s26+$0x0], $0xffff;
	v4 =	vmul.f32 v4, v2  }
0x85: {  	v13 =	vld [tilespmem:s19+$0x40];
	[tilespmem:s19+$0xFFFFFF00] =	vst v5;
	v5 =	vmul.f32 v6, v1  }
0x86: {  	v6 =	vld [tilespmem:s19+$0xFFFFFF70];
	[tilespmem:s19+$0x70] =	vst v4;
	v4 =	vmul.f32 v7, v1  }
0x87: {  	v7 =	vld [tilespmem:s19+$0xFFFFFF80];
	[tilespmem:s19+$0xFFFFFF10] =	vst v5;
	v5 =	vmul.f32 v8, v1  }
0x88: {  	v8 =	vld [tilespmem:s19+$0xFFFFFF90];
	[tilespmem:s19+$0xFFFFFF20] =	vst v4;
	v4 =	vmul.f32 v9, v1  }
0x89: {  	v9 =	vld [tilespmem:s19+$0xFFFFFFA0];
	[tilespmem:s19+$0xFFFFFF30] =	vst v5;
	v5 =	vmul.f32 v10, v1  }
0x8a: {  	v10 =	vld [tilespmem:s19+$0xFFFFFFB0];
	[tilespmem:s19+$0xFFFFFF40] =	vst v4;
	v4 =	vmul.f32 v11, v1  }
0x8b: {  	v11 =	vld [tilespmem:s19+$0xFFFFFFC0];
	v6 =	vmul.f32 v6, v1;
	[tilespmem:s19+$0xFFFFFF50] =	vst v5  }
0x8c: {  	v5 =	vmul.f32 v7, v3;
	v7 =	vld [tilespmem:s19+$0xFFFFFFD0];
	[tilespmem:s19+$0xFFFFFF60] =	vst v4  }
0x8d: {  	s20 =	simm.s32 $0x3;
	v4 =	vld [tilespmem:s19+$0xFFFFFFE0];
	v8 =	vmul.f32 v8, v3;
	[tilespmem:s19+$0xFFFFFF70] =	vst v6  }
0x8e: {  	v12 =	vmov s20;
	v6 =	vld [tilespmem:s19+$0xFFFFFFF0];
	[tilespmem:s19+$0xFFFFFF80] =	vst v5;
	v5 =	vmul.f32 v9, v3  }
0x8f: {  	v9 =	vld [tilespmem:s19+$0x0];
	[tilespmem:s19+$0xFFFFFF90] =	vst v8;
	v8 =	vmul.f32 v10, v3  }
0x90: {  	v10 =	vld [tilespmem:s19+$0x10];
	[tilespmem:s19+$0xFFFFFFA0] =	vst v5;
	v5 =	vmul.f32 v11, v3  }
0x91: {  	[tilespmem:s19+$0xFFFFFFB0] =	vst v8;
	v7 =	vmul.f32 v7, v3;
	v8 =	vld [tilespmem:s19+$0x20]  }
0x92: {  	v11 =	vld [tilespmem:s19+$0x30];
	v4 =	vmul.f32 v4, v3;
	[tilespmem:s19+$0xFFFFFFC0] =	vst v5  }
0x93: {  	v1 =	vld.idx.msk [tilespmem:v12+s26+$0x0], $0xffff;
	v3 =	vmul.f32 v6, v3;
	[tilespmem:s19+$0xFFFFFFD0] =	vst v7  }
0x94: {  	[tilespmem:s19+$0xFFFFFFE0] =	vst v4;
	v5 =	vmul.f32 v9, v2;
	v4 =	vld [tilespmem:s19+$0x50]  }
0x95: {  	s21 =	simm.s32 $0x4;
	[tilespmem:s19+$0xFFFFFFF0] =	vst v3;
	v6 =	vmul.f32 v10, v2;
	v3 =	vld [tilespmem:s19+$0x60]  }
0x96: {  	s22 =	simm.s32 $0x7;
	v7 =	vmov s21;
	[tilespmem:s19+$0x0] =	vst v5;
	v9 =	vmul.f32 v8, v2;
	v8 =	vld [tilespmem:s19+$0x80]  }
0x97: {  	s20 =	simm.s32 $0x5;
	v12 =	vand.u32 $0xFFFFFFFC, v7;
	v7 =	vld [tilespmem:s19+$0x90];
	v5 =	vmov s22;
	v10 =	vmul.f32 v11, v2;
	[tilespmem:s19+$0x10] =	vst v6  }
0x98: {  	s21 =	simm.s32 $0x8;
	s22 =	simm.s32 $0x6;
	v11 =	vmul.f32 v13, v2;
	v6 =	vbroadcast v12, $0x0;
	v12 =	vmov s20;
	s20 =	simm.s32 $0x2B80;
	[tilespmem:s19+$0x20] =	vst v9;
	v9 =	vld [tilespmem:s19+$0xA0]  }
.LBB2_5:
0x99: {  	p0 =	slt.u32 s21, $0x4C;
	v12 =	vand.u32 $0xFFFFFFFD, v12;
	v13 =	vmov s22;
	[tilespmem:s19+$0x30] =	vst v10;
	v4 =	vmul.f32 v4, v2;
	v10 =	vld [tilespmem:s19+$0xB0]  }
0x9a: {  	v12 =	vbroadcast v12, $0x0;
	v13 =	vand.u32 $0xFFFFFFFE, v13;
	[tilespmem:s19+$0x40] =	vst v11;
	v2 =	vmul.f32 v3, v2;
	v3 =	vld [tilespmem:s19+$0xC0]  }
0x9b: {  	v11 =	vbroadcast v13, $0x0;
	[tilespmem:s19+$0x50] =	vst v4;
	v4 =	vmul.f32 v8, v1;
	v8 =	vld [tilespmem:s19+$0xD0]  }
0x9c: {  	[tilespmem:s19+$0x60] =	vst v2;
	v2 =	vmul.f32 v7, v1;
	v7 =	vld [tilespmem:s19+$0xE0]  }
0x9d: {  	[tilespmem:s19+$0x80] =	vst v4;
	v4 =	vmul.f32 v9, v1;
	v9 =	vld [tilespmem:s19+$0xF0]  }
0x9e: {  	v5 =	vld.idx.msk [tilespmem:v5+s26+$0x0], $0xffff;
	[tilespmem:s19+$0x90] =	vst v2;
	v2 =	vmul.f32 v10, v1  }
0x9f: {  	v6 =	vld.idx.msk [tilespmem:v6+s26+$0x0], $0xffff;
	[tilespmem:s19+$0xA0] =	vst v4;
	v3 =	vmul.f32 v3, v1  }
0xa0: {  	v4 =	vld.idx.msk [tilespmem:v12+s26+$0x0], $0xffff;
	[tilespmem:s19+$0xB0] =	vst v2;
	v8 =	vmul.f32 v8, v1  }
0xa1: {  	s19 =	sadd.s32 $0x200, s19;
	v2 =	vld.idx.msk [tilespmem:v11+s26+$0x0], $0xffff;
	[tilespmem:s20+$0xC0] =	vst v3;
	v3 =	vmul.f32 v7, v1  }
0xa2: {  	v7 =	vld [tilespmem:s19+$0x70];
	[tilespmem:s20+$0xD0] =	vst v8;
	v9 =	vmul.f32 v9, v1  }
0xa3: {  	v8 =	vld [tilespmem:s19+$0xFFFFFF00];
	[tilespmem:s20+$0xE0] =	vst v3  }
0xa4: {  	v1 =	vmov v5;
	v3 =	vld [tilespmem:s19+$0xFFFFFF10];
	[tilespmem:s20+$0xF0] =	vst v9;
	s20 =	smov.u32 s19  }
0xa5: {  	v5 =	vld [tilespmem:s19+$0xFFFFFF20]  }
0xa6: {  	v9 =	vld [tilespmem:s19+$0xFFFFFF30]  }
0xa7: {  	v10 =	vld [tilespmem:s19+$0xFFFFFF40];
	v7 =	vmul.f32 v7, v2  }
0xa8: {  	v8 =	vmul.f32 v8, v6;
	v11 =	vld [tilespmem:s19+$0xFFFFFF50]  }
0xa9: {  	v3 =	vmul.f32 v3, v6;
	v12 =	vld [tilespmem:s19+$0xFFFFFF60];
	[tilespmem:s19+$0x70] =	vst v7  }
0xaa: {  	[tilespmem:s19+$0xFFFFFF00] =	vst v8;
	v5 =	vmul.f32 v5, v6;
	v7 =	vld [tilespmem:s19+$0xFFFFFF70]  }
0xab: {  	[tilespmem:s19+$0xFFFFFF10] =	vst v3;
	v3 =	vmul.f32 v9, v6;
	v8 =	vld [tilespmem:s19+$0xFFFFFF80]  }
0xac: {  	[tilespmem:s19+$0xFFFFFF20] =	vst v5;
	v5 =	vmul.f32 v10, v6;
	v9 =	vld [tilespmem:s19+$0xFFFFFF90]  }
0xad: {  	[tilespmem:s19+$0xFFFFFF30] =	vst v3;
	v3 =	vmul.f32 v11, v6;
	v10 =	vld [tilespmem:s19+$0xFFFFFFA0]  }
0xae: {  	[tilespmem:s19+$0xFFFFFF40] =	vst v5;
	v5 =	vmul.f32 v12, v6;
	v11 =	vld [tilespmem:s19+$0xFFFFFFB0]  }
0xaf: {  	[tilespmem:s19+$0xFFFFFF50] =	vst v3;
	v3 =	vmul.f32 v7, v6;
	v6 =	vld [tilespmem:s19+$0xFFFFFFC0]  }
0xb0: {  	[tilespmem:s19+$0xFFFFFF60] =	vst v5;
	v5 =	vmul.f32 v8, v4;
	v7 =	vld [tilespmem:s19+$0xFFFFFFD0]  }
0xb1: {  	[tilespmem:s19+$0xFFFFFF70] =	vst v3;
	v3 =	vmul.f32 v9, v4;
	v8 =	vld [tilespmem:s19+$0xFFFFFFE0]  }
0xb2: {  	[tilespmem:s19+$0xFFFFFF80] =	vst v5;
	v5 =	vmul.f32 v10, v4;
	v9 =	vld [tilespmem:s19+$0xFFFFFFF0]  }
0xb3: {  	[tilespmem:s19+$0xFFFFFF90] =	vst v3;
	v3 =	vmul.f32 v11, v4;
	v10 =	vld [tilespmem:s19+$0x0]  }
0xb4: {  	[tilespmem:s19+$0xFFFFFFA0] =	vst v5;
	v5 =	vmul.f32 v6, v4;
	v6 =	vld [tilespmem:s19+$0x10]  }
0xb5: {  	[tilespmem:s19+$0xFFFFFFB0] =	vst v3;
	v3 =	vmul.f32 v7, v4;
	v7 =	vld [tilespmem:s19+$0x20]  }
0xb6: {  	[tilespmem:s19+$0xFFFFFFC0] =	vst v5;
	v5 =	vmul.f32 v8, v4;
	v11 =	vld [tilespmem:s19+$0x30]  }
0xb7: {  	[tilespmem:s19+$0xFFFFFFD0] =	vst v3;
	v3 =	vmul.f32 v9, v4;
	v9 =	vld [tilespmem:s19+$0x40]  }
.Ltmp3:
0xb8: {  	[tilespmem:s19+$0xFFFFFFE0] =	vst v5;
	v5 =	vmul.f32 v10, v2;
	v4 =	vld [tilespmem:s19+$0x50];
	(pc) =	sbr.rel @p0 .LBB2_5-.Ltmp3, $4  }
0xb9: {  	[tilespmem:s19+$0xFFFFFFF0] =	vst v3;
	v6 =	vmul.f32 v6, v2;
	v3 =	vld [tilespmem:s19+$0x60]  }
0xba: {  	s13 =	sadd.s32 $0x3, s21;
	v10 =	vmov s21;
	[tilespmem:s19+$0x0] =	vst v5;
	v13 =	vmul.f32 v7, v2;
	v8 =	vld [tilespmem:s19+$0x80]  }
0xbb: {  	s22 =	sadd.s32 $0x1, s21;
	v12 =	vand.u32 $0xFFFFFFFC, v10;
	v5 =	vmov s13;
	[tilespmem:s19+$0x10] =	vst v6;
	v10 =	vmul.f32 v11, v2;
	v7 =	vld [tilespmem:s19+$0x90]  }
0xbc: {  	v6 =	vbroadcast v12, $0x0;
	v12 =	vmov s22;
	s22 =	sadd.s32 $0x2, s21;
	s21 =	sadd.s32 $0x4, s21;
	[tilespmem:s19+$0x20] =	vst v13;
	v11 =	vmul.f32 v9, v2;
	v9 =	vld [tilespmem:s19+$0xA0]  }
0xbd: {  	v13 =	vld [tilespmem:s19+$0xB0]  }
0xbe: {  	v15 =	vld [tilespmem:s19+$0xC0]  }
0xbf: {  	v14 =	vmov s22;
	v16 =	vld [tilespmem:s19+$0xD0]  }
0xc0: {  	v17 =	vld [tilespmem:s19+$0xE0];
	[tilespmem:s19+$0x30] =	vst v10;
	v4 =	vmul.f32 v4, v2;
	v14 =	vand.u32 $0xFFFFFFFE, v14  }
0xc1: {  	v12 =	vand.u32 $0xFFFFFFFD, v12;
	v5 =	vld.idx.msk [tilespmem:v5+s26+$0x0], $0xffff;
	[tilespmem:s19+$0x40] =	vst v11;
	v2 =	vmul.f32 v3, v2;
	v14 =	vbroadcast v14, $0x0  }
0xc2: {  	s21 =	sadd.s32 $0x200, s19;
	v12 =	vbroadcast v12, $0x0;
	v3 =	vld.idx.msk [tilespmem:v6+s26+$0x0], $0xffff;
	v8 =	vmul.f32 v8, v1;
	[tilespmem:s19+$0x50] =	vst v4  }
0xc3: {  	v10 =	vld [tilespmem:s21+$0xFFFFFF00];
	v4 =	vmul.f32 v7, v1;
	[tilespmem:s19+$0x60] =	vst v2  }
0xc4: {  	[tilespmem:s19+$0x80] =	vst v8;
	v8 =	vld [tilespmem:s19+$0xF0];
	v2 =	vmul.f32 v9, v1  }
0xc5: {  	v11 =	vld [tilespmem:s21+$0xFFFFFF10];
	[tilespmem:s19+$0x90] =	vst v4;
	v4 =	vmul.f32 v13, v1  }
0xc6: {  	v9 =	vld [tilespmem:s21+$0x70];
	[tilespmem:s19+$0xA0] =	vst v2;
	v2 =	vmul.f32 v15, v1  }
0xc7: {  	[tilespmem:s19+$0xB0] =	vst v4;
	v4 =	vmul.f32 v16, v1;
	v7 =	vld.idx.msk [tilespmem:v14+s26+$0x0], $0xffff  }
0xc8: {  	v6 =	vld.idx.msk [tilespmem:v12+s26+$0x0], $0xffff;
	[tilespmem:s20+$0xC0] =	vst v2;
	v2 =	vmul.f32 v17, v1  }
0xc9: {  	v12 =	vld [tilespmem:s21+$0xFFFFFF20];
	[tilespmem:s20+$0xD0] =	vst v4;
	v1 =	vmul.f32 v8, v1  }
0xca: {  	v4 =	vld [tilespmem:s21+$0xFFFFFF30];
	[tilespmem:s20+$0xE0] =	vst v2  }
0xcb: {  	v2 =	vld [tilespmem:s21+$0xFFFFFF40];
	[tilespmem:s20+$0xF0] =	vst v1;
	v1 =	vmul.f32 v10, v3  }
0xcc: {  	v8 =	vmul.f32 v9, v7;
	v9 =	vld [tilespmem:s21+$0xFFFFFF50]  }
0xcd: {  	v10 =	vmul.f32 v11, v3;
	v11 =	vld [tilespmem:s21+$0xFFFFFF60];
	[tilespmem:s21+$0xFFFFFF00] =	vst v1  }
0xce: {  	v1 =	vmul.f32 v12, v3;
	[tilespmem:s21+$0x70] =	vst v8;
	v8 =	vld [tilespmem:s21+$0xFFFFFF70]  }
0xcf: {  	[tilespmem:s21+$0xFFFFFF10] =	vst v10;
	v10 =	vld [tilespmem:s21+$0xFFFFFF80];
	v4 =	vmul.f32 v4, v3  }
0xd0: {  	[tilespmem:s21+$0xFFFFFF20] =	vst v1;
	v1 =	vmul.f32 v2, v3;
	v2 =	vld [tilespmem:s21+$0xFFFFFF90]  }
0xd1: {  	[tilespmem:s21+$0xFFFFFF30] =	vst v4;
	v4 =	vmul.f32 v9, v3;
	v9 =	vld [tilespmem:s21+$0xFFFFFFA0]  }
0xd2: {  	[tilespmem:s21+$0xFFFFFF40] =	vst v1;
	v1 =	vmul.f32 v11, v3;
	v11 =	vld [tilespmem:s21+$0xFFFFFFB0]  }
0xd3: {  	[tilespmem:s21+$0xFFFFFF50] =	vst v4;
	v3 =	vmul.f32 v8, v3;
	v4 =	vld [tilespmem:s21+$0xFFFFFFC0]  }
0xd4: {  	[tilespmem:s21+$0xFFFFFF60] =	vst v1;
	v1 =	vmul.f32 v10, v6;
	v8 =	vld [tilespmem:s21+$0xFFFFFFD0]  }
0xd5: {  	v2 =	vmul.f32 v2, v6;
	[tilespmem:s21+$0xFFFFFF70] =	vst v3;
	v3 =	vld [tilespmem:s21+$0xFFFFFFE0]  }
0xd6: {  	[tilespmem:s21+$0xFFFFFF80] =	vst v1;
	v1 =	vmul.f32 v9, v6;
	v9 =	vld [tilespmem:s21+$0xFFFFFFF0]  }
0xd7: {  	v10 =	vld [tilespmem:s21+$0x0];
	[tilespmem:s21+$0xFFFFFF90] =	vst v2;
	v2 =	vmul.f32 v11, v6  }
0xd8: {  	[tilespmem:s21+$0xFFFFFFA0] =	vst v1;
	v1 =	vmul.f32 v4, v6;
	v4 =	vld [tilespmem:s21+$0x10]  }
0xd9: {  	[tilespmem:s21+$0xFFFFFFB0] =	vst v2;
	v2 =	vmul.f32 v8, v6;
	v8 =	vld [tilespmem:s21+$0x20]  }
0xda: {  	[tilespmem:s21+$0xFFFFFFC0] =	vst v1;
	v1 =	vmul.f32 v3, v6;
	v3 =	vld [tilespmem:s21+$0x30]  }
0xdb: {  	[tilespmem:s21+$0xFFFFFFD0] =	vst v2;
	v2 =	vmul.f32 v9, v6;
	v6 =	vld [tilespmem:s21+$0x40]  }
0xdc: {  	v9 =	vld [tilespmem:s21+$0x50];
	[tilespmem:s21+$0xFFFFFFE0] =	vst v1;
	v1 =	vmul.f32 v10, v7  }
0xdd: {  	[tilespmem:s21+$0xFFFFFFF0] =	vst v2;
	v2 =	vmul.f32 v4, v7;
	v4 =	vld [tilespmem:s21+$0x60]  }
0xde: {  	[tilespmem:s21+$0x0] =	vst v1;
	v1 =	vmul.f32 v8, v7;
	v8 =	vld [tilespmem:s21+$0x80]  }
0xdf: {  	[tilespmem:s21+$0x10] =	vst v2;
	v2 =	vmul.f32 v3, v7;
	v3 =	vld [tilespmem:s21+$0x90]  }
0xe0: {  	[tilespmem:s21+$0x20] =	vst v1;
	v1 =	vmul.f32 v6, v7;
	v6 =	vld [tilespmem:s21+$0xA0]  }
0xe1: {  	[tilespmem:s21+$0x30] =	vst v2;
	v2 =	vmul.f32 v9, v7;
	v9 =	vld [tilespmem:s21+$0xB0]  }
0xe2: {  	[tilespmem:s21+$0x40] =	vst v1;
	v1 =	vmul.f32 v4, v7;
	v4 =	vld [tilespmem:s21+$0xC0]  }
0xe3: {  	v7 =	vld [tilespmem:s21+$0xD0];
	[tilespmem:s21+$0x50] =	vst v2;
	v2 =	vmul.f32 v8, v5  }
0xe4: {  	[tilespmem:s21+$0x60] =	vst v1;
	v1 =	vmul.f32 v3, v5;
	v3 =	vld [tilespmem:s21+$0xE0]  }
0xe5: {  	[tilespmem:s21+$0x80] =	vst v2;
	v2 =	vmul.f32 v6, v5;
	v6 =	vld [tilespmem:s21+$0xF0]  }
0xe6: {  	[tilespmem:s21+$0x90] =	vst v1;
	v1 =	vmul.f32 v9, v5  }
0xe7: {  	[tilespmem:s21+$0xA0] =	vst v2;
	v2 =	vmul.f32 v4, v5  }
0xe8: {  	[tilespmem:s21+$0xB0] =	vst v1;
	v1 =	vmul.f32 v7, v5  }
0xe9: {  	s19 =	smul.u32 $0x3, s18;
	[tilespmem:s21+$0xC0] =	vst v2;
	v2 =	vmul.f32 v3, v5  }
0xea: {  	[tilespmem:s21+$0xD0] =	vst v1;
	v1 =	vmul.f32 v6, v5  }
0xeb: {  	p0 =	seq.s32 s18, $0x0;
	s13 =	sadd.s32 $0x2, s19;
	[tilespmem:s21+$0xE0] =	vst v2  }
0xec: {  	s22 =	sadd.s32 s7, s13;
	s20 =	simm.s32 @!p0 $0x6;
	[tilespmem:s21+$0xF0] =	vst v1  }
0xed: {  	[spmem:s3] =	stream.indirect.scatter.add.f32 [tilespmem:s23], [sflag:$0x4], $0x80, s25, s28, $0xb8;
	[tilespmem:$0x1E280] =	vst v63  }
0xee: {  	s21 =	smul.u32 $0xA, s22;
	_ =	swait.ge @!p0 [sflag:s20], $0x2800  }
0xef: {  	[sflag:s20] =	ssyncset.done @!p0 $0x0  }
0xf0: {  	s22 =	simm.s32 $0x0;
	s15 =	sadd.s32 s5, s21;
	[sflag:s20] =	ssyncadd.s32 @!p0 $0xFFFFD800  }
0xf1: {  	[tilespmem:s0], [sflag:$0x3] =	stream.linear.gather [hbm4b:s15+s22], $0x50, $0x38;
	[tilespmem:$0x1E280] =	vst v63  }
0xf2: {  	s13 =	smul.u32 $0x140, s13;
	s15 =	sadd.s32 s6, s21  }
0xf3: {  	[tilespmem:s9], [sflag:$0x3] =	stream.linear.gather [hbm4b:s15+s22], $0x50, $0x38;
	[tilespmem:$0x1E280] =	vst v63  }
0xf4: {  	s13 =	sshra.s32 s13, $0x2  }
0xf5: {  	[tilespmem:s10], [sflag:$0x3] =	stream.indirect.gather [hbm4b:s1+s28], $0x80, s13, s28, $0xb8;
	[tilespmem:$0x1E280] =	vst v63  }
0xf6: {  	_ =	swait.ge [sflag:s11], $0x50  }
0xf7: {  	v1 =	vmov s22;
	s20 =	simm.s32 $0x2;
	[sflag:s11] =	ssyncset.done $0x0  }
0xf8: {  	v1 =	vand.u32 $0xFFFFFFFC, v1;
	v2 =	vmov s20;
	[sflag:s11] =	ssyncadd.s32 $0xFFFFFFB0  }
0xf9: {  	v1 =	vbroadcast v1, $0x0;
	v2 =	vand.u32 $0xFFFFFFFE, v2;
	_ =	swait.ge [sflag:s11], $0x50  }
0xfa: {  	v2 =	vbroadcast v2, $0x0;
	[sflag:s11] =	ssyncset.done $0x0  }
0xfb: {  	[sflag:s11] =	ssyncadd.s32 $0xFFFFFFB0  }
0xfc: {  	_ =	swait.ge [sflag:s11], $0x2800  }
0xfd: {  	[sflag:s11] =	ssyncset.done $0x0  }
0xfe: {  	[sflag:s11] =	ssyncadd.s32 $0xFFFFD800  }
0xff: {  	v1 =	vld.idx.msk [tilespmem:v1+s30+$0x0], $0xffff  }
0x100: {  	s20 =	simm.s32 $0x5380;
	s21 =	simm.s32 $0x1;
	v2 =	vld.idx.msk [tilespmem:v2+s30+$0x0], $0xffff  }
0x101: {  	v3 =	vmov s21;
	v4 =	vld [tilespmem:s20+$0x70]  }
0x102: {  	v3 =	vand.u32 $0xFFFFFFFD, v3;
	v5 =	vld [tilespmem:s20+$0xFFFFFF00]  }
0x103: {  	v3 =	vbroadcast v3, $0x0;
	v6 =	vld [tilespmem:s20+$0xFFFFFF10]  }
0x104: {  	v7 =	vld [tilespmem:s20+$0xFFFFFF20]  }
0x105: {  	v8 =	vld [tilespmem:s20+$0xFFFFFF30]  }
0x106: {  	v9 =	vld [tilespmem:s20+$0xFFFFFF40]  }
0x107: {  	v10 =	vld [tilespmem:s20+$0xFFFFFF50]  }
0x108: {  	v11 =	vld [tilespmem:s20+$0xFFFFFF60];
	v5 =	vmul.f32 v5, v1  }
0x109: {  	v3 =	vld.idx.msk [tilespmem:v3+s30+$0x0], $0xffff;
	v4 =	vmul.f32 v4, v2  }
0x10a: {  	v13 =	vld [tilespmem:s20+$0x40];
	[tilespmem:s20+$0xFFFFFF00] =	vst v5;
	v5 =	vmul.f32 v6, v1  }
0x10b: {  	v6 =	vld [tilespmem:s20+$0xFFFFFF70];
	[tilespmem:s20+$0x70] =	vst v4;
	v4 =	vmul.f32 v7, v1  }
0x10c: {  	v7 =	vld [tilespmem:s20+$0xFFFFFF80];
	[tilespmem:s20+$0xFFFFFF10] =	vst v5;
	v5 =	vmul.f32 v8, v1  }
0x10d: {  	v8 =	vld [tilespmem:s20+$0xFFFFFF90];
	[tilespmem:s20+$0xFFFFFF20] =	vst v4;
	v4 =	vmul.f32 v9, v1  }
0x10e: {  	v9 =	vld [tilespmem:s20+$0xFFFFFFA0];
	[tilespmem:s20+$0xFFFFFF30] =	vst v5;
	v5 =	vmul.f32 v10, v1  }
0x10f: {  	v10 =	vld [tilespmem:s20+$0xFFFFFFB0];
	[tilespmem:s20+$0xFFFFFF40] =	vst v4;
	v4 =	vmul.f32 v11, v1  }
0x110: {  	v11 =	vld [tilespmem:s20+$0xFFFFFFC0];
	v6 =	vmul.f32 v6, v1;
	[tilespmem:s20+$0xFFFFFF50] =	vst v5  }
0x111: {  	v5 =	vmul.f32 v7, v3;
	v7 =	vld [tilespmem:s20+$0xFFFFFFD0];
	[tilespmem:s20+$0xFFFFFF60] =	vst v4  }
0x112: {  	s22 =	simm.s32 $0x3;
	v4 =	vld [tilespmem:s20+$0xFFFFFFE0];
	v8 =	vmul.f32 v8, v3;
	[tilespmem:s20+$0xFFFFFF70] =	vst v6  }
0x113: {  	v12 =	vmov s22;
	v6 =	vld [tilespmem:s20+$0xFFFFFFF0];
	[tilespmem:s20+$0xFFFFFF80] =	vst v5;
	v5 =	vmul.f32 v9, v3  }
0x114: {  	v9 =	vld [tilespmem:s20+$0x0];
	[tilespmem:s20+$0xFFFFFF90] =	vst v8;
	v8 =	vmul.f32 v10, v3  }
0x115: {  	v10 =	vld [tilespmem:s20+$0x10];
	[tilespmem:s20+$0xFFFFFFA0] =	vst v5;
	v5 =	vmul.f32 v11, v3  }
0x116: {  	[tilespmem:s20+$0xFFFFFFB0] =	vst v8;
	v7 =	vmul.f32 v7, v3;
	v8 =	vld [tilespmem:s20+$0x20]  }
0x117: {  	v11 =	vld [tilespmem:s20+$0x30];
	v4 =	vmul.f32 v4, v3;
	[tilespmem:s20+$0xFFFFFFC0] =	vst v5  }
0x118: {  	v1 =	vld.idx.msk [tilespmem:v12+s30+$0x0], $0xffff;
	v3 =	vmul.f32 v6, v3;
	[tilespmem:s20+$0xFFFFFFD0] =	vst v7  }
0x119: {  	[tilespmem:s20+$0xFFFFFFE0] =	vst v4;
	v5 =	vmul.f32 v9, v2;
	v4 =	vld [tilespmem:s20+$0x50]  }
0x11a: {  	s15 =	simm.s32 $0x4;
	[tilespmem:s20+$0xFFFFFFF0] =	vst v3;
	v6 =	vmul.f32 v10, v2;
	v3 =	vld [tilespmem:s20+$0x60]  }
0x11b: {  	s21 =	simm.s32 $0x7;
	v7 =	vmov s15;
	[tilespmem:s20+$0x0] =	vst v5;
	v9 =	vmul.f32 v8, v2;
	v8 =	vld [tilespmem:s20+$0x80]  }
0x11c: {  	s22 =	simm.s32 $0x5;
	v12 =	vand.u32 $0xFFFFFFFC, v7;
	v7 =	vld [tilespmem:s20+$0x90];
	v5 =	vmov s21;
	v10 =	vmul.f32 v11, v2;
	[tilespmem:s20+$0x10] =	vst v6  }
0x11d: {  	s13 =	simm.s32 $0x6;
	v11 =	vmul.f32 v13, v2;
	s21 =	simm.s32 $0x5380;
	v6 =	vbroadcast v12, $0x0;
	v12 =	vmov s22;
	s22 =	simm.s32 $0x8;
	[tilespmem:s20+$0x20] =	vst v9;
	v9 =	vld [tilespmem:s20+$0xA0]  }
.LBB2_7:
0x11e: {  	p0 =	slt.u32 s22, $0x4C;
	v12 =	vand.u32 $0xFFFFFFFD, v12;
	v13 =	vmov s13;
	[tilespmem:s20+$0x30] =	vst v10;
	v4 =	vmul.f32 v4, v2;
	v10 =	vld [tilespmem:s20+$0xB0]  }
0x11f: {  	v12 =	vbroadcast v12, $0x0;
	v13 =	vand.u32 $0xFFFFFFFE, v13;
	[tilespmem:s20+$0x40] =	vst v11;
	v2 =	vmul.f32 v3, v2;
	v3 =	vld [tilespmem:s20+$0xC0]  }
0x120: {  	v11 =	vbroadcast v13, $0x0;
	[tilespmem:s20+$0x50] =	vst v4;
	v4 =	vmul.f32 v8, v1;
	v8 =	vld [tilespmem:s20+$0xD0]  }
0x121: {  	[tilespmem:s20+$0x60] =	vst v2;
	v2 =	vmul.f32 v7, v1;
	v7 =	vld [tilespmem:s20+$0xE0]  }
0x122: {  	[tilespmem:s20+$0x80] =	vst v4;
	v4 =	vmul.f32 v9, v1;
	v9 =	vld [tilespmem:s20+$0xF0]  }
0x123: {  	v5 =	vld.idx.msk [tilespmem:v5+s30+$0x0], $0xffff;
	[tilespmem:s20+$0x90] =	vst v2;
	v2 =	vmul.f32 v10, v1  }
0x124: {  	v6 =	vld.idx.msk [tilespmem:v6+s30+$0x0], $0xffff;
	[tilespmem:s20+$0xA0] =	vst v4;
	v3 =	vmul.f32 v3, v1  }
0x125: {  	v4 =	vld.idx.msk [tilespmem:v12+s30+$0x0], $0xffff;
	[tilespmem:s20+$0xB0] =	vst v2;
	v8 =	vmul.f32 v8, v1  }
0x126: {  	s20 =	sadd.s32 $0x200, s20;
	v2 =	vld.idx.msk [tilespmem:v11+s30+$0x0], $0xffff;
	[tilespmem:s21+$0xC0] =	vst v3;
	v3 =	vmul.f32 v7, v1  }
0x127: {  	v7 =	vld [tilespmem:s20+$0x70];
	[tilespmem:s21+$0xD0] =	vst v8;
	v9 =	vmul.f32 v9, v1  }
0x128: {  	v8 =	vld [tilespmem:s20+$0xFFFFFF00];
	[tilespmem:s21+$0xE0] =	vst v3  }
0x129: {  	v1 =	vmov v5;
	v3 =	vld [tilespmem:s20+$0xFFFFFF10];
	[tilespmem:s21+$0xF0] =	vst v9;
	s21 =	smov.u32 s20  }
0x12a: {  	v5 =	vld [tilespmem:s20+$0xFFFFFF20]  }
0x12b: {  	v9 =	vld [tilespmem:s20+$0xFFFFFF30]  }
0x12c: {  	v10 =	vld [tilespmem:s20+$0xFFFFFF40];
	v7 =	vmul.f32 v7, v2  }
0x12d: {  	v8 =	vmul.f32 v8, v6;
	v11 =	vld [tilespmem:s20+$0xFFFFFF50]  }
0x12e: {  	v3 =	vmul.f32 v3, v6;
	v12 =	vld [tilespmem:s20+$0xFFFFFF60];
	[tilespmem:s20+$0x70] =	vst v7  }
0x12f: {  	[tilespmem:s20+$0xFFFFFF00] =	vst v8;
	v5 =	vmul.f32 v5, v6;
	v7 =	vld [tilespmem:s20+$0xFFFFFF70]  }
0x130: {  	[tilespmem:s20+$0xFFFFFF10] =	vst v3;
	v3 =	vmul.f32 v9, v6;
	v8 =	vld [tilespmem:s20+$0xFFFFFF80]  }
0x131: {  	[tilespmem:s20+$0xFFFFFF20] =	vst v5;
	v5 =	vmul.f32 v10, v6;
	v9 =	vld [tilespmem:s20+$0xFFFFFF90]  }
0x132: {  	[tilespmem:s20+$0xFFFFFF30] =	vst v3;
	v3 =	vmul.f32 v11, v6;
	v10 =	vld [tilespmem:s20+$0xFFFFFFA0]  }
0x133: {  	[tilespmem:s20+$0xFFFFFF40] =	vst v5;
	v5 =	vmul.f32 v12, v6;
	v11 =	vld [tilespmem:s20+$0xFFFFFFB0]  }
0x134: {  	[tilespmem:s20+$0xFFFFFF50] =	vst v3;
	v3 =	vmul.f32 v7, v6;
	v6 =	vld [tilespmem:s20+$0xFFFFFFC0]  }
0x135: {  	[tilespmem:s20+$0xFFFFFF60] =	vst v5;
	v5 =	vmul.f32 v8, v4;
	v7 =	vld [tilespmem:s20+$0xFFFFFFD0]  }
0x136: {  	[tilespmem:s20+$0xFFFFFF70] =	vst v3;
	v3 =	vmul.f32 v9, v4;
	v8 =	vld [tilespmem:s20+$0xFFFFFFE0]  }
0x137: {  	[tilespmem:s20+$0xFFFFFF80] =	vst v5;
	v5 =	vmul.f32 v10, v4;
	v9 =	vld [tilespmem:s20+$0xFFFFFFF0]  }
0x138: {  	[tilespmem:s20+$0xFFFFFF90] =	vst v3;
	v3 =	vmul.f32 v11, v4;
	v10 =	vld [tilespmem:s20+$0x0]  }
0x139: {  	[tilespmem:s20+$0xFFFFFFA0] =	vst v5;
	v5 =	vmul.f32 v6, v4;
	v6 =	vld [tilespmem:s20+$0x10]  }
0x13a: {  	[tilespmem:s20+$0xFFFFFFB0] =	vst v3;
	v3 =	vmul.f32 v7, v4;
	v7 =	vld [tilespmem:s20+$0x20]  }
0x13b: {  	[tilespmem:s20+$0xFFFFFFC0] =	vst v5;
	v5 =	vmul.f32 v8, v4;
	v11 =	vld [tilespmem:s20+$0x30]  }
0x13c: {  	[tilespmem:s20+$0xFFFFFFD0] =	vst v3;
	v3 =	vmul.f32 v9, v4;
	v9 =	vld [tilespmem:s20+$0x40]  }
.Ltmp4:
0x13d: {  	[tilespmem:s20+$0xFFFFFFE0] =	vst v5;
	v5 =	vmul.f32 v10, v2;
	v4 =	vld [tilespmem:s20+$0x50];
	(pc) =	sbr.rel @p0 .LBB2_7-.Ltmp4, $4  }
0x13e: {  	[tilespmem:s20+$0xFFFFFFF0] =	vst v3;
	v6 =	vmul.f32 v6, v2;
	v3 =	vld [tilespmem:s20+$0x60]  }
0x13f: {  	s13 =	sadd.s32 $0x3, s22;
	v10 =	vmov s22;
	[tilespmem:s20+$0x0] =	vst v5;
	v13 =	vmul.f32 v7, v2;
	v8 =	vld [tilespmem:s20+$0x80]  }
0x140: {  	s15 =	sadd.s32 $0x1, s22;
	v12 =	vand.u32 $0xFFFFFFFC, v10;
	v5 =	vmov s13;
	[tilespmem:s20+$0x10] =	vst v6;
	v10 =	vmul.f32 v11, v2;
	v7 =	vld [tilespmem:s20+$0x90]  }
0x141: {  	s13 =	sadd.s32 $0x2, s22;
	s22 =	sadd.s32 $0x4, s22;
	v6 =	vbroadcast v12, $0x0;
	v12 =	vmov s15;
	[tilespmem:s20+$0x20] =	vst v13;
	v11 =	vmul.f32 v9, v2;
	v9 =	vld [tilespmem:s20+$0xA0]  }
0x142: {  	v13 =	vld [tilespmem:s20+$0xB0]  }
0x143: {  	v15 =	vld [tilespmem:s20+$0xC0]  }
0x144: {  	v14 =	vmov s13;
	v16 =	vld [tilespmem:s20+$0xD0]  }
0x145: {  	v17 =	vld [tilespmem:s20+$0xE0];
	[tilespmem:s20+$0x30] =	vst v10;
	v4 =	vmul.f32 v4, v2;
	v14 =	vand.u32 $0xFFFFFFFE, v14  }
0x146: {  	v12 =	vand.u32 $0xFFFFFFFD, v12;
	v5 =	vld.idx.msk [tilespmem:v5+s30+$0x0], $0xffff;
	[tilespmem:s20+$0x40] =	vst v11;
	v2 =	vmul.f32 v3, v2;
	v14 =	vbroadcast v14, $0x0  }
0x147: {  	s22 =	sadd.s32 $0x200, s20;
	v12 =	vbroadcast v12, $0x0;
	v3 =	vld.idx.msk [tilespmem:v6+s30+$0x0], $0xffff;
	v8 =	vmul.f32 v8, v1;
	[tilespmem:s20+$0x50] =	vst v4  }
0x148: {  	v10 =	vld [tilespmem:s22+$0xFFFFFF00];
	v4 =	vmul.f32 v7, v1;
	[tilespmem:s20+$0x60] =	vst v2  }
0x149: {  	[tilespmem:s20+$0x80] =	vst v8;
	v8 =	vld [tilespmem:s20+$0xF0];
	v2 =	vmul.f32 v9, v1  }
0x14a: {  	v11 =	vld [tilespmem:s22+$0xFFFFFF10];
	[tilespmem:s20+$0x90] =	vst v4;
	v4 =	vmul.f32 v13, v1  }
0x14b: {  	v9 =	vld [tilespmem:s22+$0x70];
	[tilespmem:s20+$0xA0] =	vst v2;
	v2 =	vmul.f32 v15, v1  }
0x14c: {  	[tilespmem:s20+$0xB0] =	vst v4;
	v4 =	vmul.f32 v16, v1;
	v7 =	vld.idx.msk [tilespmem:v14+s30+$0x0], $0xffff  }
0x14d: {  	v6 =	vld.idx.msk [tilespmem:v12+s30+$0x0], $0xffff;
	[tilespmem:s21+$0xC0] =	vst v2;
	v2 =	vmul.f32 v17, v1  }
0x14e: {  	v12 =	vld [tilespmem:s22+$0xFFFFFF20];
	[tilespmem:s21+$0xD0] =	vst v4;
	v1 =	vmul.f32 v8, v1  }
0x14f: {  	v4 =	vld [tilespmem:s22+$0xFFFFFF30];
	[tilespmem:s21+$0xE0] =	vst v2  }
0x150: {  	v2 =	vld [tilespmem:s22+$0xFFFFFF40];
	[tilespmem:s21+$0xF0] =	vst v1;
	v1 =	vmul.f32 v10, v3  }
0x151: {  	v8 =	vmul.f32 v9, v7;
	v9 =	vld [tilespmem:s22+$0xFFFFFF50]  }
0x152: {  	v10 =	vmul.f32 v11, v3;
	v11 =	vld [tilespmem:s22+$0xFFFFFF60];
	[tilespmem:s22+$0xFFFFFF00] =	vst v1  }
0x153: {  	v1 =	vmul.f32 v12, v3;
	[tilespmem:s22+$0x70] =	vst v8;
	v8 =	vld [tilespmem:s22+$0xFFFFFF70]  }
0x154: {  	[tilespmem:s22+$0xFFFFFF10] =	vst v10;
	v10 =	vld [tilespmem:s22+$0xFFFFFF80];
	v4 =	vmul.f32 v4, v3  }
0x155: {  	[tilespmem:s22+$0xFFFFFF20] =	vst v1;
	v1 =	vmul.f32 v2, v3;
	v2 =	vld [tilespmem:s22+$0xFFFFFF90]  }
0x156: {  	[tilespmem:s22+$0xFFFFFF30] =	vst v4;
	v4 =	vmul.f32 v9, v3;
	v9 =	vld [tilespmem:s22+$0xFFFFFFA0]  }
0x157: {  	[tilespmem:s22+$0xFFFFFF40] =	vst v1;
	v1 =	vmul.f32 v11, v3;
	v11 =	vld [tilespmem:s22+$0xFFFFFFB0]  }
0x158: {  	[tilespmem:s22+$0xFFFFFF50] =	vst v4;
	v3 =	vmul.f32 v8, v3;
	v4 =	vld [tilespmem:s22+$0xFFFFFFC0]  }
0x159: {  	[tilespmem:s22+$0xFFFFFF60] =	vst v1;
	v1 =	vmul.f32 v10, v6;
	v8 =	vld [tilespmem:s22+$0xFFFFFFD0]  }
0x15a: {  	v2 =	vmul.f32 v2, v6;
	[tilespmem:s22+$0xFFFFFF70] =	vst v3;
	v3 =	vld [tilespmem:s22+$0xFFFFFFE0]  }
0x15b: {  	[tilespmem:s22+$0xFFFFFF80] =	vst v1;
	v1 =	vmul.f32 v9, v6;
	v9 =	vld [tilespmem:s22+$0xFFFFFFF0]  }
0x15c: {  	v10 =	vld [tilespmem:s22+$0x0];
	[tilespmem:s22+$0xFFFFFF90] =	vst v2;
	v2 =	vmul.f32 v11, v6  }
0x15d: {  	[tilespmem:s22+$0xFFFFFFA0] =	vst v1;
	v1 =	vmul.f32 v4, v6;
	v4 =	vld [tilespmem:s22+$0x10]  }
0x15e: {  	[tilespmem:s22+$0xFFFFFFB0] =	vst v2;
	v2 =	vmul.f32 v8, v6;
	v8 =	vld [tilespmem:s22+$0x20]  }
0x15f: {  	[tilespmem:s22+$0xFFFFFFC0] =	vst v1;
	v1 =	vmul.f32 v3, v6;
	v3 =	vld [tilespmem:s22+$0x30]  }
0x160: {  	[tilespmem:s22+$0xFFFFFFD0] =	vst v2;
	v2 =	vmul.f32 v9, v6;
	v6 =	vld [tilespmem:s22+$0x40]  }
0x161: {  	v9 =	vld [tilespmem:s22+$0x50];
	[tilespmem:s22+$0xFFFFFFE0] =	vst v1;
	v1 =	vmul.f32 v10, v7  }
0x162: {  	[tilespmem:s22+$0xFFFFFFF0] =	vst v2;
	v2 =	vmul.f32 v4, v7;
	v4 =	vld [tilespmem:s22+$0x60]  }
0x163: {  	[tilespmem:s22+$0x0] =	vst v1;
	v1 =	vmul.f32 v8, v7;
	v8 =	vld [tilespmem:s22+$0x80]  }
0x164: {  	[tilespmem:s22+$0x10] =	vst v2;
	v2 =	vmul.f32 v3, v7;
	v3 =	vld [tilespmem:s22+$0x90]  }
0x165: {  	[tilespmem:s22+$0x20] =	vst v1;
	v1 =	vmul.f32 v6, v7;
	v6 =	vld [tilespmem:s22+$0xA0]  }
0x166: {  	[tilespmem:s22+$0x30] =	vst v2;
	v2 =	vmul.f32 v9, v7;
	v9 =	vld [tilespmem:s22+$0xB0]  }
0x167: {  	[tilespmem:s22+$0x40] =	vst v1;
	v1 =	vmul.f32 v4, v7;
	v4 =	vld [tilespmem:s22+$0xC0]  }
0x168: {  	v7 =	vld [tilespmem:s22+$0xD0];
	[tilespmem:s22+$0x50] =	vst v2;
	v2 =	vmul.f32 v8, v5  }
0x169: {  	[tilespmem:s22+$0x60] =	vst v1;
	v1 =	vmul.f32 v3, v5;
	v3 =	vld [tilespmem:s22+$0xE0]  }
0x16a: {  	[tilespmem:s22+$0x80] =	vst v2;
	v2 =	vmul.f32 v6, v5;
	v6 =	vld [tilespmem:s22+$0xF0]  }
0x16b: {  	[tilespmem:s22+$0x90] =	vst v1;
	v1 =	vmul.f32 v9, v5  }
0x16c: {  	[tilespmem:s22+$0xA0] =	vst v2;
	v2 =	vmul.f32 v4, v5  }
0x16d: {  	[tilespmem:s22+$0xB0] =	vst v1;
	v1 =	vmul.f32 v7, v5  }
0x16e: {  	[tilespmem:s22+$0xC0] =	vst v2;
	v2 =	vmul.f32 v3, v5  }
0x16f: {  	p0 =	seq.s32 s18, $0x29;
	[tilespmem:s22+$0xD0] =	vst v1;
	v1 =	vmul.f32 v6, v5  }
0x170: {  	s13 =	sadd.s32 @!p0 $0x3, s19;
	[tilespmem:s22+$0xE0] =	vst v2  }
0x171: {  	s15 =	simm.s32 @!p0 $0x4;
	s20 =	sadd.s32 @!p0 s7, s13;
	[tilespmem:s22+$0xF0] =	vst v1  }
0x172: {  	[spmem:s3] =	stream.indirect.scatter.add.f32 [tilespmem:s31], [sflag:$0x5], $0x80, s29, s28, $0xb8;
	[tilespmem:$0x1E280] =	vst v63  }
0x173: {  	s20 =	smul.u32 @!p0 $0xA, s20;
	_ =	swait.ge @!p0 [sflag:s15], $0x2800  }
0x174: {  	s21 =	simm.s32 @!p0 $0x0;
	[sflag:s15] =	ssyncset.done @!p0 $0x0  }
0x175: {  	s22 =	simm.s32 @!p0 $0x2780;
	[sflag:s15] =	ssyncadd.s32 @!p0 $0xFFFFD800;
	s15 =	sadd.s32 @!p0 s5, s20  }
0x176: {  	[tilespmem:s22], [sflag:$0x1] =	stream.linear.gather @!p0 [hbm4b:s15+s21], $0x50, $0x38;
	[tilespmem:$0x1E280] =	vst v63  }
0x177: {  	s13 =	smul.u32 @!p0 $0x140, s13;
	s15 =	sadd.s32 @!p0 s6, s20;
	s20 =	simm.s32 @!p0 $0x2900  }
0x178: {  	[tilespmem:s20], [sflag:$0x1] =	stream.linear.gather @!p0 [hbm4b:s15+s21], $0x50, $0x38;
	[tilespmem:$0x1E280] =	vst v63  }
0x179: {  	s13 =	sshra.s32 @!p0 s13, $0x2;
	s15 =	simm.s32 @!p0 $0x50;
	s20 =	simm.s32 @!p0 $0x2A80  }
0x17a: {  	[tilespmem:s20], [sflag:$0x1] =	stream.indirect.gather @!p0 [hbm4b:s1+s15], $0x80, s13, s15, $0xb8;
	[tilespmem:$0x1E280] =	vst v63  }
0x17b: {  	s15 =	simm.s32 $0x0;
	_ =	swait.ge [sflag:s12], $0x50  }
0x17c: {  	s20 =	simm.s32 $0x2;
	v1 =	vmov s15;
	[sflag:s12] =	ssyncset.done $0x0  }
0x17d: {  	v2 =	vmov s20;
	v1 =	vand.u32 $0xFFFFFFFC, v1;
	[sflag:s12] =	ssyncadd.s32 $0xFFFFFFB0  }
0x17e: {  	v2 =	vand.u32 $0xFFFFFFFE, v2;
	v1 =	vbroadcast v1, $0x0;
	_ =	swait.ge [sflag:s12], $0x50  }
0x17f: {  	v2 =	vbroadcast v2, $0x0;
	[sflag:s12] =	ssyncset.done $0x0  }
0x180: {  	[sflag:s12] =	ssyncadd.s32 $0xFFFFFFB0  }
0x181: {  	_ =	swait.ge [sflag:s12], $0x2800  }
0x182: {  	[sflag:s12] =	ssyncset.done $0x0  }
0x183: {  	[sflag:s12] =	ssyncadd.s32 $0xFFFFD800  }
0x184: {  	v1 =	vld.idx.msk [tilespmem:v1+s9+$0x0], $0xffff  }
0x185: {  	s21 =	simm.s32 $0x1;
	s20 =	simm.s32 $0x7B80;
	v2 =	vld.idx.msk [tilespmem:v2+s9+$0x0], $0xffff  }
0x186: {  	v3 =	vmov s21;
	v4 =	vld [tilespmem:s20+$0x70]  }
0x187: {  	v3 =	vand.u32 $0xFFFFFFFD, v3;
	v5 =	vld [tilespmem:s20+$0xFFFFFF00]  }
0x188: {  	v3 =	vbroadcast v3, $0x0;
	v6 =	vld [tilespmem:s20+$0xFFFFFF10]  }
0x189: {  	v7 =	vld [tilespmem:s20+$0xFFFFFF20]  }
0x18a: {  	v8 =	vld [tilespmem:s20+$0xFFFFFF30]  }
0x18b: {  	v9 =	vld [tilespmem:s20+$0xFFFFFF40]  }
0x18c: {  	v10 =	vld [tilespmem:s20+$0xFFFFFF50]  }
0x18d: {  	v11 =	vld [tilespmem:s20+$0xFFFFFF60];
	v5 =	vmul.f32 v5, v1  }
0x18e: {  	v3 =	vld.idx.msk [tilespmem:v3+s9+$0x0], $0xffff;
	v4 =	vmul.f32 v4, v2  }
0x18f: {  	v13 =	vld [tilespmem:s20+$0x40];
	[tilespmem:s20+$0xFFFFFF00] =	vst v5;
	v5 =	vmul.f32 v6, v1  }
0x190: {  	v6 =	vld [tilespmem:s20+$0xFFFFFF70];
	[tilespmem:s20+$0x70] =	vst v4;
	v4 =	vmul.f32 v7, v1  }
0x191: {  	v7 =	vld [tilespmem:s20+$0xFFFFFF80];
	[tilespmem:s20+$0xFFFFFF10] =	vst v5;
	v5 =	vmul.f32 v8, v1  }
0x192: {  	v8 =	vld [tilespmem:s20+$0xFFFFFF90];
	[tilespmem:s20+$0xFFFFFF20] =	vst v4;
	v4 =	vmul.f32 v9, v1  }
0x193: {  	v9 =	vld [tilespmem:s20+$0xFFFFFFA0];
	[tilespmem:s20+$0xFFFFFF30] =	vst v5;
	v5 =	vmul.f32 v10, v1  }
0x194: {  	v10 =	vld [tilespmem:s20+$0xFFFFFFB0];
	[tilespmem:s20+$0xFFFFFF40] =	vst v4;
	v4 =	vmul.f32 v11, v1  }
0x195: {  	v11 =	vld [tilespmem:s20+$0xFFFFFFC0];
	v6 =	vmul.f32 v6, v1;
	[tilespmem:s20+$0xFFFFFF50] =	vst v5  }
0x196: {  	v5 =	vmul.f32 v7, v3;
	v7 =	vld [tilespmem:s20+$0xFFFFFFD0];
	[tilespmem:s20+$0xFFFFFF60] =	vst v4  }
0x197: {  	s22 =	simm.s32 $0x3;
	v4 =	vld [tilespmem:s20+$0xFFFFFFE0];
	v8 =	vmul.f32 v8, v3;
	[tilespmem:s20+$0xFFFFFF70] =	vst v6  }
0x198: {  	v12 =	vmov s22;
	v6 =	vld [tilespmem:s20+$0xFFFFFFF0];
	[tilespmem:s20+$0xFFFFFF80] =	vst v5;
	v5 =	vmul.f32 v9, v3  }
0x199: {  	v9 =	vld [tilespmem:s20+$0x0];
	[tilespmem:s20+$0xFFFFFF90] =	vst v8;
	v8 =	vmul.f32 v10, v3  }
0x19a: {  	v10 =	vld [tilespmem:s20+$0x10];
	[tilespmem:s20+$0xFFFFFFA0] =	vst v5;
	v5 =	vmul.f32 v11, v3  }
0x19b: {  	[tilespmem:s20+$0xFFFFFFB0] =	vst v8;
	v7 =	vmul.f32 v7, v3;
	v8 =	vld [tilespmem:s20+$0x20]  }
0x19c: {  	v11 =	vld [tilespmem:s20+$0x30];
	v4 =	vmul.f32 v4, v3;
	[tilespmem:s20+$0xFFFFFFC0] =	vst v5  }
0x19d: {  	v1 =	vld.idx.msk [tilespmem:v12+s9+$0x0], $0xffff;
	v3 =	vmul.f32 v6, v3;
	[tilespmem:s20+$0xFFFFFFD0] =	vst v7  }
0x19e: {  	[tilespmem:s20+$0xFFFFFFE0] =	vst v4;
	v5 =	vmul.f32 v9, v2;
	v4 =	vld [tilespmem:s20+$0x50]  }
0x19f: {  	s15 =	simm.s32 $0x4;
	[tilespmem:s20+$0xFFFFFFF0] =	vst v3;
	v6 =	vmul.f32 v10, v2;
	v3 =	vld [tilespmem:s20+$0x60]  }
0x1a0: {  	s21 =	simm.s32 $0x7;
	v7 =	vmov s15;
	[tilespmem:s20+$0x0] =	vst v5;
	v9 =	vmul.f32 v8, v2;
	v8 =	vld [tilespmem:s20+$0x80]  }
0x1a1: {  	s22 =	simm.s32 $0x5;
	v12 =	vand.u32 $0xFFFFFFFC, v7;
	v7 =	vld [tilespmem:s20+$0x90];
	v5 =	vmov s21;
	v10 =	vmul.f32 v11, v2;
	[tilespmem:s20+$0x10] =	vst v6  }
0x1a2: {  	s13 =	simm.s32 $0x6;
	v11 =	vmul.f32 v13, v2;
	s21 =	simm.s32 $0x7B80;
	v6 =	vbroadcast v12, $0x0;
	v12 =	vmov s22;
	s22 =	simm.s32 $0x8;
	[tilespmem:s20+$0x20] =	vst v9;
	v9 =	vld [tilespmem:s20+$0xA0]  }
.LBB2_9:
0x1a3: {  	p1 =	slt.u32 s22, $0x4C;
	v12 =	vand.u32 $0xFFFFFFFD, v12;
	v13 =	vmov s13;
	[tilespmem:s20+$0x30] =	vst v10;
	v4 =	vmul.f32 v4, v2;
	v10 =	vld [tilespmem:s20+$0xB0]  }
0x1a4: {  	v12 =	vbroadcast v12, $0x0;
	v13 =	vand.u32 $0xFFFFFFFE, v13;
	[tilespmem:s20+$0x40] =	vst v11;
	v2 =	vmul.f32 v3, v2;
	v3 =	vld [tilespmem:s20+$0xC0]  }
0x1a5: {  	v11 =	vbroadcast v13, $0x0;
	[tilespmem:s20+$0x50] =	vst v4;
	v4 =	vmul.f32 v8, v1;
	v8 =	vld [tilespmem:s20+$0xD0]  }
0x1a6: {  	[tilespmem:s20+$0x60] =	vst v2;
	v2 =	vmul.f32 v7, v1;
	v7 =	vld [tilespmem:s20+$0xE0]  }
0x1a7: {  	[tilespmem:s20+$0x80] =	vst v4;
	v4 =	vmul.f32 v9, v1;
	v9 =	vld [tilespmem:s20+$0xF0]  }
0x1a8: {  	v5 =	vld.idx.msk [tilespmem:v5+s9+$0x0], $0xffff;
	[tilespmem:s20+$0x90] =	vst v2;
	v2 =	vmul.f32 v10, v1  }
0x1a9: {  	v6 =	vld.idx.msk [tilespmem:v6+s9+$0x0], $0xffff;
	[tilespmem:s20+$0xA0] =	vst v4;
	v3 =	vmul.f32 v3, v1  }
0x1aa: {  	v4 =	vld.idx.msk [tilespmem:v12+s9+$0x0], $0xffff;
	[tilespmem:s20+$0xB0] =	vst v2;
	v8 =	vmul.f32 v8, v1  }
0x1ab: {  	s20 =	sadd.s32 $0x200, s20;
	v2 =	vld.idx.msk [tilespmem:v11+s9+$0x0], $0xffff;
	[tilespmem:s21+$0xC0] =	vst v3;
	v3 =	vmul.f32 v7, v1  }
0x1ac: {  	v7 =	vld [tilespmem:s20+$0x70];
	[tilespmem:s21+$0xD0] =	vst v8;
	v9 =	vmul.f32 v9, v1  }
0x1ad: {  	v8 =	vld [tilespmem:s20+$0xFFFFFF00];
	[tilespmem:s21+$0xE0] =	vst v3  }
0x1ae: {  	v1 =	vmov v5;
	v3 =	vld [tilespmem:s20+$0xFFFFFF10];
	[tilespmem:s21+$0xF0] =	vst v9;
	s21 =	smov.u32 s20  }
0x1af: {  	v5 =	vld [tilespmem:s20+$0xFFFFFF20]  }
0x1b0: {  	v9 =	vld [tilespmem:s20+$0xFFFFFF30]  }
0x1b1: {  	v10 =	vld [tilespmem:s20+$0xFFFFFF40];
	v7 =	vmul.f32 v7, v2  }
0x1b2: {  	v8 =	vmul.f32 v8, v6;
	v11 =	vld [tilespmem:s20+$0xFFFFFF50]  }
0x1b3: {  	v3 =	vmul.f32 v3, v6;
	v12 =	vld [tilespmem:s20+$0xFFFFFF60];
	[tilespmem:s20+$0x70] =	vst v7  }
0x1b4: {  	[tilespmem:s20+$0xFFFFFF00] =	vst v8;
	v5 =	vmul.f32 v5, v6;
	v7 =	vld [tilespmem:s20+$0xFFFFFF70]  }
0x1b5: {  	[tilespmem:s20+$0xFFFFFF10] =	vst v3;
	v3 =	vmul.f32 v9, v6;
	v8 =	vld [tilespmem:s20+$0xFFFFFF80]  }
0x1b6: {  	[tilespmem:s20+$0xFFFFFF20] =	vst v5;
	v5 =	vmul.f32 v10, v6;
	v9 =	vld [tilespmem:s20+$0xFFFFFF90]  }
0x1b7: {  	[tilespmem:s20+$0xFFFFFF30] =	vst v3;
	v3 =	vmul.f32 v11, v6;
	v10 =	vld [tilespmem:s20+$0xFFFFFFA0]  }
0x1b8: {  	[tilespmem:s20+$0xFFFFFF40] =	vst v5;
	v5 =	vmul.f32 v12, v6;
	v11 =	vld [tilespmem:s20+$0xFFFFFFB0]  }
0x1b9: {  	[tilespmem:s20+$0xFFFFFF50] =	vst v3;
	v3 =	vmul.f32 v7, v6;
	v6 =	vld [tilespmem:s20+$0xFFFFFFC0]  }
0x1ba: {  	[tilespmem:s20+$0xFFFFFF60] =	vst v5;
	v5 =	vmul.f32 v8, v4;
	v7 =	vld [tilespmem:s20+$0xFFFFFFD0]  }
0x1bb: {  	[tilespmem:s20+$0xFFFFFF70] =	vst v3;
	v3 =	vmul.f32 v9, v4;
	v8 =	vld [tilespmem:s20+$0xFFFFFFE0]  }
0x1bc: {  	[tilespmem:s20+$0xFFFFFF80] =	vst v5;
	v5 =	vmul.f32 v10, v4;
	v9 =	vld [tilespmem:s20+$0xFFFFFFF0]  }
0x1bd: {  	[tilespmem:s20+$0xFFFFFF90] =	vst v3;
	v3 =	vmul.f32 v11, v4;
	v10 =	vld [tilespmem:s20+$0x0]  }
0x1be: {  	[tilespmem:s20+$0xFFFFFFA0] =	vst v5;
	v5 =	vmul.f32 v6, v4;
	v6 =	vld [tilespmem:s20+$0x10]  }
0x1bf: {  	[tilespmem:s20+$0xFFFFFFB0] =	vst v3;
	v3 =	vmul.f32 v7, v4;
	v7 =	vld [tilespmem:s20+$0x20]  }
0x1c0: {  	[tilespmem:s20+$0xFFFFFFC0] =	vst v5;
	v5 =	vmul.f32 v8, v4;
	v11 =	vld [tilespmem:s20+$0x30]  }
0x1c1: {  	[tilespmem:s20+$0xFFFFFFD0] =	vst v3;
	v3 =	vmul.f32 v9, v4;
	v9 =	vld [tilespmem:s20+$0x40]  }
.Ltmp5:
0x1c2: {  	[tilespmem:s20+$0xFFFFFFE0] =	vst v5;
	v5 =	vmul.f32 v10, v2;
	v4 =	vld [tilespmem:s20+$0x50];
	(pc) =	sbr.rel @p1 .LBB2_9-.Ltmp5, $4  }
0x1c3: {  	[tilespmem:s20+$0xFFFFFFF0] =	vst v3;
	v6 =	vmul.f32 v6, v2;
	v3 =	vld [tilespmem:s20+$0x60]  }
0x1c4: {  	s13 =	sadd.s32 $0x3, s22;
	v10 =	vmov s22;
	[tilespmem:s20+$0x0] =	vst v5;
	v13 =	vmul.f32 v7, v2;
	v8 =	vld [tilespmem:s20+$0x80]  }
0x1c5: {  	s15 =	sadd.s32 $0x1, s22;
	v12 =	vand.u32 $0xFFFFFFFC, v10;
	v5 =	vmov s13;
	[tilespmem:s20+$0x10] =	vst v6;
	v10 =	vmul.f32 v11, v2;
	v7 =	vld [tilespmem:s20+$0x90]  }
0x1c6: {  	s13 =	sadd.s32 $0x2, s22;
	s22 =	sadd.s32 $0x4, s22;
	v6 =	vbroadcast v12, $0x0;
	v12 =	vmov s15;
	[tilespmem:s20+$0x20] =	vst v13;
	v11 =	vmul.f32 v9, v2;
	v9 =	vld [tilespmem:s20+$0xA0]  }
0x1c7: {  	v13 =	vld [tilespmem:s20+$0xB0]  }
0x1c8: {  	v15 =	vld [tilespmem:s20+$0xC0]  }
0x1c9: {  	v16 =	vld [tilespmem:s20+$0xD0]  }
0x1ca: {  	v17 =	vld [tilespmem:s20+$0xE0]  }
0x1cb: {  	v29 =	vld [tilespmem:s20+$0xF0];
	[tilespmem:s20+$0x30] =	vst v10;
	v4 =	vmul.f32 v4, v2  }
0x1cc: {  	v5 =	vld.idx.msk [tilespmem:v5+s9+$0x0], $0xffff;
	[tilespmem:s20+$0x40] =	vst v11;
	v2 =	vmul.f32 v3, v2  }
0x1cd: {  	s22 =	sadd.s32 $0x200, s20;
	v3 =	vld.idx.msk [tilespmem:v6+s9+$0x0], $0xffff;
	v8 =	vmul.f32 v8, v1;
	[tilespmem:s20+$0x50] =	vst v4  }
0x1ce: {  	v14 =	vmov s13;
	v34 =	vld [tilespmem:s22+$0x70];
	v30 =	vmul.f32 v7, v1;
	[tilespmem:s20+$0x60] =	vst v2  }
0x1cf: {  	v14 =	vand.u32 $0xFFFFFFFE, v14;
	v35 =	vld [tilespmem:s22+$0xFFFFFF00];
	[tilespmem:s20+$0x80] =	vst v8;
	v2 =	vmul.f32 v9, v1  }
0x1d0: {  	v37 =	vld [tilespmem:s22+$0xFFFFFF10];
	v14 =	vbroadcast v14, $0x0;
	[tilespmem:s20+$0x90] =	vst v30;
	v33 =	vmul.f32 v13, v1  }
0x1d1: {  	v38 =	vld [tilespmem:s22+$0xFFFFFF20];
	[tilespmem:s20+$0xA0] =	vst v2;
	v2 =	vmul.f32 v15, v1  }
0x1d2: {  	v12 =	vand.u32 $0xFFFFFFFD, v12;
	v39 =	vld [tilespmem:s22+$0xFFFFFF30];
	v36 =	vmul.f32 v16, v1;
	[tilespmem:s20+$0xB0] =	vst v33  }
0x1d3: {  	v12 =	vbroadcast v12, $0x0;
	v41 =	vld [tilespmem:s22+$0xFFFFFF50];
	[tilespmem:s21+$0xC0] =	vst v2;
	v2 =	vmul.f32 v17, v1  }
0x1d4: {  	v43 =	vld [tilespmem:s22+$0xFFFFFF60];
	[tilespmem:s21+$0xD0] =	vst v36;
	v1 =	vmul.f32 v29, v1  }
0x1d5: {  	v42 =	vmul.f32 v37, v3;
	[tilespmem:s21+$0xE0] =	vst v2;
	v2 =	vld [tilespmem:s22+$0xFFFFFF40]  }
0x1d6: {  	v32 =	vld.idx.msk [tilespmem:v14+s9+$0x0], $0xffff;
	[tilespmem:s21+$0xF0] =	vst v1;
	v1 =	vmul.f32 v35, v3  }
0x1d7: {  	v44 =	vld [tilespmem:s22+$0xFFFFFF70];
	v4 =	vmul.f32 v39, v3;
	[tilespmem:s22+$0xFFFFFF10] =	vst v42  }
0x1d8: {  	v45 =	vld [tilespmem:s22+$0xFFFFFF80];
	[tilespmem:s22+$0xFFFFFF00] =	vst v1;
	v1 =	vmul.f32 v38, v3  }
0x1d9: {  	v46 =	vmul.f32 v41, v3;
	v31 =	vld.idx.msk [tilespmem:v12+s9+$0x0], $0xffff;
	[tilespmem:s22+$0xFFFFFF30] =	vst v4  }
0x1da: {  	[tilespmem:s22+$0xFFFFFF20] =	vst v1;
	v1 =	vmul.f32 v2, v3;
	v2 =	vld [tilespmem:s22+$0xFFFFFF90]  }
0x1db: {  	v47 =	vld [tilespmem:s22+$0xFFFFFFA0];
	[tilespmem:s22+$0xFFFFFF50] =	vst v46;
	v40 =	vmul.f32 v34, v32  }
0x1dc: {  	v48 =	vld [tilespmem:s22+$0xFFFFFFB0];
	[tilespmem:s22+$0xFFFFFF40] =	vst v1;
	v1 =	vmul.f32 v43, v3  }
0x1dd: {  	v49 =	vld [tilespmem:s22+$0xFFFFFFC0];
	[tilespmem:s22+$0x70] =	vst v40;
	v3 =	vmul.f32 v44, v3  }
0x1de: {  	v50 =	vld [tilespmem:s22+$0xFFFFFFD0];
	[tilespmem:s22+$0xFFFFFF60] =	vst v1;
	v1 =	vmul.f32 v45, v31  }
0x1df: {  	[tilespmem:s22+$0xFFFFFF70] =	vst v3;
	v3 =	vld [tilespmem:s22+$0xFFFFFFE0];
	v2 =	vmul.f32 v2, v31  }
0x1e0: {  	v51 =	vld [tilespmem:s22+$0xFFFFFFF0];
	[tilespmem:s22+$0xFFFFFF80] =	vst v1;
	v1 =	vmul.f32 v47, v31  }
0x1e1: {  	v52 =	vld [tilespmem:s22+$0x0];
	[tilespmem:s22+$0xFFFFFF90] =	vst v2;
	v2 =	vmul.f32 v48, v31  }
0x1e2: {  	v53 =	vld [tilespmem:s22+$0x10];
	[tilespmem:s22+$0xFFFFFFA0] =	vst v1;
	v1 =	vmul.f32 v49, v31  }
0x1e3: {  	v54 =	vld [tilespmem:s22+$0x20];
	[tilespmem:s22+$0xFFFFFFB0] =	vst v2;
	v2 =	vmul.f32 v50, v31  }
0x1e4: {  	[tilespmem:s22+$0xFFFFFFC0] =	vst v1;
	v1 =	vmul.f32 v3, v31;
	v3 =	vld [tilespmem:s22+$0x30]  }
0x1e5: {  	v55 =	vld [tilespmem:s22+$0x40];
	[tilespmem:s22+$0xFFFFFFD0] =	vst v2;
	v2 =	vmul.f32 v51, v31  }
0x1e6: {  	v56 =	vld [tilespmem:s22+$0x50];
	[tilespmem:s22+$0xFFFFFFE0] =	vst v1;
	v1 =	vmul.f32 v52, v32  }
0x1e7: {  	v57 =	vld [tilespmem:s22+$0x60];
	[tilespmem:s22+$0xFFFFFFF0] =	vst v2;
	v2 =	vmul.f32 v53, v32  }
0x1e8: {  	v58 =	vld [tilespmem:s22+$0x80];
	[tilespmem:s22+$0x0] =	vst v1;
	v1 =	vmul.f32 v54, v32  }
0x1e9: {  	[tilespmem:s22+$0x10] =	vst v2;
	v2 =	vmul.f32 v3, v32;
	v3 =	vld [tilespmem:s22+$0x90]  }
0x1ea: {  	v59 =	vld [tilespmem:s22+$0xA0];
	[tilespmem:s22+$0x20] =	vst v1;
	v1 =	vmul.f32 v55, v32  }
0x1eb: {  	v60 =	vld [tilespmem:s22+$0xB0];
	[tilespmem:s22+$0x30] =	vst v2;
	v2 =	vmul.f32 v56, v32  }
0x1ec: {  	v61 =	vld [tilespmem:s22+$0xC0];
	[tilespmem:s22+$0x40] =	vst v1;
	v1 =	vmul.f32 v57, v32  }
0x1ed: {  	v62 =	vld [tilespmem:s22+$0xD0];
	[tilespmem:s22+$0x50] =	vst v2;
	v2 =	vmul.f32 v58, v5  }
0x1ee: {  	[tilespmem:s22+$0x60] =	vst v1;
	v1 =	vmul.f32 v3, v5;
	v3 =	vld [tilespmem:s22+$0xE0]  }
0x1ef: {  	v63 =	vld [tilespmem:s22+$0xF0];
	[tilespmem:s22+$0x80] =	vst v2;
	v2 =	vmul.f32 v59, v5  }
0x1f0: {  	[tilespmem:s22+$0x90] =	vst v1;
	v1 =	vmul.f32 v60, v5  }
0x1f1: {  	[tilespmem:s22+$0xA0] =	vst v2;
	v2 =	vmul.f32 v61, v5  }
0x1f2: {  	[tilespmem:s22+$0xB0] =	vst v1;
	v1 =	vmul.f32 v62, v5  }
.Ltmp6:
0x1f3: {  	[tilespmem:s22+$0xC0] =	vst v2;
	v2 =	vmul.f32 v3, v5;
	(pc) =	sbr.rel @p0 .LBB2_12-.Ltmp6, $4  }
0x1f4: {  	[tilespmem:s22+$0xD0] =	vst v1;
	v1 =	vmul.f32 v63, v5  }
0x1f5: {  	[tilespmem:s22+$0xE0] =	vst v2  }
0x1f6: {  	[tilespmem:s22+$0xF0] =	vst v1  }
0x1f7: {  	[spmem:s3] =	stream.indirect.scatter.add.f32 [tilespmem:s10], [sflag:$0x6], $0x80, s0, s28, $0xb8;
	[tilespmem:$0x1E280] =	vst v63  }
0x1f8: {  	s13 =	sadd.s32 $0x4, s19  }
0x1f9: {  	s15 =	sadd.s32 s7, s13  }
0x1fa: {  	_ =	swait.ge [sflag:s14], $0x2800;
	s15 =	smul.u32 $0xA, s15  }
0x1fb: {  	[sflag:s14] =	ssyncset.done $0x0  }
0x1fc: {  	[sflag:s14] =	ssyncadd.s32 $0xFFFFD800;
	s22 =	sadd.s32 s5, s15  }
0x1fd: {  	[tilespmem:s29], [sflag:$0x2] =	stream.linear.gather [hbm4b:s22+s4], $0x50, $0x38;
	[tilespmem:$0x1E280] =	vst v63  }
.Ltmp7:
0x1fe: {  	_ = 	snop;
	(pc) =	sbr.rel .LBB2_4-.Ltmp7, $4  }
0x1ff: {  	s13 =	smul.u32 $0x140, s13;
	s15 =	sadd.s32 s6, s15  }
0x200: {  	[tilespmem:s30], [sflag:$0x2] =	stream.linear.gather [hbm4b:s15+s4], $0x50, $0x38;
	[tilespmem:$0x1E280] =	vst v63  }
0x201: {  	s18 =	sadd.s32 $0x1, s18;
	s13 =	sshra.s32 s13, $0x2  }
0x202: {  	[tilespmem:s31], [sflag:$0x2] =	stream.indirect.gather [hbm4b:s1+s28], $0x80, s13, s28, $0xb8;
	[tilespmem:$0x1E280] =	vst v63  }
.LBB2_13:
0x203: {  	_ =	sfence.sel $0x180000  }
0x204: {  	[bflag:$0x0] =	sbarrier.arrive $0xFFFF  }
0x205: {  	_ =	strace $0x90000050  }
0x206: {  	s0 =	stileid.u32;
	[bflag:$0x2] =	sbarrier.arrive $0xFFFF  }
0x207: {  	p0 =	sne.s32 s0, $0x0;
	s0 =	rddreg [dreg:$0x3]  }
0x208: {  	s0 =	sadd.s32 @!p0 $0x100000, s0  }
0x209: {  	[sflag:s0] =	ssyncadd.tile.s32 @!p0 $0x1;
	_ =	shalt  }
.Lfunc_end2:
_tile_overlayer_lowered:
.L_overlay_start_2:
0x20a: {  	(tag) =	ssettag $0x2  }
0x20b: {  	s0 =	rddreg [dreg:$0x0];
	s2 =	stileid.u32  }
0x20c: {  	s1 =	rddreg [dreg:$0x1];
	p0 =	sne.s32 s2, $0x0  }
0x20d: {  	s3 =	rddreg [dreg:$0x2];
	[bflag:$0x3] =	sbarrier.arrive $0xFFFF;
	s2 =	simm.s32 @!p0 $0x1C07  }
0x20e: {  	[timem:s3], [sflag:s2] =	dma.local @!p0 [hbm:s0], s1  }
0x20f: {  	s0 =	simm.s32 @!p0 $0x7  }
0x210: {  	_ =	swait.ge @!p0 [sflag:s0], s1  }
0x211: {  	s1 =	ssub.s32 @!p0 $0x0, s1;
	[sflag:s0] =	ssyncset.done @!p0 $0x0  }
0x212: {  	[sflag:s0] =	ssyncadd.s32 @!p0 s1  }
0x213: {  	[bflag:$0x3] =	sbarrier.arrive $0xFFFF  }
0x214: {  	_ =	shalt  }

// kernel: kernel.9.cloned.1.call-start
scs
__scs_entry_jumppad:
0x0: {  	(pc) =	sbr.rel $0x88, $3  }
0x1: {  	(tag) =	ssettag $0x0;
	lr =	simm.s32 $0x1  }
0x2: {  	[smem:$0x3F98] =	sst lr;
	_ =	strace $0xD0000000  }
0x3: {  	_ = 	snop  }
0x4: {  	_ = 	snop  }
0x5: {  	_ = 	snop  }
0x6: {  	_ = 	snop  }
0x7: {  	_ = 	snop  }
__scs_overlays_trampoline_lowered:
0x8: {  	[smem:$0x3FA7] =	sst s0  }
0x9: {  	[smem:$0x3FA8] =	sst s1  }
0xa: {  	[smem:$0x3FA9] =	sst s2  }
0xb: {  	[smem:$0x3FAA] =	sst s3  }
0xc: {  	[smem:$0x3FAB] =	sst s4  }
0xd: {  	[smem:$0x3FAC] =	sst s5  }
0xe: {  	[smem:$0x3FAD] =	sst s6  }
0xf: {  	[smem:$0x3FAE] =	sst s7  }
0x10: {  	[smem:$0x3FAF] =	sst s8  }
0x11: {  	[smem:$0x3FB0] =	sst s9;
	s0 =	simm.s32 @!p0 $0x0  }
0x12: {  	s1 =	sld [smem:$0x3F96];
	s0 =	simm.s32 @p0 $0x1  }
0x13: {  	[smem:$0x3FB1] =	sst s0;
	s0 =	simm.s32 @!p1 $0x0  }
0x14: {  	s2 =	sld [smem:$0x3F95];
	s0 =	simm.s32 @p1 $0x1  }
0x15: {  	[smem:$0x3FB2] =	sst s0;
	s0 =	simm.s32 @!p2 $0x0  }
0x16: {  	s3 =	sld [smem:$0x3FDB];
	s0 =	simm.s32 @p2 $0x1  }
0x17: {  	s4 =	simm.s32 $0x1BF5;
	[smem:$0x3FB4] =	sst s0  }
0x18: {  	s0 =	sld [smem:$0x3F97];
	_ =	swait.ge [sflag:s4], $0x0  }
0x19: {  	s7 =	sld [smem:$0x3F98]  }
0x1a: {  	s8 =	sadd.s32 $0xFFFFE003, lr  }
0x1b: {  	s9 =	sadd.s32 $0xFFFFFEF7, lr;
	s5 =	simm.s32 $0xFFFFFFFF;
	p2 =	slt.u32 s8, $0xFFFFF086  }
0x1c: {  	p1 =	slt.u32 s9, $0xF7A;
	s5 =	simm.s32 @!p2 $0x0  }
0x1d: {  	s5 =	simm.s32 @p1 $0x1;
	p0 =	seq.s32 s7, s2  }
0x1e: {  	s7 =	smul.u32 @!p0 $0xF7A, s2;
	p2 =	seq.s32 @!p0 s5, $0x0  }
0x1f: {  	s9 =	smul.u32 $0xF7A, s1;
	s8 =	simm.s32 @!p0 $0x1BF5;
	p2 =	por !p2, p0  }
0x20: {  	[sflag:s8] =	ssyncset.s32 @!p0 $0xFFFFF086;
	s6 =	sadd.s32 @!p0 s3, s7;
	s7 =	simm.s32 @!p0 $0x108  }
0x21: {  	s3 =	sadd.s32 s3, s9;
	s6 =	sadd.s32 @!p0 $0x88, s6;
	s7 =	simm.s32 @p2 $0x1082  }
0x22: {  	[simem:s7], [sflag:s8] =	dma.local @!p0 [hbm:s6], $0xF7A  }
0x23: {  	s9 =	sor.u32 $0xD0000000, s2;
	s6 =	simm.s32 $0x108;
	_ =	swait.ge @!p0 [sflag:s8], $0x0  }
0x24: {  	s3 =	sadd.s32 $0x88, s3;
	s6 =	simm.s32 @!p1 $0x1082;
	[sflag:s4] =	ssyncset.s32 $0xFFFFF086  }
0x25: {  	[simem:s6], [sflag:s4] =	dma.local [hbm:s3], $0xF7A  }
0x26: {  	[smem:$0x3F98] =	sst s1;
	(tag) =	ssettag s2;
	_ =	strace s9  }
0x27: {  	s1 =	sld [smem:$0x3FA8]  }
0x28: {  	s2 =	sld [smem:$0x3FA9]  }
0x29: {  	s4 =	sld [smem:$0x3FAB]  }
0x2a: {  	p0 =	seq.s32 s5, $0x0;
	s5 =	sld [smem:$0x3FAC]  }
0x2b: {  	s6 =	sld [smem:$0x3FAD]  }
0x2c: {  	s7 =	sld [smem:$0x3FAE]  }
0x2d: {  	s3 =	simm.s32 $0x108;
	s8 =	sld [smem:$0x3FAF]  }
0x2e: {  	s3 =	simm.s32 @!p0 $0x1082;
	s9 =	sld [smem:$0x3FB0]  }
0x2f: {  	lr =	sadd.s32 s0, s3;
	s0 =	sld [smem:$0x3FA7]  }
0x30: {  	s3 =	sld [smem:$0x3FAA]  }
0x31: {  	[smem:$0x3FB3] =	sst s10  }
0x32: {  	s10 =	sld [smem:$0x3FB1];
	_ =	sdelay $0x3  }
0x33: {  	p0 =	seq.s32 s10, $0x1;
	s10 =	sld [smem:$0x3FB3];
	_ =	sdelay $0x3  }
0x34: {  	[smem:$0x3FB3] =	sst s10  }
0x35: {  	s10 =	sld [smem:$0x3FB2];
	_ =	sdelay $0x3  }
0x36: {  	p1 =	seq.s32 s10, $0x1;
	s10 =	sld [smem:$0x3FB3];
	_ =	sdelay $0x3  }
0x37: {  	[smem:$0x3FB3] =	sst s10  }
0x38: {  	s10 =	sld [smem:$0x3FB4]  }
0x39: {  	_ = 	snop;
	(pc) =	sbr.ind lr, $3  }
0x3a: {  	_ = 	snop  }
0x3b: {  	_ = 	snop  }
0x3c: {  	p2 =	seq.s32 s10, $0x1;
	s10 =	sld [smem:$0x3FB3]  }
0x3d: {  	_ =	shalt  }
0x3e: {  	_ =	shalt  }
0x3f: {  	_ =	shalt  }
0x40: {  	_ =	shalt  }
0x41: {  	_ =	shalt  }
0x42: {  	_ =	shalt  }
0x43: {  	_ =	shalt  }
0x44: {  	_ =	shalt  }
0x45: {  	_ =	shalt  }
0x46: {  	_ =	shalt  }
0x47: {  	_ =	shalt  }
0x48: {  	_ =	shalt  }
0x49: {  	_ =	shalt  }
0x4a: {  	_ =	shalt  }
0x4b: {  	_ =	shalt  }
0x4c: {  	_ =	shalt  }
0x4d: {  	_ =	shalt  }
0x4e: {  	_ =	shalt  }
0x4f: {  	_ =	shalt  }
0x50: {  	_ =	shalt  }
0x51: {  	_ =	shalt  }
0x52: {  	_ =	shalt  }
0x53: {  	_ =	shalt  }
0x54: {  	_ =	shalt  }
0x55: {  	_ =	shalt  }
0x56: {  	_ =	shalt  }
0x57: {  	_ =	shalt  }
0x58: {  	_ =	shalt  }
0x59: {  	_ =	shalt  }
0x5a: {  	_ =	shalt  }
0x5b: {  	_ =	shalt  }
0x5c: {  	_ =	shalt  }
0x5d: {  	_ =	shalt  }
0x5e: {  	_ =	shalt  }
0x5f: {  	_ =	shalt  }
0x60: {  	_ =	shalt  }
0x61: {  	_ =	shalt  }
0x62: {  	_ =	shalt  }
0x63: {  	_ =	shalt  }
0x64: {  	_ =	shalt  }
0x65: {  	_ =	shalt  }
0x66: {  	_ =	shalt  }
0x67: {  	_ =	shalt  }
0x68: {  	_ =	shalt  }
0x69: {  	_ =	shalt  }
0x6a: {  	_ =	shalt  }
0x6b: {  	_ =	shalt  }
0x6c: {  	_ =	shalt  }
0x6d: {  	_ =	shalt  }
0x6e: {  	_ =	shalt  }
0x6f: {  	_ =	shalt  }
0x70: {  	_ =	shalt  }
0x71: {  	_ =	shalt  }
0x72: {  	_ =	shalt  }
0x73: {  	_ =	shalt  }
0x74: {  	_ =	shalt  }
0x75: {  	_ =	shalt  }
0x76: {  	_ =	shalt  }
0x77: {  	_ =	shalt  }
0x78: {  	_ =	shalt  }
0x79: {  	_ =	shalt  }
0x7a: {  	_ =	shalt  }
0x7b: {  	_ =	shalt  }
0x7c: {  	_ =	shalt  }
0x7d: {  	_ =	shalt  }
0x7e: {  	_ =	shalt  }
0x7f: {  	_ =	shalt  }
0x80: {  	_ =	shalt  }
0x81: {  	_ =	shalt  }
0x82: {  	_ =	shalt  }
0x83: {  	_ =	shalt  }
0x84: {  	_ =	shalt  }
0x85: {  	_ =	shalt  }
0x86: {  	_ =	shalt  }
0x87: {  	_ =	shalt  }
.Lfunc_end0:
.L_simem_size_0:
called_computation_lowered:
.L_overlay_start_0:
0x88: {  	s2 =	sld [smem:$0x3FD9]  }
0x89: {  	s3 =	sld [smem:$0x3FFE];
	_ =	sdelay $0x1  }
0x8a: {  	s1 =	srdreg.scid  }
0x8b: {  	s0 =	sand.u32 $0x1, s1  }
0x8c: {  	s16 =	sshll.u32 s0, $0xA;
	s2 =	sadd.s32 s3, s2  }
0x8d: {  	s2 =	sadd.s32 s2, s16  }
0x8e: {  	[smem:$0x3FBF] =	sst s2  }
0x8f: {  	_ = 	snop  }
0x90: {  	(tm) =	ssettm $0x1  }
0x91: {  	s17 =	sld [smem:$0x3FFB];
	_ =	sdelay $0x3  }
0x92: {  	_ =	strace s17  }
0x93: {  	s2 =	sld [smem:$0x3FFC];
	_ =	sdelay $0x3  }
0x94: {  	_ =	strace s2  }
0x95: {  	s2 =	sld [smem:$0x3FFD];
	_ =	sdelay $0x3  }
0x96: {  	_ =	strace s2  }
0x97: {  	_ =	strace $0x8FFFFFFF  }
0x98: {  	s18 =	sld [smem:$0x3FDB];
	_ =	sdelay $0x1  }
0x99: {  	s19 =	simm.s32 $_scs_section_size  }
0x9a: {  	s4 =	simm.s32 $_size__tile_overlayer_lowered;
	s5 =	simm.s32 $_tile_overlayer_lowered  }
0x9b: {  	s22 =	simm.s32 $0x1BFF;
	s21 =	sshll.u32 s5, $0x1;
	s2 =	sadd.s32 s19, s18  }
0x9c: {  	s6 =	simm.s32 $0x0;
	s20 =	sshll.u32 s4, $0x1;
	s4 =	sadd.s32 s21, s2  }
0x9d: {  	[timem:s6], [sflag:s22] =	dma.local [hbm:s4], s20  }
0x9e: {  	_ =	swait.ge [sflag:s22], s20  }
0x9f: {  	s3 =	ssub.s32 $0x0, s20;
	[sflag:s22] =	ssyncset.done $0x0  }
0xa0: {  	[sflag:s22] =	ssyncadd.s32 s3;
	_ =	sdelay $0x1  }
0xa1: {  	s23 =	simm.s32 $0x1B8B  }
0xa2: {  	_ =	swait.ge [sflag:s23], $0x1  }
0xa3: {  	[sflag:s23] =	ssyncset.done $0x0  }
0xa4: {  	s25 =	simm.s32 $0x1B8E;
	s24 =	sld [smem:$0x3FFE];
	[sflag:s23] =	ssyncadd.s32 $0xFFFFFFFF  }
0xa5: {  	s26 =	simm.s32 $execute0_lowered;
	[smem:$0x3FD2] =	sst s25  }
0xa6: {  	s4 =	sshll.u32 s26, $0x1;
	_ =	strace $0x80000046;
	[dreg:$0x1] =	wrdreg $0xFFFFFFFF  }
0xa7: {  	s28 =	simm.s32 $_size_execute0_lowered;
	s2 =	sadd.s32 s2, s4;
	[dreg:$0x0] =	wrdreg $0x0  }
0xa8: {  	s4 =	sshll.u32 s28, $0x1;
	[dreg:$0x2] =	wrdreg s2  }
0xa9: {  	[dreg:$0x3] =	wrdreg s4  }
0xaa: {  	[dreg:$0x4] =	wrdreg $0xC0  }
0xab: {  	_ =	task [dreg:s6], $0x5FFFF  }
0xac: {  	[dreg:$0x1] =	wrdreg $0xFFFFFFFF  }
0xad: {  	[dreg:$0x0] =	wrdreg $0x60  }
0xae: {  	[dreg:$0x2] =	wrdreg s24  }
0xaf: {  	[dreg:$0x3] =	wrdreg $0x1BC000  }
0xb0: {  	[dreg:$0x4] =	wrdreg $0x9  }
0xb1: {  	_ =	task.clear_ibuf [dreg:s6], $0x5FFFF;
	_ =	strace $0x90000046  }
0xb2: {  	s29 =	simm.s32 $0x9;
	_ =	strace $0x80000048  }
0xb3: {  	_ =	swait.ge [sflag:s29], $0x1  }
0xb4: {  	[sflag:s29] =	ssyncadd.s32 $0xFFFFFFFF  }
0xb5: {  	_ =	strace $0x90000048  }
0xb6: {  	_ =	sfence  }
0xb7: {  	s30 =	sld [smem:$0x0];
	_ =	sdelay $0x2  }
0xb8: {  	s31 =	sshll.u32 s1, $0xD;
	s1 =	sshrl.u32 s1, $0x2  }
0xb9: {  	s3 =	sand.u32 $0x4000, s31;
	s1 =	sadd.s32 s1, s30  }
0xba: {  	s0 =	sor.u32 s3, s0;
	s1 =	sshll.u32 s1, $0x11  }
0xbb: {  	s0 =	sor.u32 s1, s0  }
0xbc: {  	s0 =	sadd.s32 $0x8F2B, s0  }
0xbd: {  	[sflag:s0] =	ssyncadd.remote.s32 $0x1  }
0xbe: {  	_ =	sfence.sel $0xFFFF  }
0xbf: {  	[dreg:$0x0] =	wrdreg $0xFFFFFFFF;
	(pc) =	sbr.abs _section_cstart, $3  }
0xc0: {  	[dreg:$0x1] =	wrdreg $0xFFFFFFFF  }
0xc1: {  	_ =	task.clear_ibuf [dreg:s6], $0x2FFFF;
	_ =	strace $0x9FFFFFFF  }
0xc2: {  	(tm) =	ssettm $0x7FFFFFFF  }
0xc3: {  	_ =	shalt  }
tec
execute0_lowered:
.L_overlay_start_1:
0x0: {  	(tag) =	ssettag $0x1  }
0x1: {  	s0 =	srdreg.scid;
	s1 =	rddreg [dreg:$0x0]  }
0x2: {  	s8 =	stileid.u32;
	s3 =	rddreg [dreg:$0x1];
	s28 =	simm.s32 $0x80  }
0x3: {  	s29 =	simm.s32 $0x400;
	s31 =	simm.s32 $0x1B700;
	s5 =	smul.u32 $0x500, s8  }
0x4: {  	s0 =	sand.u32 $0x1, s0;
	s23 =	sshrl.u32 s8, $0x3;
	s24 =	smul.u32 $0x5000, s8  }
0x5: {  	v0 =	vimm.s32 $0xA380;
	vm0 =	vcmask $0x300;
	s26 =	sshll.u32 s8, $0x7;
	s2 =	sshll.u32 s0, $0x4;
	s6 =	sshll.u32 s0, $0x7  }
0x6: {  	vm14 =	vcmask $0x704;
	v0 =	vsel vm0, $0x0, v0;
	s0 =	ssub.s32 $0x2, s0;
	s4 =	sor.u32 s8, s2;
	s2 =	simm.s32 $0x0  }
0x7: {  	vm15 =	vcmask $0xB08;
	v0 =	vsel vm14, $0x80, v0;
	s5 =	sor.u32 s6, s5;
	s7 =	sshrl.u32 s0, $0x1;
	s6 =	smul.u32 $0x50000, s23  }
0x8: {  	vm4 =	vcmask $0xF0C;
	v0 =	vsel vm15, $0x100, v0;
	s4 =	smul.u32 $0x4EC, s4;
	[smem:$0x7FF] =	sst s2;
	s5 =	sshrl.u32 s5, $0x3  }
0x9: {  	vm5 =	vcmask $0x1310;
	s0 =	ssub.s32 s0, s7;
	v0 =	vsel vm4, $0x180, v0;
	s7 =	sand.u32 $0x380, s26;
	s26 =	simm.s32 $0x4F00  }
0xa: {  	vm6 =	vcmask $0x1714;
	_ =	strace $0x80000047;
	s6 =	sshrl.u32 s6, $0x2;
	v0 =	vsel vm5, $0x200, v0;
	s23 =	smax.u32 s0, $0x1  }
0xb: {  	vm7 =	vcmask $0x1B18;
	s4 =	sadd.s32 s4, s1;
	s1 =	sadd.s32 s5, s1;
	s6 =	sadd.s32 s6, s3;
	v0 =	vsel vm6, $0x280, v0  }
0xc: {  	vm8 =	vcmask $0x1F1C;
	s5 =	sshrl.u32 s24, $0x2;
	s24 =	simm.s32 $0x1;
	s25 =	sadd.s32 $0xC800, s4;
	v0 =	vsel vm7, $0x300, v0  }
0xd: {  	vm9 =	vcmask $0x2320;
	s4 =	sadd.s32 $0x2A00, s4;
	s30 =	sadd.s32 s7, s6;
	[dreg:$0x3] =	wrdreg s25;
	v0 =	vsel vm8, $0x380, v0  }
0xe: {  	vm10 =	vcmask $0x2724;
	s6 =	sadd.s32 s5, s3;
	s22 =	sadd.s32 $0x20400, s1;
	[dreg:$0x4] =	wrdreg s4;
	v0 =	vsel vm9, $0xA000, v0  }
0xf: {  	vm11 =	vcmask $0x2B28;
	[dreg:$0x5] =	wrdreg s30;
	s3 =	sadd.s32 $0x80, s6;
	s8 =	sadd.s32 $0x100, s6;
	v0 =	vsel vm10, $0xA080, v0  }
0x10: {  	vm12 =	vcmask $0x2F2C;
	s9 =	sadd.s32 $0x180, s6;
	s10 =	sadd.s32 $0x200, s6;
	s11 =	sadd.s32 $0x280, s6;
	v0 =	vsel vm11, $0xA100, v0  }
0x11: {  	vm13 =	vcmask $0x3330;
	s12 =	sadd.s32 $0x300, s6;
	s13 =	sadd.s32 $0x380, s6;
	s14 =	sadd.s32 $0x14000, s6;
	v0 =	vsel vm12, $0xA180, v0  }
0x12: {  	vm14 =	vcmask $0x3734;
	s15 =	sadd.s32 $0x14080, s6;
	s16 =	sadd.s32 $0x14100, s6;
	s17 =	sadd.s32 $0x14180, s6;
	v0 =	vsel vm13, $0xA200, v0  }
0x13: {  	vm15 =	vcmask $0x3B38;
	s18 =	sadd.s32 $0x14200, s6;
	s19 =	sadd.s32 $0x14280, s6;
	s20 =	sadd.s32 $0x14300, s6;
	v1 =	vsel vm14, $0xA280, v0  }
0x14: {  	s21 =	sadd.s32 $0x14380, s6;
	s25 =	simm.s32 $0x0;
	[dreg:$0x6] =	wrdreg s3;
	v0 =	vimm.f32 $0.0e+00;
	v1 =	vsel vm15, $0xA300, v1  }
.LBB2_1:
0x15: {  	s0 =	rddreg [dreg:$0x3]  }
0x16: {  	[tilespmem:s2], [sflag:$0x1] =	stream.linear.gather [hbm4b:s0+s2], $0x2760, $0x38;
	[tilespmem:$0x1E400] =	vst v63  }
0x17: {  	_ =	swait.ge [sflag:s24], $0x2760  }
0x18: {  	[sflag:s24] =	ssyncset.done $0x0  }
0x19: {  	s1 =	simm.s32 $0x2780;
	s5 =	rddreg [dreg:$0x4];
	[sflag:s24] =	ssyncadd.s32 $0xFFFFD8A0  }
0x1a: {  	[tilespmem:s1], [sflag:$0x1] =	stream.linear.gather [hbm4b:s5+s2], $0x2760, $0x38;
	[tilespmem:$0x1E400] =	vst v63  }
0x1b: {  	_ =	swait.ge [sflag:s24], $0x2760  }
0x1c: {  	s7 =	sand.u32 $0x70, s2;
	s30 =	sand.u32 $0xFC00, s2;
	[sflag:s24] =	ssyncset.done $0x0  }
0x1d: {  	s0 =	sor.u32 s7, s30;
	[sflag:s24] =	ssyncadd.s32 $0xFFFFD8A0  }
0x1e: {  	[tilespmem:s0+$0x4F80] =	vst v0  }
0x1f: {  	[tilespmem:s0+$0x5000] =	vst v0  }
0x20: {  	s3 =	simm.s32 $0x10;
	[tilespmem:s0+$0x5080] =	vst v0  }
0x21: {  	s4 =	simm.s32 $0x0;
	s5 =	sand.u32 $0x7, s2;
	s1 =	simm.s32 $0x0;
	[tilespmem:s0+$0x5100] =	vst v0  }
.LBB2_2:
0x22: {  	p0 =	sne.s32 s3, $0x13F0;
	s5 =	sshll.u32 s5, $0x4;
	[tilespmem:s0+$0x5180] =	vst v0  }
0x23: {  	s5 =	sadd.s32 s5, s1;
	[tilespmem:s0+$0x5200] =	vst v0  }
0x24: {  	[tilespmem:s0+$0x4F00] =	vst v0;
	s5 =	sor.u32 $0x380, s5  }
0x25: {  	[tilespmem:s5+$0x4F00] =	vst v0  }
0x26: {  	[tilespmem:s0+$0xEF00] =	vst v0  }
0x27: {  	[tilespmem:s0+$0xEF80] =	vst v0  }
0x28: {  	[tilespmem:s0+$0xF000] =	vst v0  }
0x29: {  	[tilespmem:s0+$0xF080] =	vst v0  }
0x2a: {  	[tilespmem:s0+$0xF100] =	vst v0  }
0x2b: {  	s1 =	sadd.s32 $0x80, s1;
	[tilespmem:s0+$0xF180] =	vst v0  }
0x2c: {  	s30 =	sand.u32 $0xFC00, s1;
	s5 =	sand.u32 $0x70, s3;
	[tilespmem:s0+$0xF200] =	vst v0  }
.Ltmp0:
0x2d: {  	[tilespmem:s0+$0xF280] =	vst v0;
	s0 =	sor.u32 s5, s30;
	(pc) =	sbr.rel @p0 .LBB2_2-.Ltmp0, $4  }
0x2e: {  	[tilespmem:s0+$0x4F80] =	vst v0  }
0x2f: {  	[tilespmem:s0+$0x5000] =	vst v0  }
0x30: {  	s4 =	sadd.s32 $0x1, s4;
	[tilespmem:s0+$0x5080] =	vst v0  }
0x31: {  	s3 =	sadd.s32 $0x10, s3;
	s5 =	sand.u32 $0x7, s4;
	[tilespmem:s0+$0x5100] =	vst v0  }
0x32: {  	s3 =	sshll.u32 s5, $0x4;
	[tilespmem:s0+$0x5180] =	vst v0  }
0x33: {  	[tilespmem:s0+$0x5200] =	vst v0;
	s1 =	sadd.s32 s3, s1  }
0x34: {  	[tilespmem:s0+$0x4F00] =	vst v0;
	s1 =	sor.u32 $0x380, s1  }
0x35: {  	[tilespmem:s1+$0x4F00] =	vst v0  }
0x36: {  	[tilespmem:s0+$0xEF00] =	vst v0  }
0x37: {  	[tilespmem:s0+$0xEF80] =	vst v0  }
0x38: {  	[tilespmem:s0+$0xF000] =	vst v0  }
0x39: {  	[tilespmem:s0+$0xF080] =	vst v0  }
0x3a: {  	[tilespmem:s0+$0xF100] =	vst v0  }
0x3b: {  	[tilespmem:s0+$0xF180] =	vst v0  }
0x3c: {  	[tilespmem:s0+$0xF200] =	vst v0  }
0x3d: {  	s1 =	simm.s32 $0x0;
	[tilespmem:s0+$0xF280] =	vst v0;
	s0 =	simm.s32 $0x0  }
.LBB2_4:
0x3e: {  	s3 =	sshra.s32 s0, $0x2  }
0x3f: {  	v2 =	vld [tilespmem:s3+$0x0];
	_ =	sdelay $0x4  }
0x40: {  	vm0 =	vgt.s32 v2, $0x0  }
0x41: {  	v3 =	vnsel vm0, $0x0, v2  }
0x42: {  	v3 =	vmin.u32 v3, $0x13FF  }
0x43: {  	v4 =	vshll.u32 v3, $0x3  }
0x44: {  	v3 =	vand.u32 $0x7F, v3;
	v4 =	vand.u32 $0xFC00, v4  }
0x45: {  	vm15 =	vlt.u32 v2, $0x1400;
	v2 =	vor.u32 v3, v4  }
0x46: {  	p0 =	sne.s32 s0, $0x9D40;
	v3 =	vld [tilespmem:s3+$0x2780];
	v2 =	vadd.s32 v1, v2  }
.Ltmp1:
0x47: {  	_ = 	snop;
	(pc) =	sbr.rel @p0 .LBB2_4-.Ltmp1, $2  }
0x48: {  	_ =	sdelay $0x2  }
0x49: {  	s0 =	sadd.s32 $0x40, s0;
	[tilespmem:v2+s26+$0x0] =	vst.idx.add.f32.msk vm15, v3  }
0x4a: {  	s0 =	sand.u32 $0x70, s1;
	s5 =	sand.u32 $0xFC00, s1  }
0x4b: {  	s0 =	sor.u32 s0, s5  }
0x4c: {  	v2 =	vld [tilespmem:s0+$0x4F80]  }
0x4d: {  	v3 =	vld [tilespmem:s0+$0x4F00]  }
0x4e: {  	v4 =	vld [tilespmem:s0+$0x5000]  }
0x4f: {  	v5 =	vld [tilespmem:s0+$0x5080]  }
0x50: {  	v6 =	vld [tilespmem:s0+$0x5100]  }
0x51: {  	v7 =	vld [tilespmem:s0+$0x5180]  }
0x52: {  	v8 =	vld [tilespmem:s0+$0x5200]  }
0x53: {  	v9 =	vld [tilespmem:s0+$0x5280]  }
0x54: {  	v10 =	vld [tilespmem:s0+$0xEF00]  }
0x55: {  	v11 =	vld [tilespmem:s0+$0xEF80]  }
0x56: {  	v12 =	vld [tilespmem:s0+$0xF000]  }
0x57: {  	v13 =	vld [tilespmem:s0+$0xF080]  }
0x58: {  	v14 =	vld [tilespmem:s0+$0xF100]  }
0x59: {  	v15 =	vld [tilespmem:s0+$0xF180]  }
0x5a: {  	v16 =	vld [tilespmem:s0+$0xF200]  }
0x5b: {  	v17 =	vld [tilespmem:s0+$0xF280];
	_ =	sdelay $0x1  }
0x5c: {  	v2 =	vadd.f32 v2, v3;
	v3 =	vadd.f32 v5, v4  }
0x5d: {  	v4 =	vadd.f32 v7, v6;
	v5 =	vadd.f32 v9, v8  }
0x5e: {  	v6 =	vadd.f32 v11, v10;
	v7 =	vadd.f32 v13, v12  }
0x5f: {  	v8 =	vadd.f32 v15, v14;
	v9 =	vadd.f32 v17, v16  }
0x60: {  	v2 =	vadd.f32 v3, v2;
	v3 =	vadd.f32 v5, v4  }
0x61: {  	v4 =	vadd.f32 v7, v6;
	v5 =	vadd.f32 v9, v8;
	_ =	sdelay $0x1  }
0x62: {  	v2 =	vadd.f32 v3, v2;
	v3 =	vadd.f32 v5, v4;
	_ =	sdelay $0x1  }
0x63: {  	s7 =	simm.s32 $0x10;
	s1 =	simm.s32 $0x80;
	v2 =	vadd.f32 v3, v2  }
0x64: {  	s30 =	simm.s32 $0x18F00;
	s3 =	sand.u32 $0xFC00, s1;
	s0 =	sand.u32 $0x70, s7  }
0x65: {  	s3 =	sor.u32 s0, s3;
	[tilespmem:s30+$0x0] =	vst v2  }
0x66: {  	v2 =	vld [tilespmem:s3+$0x4F80]  }
0x67: {  	v3 =	vld [tilespmem:s3+$0x4F00]  }
0x68: {  	v4 =	vld [tilespmem:s3+$0x5000]  }
0x69: {  	v5 =	vld [tilespmem:s3+$0x5080]  }
0x6a: {  	v6 =	vld [tilespmem:s3+$0x5100]  }
0x6b: {  	v7 =	vld [tilespmem:s3+$0x5180]  }
0x6c: {  	v8 =	vld [tilespmem:s3+$0x5200]  }
0x6d: {  	v9 =	vld [tilespmem:s3+$0x5280]  }
0x6e: {  	v10 =	vld [tilespmem:s3+$0xEF00]  }
0x6f: {  	v11 =	vld [tilespmem:s3+$0xEF80]  }
0x70: {  	v12 =	vld [tilespmem:s3+$0xF000]  }
0x71: {  	v13 =	vld [tilespmem:s3+$0xF080]  }
0x72: {  	v14 =	vld [tilespmem:s3+$0xF100]  }
0x73: {  	s0 =	simm.s32 $0x20;
	v15 =	vld [tilespmem:s3+$0xF180]  }
.LBB2_6:
0x74: {  	p0 =	sne.s32 s0, $0x13F0;
	v16 =	vld [tilespmem:s3+$0xF200]  }
0x75: {  	v17 =	vld [tilespmem:s3+$0xF280];
	_ =	sdelay $0x1  }
0x76: {  	v2 =	vadd.f32 v2, v3;
	v3 =	vadd.f32 v5, v4  }
0x77: {  	v4 =	vadd.f32 v7, v6;
	v5 =	vadd.f32 v9, v8  }
0x78: {  	v6 =	vadd.f32 v11, v10;
	v7 =	vadd.f32 v13, v12  }
0x79: {  	v8 =	vadd.f32 v15, v14;
	v9 =	vadd.f32 v17, v16  }
0x7a: {  	v2 =	vadd.f32 v3, v2;
	v3 =	vadd.f32 v5, v4  }
0x7b: {  	v4 =	vadd.f32 v7, v6;
	v5 =	vadd.f32 v9, v8;
	_ =	sdelay $0x1  }
0x7c: {  	v2 =	vadd.f32 v3, v2;
	v3 =	vadd.f32 v5, v4;
	_ =	sdelay $0x1  }
0x7d: {  	s1 =	sadd.s32 $0x80, s1;
	v2 =	vadd.f32 v3, v2  }
0x7e: {  	s30 =	sadd.s32 $0x10, s30;
	s3 =	sand.u32 $0x70, s0;
	s4 =	sand.u32 $0xFC00, s1  }
0x7f: {  	s3 =	sor.u32 s3, s4;
	[tilespmem:s30+$0x0] =	vst v2  }
0x80: {  	v2 =	vld [tilespmem:s3+$0x4F80]  }
0x81: {  	v3 =	vld [tilespmem:s3+$0x4F00]  }
0x82: {  	v4 =	vld [tilespmem:s3+$0x5000]  }
0x83: {  	v5 =	vld [tilespmem:s3+$0x5080]  }
0x84: {  	v6 =	vld [tilespmem:s3+$0x5100]  }
0x85: {  	v7 =	vld [tilespmem:s3+$0x5180]  }
0x86: {  	v8 =	vld [tilespmem:s3+$0x5200]  }
0x87: {  	v9 =	vld [tilespmem:s3+$0x5280]  }
0x88: {  	v10 =	vld [tilespmem:s3+$0xEF00]  }
.Ltmp2:
0x89: {  	v11 =	vld [tilespmem:s3+$0xEF80];
	(pc) =	sbr.rel @p0 .LBB2_6-.Ltmp2, $4  }
0x8a: {  	v12 =	vld [tilespmem:s3+$0xF000]  }
0x8b: {  	v13 =	vld [tilespmem:s3+$0xF080]  }
0x8c: {  	v14 =	vld [tilespmem:s3+$0xF100]  }
0x8d: {  	s0 =	sadd.s32 $0x10, s0;
	v15 =	vld [tilespmem:s3+$0xF180]  }
0x8e: {  	v16 =	vld [tilespmem:s3+$0xF200]  }
0x8f: {  	v17 =	vld [tilespmem:s3+$0xF280];
	_ =	sdelay $0x1  }
0x90: {  	v2 =	vadd.f32 v2, v3;
	v3 =	vadd.f32 v5, v4  }
0x91: {  	v56 =	vadd.f32 v7, v6;
	v57 =	vadd.f32 v9, v8  }
0x92: {  	v58 =	vadd.f32 v11, v10;
	v59 =	vadd.f32 v13, v12  }
0x93: {  	v60 =	vadd.f32 v15, v14;
	v61 =	vadd.f32 v17, v16  }
0x94: {  	v2 =	vadd.f32 v3, v2;
	v3 =	vadd.f32 v57, v56  }
0x95: {  	v62 =	vadd.f32 v59, v58;
	v63 =	vadd.f32 v61, v60;
	_ =	sdelay $0x1  }
0x96: {  	v2 =	vadd.f32 v3, v2;
	v3 =	vadd.f32 v63, v62;
	_ =	sdelay $0x1  }
0x97: {  	s1 =	simm.s32 $0x0;
	s0 =	sadd.s32 $0x10, s30;
	v2 =	vadd.f32 v3, v2  }
0x98: {  	p0 =	por $0x1, $0x1;
	s7 =	sand.u32 $0x70, s1;
	s4 =	sand.u32 $0xFC00, s1  }
.Ltmp3:
0x99: {  	[tilespmem:s0+$0x0] =	vst v2;
	s0 =	sor.u32 s7, s4;
	(pc) =	sbr.rel @!p0 .LBB2_9-.Ltmp3, $4  }
0x9a: {  	[tilespmem:s0+$0x4F80] =	vst v0  }
0x9b: {  	[tilespmem:s0+$0x5000] =	vst v0  }
0x9c: {  	s3 =	simm.s32 $0x0;
	[tilespmem:s0+$0x5080] =	vst v0  }
0x9d: {  	s30 =	simm.s32 $0x0;
	s5 =	sand.u32 $0x7, s1;
	s4 =	simm.s32 $0x10;
	[tilespmem:s0+$0x5100] =	vst v0  }
.LBB2_8:
0x9e: {  	p0 =	sne.s32 s4, $0x13F0;
	s5 =	sshll.u32 s5, $0x4;
	[tilespmem:s0+$0x5180] =	vst v0  }
0x9f: {  	s5 =	sadd.s32 s5, s3;
	[tilespmem:s0+$0x5200] =	vst v0  }
0xa0: {  	[tilespmem:s0+$0x4F00] =	vst v0;
	s5 =	sor.u32 $0x380, s5  }
0xa1: {  	[tilespmem:s5+$0x4F00] =	vst v0  }
0xa2: {  	[tilespmem:s0+$0xEF00] =	vst v0  }
0xa3: {  	[tilespmem:s0+$0xEF80] =	vst v0  }
0xa4: {  	[tilespmem:s0+$0xF000] =	vst v0  }
0xa5: {  	[tilespmem:s0+$0xF080] =	vst v0  }
0xa6: {  	[tilespmem:s0+$0xF100] =	vst v0  }
0xa7: {  	s3 =	sadd.s32 $0x80, s3;
	[tilespmem:s0+$0xF180] =	vst v0  }
0xa8: {  	s7 =	sand.u32 $0xFC00, s3;
	s5 =	sand.u32 $0x70, s4;
	[tilespmem:s0+$0xF200] =	vst v0  }
.Ltmp4:
0xa9: {  	[tilespmem:s0+$0xF280] =	vst v0;
	s0 =	sor.u32 s5, s7;
	(pc) =	sbr.rel @p0 .LBB2_8-.Ltmp4, $4  }
0xaa: {  	[tilespmem:s0+$0x4F80] =	vst v0  }
0xab: {  	[tilespmem:s0+$0x5000] =	vst v0  }
0xac: {  	s30 =	sadd.s32 $0x1, s30;
	[tilespmem:s0+$0x5080] =	vst v0  }
0xad: {  	s4 =	sadd.s32 $0x10, s4;
	s5 =	sand.u32 $0x7, s30;
	[tilespmem:s0+$0x5100] =	vst v0  }
.LBB2_9:
0xae: {  	s4 =	sshll.u32 s5, $0x4;
	[tilespmem:s0+$0x5180] =	vst v0  }
0xaf: {  	[tilespmem:s0+$0x5200] =	vst v0;
	s3 =	sadd.s32 s4, s3  }
0xb0: {  	[tilespmem:s0+$0x4F00] =	vst v0;
	s3 =	sor.u32 $0x380, s3  }
0xb1: {  	[tilespmem:s3+$0x4F00] =	vst v0  }
0xb2: {  	[tilespmem:s0+$0xEF00] =	vst v0  }
0xb3: {  	[tilespmem:s0+$0xEF80] =	vst v0  }
0xb4: {  	[tilespmem:s0+$0xF000] =	vst v0  }
0xb5: {  	[tilespmem:s0+$0xF080] =	vst v0  }
0xb6: {  	[tilespmem:s0+$0xF100] =	vst v0  }
0xb7: {  	[tilespmem:s0+$0xF180] =	vst v0  }
0xb8: {  	[tilespmem:s0+$0xF200] =	vst v0  }
0xb9: {  	[tilespmem:s0+$0xF280] =	vst v0  }
.LBB2_10:
0xba: {  	s0 =	sshra.s32 s1, $0x2  }
0xbb: {  	v2 =	vld [tilespmem:s0+$0x0];
	_ =	sdelay $0x4  }
0xbc: {  	v2 =	vadd.s32 $0xFFFFEC00, v2  }
0xbd: {  	vm0 =	vgt.s32 v2, $0x0  }
0xbe: {  	v3 =	vnsel vm0, $0x0, v2  }
0xbf: {  	v3 =	vmin.u32 v3, $0x13FF  }
0xc0: {  	v4 =	vshll.u32 v3, $0x3  }
0xc1: {  	v3 =	vand.u32 $0x7F, v3;
	v4 =	vand.u32 $0xFC00, v4  }
0xc2: {  	vm15 =	vlt.u32 v2, $0x1400;
	v2 =	vor.u32 v3, v4  }
0xc3: {  	p0 =	sne.s32 s1, $0x9D40;
	v3 =	vld [tilespmem:s0+$0x2780];
	v2 =	vadd.s32 v1, v2  }
.Ltmp5:
0xc4: {  	_ = 	snop;
	(pc) =	sbr.rel @p0 .LBB2_10-.Ltmp5, $2  }
0xc5: {  	_ =	sdelay $0x2  }
0xc6: {  	s1 =	sadd.s32 $0x40, s1;
	[tilespmem:v2+s26+$0x0] =	vst.idx.add.f32.msk vm15, v3  }
0xc7: {  	s30 =	simm.s32 $0x0  }
0xc8: {  	s0 =	sand.u32 $0x70, s30;
	s1 =	sand.u32 $0xFC00, s30  }
0xc9: {  	s4 =	sor.u32 s0, s1  }
0xca: {  	v2 =	vld [tilespmem:s4+$0x4F80]  }
0xcb: {  	v3 =	vld [tilespmem:s4+$0x4F00]  }
0xcc: {  	v4 =	vld [tilespmem:s4+$0x5000]  }
0xcd: {  	v5 =	vld [tilespmem:s4+$0x5080]  }
0xce: {  	v6 =	vld [tilespmem:s4+$0x5100]  }
0xcf: {  	v7 =	vld [tilespmem:s4+$0x5180]  }
0xd0: {  	v8 =	vld [tilespmem:s4+$0x5200]  }
0xd1: {  	s7 =	sand.u32 $0x7, s30;
	v10 =	vld [tilespmem:s4+$0xEF00]  }
0xd2: {  	s0 =	sshll.u32 s7, $0x4;
	v11 =	vld [tilespmem:s4+$0xEF80]  }
0xd3: {  	s0 =	sadd.s32 $0x0, s0;
	v12 =	vld [tilespmem:s4+$0xF000]  }
0xd4: {  	v13 =	vld [tilespmem:s4+$0xF080];
	s0 =	sor.u32 $0x380, s0  }
0xd5: {  	s3 =	simm.s32 $0x0;
	s1 =	simm.s32 $0x0;
	v9 =	vld [tilespmem:s0+$0x4F00];
	s0 =	simm.s32 $0x10  }
.LBB2_12:
0xd6: {  	p0 =	sne.s32 s0, $0x13F0;
	v14 =	vld [tilespmem:s4+$0xF100]  }
0xd7: {  	v15 =	vld [tilespmem:s4+$0xF180]  }
0xd8: {  	v16 =	vld [tilespmem:s4+$0xF200]  }
0xd9: {  	v17 =	vld [tilespmem:s4+$0xF280];
	_ =	sdelay $0x1  }
0xda: {  	v2 =	vadd.f32 v2, v3;
	v3 =	vadd.f32 v5, v4  }
0xdb: {  	v4 =	vadd.f32 v7, v6;
	v5 =	vadd.f32 v9, v8  }
0xdc: {  	v6 =	vadd.f32 v11, v10;
	v7 =	vadd.f32 v13, v12  }
0xdd: {  	v8 =	vadd.f32 v15, v14;
	v9 =	vadd.f32 v17, v16  }
0xde: {  	v2 =	vadd.f32 v3, v2;
	v3 =	vadd.f32 v5, v4  }
0xdf: {  	v4 =	vadd.f32 v7, v6;
	v5 =	vadd.f32 v9, v8;
	_ =	sdelay $0x1  }
0xe0: {  	v2 =	vadd.f32 v3, v2;
	v3 =	vadd.f32 v5, v4;
	_ =	sdelay $0x1  }
0xe1: {  	s30 =	sadd.s32 $0x80, s30;
	v2 =	vadd.f32 v3, v2  }
0xe2: {  	s1 =	sand.u32 $0x1FF0, s1;
	s5 =	sand.u32 $0xFC00, s30;
	s4 =	sand.u32 $0x70, s0  }
0xe3: {  	s4 =	sor.u32 s4, s5;
	[tilespmem:s1+$0x1A300] =	vst v2;
	s1 =	smov.u32 s0  }
0xe4: {  	v2 =	vld [tilespmem:s4+$0x4F80]  }
0xe5: {  	v3 =	vld [tilespmem:s4+$0x4F00]  }
0xe6: {  	s3 =	sadd.s32 $0x1, s3;
	v4 =	vld [tilespmem:s4+$0x5000]  }
0xe7: {  	s5 =	sand.u32 $0x7, s3;
	v5 =	vld [tilespmem:s4+$0x5080]  }
0xe8: {  	s5 =	sshll.u32 s5, $0x4;
	v6 =	vld [tilespmem:s4+$0x5100]  }
0xe9: {  	s5 =	sadd.s32 s5, s30;
	v7 =	vld [tilespmem:s4+$0x5180]  }
0xea: {  	s5 =	sor.u32 $0x380, s5;
	v8 =	vld [tilespmem:s4+$0x5200]  }
.Ltmp6:
0xeb: {  	v9 =	vld [tilespmem:s5+$0x4F00];
	(pc) =	sbr.rel @p0 .LBB2_12-.Ltmp6, $4  }
0xec: {  	v10 =	vld [tilespmem:s4+$0xEF00]  }
0xed: {  	v11 =	vld [tilespmem:s4+$0xEF80]  }
0xee: {  	v12 =	vld [tilespmem:s4+$0xF000]  }
0xef: {  	s0 =	sadd.s32 $0x10, s0;
	v13 =	vld [tilespmem:s4+$0xF080]  }
0xf0: {  	v14 =	vld [tilespmem:s4+$0xF100]  }
0xf1: {  	v15 =	vld [tilespmem:s4+$0xF180]  }
0xf2: {  	v16 =	vld [tilespmem:s4+$0xF200]  }
0xf3: {  	v17 =	vld [tilespmem:s4+$0xF280];
	_ =	sdelay $0x1  }
0xf4: {  	v2 =	vadd.f32 v2, v3;
	v3 =	vadd.f32 v5, v4  }
0xf5: {  	v56 =	vadd.f32 v7, v6;
	v57 =	vadd.f32 v9, v8  }
0xf6: {  	v58 =	vadd.f32 v11, v10;
	v59 =	vadd.f32 v13, v12  }
0xf7: {  	v60 =	vadd.f32 v15, v14;
	v61 =	vadd.f32 v17, v16  }
0xf8: {  	v2 =	vadd.f32 v3, v2;
	v3 =	vadd.f32 v57, v56  }
0xf9: {  	v62 =	vadd.f32 v59, v58;
	v63 =	vadd.f32 v61, v60;
	_ =	sdelay $0x1  }
0xfa: {  	v2 =	vadd.f32 v3, v2;
	v3 =	vadd.f32 v63, v62;
	_ =	sdelay $0x1  }
0xfb: {  	v2 =	vadd.f32 v3, v2  }
0xfc: {  	s0 =	sand.u32 $0x1FF0, s1  }
0xfd: {  	s7 =	rddreg [dreg:$0x5];
	s30 =	simm.s32 $0x18F00;
	[tilespmem:s0+$0x1A300] =	vst v2  }
0xfe: {  	[spmem:s7] =	stream.strided.scatter [tilespmem:s30], [sflag:$0x1], $0x2800, s29, s28, $0x38;
	[tilespmem:$0x1E400] =	vst v63  }
0xff: {  	_ =	swait.ge [sflag:s24], $0x2800  }
0x100: {  	[sflag:s24] =	ssyncset.done $0x0  }
0x101: {  	[sflag:s24] =	ssyncadd.s32 $0xFFFFD800  }
0x102: {  	[bflag:$0x0] =	sbarrier.arrive $0xFFFF  }
0x103: {  	[tilespmem:$0x1B980] =	vst v0  }
0x104: {  	[tilespmem:$0x1B990] =	vst v0  }
0x105: {  	[tilespmem:$0x1B9A0] =	vst v0  }
0x106: {  	[tilespmem:$0x1B9B0] =	vst v0  }
0x107: {  	[tilespmem:$0x1B9C0] =	vst v0  }
0x108: {  	[tilespmem:$0x1B9D0] =	vst v0  }
0x109: {  	[tilespmem:$0x1B9E0] =	vst v0  }
0x10a: {  	[tilespmem:$0x1B9F0] =	vst v0  }
0x10b: {  	[tilespmem:$0x1BA00] =	vst v0  }
0x10c: {  	[tilespmem:$0x1BA10] =	vst v0  }
0x10d: {  	[tilespmem:$0x1BA20] =	vst v0  }
0x10e: {  	[tilespmem:$0x1BA30] =	vst v0  }
0x10f: {  	[tilespmem:$0x1BA40] =	vst v0  }
0x110: {  	[tilespmem:$0x1BA50] =	vst v0  }
0x111: {  	[tilespmem:$0x1BA60] =	vst v0  }
0x112: {  	[tilespmem:$0x1BA70] =	vst v0  }
0x113: {  	[tilespmem:$0x1BA80] =	vst v0  }
0x114: {  	[tilespmem:$0x1BA90] =	vst v0  }
0x115: {  	[tilespmem:$0x1BAA0] =	vst v0  }
0x116: {  	[tilespmem:$0x1BAB0] =	vst v0  }
0x117: {  	[tilespmem:$0x1BAC0] =	vst v0  }
0x118: {  	[tilespmem:$0x1BAD0] =	vst v0  }
0x119: {  	[tilespmem:$0x1BAE0] =	vst v0  }
0x11a: {  	[tilespmem:$0x1BAF0] =	vst v0  }
0x11b: {  	[tilespmem:$0x1BB00] =	vst v0  }
0x11c: {  	[tilespmem:$0x1BB10] =	vst v0  }
0x11d: {  	[tilespmem:$0x1BB20] =	vst v0  }
0x11e: {  	[tilespmem:$0x1BB30] =	vst v0  }
0x11f: {  	[tilespmem:$0x1BB40] =	vst v0  }
0x120: {  	[tilespmem:$0x1BB50] =	vst v0  }
0x121: {  	[tilespmem:$0x1BB60] =	vst v0  }
0x122: {  	[tilespmem:$0x1BB70] =	vst v0  }
0x123: {  	[tilespmem:$0x1BB80] =	vst v0  }
0x124: {  	[tilespmem:$0x1BB90] =	vst v0  }
0x125: {  	[tilespmem:$0x1BBA0] =	vst v0  }
0x126: {  	[tilespmem:$0x1BBB0] =	vst v0  }
0x127: {  	[tilespmem:$0x1BBC0] =	vst v0  }
0x128: {  	[tilespmem:$0x1BBD0] =	vst v0  }
0x129: {  	[tilespmem:$0x1BBE0] =	vst v0  }
0x12a: {  	[tilespmem:$0x1BBF0] =	vst v0  }
0x12b: {  	[tilespmem:s31], [sflag:$0x1] =	stream.strided.gather [spmem:s6], $0x280, s29, s28, $0x38;
	[tilespmem:$0x1E400] =	vst v63  }
0x12c: {  	_ =	swait.ge [sflag:s24], $0x280  }
0x12d: {  	[sflag:s24] =	ssyncset.done $0x0  }
0x12e: {  	s0 =	simm.s32 $0x0;
	[sflag:s24] =	ssyncadd.s32 $0xFFFFFD80  }
0x12f: {  	s1 =	simm.s32 $0x40;
	v2 =	vld [tilespmem:s0+$0x1B700]  }
.LBB2_14:
0x130: {  	p0 =	sne.s32 s1, $0x9C0;
	v3 =	vld [tilespmem:s0+$0x1B980];
	_ =	sdelay $0x2  }
.Ltmp7:
0x131: {  	(pc) =	sbr.rel @p0 .LBB2_14-.Ltmp7, $4  }
0x132: {  	_ = 	snop  }
0x133: {  	v3 =	vadd.f32 v2, v3  }
0x134: {  	s3 =	sshra.s32 s1, $0x2  }
0x135: {  	s1 =	sadd.s32 $0x40, s1;
	v2 =	vld [tilespmem:s3+$0x1B700];
	[tilespmem:s0+$0x1B980] =	vst v3;
	s0 =	smov.u32 s3  }
0x136: {  	v3 =	vld [tilespmem:s0+$0x1B980];
	_ =	sdelay $0x4  }
0x137: {  	v2 =	vadd.f32 v2, v3;
	_ =	sdelay $0x1  }
0x138: {  	s30 =	rddreg [dreg:$0x6];
	[tilespmem:s0+$0x1B980] =	vst v2  }
0x139: {  	[tilespmem:s31], [sflag:$0x1] =	stream.strided.gather [spmem:s30], $0x280, s29, s28, $0x38;
	[tilespmem:$0x1E400] =	vst v63  }
0x13a: {  	_ =	swait.ge [sflag:s24], $0x280  }
0x13b: {  	[sflag:s24] =	ssyncset.done $0x0  }
0x13c: {  	s0 =	simm.s32 $0x0;
	[sflag:s24] =	ssyncadd.s32 $0xFFFFFD80  }
0x13d: {  	s1 =	simm.s32 $0x40;
	v2 =	vld [tilespmem:s0+$0x1B700]  }
.LBB2_16:
0x13e: {  	p0 =	sne.s32 s1, $0x9C0;
	v3 =	vld [tilespmem:s0+$0x1B980];
	_ =	sdelay $0x2  }
.Ltmp8:
0x13f: {  	(pc) =	sbr.rel @p0 .LBB2_16-.Ltmp8, $4  }
0x140: {  	_ = 	snop  }
0x141: {  	v3 =	vadd.f32 v2, v3  }
0x142: {  	s3 =	sshra.s32 s1, $0x2  }
0x143: {  	s1 =	sadd.s32 $0x40, s1;
	v2 =	vld [tilespmem:s3+$0x1B700];
	[tilespmem:s0+$0x1B980] =	vst v3;
	s0 =	smov.u32 s3  }
0x144: {  	v3 =	vld [tilespmem:s0+$0x1B980];
	_ =	sdelay $0x4  }
0x145: {  	v2 =	vadd.f32 v2, v3;
	_ =	sdelay $0x1  }
0x146: {  	[tilespmem:s0+$0x1B980] =	vst v2  }
0x147: {  	[tilespmem:s31], [sflag:$0x1] =	stream.strided.gather [spmem:s8], $0x280, s29, s28, $0x38;
	[tilespmem:$0x1E400] =	vst v63  }
0x148: {  	_ =	swait.ge [sflag:s24], $0x280  }
0x149: {  	[sflag:s24] =	ssyncset.done $0x0  }
0x14a: {  	s0 =	simm.s32 $0x0;
	[sflag:s24] =	ssyncadd.s32 $0xFFFFFD80  }
0x14b: {  	s1 =	simm.s32 $0x40;
	v2 =	vld [tilespmem:s0+$0x1B700]  }
.LBB2_18:
0x14c: {  	p0 =	sne.s32 s1, $0x9C0;
	v3 =	vld [tilespmem:s0+$0x1B980];
	_ =	sdelay $0x2  }
.Ltmp9:
0x14d: {  	(pc) =	sbr.rel @p0 .LBB2_18-.Ltmp9, $4  }
0x14e: {  	_ = 	snop  }
0x14f: {  	v3 =	vadd.f32 v2, v3  }
0x150: {  	s3 =	sshra.s32 s1, $0x2  }
0x151: {  	s1 =	sadd.s32 $0x40, s1;
	v2 =	vld [tilespmem:s3+$0x1B700];
	[tilespmem:s0+$0x1B980] =	vst v3;
	s0 =	smov.u32 s3  }
0x152: {  	v3 =	vld [tilespmem:s0+$0x1B980];
	_ =	sdelay $0x4  }
0x153: {  	v2 =	vadd.f32 v2, v3;
	_ =	sdelay $0x1  }
0x154: {  	[tilespmem:s0+$0x1B980] =	vst v2  }
0x155: {  	[tilespmem:s31], [sflag:$0x1] =	stream.strided.gather [spmem:s9], $0x280, s29, s28, $0x38;
	[tilespmem:$0x1E400] =	vst v63  }
0x156: {  	_ =	swait.ge [sflag:s24], $0x280  }
0x157: {  	[sflag:s24] =	ssyncset.done $0x0  }
0x158: {  	s0 =	simm.s32 $0x0;
	[sflag:s24] =	ssyncadd.s32 $0xFFFFFD80  }
0x159: {  	s1 =	simm.s32 $0x40;
	v2 =	vld [tilespmem:s0+$0x1B700]  }
.LBB2_20:
0x15a: {  	p0 =	sne.s32 s1, $0x9C0;
	v3 =	vld [tilespmem:s0+$0x1B980];
	_ =	sdelay $0x2  }
.Ltmp10:
0x15b: {  	(pc) =	sbr.rel @p0 .LBB2_20-.Ltmp10, $4  }
0x15c: {  	_ = 	snop  }
0x15d: {  	v3 =	vadd.f32 v2, v3  }
0x15e: {  	s3 =	sshra.s32 s1, $0x2  }
0x15f: {  	s1 =	sadd.s32 $0x40, s1;
	v2 =	vld [tilespmem:s3+$0x1B700];
	[tilespmem:s0+$0x1B980] =	vst v3;
	s0 =	smov.u32 s3  }
0x160: {  	v3 =	vld [tilespmem:s0+$0x1B980];
	_ =	sdelay $0x4  }
0x161: {  	v2 =	vadd.f32 v2, v3;
	_ =	sdelay $0x1  }
0x162: {  	[tilespmem:s0+$0x1B980] =	vst v2  }
0x163: {  	[tilespmem:s31], [sflag:$0x1] =	stream.strided.gather [spmem:s10], $0x280, s29, s28, $0x38;
	[tilespmem:$0x1E400] =	vst v63  }
0x164: {  	_ =	swait.ge [sflag:s24], $0x280  }
0x165: {  	[sflag:s24] =	ssyncset.done $0x0  }
0x166: {  	s0 =	simm.s32 $0x0;
	[sflag:s24] =	ssyncadd.s32 $0xFFFFFD80  }
0x167: {  	s1 =	simm.s32 $0x40;
	v2 =	vld [tilespmem:s0+$0x1B700]  }
.LBB2_22:
0x168: {  	p0 =	sne.s32 s1, $0x9C0;
	v3 =	vld [tilespmem:s0+$0x1B980];
	_ =	sdelay $0x2  }
.Ltmp11:
0x169: {  	(pc) =	sbr.rel @p0 .LBB2_22-.Ltmp11, $4  }
0x16a: {  	_ = 	snop  }
0x16b: {  	v3 =	vadd.f32 v2, v3  }
0x16c: {  	s3 =	sshra.s32 s1, $0x2  }
0x16d: {  	s1 =	sadd.s32 $0x40, s1;
	v2 =	vld [tilespmem:s3+$0x1B700];
	[tilespmem:s0+$0x1B980] =	vst v3;
	s0 =	smov.u32 s3  }
0x16e: {  	v3 =	vld [tilespmem:s0+$0x1B980];
	_ =	sdelay $0x4  }
0x16f: {  	v2 =	vadd.f32 v2, v3;
	_ =	sdelay $0x1  }
0x170: {  	[tilespmem:s0+$0x1B980] =	vst v2  }
0x171: {  	[tilespmem:s31], [sflag:$0x1] =	stream.strided.gather [spmem:s11], $0x280, s29, s28, $0x38;
	[tilespmem:$0x1E400] =	vst v63  }
0x172: {  	_ =	swait.ge [sflag:s24], $0x280  }
0x173: {  	[sflag:s24] =	ssyncset.done $0x0  }
0x174: {  	s0 =	simm.s32 $0x0;
	[sflag:s24] =	ssyncadd.s32 $0xFFFFFD80  }
0x175: {  	s1 =	simm.s32 $0x40;
	v2 =	vld [tilespmem:s0+$0x1B700]  }
.LBB2_24:
0x176: {  	p0 =	sne.s32 s1, $0x9C0;
	v3 =	vld [tilespmem:s0+$0x1B980];
	_ =	sdelay $0x2  }
.Ltmp12:
0x177: {  	(pc) =	sbr.rel @p0 .LBB2_24-.Ltmp12, $4  }
0x178: {  	_ = 	snop  }
0x179: {  	v3 =	vadd.f32 v2, v3  }
0x17a: {  	s3 =	sshra.s32 s1, $0x2  }
0x17b: {  	s1 =	sadd.s32 $0x40, s1;
	v2 =	vld [tilespmem:s3+$0x1B700];
	[tilespmem:s0+$0x1B980] =	vst v3;
	s0 =	smov.u32 s3  }
0x17c: {  	v3 =	vld [tilespmem:s0+$0x1B980];
	_ =	sdelay $0x4  }
0x17d: {  	v2 =	vadd.f32 v2, v3;
	_ =	sdelay $0x1  }
0x17e: {  	[tilespmem:s0+$0x1B980] =	vst v2  }
0x17f: {  	[tilespmem:s31], [sflag:$0x1] =	stream.strided.gather [spmem:s12], $0x280, s29, s28, $0x38;
	[tilespmem:$0x1E400] =	vst v63  }
0x180: {  	_ =	swait.ge [sflag:s24], $0x280  }
0x181: {  	[sflag:s24] =	ssyncset.done $0x0  }
0x182: {  	s0 =	simm.s32 $0x0;
	[sflag:s24] =	ssyncadd.s32 $0xFFFFFD80  }
0x183: {  	s1 =	simm.s32 $0x40;
	v2 =	vld [tilespmem:s0+$0x1B700]  }
.LBB2_26:
0x184: {  	p0 =	sne.s32 s1, $0x9C0;
	v3 =	vld [tilespmem:s0+$0x1B980];
	_ =	sdelay $0x2  }
.Ltmp13:
0x185: {  	(pc) =	sbr.rel @p0 .LBB2_26-.Ltmp13, $4  }
0x186: {  	_ = 	snop  }
0x187: {  	v3 =	vadd.f32 v2, v3  }
0x188: {  	s3 =	sshra.s32 s1, $0x2  }
0x189: {  	s1 =	sadd.s32 $0x40, s1;
	v2 =	vld [tilespmem:s3+$0x1B700];
	[tilespmem:s0+$0x1B980] =	vst v3;
	s0 =	smov.u32 s3  }
0x18a: {  	v3 =	vld [tilespmem:s0+$0x1B980];
	_ =	sdelay $0x4  }
0x18b: {  	v2 =	vadd.f32 v2, v3;
	_ =	sdelay $0x1  }
0x18c: {  	[tilespmem:s0+$0x1B980] =	vst v2  }
0x18d: {  	[tilespmem:s31], [sflag:$0x1] =	stream.strided.gather [spmem:s13], $0x280, s29, s28, $0x38;
	[tilespmem:$0x1E400] =	vst v63  }
0x18e: {  	_ =	swait.ge [sflag:s24], $0x280  }
0x18f: {  	[sflag:s24] =	ssyncset.done $0x0  }
0x190: {  	s0 =	simm.s32 $0x0;
	[sflag:s24] =	ssyncadd.s32 $0xFFFFFD80  }
0x191: {  	s1 =	simm.s32 $0x40;
	v2 =	vld [tilespmem:s0+$0x1B700]  }
.LBB2_28:
0x192: {  	p0 =	sne.s32 s1, $0x9C0;
	v3 =	vld [tilespmem:s0+$0x1B980];
	_ =	sdelay $0x2  }
.Ltmp14:
0x193: {  	(pc) =	sbr.rel @p0 .LBB2_28-.Ltmp14, $4  }
0x194: {  	_ = 	snop  }
0x195: {  	v3 =	vadd.f32 v2, v3  }
0x196: {  	s3 =	sshra.s32 s1, $0x2  }
0x197: {  	s1 =	sadd.s32 $0x40, s1;
	v2 =	vld [tilespmem:s3+$0x1B700];
	[tilespmem:s0+$0x1B980] =	vst v3;
	s0 =	smov.u32 s3  }
0x198: {  	v3 =	vld [tilespmem:s0+$0x1B980];
	_ =	sdelay $0x4  }
0x199: {  	v2 =	vadd.f32 v2, v3;
	_ =	sdelay $0x1  }
0x19a: {  	[tilespmem:s0+$0x1B980] =	vst v2  }
0x19b: {  	[tilespmem:s31], [sflag:$0x1] =	stream.strided.gather [spmem:s14], $0x280, s29, s28, $0x38;
	[tilespmem:$0x1E400] =	vst v63  }
0x19c: {  	_ =	swait.ge [sflag:s24], $0x280  }
0x19d: {  	[sflag:s24] =	ssyncset.done $0x0  }
0x19e: {  	s0 =	simm.s32 $0x0;
	[sflag:s24] =	ssyncadd.s32 $0xFFFFFD80  }
0x19f: {  	s1 =	simm.s32 $0x40;
	v2 =	vld [tilespmem:s0+$0x1B700]  }
.LBB2_30:
0x1a0: {  	p0 =	sne.s32 s1, $0x9C0;
	v3 =	vld [tilespmem:s0+$0x1B980];
	_ =	sdelay $0x2  }
.Ltmp15:
0x1a1: {  	(pc) =	sbr.rel @p0 .LBB2_30-.Ltmp15, $4  }
0x1a2: {  	_ = 	snop  }
0x1a3: {  	v3 =	vadd.f32 v2, v3  }
0x1a4: {  	s3 =	sshra.s32 s1, $0x2  }
0x1a5: {  	s1 =	sadd.s32 $0x40, s1;
	v2 =	vld [tilespmem:s3+$0x1B700];
	[tilespmem:s0+$0x1B980] =	vst v3;
	s0 =	smov.u32 s3  }
0x1a6: {  	v3 =	vld [tilespmem:s0+$0x1B980];
	_ =	sdelay $0x4  }
0x1a7: {  	v2 =	vadd.f32 v2, v3;
	_ =	sdelay $0x1  }
0x1a8: {  	[tilespmem:s0+$0x1B980] =	vst v2  }
0x1a9: {  	[tilespmem:s31], [sflag:$0x1] =	stream.strided.gather [spmem:s15], $0x280, s29, s28, $0x38;
	[tilespmem:$0x1E400] =	vst v63  }
0x1aa: {  	_ =	swait.ge [sflag:s24], $0x280  }
0x1ab: {  	[sflag:s24] =	ssyncset.done $0x0  }
0x1ac: {  	s0 =	simm.s32 $0x0;
	[sflag:s24] =	ssyncadd.s32 $0xFFFFFD80  }
0x1ad: {  	s1 =	simm.s32 $0x40;
	v2 =	vld [tilespmem:s0+$0x1B700]  }
.LBB2_32:
0x1ae: {  	p0 =	sne.s32 s1, $0x9C0;
	v3 =	vld [tilespmem:s0+$0x1B980];
	_ =	sdelay $0x2  }
.Ltmp16:
0x1af: {  	(pc) =	sbr.rel @p0 .LBB2_32-.Ltmp16, $4  }
0x1b0: {  	_ = 	snop  }
0x1b1: {  	v3 =	vadd.f32 v2, v3  }
0x1b2: {  	s3 =	sshra.s32 s1, $0x2  }
0x1b3: {  	s1 =	sadd.s32 $0x40, s1;
	v2 =	vld [tilespmem:s3+$0x1B700];
	[tilespmem:s0+$0x1B980] =	vst v3;
	s0 =	smov.u32 s3  }
0x1b4: {  	v3 =	vld [tilespmem:s0+$0x1B980];
	_ =	sdelay $0x4  }
0x1b5: {  	v2 =	vadd.f32 v2, v3;
	_ =	sdelay $0x1  }
0x1b6: {  	[tilespmem:s0+$0x1B980] =	vst v2  }
0x1b7: {  	[tilespmem:s31], [sflag:$0x1] =	stream.strided.gather [spmem:s16], $0x280, s29, s28, $0x38;
	[tilespmem:$0x1E400] =	vst v63  }
0x1b8: {  	_ =	swait.ge [sflag:s24], $0x280  }
0x1b9: {  	[sflag:s24] =	ssyncset.done $0x0  }
0x1ba: {  	s0 =	simm.s32 $0x0;
	[sflag:s24] =	ssyncadd.s32 $0xFFFFFD80  }
0x1bb: {  	s1 =	simm.s32 $0x40;
	v2 =	vld [tilespmem:s0+$0x1B700]  }
.LBB2_34:
0x1bc: {  	p0 =	sne.s32 s1, $0x9C0;
	v3 =	vld [tilespmem:s0+$0x1B980];
	_ =	sdelay $0x2  }
.Ltmp17:
0x1bd: {  	(pc) =	sbr.rel @p0 .LBB2_34-.Ltmp17, $4  }
0x1be: {  	_ = 	snop  }
0x1bf: {  	v3 =	vadd.f32 v2, v3  }
0x1c0: {  	s3 =	sshra.s32 s1, $0x2  }
0x1c1: {  	s1 =	sadd.s32 $0x40, s1;
	v2 =	vld [tilespmem:s3+$0x1B700];
	[tilespmem:s0+$0x1B980] =	vst v3;
	s0 =	smov.u32 s3  }
0x1c2: {  	v3 =	vld [tilespmem:s0+$0x1B980];
	_ =	sdelay $0x4  }
0x1c3: {  	v2 =	vadd.f32 v2, v3;
	_ =	sdelay $0x1  }
0x1c4: {  	[tilespmem:s0+$0x1B980] =	vst v2  }
0x1c5: {  	[tilespmem:s31], [sflag:$0x1] =	stream.strided.gather [spmem:s17], $0x280, s29, s28, $0x38;
	[tilespmem:$0x1E400] =	vst v63  }
0x1c6: {  	_ =	swait.ge [sflag:s24], $0x280  }
0x1c7: {  	[sflag:s24] =	ssyncset.done $0x0  }
0x1c8: {  	s0 =	simm.s32 $0x0;
	[sflag:s24] =	ssyncadd.s32 $0xFFFFFD80  }
0x1c9: {  	s1 =	simm.s32 $0x40;
	v2 =	vld [tilespmem:s0+$0x1B700]  }
.LBB2_36:
0x1ca: {  	p0 =	sne.s32 s1, $0x9C0;
	v3 =	vld [tilespmem:s0+$0x1B980];
	_ =	sdelay $0x2  }
.Ltmp18:
0x1cb: {  	(pc) =	sbr.rel @p0 .LBB2_36-.Ltmp18, $4  }
0x1cc: {  	_ = 	snop  }
0x1cd: {  	v3 =	vadd.f32 v2, v3  }
0x1ce: {  	s3 =	sshra.s32 s1, $0x2  }
0x1cf: {  	s1 =	sadd.s32 $0x40, s1;
	v2 =	vld [tilespmem:s3+$0x1B700];
	[tilespmem:s0+$0x1B980] =	vst v3;
	s0 =	smov.u32 s3  }
0x1d0: {  	v3 =	vld [tilespmem:s0+$0x1B980];
	_ =	sdelay $0x4  }
0x1d1: {  	v2 =	vadd.f32 v2, v3;
	_ =	sdelay $0x1  }
0x1d2: {  	[tilespmem:s0+$0x1B980] =	vst v2  }
0x1d3: {  	[tilespmem:s31], [sflag:$0x1] =	stream.strided.gather [spmem:s18], $0x280, s29, s28, $0x38;
	[tilespmem:$0x1E400] =	vst v63  }
0x1d4: {  	_ =	swait.ge [sflag:s24], $0x280  }
0x1d5: {  	[sflag:s24] =	ssyncset.done $0x0  }
0x1d6: {  	s0 =	simm.s32 $0x0;
	[sflag:s24] =	ssyncadd.s32 $0xFFFFFD80  }
0x1d7: {  	s1 =	simm.s32 $0x40;
	v2 =	vld [tilespmem:s0+$0x1B700]  }
.LBB2_38:
0x1d8: {  	p0 =	sne.s32 s1, $0x9C0;
	v3 =	vld [tilespmem:s0+$0x1B980];
	_ =	sdelay $0x2  }
.Ltmp19:
0x1d9: {  	(pc) =	sbr.rel @p0 .LBB2_38-.Ltmp19, $4  }
0x1da: {  	_ = 	snop  }
0x1db: {  	v3 =	vadd.f32 v2, v3  }
0x1dc: {  	s3 =	sshra.s32 s1, $0x2  }
0x1dd: {  	s1 =	sadd.s32 $0x40, s1;
	v2 =	vld [tilespmem:s3+$0x1B700];
	[tilespmem:s0+$0x1B980] =	vst v3;
	s0 =	smov.u32 s3  }
0x1de: {  	v3 =	vld [tilespmem:s0+$0x1B980];
	_ =	sdelay $0x4  }
0x1df: {  	v2 =	vadd.f32 v2, v3;
	_ =	sdelay $0x1  }
0x1e0: {  	[tilespmem:s0+$0x1B980] =	vst v2  }
0x1e1: {  	[tilespmem:s31], [sflag:$0x1] =	stream.strided.gather [spmem:s19], $0x280, s29, s28, $0x38;
	[tilespmem:$0x1E400] =	vst v63  }
0x1e2: {  	_ =	swait.ge [sflag:s24], $0x280  }
0x1e3: {  	[sflag:s24] =	ssyncset.done $0x0  }
0x1e4: {  	s0 =	simm.s32 $0x0;
	[sflag:s24] =	ssyncadd.s32 $0xFFFFFD80  }
0x1e5: {  	s1 =	simm.s32 $0x40;
	v2 =	vld [tilespmem:s0+$0x1B700]  }
.LBB2_40:
0x1e6: {  	p0 =	sne.s32 s1, $0x9C0;
	v3 =	vld [tilespmem:s0+$0x1B980];
	_ =	sdelay $0x2  }
.Ltmp20:
0x1e7: {  	(pc) =	sbr.rel @p0 .LBB2_40-.Ltmp20, $4  }
0x1e8: {  	_ = 	snop  }
0x1e9: {  	v3 =	vadd.f32 v2, v3  }
0x1ea: {  	s3 =	sshra.s32 s1, $0x2  }
0x1eb: {  	s1 =	sadd.s32 $0x40, s1;
	v2 =	vld [tilespmem:s3+$0x1B700];
	[tilespmem:s0+$0x1B980] =	vst v3;
	s0 =	smov.u32 s3  }
0x1ec: {  	v3 =	vld [tilespmem:s0+$0x1B980];
	_ =	sdelay $0x4  }
0x1ed: {  	v2 =	vadd.f32 v2, v3;
	_ =	sdelay $0x1  }
0x1ee: {  	[tilespmem:s0+$0x1B980] =	vst v2  }
0x1ef: {  	[tilespmem:s31], [sflag:$0x1] =	stream.strided.gather [spmem:s20], $0x280, s29, s28, $0x38;
	[tilespmem:$0x1E400] =	vst v63  }
0x1f0: {  	_ =	swait.ge [sflag:s24], $0x280  }
0x1f1: {  	[sflag:s24] =	ssyncset.done $0x0  }
0x1f2: {  	s0 =	simm.s32 $0x0;
	[sflag:s24] =	ssyncadd.s32 $0xFFFFFD80  }
0x1f3: {  	s1 =	simm.s32 $0x40;
	v2 =	vld [tilespmem:s0+$0x1B700]  }
.LBB2_42:
0x1f4: {  	p0 =	sne.s32 s1, $0x9C0;
	v3 =	vld [tilespmem:s0+$0x1B980];
	_ =	sdelay $0x2  }
.Ltmp21:
0x1f5: {  	(pc) =	sbr.rel @p0 .LBB2_42-.Ltmp21, $4  }
0x1f6: {  	_ = 	snop  }
0x1f7: {  	v3 =	vadd.f32 v2, v3  }
0x1f8: {  	s3 =	sshra.s32 s1, $0x2  }
0x1f9: {  	s1 =	sadd.s32 $0x40, s1;
	v2 =	vld [tilespmem:s3+$0x1B700];
	[tilespmem:s0+$0x1B980] =	vst v3;
	s0 =	smov.u32 s3  }
0x1fa: {  	v3 =	vld [tilespmem:s0+$0x1B980];
	_ =	sdelay $0x4  }
0x1fb: {  	v2 =	vadd.f32 v2, v3;
	_ =	sdelay $0x1  }
0x1fc: {  	[tilespmem:s0+$0x1B980] =	vst v2  }
0x1fd: {  	[tilespmem:s31], [sflag:$0x1] =	stream.strided.gather [spmem:s21], $0x280, s29, s28, $0x38;
	[tilespmem:$0x1E400] =	vst v63  }
0x1fe: {  	_ =	swait.ge [sflag:s24], $0x280  }
0x1ff: {  	[sflag:s24] =	ssyncset.done $0x0  }
0x200: {  	s0 =	simm.s32 $0x0;
	[sflag:s24] =	ssyncadd.s32 $0xFFFFFD80  }
0x201: {  	s1 =	simm.s32 $0x40;
	v2 =	vld [tilespmem:s0+$0x1B700]  }
.LBB2_44:
0x202: {  	p0 =	sne.s32 s1, $0x9C0;
	v3 =	vld [tilespmem:s0+$0x1B980];
	_ =	sdelay $0x2  }
.Ltmp22:
0x203: {  	(pc) =	sbr.rel @p0 .LBB2_44-.Ltmp22, $4  }
0x204: {  	_ = 	snop  }
0x205: {  	v3 =	vadd.f32 v2, v3  }
0x206: {  	s3 =	sshra.s32 s1, $0x2  }
0x207: {  	s1 =	sadd.s32 $0x40, s1;
	v2 =	vld [tilespmem:s3+$0x1B700];
	[tilespmem:s0+$0x1B980] =	vst v3;
	s0 =	smov.u32 s3  }
0x208: {  	v3 =	vld [tilespmem:s0+$0x1B980];
	_ =	sdelay $0x4  }
0x209: {  	s25 =	sadd.s32 $0x1, s25;
	v2 =	vadd.f32 v2, v3  }
0x20a: {  	p0 =	sne.s32 s25, s23  }
.Ltmp23:
0x20b: {  	s30 =	simm.s32 $0x100;
	s1 =	simm.s32 $0x1B980;
	[tilespmem:s0+$0x1B980] =	vst v2;
	(pc) =	sbr.rel @p0 .LBB2_1-.Ltmp23, $4  }
0x20c: {  	[hbm4b:s22+s28] =	stream.strided.scatter [tilespmem:s1], [sflag:$0x1], $0x280, s30, s28, $0x38;
	[tilespmem:$0x1E400] =	vst v63  }
0x20d: {  	_ =	swait.ge [sflag:s24], $0x280  }
0x20e: {  	[sflag:s24] =	ssyncset.done $0x0  }
0x20f: {  	[sflag:s24] =	ssyncadd.s32 $0xFFFFFD80  }
0x210: {  	_ =	sfence.sel $0x180000  }
0x211: {  	[bflag:$0x0] =	sbarrier.arrive $0xFFFF  }
0x212: {  	_ =	strace $0x90000047  }
0x213: {  	s0 =	stileid.u32;
	[bflag:$0x2] =	sbarrier.arrive $0xFFFF  }
0x214: {  	p0 =	sne.s32 s0, $0x0;
	s0 =	rddreg [dreg:$0x2]  }
0x215: {  	s0 =	sadd.s32 @!p0 $0x100000, s0  }
0x216: {  	[sflag:s0] =	ssyncadd.tile.s32 @!p0 $0x1;
	_ =	shalt  }
.Lfunc_end2:
_tile_overlayer_lowered:
.L_overlay_start_2:
0x217: {  	(tag) =	ssettag $0x2  }
0x218: {  	s0 =	rddreg [dreg:$0x0];
	s2 =	stileid.u32  }
0x219: {  	s1 =	rddreg [dreg:$0x1];
	p0 =	sne.s32 s2, $0x0  }
0x21a: {  	s3 =	rddreg [dreg:$0x2];
	[bflag:$0x3] =	sbarrier.arrive $0xFFFF;
	s2 =	simm.s32 @!p0 $0x1C01  }
0x21b: {  	[timem:s3], [sflag:s2] =	dma.local @!p0 [hbm:s0], s1  }
0x21c: {  	s0 =	simm.s32 @!p0 $0x1  }
0x21d: {  	_ =	swait.ge @!p0 [sflag:s0], s1  }
0x21e: {  	s1 =	ssub.s32 @!p0 $0x0, s1;
	[sflag:s0] =	ssyncset.done @!p0 $0x0  }
0x21f: {  	[sflag:s0] =	ssyncadd.s32 @!p0 s1  }
0x220: {  	[bflag:$0x3] =	sbarrier.arrive $0xFFFF  }
0x221: {  	_ =	shalt  }

</sc_bundles>
